<compile_context>
chip_gen: v7x
topology: tpu7x:2x2x1
jax: 0.10.2.dev20260603
libtpu: 0.0.44.dev20260713+nightly
codegen_flags: <defaults>
</compile_context>

<pallas_src>
import functools

import jax
import jax.numpy as jnp
from jax import lax
from jax.experimental import pallas as pl
from jax.experimental.pallas import tpu as pltpu
from jax.experimental.pallas import tpu_sc as plsc

NC = 2
NS = 16
L = 16
NW = NC * NS

B = 16384
D = 64
DP = 128
BPW = B // NW
HALF = BPW // 2
CHUNK = 128
NCHUNK = HALF // CHUNK


def _bpr_body(user_hbm, item_i_hbm, item_j_hbm, euw_hbm, eiw_hbm,
              out_i_hbm, out_j_hbm,
              u_idx, i_idx, j_idx, u_rows, vi_rows, vj_rows,
              tile_i, tile_j, pred_i, pred_j, sem):
    wid = lax.axis_index("s") * NC + lax.axis_index("c")
    base = wid * BPW
    lane_iota = lax.iota(jnp.int32, L)

    for c in range(2 * NCHUNK):
        off = base + c * CHUNK
        pltpu.sync_copy(user_hbm.at[pl.ds(off, CHUNK)], u_idx.at[c])
        pltpu.sync_copy(item_i_hbm.at[pl.ds(off, CHUNK)], i_idx.at[c])
        pltpu.sync_copy(item_j_hbm.at[pl.ds(off, CHUNK)], j_idx.at[c])

    for h in range(2):
        descs = []
        for c in range(NCHUNK):
            dst = pl.ds(c * CHUNK, CHUNK)
            cc = h * NCHUNK + c
            descs.append(pltpu.async_copy(
                euw_hbm.at[u_idx.at[cc]], u_rows.at[dst], sem))
            descs.append(pltpu.async_copy(
                eiw_hbm.at[i_idx.at[cc]], vi_rows.at[dst], sem))
            descs.append(pltpu.async_copy(
                eiw_hbm.at[j_idx.at[cc]], vj_rows.at[dst], sem))
        for dsc in descs:
            dsc.wait()

        def group_body(g, _):
            base_r = g * L
            for rr in range(L):
                r = base_r + rr
                acc_i = jnp.zeros((L,), jnp.float32)
                acc_j = jnp.zeros((L,), jnp.float32)
                for k in range(D // L):
                    sl = pl.ds(k * L, L)
                    u = u_rows[r, sl]
                    acc_i = acc_i + u * vi_rows[r, sl]
                    acc_j = acc_j + u * vj_rows[r, sl]
                col = lane_iota * L + rr
                plsc.store_scatter(tile_i, [col], acc_i)
                plsc.store_scatter(tile_j, [col], acc_j)
            vec_i = tile_i[pl.ds(0, L)]
            vec_j = tile_j[pl.ds(0, L)]
            for k in range(1, L):
                vec_i = vec_i + tile_i[pl.ds(k * L, L)]
                vec_j = vec_j + tile_j[pl.ds(k * L, L)]
            pred_i[pl.ds(h * HALF + base_r, L)] = vec_i
            pred_j[pl.ds(h * HALF + base_r, L)] = vec_j
            return 0

        lax.fori_loop(0, HALF // L, group_body, 0)

    pltpu.sync_copy(pred_i, out_i_hbm.at[pl.ds(base, BPW)])
    pltpu.sync_copy(pred_j, out_j_hbm.at[pl.ds(base, BPW)])


@jax.jit
def _bpr(user, item_i, item_j, embed_user_weight, embed_item_weight):
    mesh = plsc.VectorSubcoreMesh(core_axis_name="c", subcore_axis_name="s",
                                  num_cores=NC, num_subcores=NS)
    euw = jnp.pad(embed_user_weight, ((0, 0), (0, DP - D)))
    eiw = jnp.pad(embed_item_weight, ((0, 0), (0, DP - D)))
    f = functools.partial(
        pl.kernel,
        out_type=(jax.ShapeDtypeStruct((B,), jnp.float32),
                  jax.ShapeDtypeStruct((B,), jnp.float32)),
        mesh=mesh,
        compiler_params=pltpu.CompilerParams(needs_layout_passes=False,
                                             use_tc_tiling_on_sc=True),
        scratch_types=[
            pltpu.VMEM((2 * NCHUNK, CHUNK), jnp.int32),
            pltpu.VMEM((2 * NCHUNK, CHUNK), jnp.int32),
            pltpu.VMEM((2 * NCHUNK, CHUNK), jnp.int32),
            pltpu.VMEM((HALF, DP), jnp.float32),
            pltpu.VMEM((HALF, DP), jnp.float32),
            pltpu.VMEM((HALF, DP), jnp.float32),
            pltpu.VMEM((L * L,), jnp.float32),
            pltpu.VMEM((L * L,), jnp.float32),
            pltpu.VMEM((BPW,), jnp.float32),
            pltpu.VMEM((BPW,), jnp.float32),
            pltpu.SemaphoreType.DMA,
        ],
    )(_bpr_body)
    return f(user, item_i, item_j, euw, eiw)


def kernel(user, item_i, item_j, embed_user_weight, embed_item_weight):
    return _bpr(user, item_i, item_j, embed_user_weight, embed_item_weight)

# --- scband reference (transcript-rebuilt; emitter-appended) ---
"""Pipeline reference for scband-bpr-16836271800593 (READ-ONLY COPY).

The authoritative reference and input builder live on the scoring server;
editing this copy changes nothing except your own understanding.
"""

import jax, jax.numpy as jnp
import numpy as np

USER_NUM = 100000
ITEM_NUM = 1000000
FACTOR_NUM = 64
BATCH = 16384


def setup_inputs(seed: int = 0) -> dict:
    key = jax.random.key(seed)
    k1, k2, k3, k4, k5 = jax.random.split(key, 5)
    user = jax.random.randint(k1, (BATCH,), 0, USER_NUM, dtype=jnp.int64 if jax.config.jax_enable_x64 else jnp.int32)
    item_i = jax.random.randint(k2, (BATCH,), 0, ITEM_NUM, dtype=jnp.int64 if jax.config.jax_enable_x64 else jnp.int32)
    item_j = jax.random.randint(k3, (BATCH,), 0, ITEM_NUM, dtype=jnp.int64 if jax.config.jax_enable_x64 else jnp.int32)
    embed_user_weight = jax.random.normal(k4, (USER_NUM, FACTOR_NUM), dtype=jnp.float32) * 0.01
    embed_item_weight = jax.random.normal(k5, (ITEM_NUM, FACTOR_NUM), dtype=jnp.float32) * 0.01
    return {
        "user": user,
        "item_i": item_i,
        "item_j": item_j,
        "embed_user_weight": embed_user_weight,
        "embed_item_weight": embed_item_weight,
    }


def reference(user, item_i, item_j, embed_user_weight, embed_item_weight):
    u = jnp.take(embed_user_weight, user, axis=0)
    vi = jnp.take(embed_item_weight, item_i, axis=0)
    vj = jnp.take(embed_item_weight, item_j, axis=0)
    prediction_i = (u * vi).sum(axis=-1)
    prediction_j = (u * vj).sum(axis=-1)
    return (prediction_i, prediction_j)

if __name__ == "__main__":
    import jax
    _d = setup_inputs()
    print(jax.jit(kernel)(*tuple(_d.values())))

</pallas_src>

<mosaic_0001>
#map = affine_map<(d0, d1) -> (0)>
#map1 = affine_map<(d0, d1) -> (0, 0)>
module attributes {stable_mosaic.version = 14 : i64} {
  func.func @_bpr_body(%arg0: i32, %arg1: i32, %arg2: memref<16384xi32, #tpu.memory_space<hbm>>, %arg3: memref<16384xi32, #tpu.memory_space<hbm>>, %arg4: memref<16384xi32, #tpu.memory_space<hbm>>, %arg5: memref<100000x128xf32, #tpu.memory_space<hbm>>, %arg6: memref<1000000x128xf32, #tpu.memory_space<hbm>>, %arg7: memref<16384xf32, #tpu.memory_space<hbm>>, %arg8: memref<16384xf32, #tpu.memory_space<hbm>>, %arg9: memref<4x128xi32, #tpu.memory_space<vmem>>, %arg10: memref<4x128xi32, #tpu.memory_space<vmem>>, %arg11: memref<4x128xi32, #tpu.memory_space<vmem>>, %arg12: memref<256x128xf32, #tpu.memory_space<vmem>>, %arg13: memref<256x128xf32, #tpu.memory_space<vmem>>, %arg14: memref<256x128xf32, #tpu.memory_space<vmem>>, %arg15: memref<256xf32, #tpu.memory_space<vmem>>, %arg16: memref<256xf32, #tpu.memory_space<vmem>>, %arg17: memref<512xf32, #tpu.memory_space<vmem>>, %arg18: memref<512xf32, #tpu.memory_space<vmem>>, %arg19: memref<!tpu.dma_semaphore, #tpu.memory_space<semaphore_mem>>) attributes {dimension_semantics = [#tpu.dimension_semantics<core_parallel>, #tpu.dimension_semantics<subcore_parallel>], iteration_bounds = array<i64: 2, 16>, scalar_prefetch = 0 : i64, scratch_operands = 11 : i64, tpu.core_type = #tpu.core_type<sc_vector_subcore>, window_params = [{transform_indices = #map}, {transform_indices = #map}, {transform_indices = #map}, {transform_indices = #map1}, {transform_indices = #map1}, {transform_indices = #map}, {transform_indices = #map}]} {
    %mul3A = arith.constant 2 : i32
    %mul3A_0 = arith.muli %arg1, %mul3A : i32
    %add3A = arith.addi %mul3A_0, %arg0 : i32
    %mul3A_1 = arith.constant 512 : i32
    %mul3A_2 = arith.muli %add3A, %mul3A_1 : i32
    %iota3A = tpu.iota {dimensions = array<i32: 0>} : vector<16xi32>
    %add3A_3 = arith.constant 0 : i32
    %add3A_4 = arith.addi %mul3A_2, %add3A_3 : i32
    %run_scoped3A = arith.constant 0 : i32
    "tpu.region"() ({
      %run_scoped3A_273 = tpu.sem_alloc : memref<!tpu.dma_semaphore, #tpu.memory_space<semaphore_mem>>
      %dma_start3A_274 = arith.constant 0 : i32
      %dma_start3A_275 = tpu.memref_slice %arg9[%run_scoped3A, %dma_start3A_274] : memref<4x128xi32, #tpu.memory_space<vmem>> -> memref<1x128xi32, #tpu.memory_space<vmem>>
      %dma_start3A_276 = tpu.memref_squeeze %dma_start3A_275 : memref<1x128xi32, #tpu.memory_space<vmem>> -> memref<128xi32, #tpu.memory_space<vmem>>
      %dma_start3A_277 = tpu.memref_slice %arg2[%add3A_4] : memref<16384xi32, #tpu.memory_space<hbm>> -> memref<128xi32, #tpu.memory_space<hbm>>
      %dma_start3A_278 = arith.constant 0 : i32
      %dma_start3A_279 = tpu.memref_slice %arg9[%run_scoped3A, %dma_start3A_278] : memref<4x128xi32, #tpu.memory_space<vmem>> -> memref<1x128xi32, #tpu.memory_space<vmem>>
      %dma_start3A_280 = tpu.memref_squeeze %dma_start3A_279 : memref<1x128xi32, #tpu.memory_space<vmem>> -> memref<128xi32, #tpu.memory_space<vmem>>
      %dma_start3A_281 = tpu.memref_slice %arg2[%add3A_4] : memref<16384xi32, #tpu.memory_space<hbm>> -> memref<128xi32, #tpu.memory_space<hbm>>
      tpu.enqueue_dma source(%dma_start3A_281 : memref<128xi32, #tpu.memory_space<hbm>>) target(%dma_start3A_280 : memref<128xi32, #tpu.memory_space<vmem>>) target_semaphore(%run_scoped3A_273 : memref<!tpu.dma_semaphore, #tpu.memory_space<semaphore_mem>>)
      %dma_wait3A_282 = arith.constant 0 : i32
      %dma_wait3A_283 = tpu.memref_slice %arg9[%run_scoped3A, %dma_wait3A_282] : memref<4x128xi32, #tpu.memory_space<vmem>> -> memref<1x128xi32, #tpu.memory_space<vmem>>
      %dma_wait3A_284 = tpu.memref_squeeze %dma_wait3A_283 : memref<1x128xi32, #tpu.memory_space<vmem>> -> memref<128xi32, #tpu.memory_space<vmem>>
      %dma_wait3A_285 = tpu.memref_slice %arg2[%add3A_4] : memref<16384xi32, #tpu.memory_space<hbm>> -> memref<128xi32, #tpu.memory_space<hbm>>
      %dma_wait3A_286 = arith.constant 0 : i32
      %dma_wait3A_287 = tpu.memref_slice %arg9[%run_scoped3A, %dma_wait3A_286] : memref<4x128xi32, #tpu.memory_space<vmem>> -> memref<1x128xi32, #tpu.memory_space<vmem>>
      %dma_wait3A_288 = tpu.memref_squeeze %dma_wait3A_287 : memref<1x128xi32, #tpu.memory_space<vmem>> -> memref<128xi32, #tpu.memory_space<vmem>>
      %dma_wait3A_289 = tpu.memref_slice %arg2[%add3A_4] : memref<16384xi32, #tpu.memory_space<hbm>> -> memref<128xi32, #tpu.memory_space<hbm>>
      tpu.wait_dma2 semaphore(%run_scoped3A_273 : memref<!tpu.dma_semaphore, #tpu.memory_space<semaphore_mem>>) src(%dma_wait3A_289 : memref<128xi32, #tpu.memory_space<hbm>>) dst(%dma_wait3A_288 : memref<128xi32, #tpu.memory_space<vmem>>)
      tpu.yield
    }) : () -> ()
    %run_scoped3A_5 = arith.constant 0 : i32
    "tpu.region"() ({
      %run_scoped3A_273 = tpu.sem_alloc : memref<!tpu.dma_semaphore, #tpu.memory_space<semaphore_mem>>
      %dma_start3A_274 = arith.constant 0 : i32
      %dma_start3A_275 = tpu.memref_slice %arg10[%run_scoped3A_5, %dma_start3A_274] : memref<4x128xi32, #tpu.memory_space<vmem>> -> memref<1x128xi32, #tpu.memory_space<vmem>>
      %dma_start3A_276 = tpu.memref_squeeze %dma_start3A_275 : memref<1x128xi32, #tpu.memory_space<vmem>> -> memref<128xi32, #tpu.memory_space<vmem>>
      %dma_start3A_277 = tpu.memref_slice %arg3[%add3A_4] : memref<16384xi32, #tpu.memory_space<hbm>> -> memref<128xi32, #tpu.memory_space<hbm>>
      %dma_start3A_278 = arith.constant 0 : i32
      %dma_start3A_279 = tpu.memref_slice %arg10[%run_scoped3A_5, %dma_start3A_278] : memref<4x128xi32, #tpu.memory_space<vmem>> -> memref<1x128xi32, #tpu.memory_space<vmem>>
      %dma_start3A_280 = tpu.memref_squeeze %dma_start3A_279 : memref<1x128xi32, #tpu.memory_space<vmem>> -> memref<128xi32, #tpu.memory_space<vmem>>
      %dma_start3A_281 = tpu.memref_slice %arg3[%add3A_4] : memref<16384xi32, #tpu.memory_space<hbm>> -> memref<128xi32, #tpu.memory_space<hbm>>
      tpu.enqueue_dma source(%dma_start3A_281 : memref<128xi32, #tpu.memory_space<hbm>>) target(%dma_start3A_280 : memref<128xi32, #tpu.memory_space<vmem>>) target_semaphore(%run_scoped3A_273 : memref<!tpu.dma_semaphore, #tpu.memory_space<semaphore_mem>>)
      %dma_wait3A_282 = arith.constant 0 : i32
      %dma_wait3A_283 = tpu.memref_slice %arg10[%run_scoped3A_5, %dma_wait3A_282] : memref<4x128xi32, #tpu.memory_space<vmem>> -> memref<1x128xi32, #tpu.memory_space<vmem>>
      %dma_wait3A_284 = tpu.memref_squeeze %dma_wait3A_283 : memref<1x128xi32, #tpu.memory_space<vmem>> -> memref<128xi32, #tpu.memory_space<vmem>>
      %dma_wait3A_285 = tpu.memref_slice %arg3[%add3A_4] : memref<16384xi32, #tpu.memory_space<hbm>> -> memref<128xi32, #tpu.memory_space<hbm>>
      %dma_wait3A_286 = arith.constant 0 : i32
      %dma_wait3A_287 = tpu.memref_slice %arg10[%run_scoped3A_5, %dma_wait3A_286] : memref<4x128xi32, #tpu.memory_space<vmem>> -> memref<1x128xi32, #tpu.memory_space<vmem>>
      %dma_wait3A_288 = tpu.memref_squeeze %dma_wait3A_287 : memref<1x128xi32, #tpu.memory_space<vmem>> -> memref<128xi32, #tpu.memory_space<vmem>>
      %dma_wait3A_289 = tpu.memref_slice %arg3[%add3A_4] : memref<16384xi32, #tpu.memory_space<hbm>> -> memref<128xi32, #tpu.memory_space<hbm>>
      tpu.wait_dma2 semaphore(%run_scoped3A_273 : memref<!tpu.dma_semaphore, #tpu.memory_space<semaphore_mem>>) src(%dma_wait3A_289 : memref<128xi32, #tpu.memory_space<hbm>>) dst(%dma_wait3A_288 : memref<128xi32, #tpu.memory_space<vmem>>)
      tpu.yield
    }) : () -> ()
    %run_scoped3A_6 = arith.constant 0 : i32
    "tpu.region"() ({
      %run_scoped3A_273 = tpu.sem_alloc : memref<!tpu.dma_semaphore, #tpu.memory_space<semaphore_mem>>
      %dma_start3A_274 = arith.constant 0 : i32
      %dma_start3A_275 = tpu.memref_slice %arg11[%run_scoped3A_6, %dma_start3A_274] : memref<4x128xi32, #tpu.memory_space<vmem>> -> memref<1x128xi32, #tpu.memory_space<vmem>>
      %dma_start3A_276 = tpu.memref_squeeze %dma_start3A_275 : memref<1x128xi32, #tpu.memory_space<vmem>> -> memref<128xi32, #tpu.memory_space<vmem>>
      %dma_start3A_277 = tpu.memref_slice %arg4[%add3A_4] : memref<16384xi32, #tpu.memory_space<hbm>> -> memref<128xi32, #tpu.memory_space<hbm>>
      %dma_start3A_278 = arith.constant 0 : i32
      %dma_start3A_279 = tpu.memref_slice %arg11[%run_scoped3A_6, %dma_start3A_278] : memref<4x128xi32, #tpu.memory_space<vmem>> -> memref<1x128xi32, #tpu.memory_space<vmem>>
      %dma_start3A_280 = tpu.memref_squeeze %dma_start3A_279 : memref<1x128xi32, #tpu.memory_space<vmem>> -> memref<128xi32, #tpu.memory_space<vmem>>
      %dma_start3A_281 = tpu.memref_slice %arg4[%add3A_4] : memref<16384xi32, #tpu.memory_space<hbm>> -> memref<128xi32, #tpu.memory_space<hbm>>
      tpu.enqueue_dma source(%dma_start3A_281 : memref<128xi32, #tpu.memory_space<hbm>>) target(%dma_start3A_280 : memref<128xi32, #tpu.memory_space<vmem>>) target_semaphore(%run_scoped3A_273 : memref<!tpu.dma_semaphore, #tpu.memory_space<semaphore_mem>>)
      %dma_wait3A_282 = arith.constant 0 : i32
      %dma_wait3A_283 = tpu.memref_slice %arg11[%run_scoped3A_6, %dma_wait3A_282] : memref<4x128xi32, #tpu.memory_space<vmem>> -> memref<1x128xi32, #tpu.memory_space<vmem>>
      %dma_wait3A_284 = tpu.memref_squeeze %dma_wait3A_283 : memref<1x128xi32, #tpu.memory_space<vmem>> -> memref<128xi32, #tpu.memory_space<vmem>>
      %dma_wait3A_285 = tpu.memref_slice %arg4[%add3A_4] : memref<16384xi32, #tpu.memory_space<hbm>> -> memref<128xi32, #tpu.memory_space<hbm>>
      %dma_wait3A_286 = arith.constant 0 : i32
      %dma_wait3A_287 = tpu.memref_slice %arg11[%run_scoped3A_6, %dma_wait3A_286] : memref<4x128xi32, #tpu.memory_space<vmem>> -> memref<1x128xi32, #tpu.memory_space<vmem>>
      %dma_wait3A_288 = tpu.memref_squeeze %dma_wait3A_287 : memref<1x128xi32, #tpu.memory_space<vmem>> -> memref<128xi32, #tpu.memory_space<vmem>>
      %dma_wait3A_289 = tpu.memref_slice %arg4[%add3A_4] : memref<16384xi32, #tpu.memory_space<hbm>> -> memref<128xi32, #tpu.memory_space<hbm>>
      tpu.wait_dma2 semaphore(%run_scoped3A_273 : memref<!tpu.dma_semaphore, #tpu.memory_space<semaphore_mem>>) src(%dma_wait3A_289 : memref<128xi32, #tpu.memory_space<hbm>>) dst(%dma_wait3A_288 : memref<128xi32, #tpu.memory_space<vmem>>)
      tpu.yield
    }) : () -> ()
    %add3A_7 = arith.constant 128 : i32
    %add3A_8 = arith.addi %mul3A_2, %add3A_7 : i32
    %run_scoped3A_9 = arith.constant 1 : i32
    "tpu.region"() ({
      %run_scoped3A_273 = tpu.sem_alloc : memref<!tpu.dma_semaphore, #tpu.memory_space<semaphore_mem>>
      %dma_start3A_274 = arith.constant 0 : i32
      %dma_start3A_275 = tpu.memref_slice %arg9[%run_scoped3A_9, %dma_start3A_274] : memref<4x128xi32, #tpu.memory_space<vmem>> -> memref<1x128xi32, #tpu.memory_space<vmem>>
      %dma_start3A_276 = tpu.memref_squeeze %dma_start3A_275 : memref<1x128xi32, #tpu.memory_space<vmem>> -> memref<128xi32, #tpu.memory_space<vmem>>
      %dma_start3A_277 = tpu.memref_slice %arg2[%add3A_8] : memref<16384xi32, #tpu.memory_space<hbm>> -> memref<128xi32, #tpu.memory_space<hbm>>
      %dma_start3A_278 = arith.constant 0 : i32
      %dma_start3A_279 = tpu.memref_slice %arg9[%run_scoped3A_9, %dma_start3A_278] : memref<4x128xi32, #tpu.memory_space<vmem>> -> memref<1x128xi32, #tpu.memory_space<vmem>>
      %dma_start3A_280 = tpu.memref_squeeze %dma_start3A_279 : memref<1x128xi32, #tpu.memory_space<vmem>> -> memref<128xi32, #tpu.memory_space<vmem>>
      %dma_start3A_281 = tpu.memref_slice %arg2[%add3A_8] : memref<16384xi32, #tpu.memory_space<hbm>> -> memref<128xi32, #tpu.memory_space<hbm>>
      tpu.enqueue_dma source(%dma_start3A_281 : memref<128xi32, #tpu.memory_space<hbm>>) target(%dma_start3A_280 : memref<128xi32, #tpu.memory_space<vmem>>) target_semaphore(%run_scoped3A_273 : memref<!tpu.dma_semaphore, #tpu.memory_space<semaphore_mem>>)
      %dma_wait3A_282 = arith.constant 0 : i32
      %dma_wait3A_283 = tpu.memref_slice %arg9[%run_scoped3A_9, %dma_wait3A_282] : memref<4x128xi32, #tpu.memory_space<vmem>> -> memref<1x128xi32, #tpu.memory_space<vmem>>
      %dma_wait3A_284 = tpu.memref_squeeze %dma_wait3A_283 : memref<1x128xi32, #tpu.memory_space<vmem>> -> memref<128xi32, #tpu.memory_space<vmem>>
      %dma_wait3A_285 = tpu.memref_slice %arg2[%add3A_8] : memref<16384xi32, #tpu.memory_space<hbm>> -> memref<128xi32, #tpu.memory_space<hbm>>
      %dma_wait3A_286 = arith.constant 0 : i32
      %dma_wait3A_287 = tpu.memref_slice %arg9[%run_scoped3A_9, %dma_wait3A_286] : memref<4x128xi32, #tpu.memory_space<vmem>> -> memref<1x128xi32, #tpu.memory_space<vmem>>
      %dma_wait3A_288 = tpu.memref_squeeze %dma_wait3A_287 : memref<1x128xi32, #tpu.memory_space<vmem>> -> memref<128xi32, #tpu.memory_space<vmem>>
      %dma_wait3A_289 = tpu.memref_slice %arg2[%add3A_8] : memref<16384xi32, #tpu.memory_space<hbm>> -> memref<128xi32, #tpu.memory_space<hbm>>
      tpu.wait_dma2 semaphore(%run_scoped3A_273 : memref<!tpu.dma_semaphore, #tpu.memory_space<semaphore_mem>>) src(%dma_wait3A_289 : memref<128xi32, #tpu.memory_space<hbm>>) dst(%dma_wait3A_288 : memref<128xi32, #tpu.memory_space<vmem>>)
      tpu.yield
    }) : () -> ()
    %run_scoped3A_10 = arith.constant 1 : i32
    "tpu.region"() ({
      %run_scoped3A_273 = tpu.sem_alloc : memref<!tpu.dma_semaphore, #tpu.memory_space<semaphore_mem>>
      %dma_start3A_274 = arith.constant 0 : i32
      %dma_start3A_275 = tpu.memref_slice %arg10[%run_scoped3A_10, %dma_start3A_274] : memref<4x128xi32, #tpu.memory_space<vmem>> -> memref<1x128xi32, #tpu.memory_space<vmem>>
      %dma_start3A_276 = tpu.memref_squeeze %dma_start3A_275 : memref<1x128xi32, #tpu.memory_space<vmem>> -> memref<128xi32, #tpu.memory_space<vmem>>
      %dma_start3A_277 = tpu.memref_slice %arg3[%add3A_8] : memref<16384xi32, #tpu.memory_space<hbm>> -> memref<128xi32, #tpu.memory_space<hbm>>
      %dma_start3A_278 = arith.constant 0 : i32
      %dma_start3A_279 = tpu.memref_slice %arg10[%run_scoped3A_10, %dma_start3A_278] : memref<4x128xi32, #tpu.memory_space<vmem>> -> memref<1x128xi32, #tpu.memory_space<vmem>>
      %dma_start3A_280 = tpu.memref_squeeze %dma_start3A_279 : memref<1x128xi32, #tpu.memory_space<vmem>> -> memref<128xi32, #tpu.memory_space<vmem>>
      %dma_start3A_281 = tpu.memref_slice %arg3[%add3A_8] : memref<16384xi32, #tpu.memory_space<hbm>> -> memref<128xi32, #tpu.memory_space<hbm>>
      tpu.enqueue_dma source(%dma_start3A_281 : memref<128xi32, #tpu.memory_space<hbm>>) target(%dma_start3A_280 : memref<128xi32, #tpu.memory_space<vmem>>) target_semaphore(%run_scoped3A_273 : memref<!tpu.dma_semaphore, #tpu.memory_space<semaphore_mem>>)
      %dma_wait3A_282 = arith.constant 0 : i32
      %dma_wait3A_283 = tpu.memref_slice %arg10[%run_scoped3A_10, %dma_wait3A_282] : memref<4x128xi32, #tpu.memory_space<vmem>> -> memref<1x128xi32, #tpu.memory_space<vmem>>
      %dma_wait3A_284 = tpu.memref_squeeze %dma_wait3A_283 : memref<1x128xi32, #tpu.memory_space<vmem>> -> memref<128xi32, #tpu.memory_space<vmem>>
      %dma_wait3A_285 = tpu.memref_slice %arg3[%add3A_8] : memref<16384xi32, #tpu.memory_space<hbm>> -> memref<128xi32, #tpu.memory_space<hbm>>
      %dma_wait3A_286 = arith.constant 0 : i32
      %dma_wait3A_287 = tpu.memref_slice %arg10[%run_scoped3A_10, %dma_wait3A_286] : memref<4x128xi32, #tpu.memory_space<vmem>> -> memref<1x128xi32, #tpu.memory_space<vmem>>
      %dma_wait3A_288 = tpu.memref_squeeze %dma_wait3A_287 : memref<1x128xi32, #tpu.memory_space<vmem>> -> memref<128xi32, #tpu.memory_space<vmem>>
      %dma_wait3A_289 = tpu.memref_slice %arg3[%add3A_8] : memref<16384xi32, #tpu.memory_space<hbm>> -> memref<128xi32, #tpu.memory_space<hbm>>
      tpu.wait_dma2 semaphore(%run_scoped3A_273 : memref<!tpu.dma_semaphore, #tpu.memory_space<semaphore_mem>>) src(%dma_wait3A_289 : memref<128xi32, #tpu.memory_space<hbm>>) dst(%dma_wait3A_288 : memref<128xi32, #tpu.memory_space<vmem>>)
      tpu.yield
    }) : () -> ()
    %run_scoped3A_11 = arith.constant 1 : i32
    "tpu.region"() ({
      %run_scoped3A_273 = tpu.sem_alloc : memref<!tpu.dma_semaphore, #tpu.memory_space<semaphore_mem>>
      %dma_start3A_274 = arith.constant 0 : i32
      %dma_start3A_275 = tpu.memref_slice %arg11[%run_scoped3A_11, %dma_start3A_274] : memref<4x128xi32, #tpu.memory_space<vmem>> -> memref<1x128xi32, #tpu.memory_space<vmem>>
      %dma_start3A_276 = tpu.memref_squeeze %dma_start3A_275 : memref<1x128xi32, #tpu.memory_space<vmem>> -> memref<128xi32, #tpu.memory_space<vmem>>
      %dma_start3A_277 = tpu.memref_slice %arg4[%add3A_8] : memref<16384xi32, #tpu.memory_space<hbm>> -> memref<128xi32, #tpu.memory_space<hbm>>
      %dma_start3A_278 = arith.constant 0 : i32
      %dma_start3A_279 = tpu.memref_slice %arg11[%run_scoped3A_11, %dma_start3A_278] : memref<4x128xi32, #tpu.memory_space<vmem>> -> memref<1x128xi32, #tpu.memory_space<vmem>>
      %dma_start3A_280 = tpu.memref_squeeze %dma_start3A_279 : memref<1x128xi32, #tpu.memory_space<vmem>> -> memref<128xi32, #tpu.memory_space<vmem>>
      %dma_start3A_281 = tpu.memref_slice %arg4[%add3A_8] : memref<16384xi32, #tpu.memory_space<hbm>> -> memref<128xi32, #tpu.memory_space<hbm>>
      tpu.enqueue_dma source(%dma_start3A_281 : memref<128xi32, #tpu.memory_space<hbm>>) target(%dma_start3A_280 : memref<128xi32, #tpu.memory_space<vmem>>) target_semaphore(%run_scoped3A_273 : memref<!tpu.dma_semaphore, #tpu.memory_space<semaphore_mem>>)
      %dma_wait3A_282 = arith.constant 0 : i32
      %dma_wait3A_283 = tpu.memref_slice %arg11[%run_scoped3A_11, %dma_wait3A_282] : memref<4x128xi32, #tpu.memory_space<vmem>> -> memref<1x128xi32, #tpu.memory_space<vmem>>
      %dma_wait3A_284 = tpu.memref_squeeze %dma_wait3A_283 : memref<1x128xi32, #tpu.memory_space<vmem>> -> memref<128xi32, #tpu.memory_space<vmem>>
      %dma_wait3A_285 = tpu.memref_slice %arg4[%add3A_8] : memref<16384xi32, #tpu.memory_space<hbm>> -> memref<128xi32, #tpu.memory_space<hbm>>
      %dma_wait3A_286 = arith.constant 0 : i32
      %dma_wait3A_287 = tpu.memref_slice %arg11[%run_scoped3A_11, %dma_wait3A_286] : memref<4x128xi32, #tpu.memory_space<vmem>> -> memref<1x128xi32, #tpu.memory_space<vmem>>
      %dma_wait3A_288 = tpu.memref_squeeze %dma_wait3A_287 : memref<1x128xi32, #tpu.memory_space<vmem>> -> memref<128xi32, #tpu.memory_space<vmem>>
      %dma_wait3A_289 = tpu.memref_slice %arg4[%add3A_8] : memref<16384xi32, #tpu.memory_space<hbm>> -> memref<128xi32, #tpu.memory_space<hbm>>
      tpu.wait_dma2 semaphore(%run_scoped3A_273 : memref<!tpu.dma_semaphore, #tpu.memory_space<semaphore_mem>>) src(%dma_wait3A_289 : memref<128xi32, #tpu.memory_space<hbm>>) dst(%dma_wait3A_288 : memref<128xi32, #tpu.memory_space<vmem>>)
      tpu.yield
    }) : () -> ()
    %add3A_12 = arith.constant 256 : i32
    %add3A_13 = arith.addi %mul3A_2, %add3A_12 : i32
    %run_scoped3A_14 = arith.constant 2 : i32
    "tpu.region"() ({
      %run_scoped3A_273 = tpu.sem_alloc : memref<!tpu.dma_semaphore, #tpu.memory_space<semaphore_mem>>
      %dma_start3A_274 = arith.constant 0 : i32
      %dma_start3A_275 = tpu.memref_slice %arg9[%run_scoped3A_14, %dma_start3A_274] : memref<4x128xi32, #tpu.memory_space<vmem>> -> memref<1x128xi32, #tpu.memory_space<vmem>>
      %dma_start3A_276 = tpu.memref_squeeze %dma_start3A_275 : memref<1x128xi32, #tpu.memory_space<vmem>> -> memref<128xi32, #tpu.memory_space<vmem>>
      %dma_start3A_277 = tpu.memref_slice %arg2[%add3A_13] : memref<16384xi32, #tpu.memory_space<hbm>> -> memref<128xi32, #tpu.memory_space<hbm>>
      %dma_start3A_278 = arith.constant 0 : i32
      %dma_start3A_279 = tpu.memref_slice %arg9[%run_scoped3A_14, %dma_start3A_278] : memref<4x128xi32, #tpu.memory_space<vmem>> -> memref<1x128xi32, #tpu.memory_space<vmem>>
      %dma_start3A_280 = tpu.memref_squeeze %dma_start3A_279 : memref<1x128xi32, #tpu.memory_space<vmem>> -> memref<128xi32, #tpu.memory_space<vmem>>
      %dma_start3A_281 = tpu.memref_slice %arg2[%add3A_13] : memref<16384xi32, #tpu.memory_space<hbm>> -> memref<128xi32, #tpu.memory_space<hbm>>
      tpu.enqueue_dma source(%dma_start3A_281 : memref<128xi32, #tpu.memory_space<hbm>>) target(%dma_start3A_280 : memref<128xi32, #tpu.memory_space<vmem>>) target_semaphore(%run_scoped3A_273 : memref<!tpu.dma_semaphore, #tpu.memory_space<semaphore_mem>>)
      %dma_wait3A_282 = arith.constant 0 : i32
      %dma_wait3A_283 = tpu.memref_slice %arg9[%run_scoped3A_14, %dma_wait3A_282] : memref<4x128xi32, #tpu.memory_space<vmem>> -> memref<1x128xi32, #tpu.memory_space<vmem>>
      %dma_wait3A_284 = tpu.memref_squeeze %dma_wait3A_283 : memref<1x128xi32, #tpu.memory_space<vmem>> -> memref<128xi32, #tpu.memory_space<vmem>>
      %dma_wait3A_285 = tpu.memref_slice %arg2[%add3A_13] : memref<16384xi32, #tpu.memory_space<hbm>> -> memref<128xi32, #tpu.memory_space<hbm>>
      %dma_wait3A_286 = arith.constant 0 : i32
      %dma_wait3A_287 = tpu.memref_slice %arg9[%run_scoped3A_14, %dma_wait3A_286] : memref<4x128xi32, #tpu.memory_space<vmem>> -> memref<1x128xi32, #tpu.memory_space<vmem>>
      %dma_wait3A_288 = tpu.memref_squeeze %dma_wait3A_287 : memref<1x128xi32, #tpu.memory_space<vmem>> -> memref<128xi32, #tpu.memory_space<vmem>>
      %dma_wait3A_289 = tpu.memref_slice %arg2[%add3A_13] : memref<16384xi32, #tpu.memory_space<hbm>> -> memref<128xi32, #tpu.memory_space<hbm>>
      tpu.wait_dma2 semaphore(%run_scoped3A_273 : memref<!tpu.dma_semaphore, #tpu.memory_space<semaphore_mem>>) src(%dma_wait3A_289 : memref<128xi32, #tpu.memory_space<hbm>>) dst(%dma_wait3A_288 : memref<128xi32, #tpu.memory_space<vmem>>)
      tpu.yield
    }) : () -> ()
    %run_scoped3A_15 = arith.constant 2 : i32
    "tpu.region"() ({
      %run_scoped3A_273 = tpu.sem_alloc : memref<!tpu.dma_semaphore, #tpu.memory_space<semaphore_mem>>
      %dma_start3A_274 = arith.constant 0 : i32
      %dma_start3A_275 = tpu.memref_slice %arg10[%run_scoped3A_15, %dma_start3A_274] : memref<4x128xi32, #tpu.memory_space<vmem>> -> memref<1x128xi32, #tpu.memory_space<vmem>>
      %dma_start3A_276 = tpu.memref_squeeze %dma_start3A_275 : memref<1x128xi32, #tpu.memory_space<vmem>> -> memref<128xi32, #tpu.memory_space<vmem>>
      %dma_start3A_277 = tpu.memref_slice %arg3[%add3A_13] : memref<16384xi32, #tpu.memory_space<hbm>> -> memref<128xi32, #tpu.memory_space<hbm>>
      %dma_start3A_278 = arith.constant 0 : i32
      %dma_start3A_279 = tpu.memref_slice %arg10[%run_scoped3A_15, %dma_start3A_278] : memref<4x128xi32, #tpu.memory_space<vmem>> -> memref<1x128xi32, #tpu.memory_space<vmem>>
      %dma_start3A_280 = tpu.memref_squeeze %dma_start3A_279 : memref<1x128xi32, #tpu.memory_space<vmem>> -> memref<128xi32, #tpu.memory_space<vmem>>
      %dma_start3A_281 = tpu.memref_slice %arg3[%add3A_13] : memref<16384xi32, #tpu.memory_space<hbm>> -> memref<128xi32, #tpu.memory_space<hbm>>
      tpu.enqueue_dma source(%dma_start3A_281 : memref<128xi32, #tpu.memory_space<hbm>>) target(%dma_start3A_280 : memref<128xi32, #tpu.memory_space<vmem>>) target_semaphore(%run_scoped3A_273 : memref<!tpu.dma_semaphore, #tpu.memory_space<semaphore_mem>>)
      %dma_wait3A_282 = arith.constant 0 : i32
      %dma_wait3A_283 = tpu.memref_slice %arg10[%run_scoped3A_15, %dma_wait3A_282] : memref<4x128xi32, #tpu.memory_space<vmem>> -> memref<1x128xi32, #tpu.memory_space<vmem>>
      %dma_wait3A_284 = tpu.memref_squeeze %dma_wait3A_283 : memref<1x128xi32, #tpu.memory_space<vmem>> -> memref<128xi32, #tpu.memory_space<vmem>>
      %dma_wait3A_285 = tpu.memref_slice %arg3[%add3A_13] : memref<16384xi32, #tpu.memory_space<hbm>> -> memref<128xi32, #tpu.memory_space<hbm>>
      %dma_wait3A_286 = arith.constant 0 : i32
      %dma_wait3A_287 = tpu.memref_slice %arg10[%run_scoped3A_15, %dma_wait3A_286] : memref<4x128xi32, #tpu.memory_space<vmem>> -> memref<1x128xi32, #tpu.memory_space<vmem>>
      %dma_wait3A_288 = tpu.memref_squeeze %dma_wait3A_287 : memref<1x128xi32, #tpu.memory_space<vmem>> -> memref<128xi32, #tpu.memory_space<vmem>>
      %dma_wait3A_289 = tpu.memref_slice %arg3[%add3A_13] : memref<16384xi32, #tpu.memory_space<hbm>> -> memref<128xi32, #tpu.memory_space<hbm>>
      tpu.wait_dma2 semaphore(%run_scoped3A_273 : memref<!tpu.dma_semaphore, #tpu.memory_space<semaphore_mem>>) src(%dma_wait3A_289 : memref<128xi32, #tpu.memory_space<hbm>>) dst(%dma_wait3A_288 : memref<128xi32, #tpu.memory_space<vmem>>)
      tpu.yield
    }) : () -> ()
    %run_scoped3A_16 = arith.constant 2 : i32
    "tpu.region"() ({
      %run_scoped3A_273 = tpu.sem_alloc : memref<!tpu.dma_semaphore, #tpu.memory_space<semaphore_mem>>
      %dma_start3A_274 = arith.constant 0 : i32
      %dma_start3A_275 = tpu.memref_slice %arg11[%run_scoped3A_16, %dma_start3A_274] : memref<4x128xi32, #tpu.memory_space<vmem>> -> memref<1x128xi32, #tpu.memory_space<vmem>>
      %dma_start3A_276 = tpu.memref_squeeze %dma_start3A_275 : memref<1x128xi32, #tpu.memory_space<vmem>> -> memref<128xi32, #tpu.memory_space<vmem>>
      %dma_start3A_277 = tpu.memref_slice %arg4[%add3A_13] : memref<16384xi32, #tpu.memory_space<hbm>> -> memref<128xi32, #tpu.memory_space<hbm>>
      %dma_start3A_278 = arith.constant 0 : i32
      %dma_start3A_279 = tpu.memref_slice %arg11[%run_scoped3A_16, %dma_start3A_278] : memref<4x128xi32, #tpu.memory_space<vmem>> -> memref<1x128xi32, #tpu.memory_space<vmem>>
      %dma_start3A_280 = tpu.memref_squeeze %dma_start3A_279 : memref<1x128xi32, #tpu.memory_space<vmem>> -> memref<128xi32, #tpu.memory_space<vmem>>
      %dma_start3A_281 = tpu.memref_slice %arg4[%add3A_13] : memref<16384xi32, #tpu.memory_space<hbm>> -> memref<128xi32, #tpu.memory_space<hbm>>
      tpu.enqueue_dma source(%dma_start3A_281 : memref<128xi32, #tpu.memory_space<hbm>>) target(%dma_start3A_280 : memref<128xi32, #tpu.memory_space<vmem>>) target_semaphore(%run_scoped3A_273 : memref<!tpu.dma_semaphore, #tpu.memory_space<semaphore_mem>>)
      %dma_wait3A_282 = arith.constant 0 : i32
      %dma_wait3A_283 = tpu.memref_slice %arg11[%run_scoped3A_16, %dma_wait3A_282] : memref<4x128xi32, #tpu.memory_space<vmem>> -> memref<1x128xi32, #tpu.memory_space<vmem>>
      %dma_wait3A_284 = tpu.memref_squeeze %dma_wait3A_283 : memref<1x128xi32, #tpu.memory_space<vmem>> -> memref<128xi32, #tpu.memory_space<vmem>>
      %dma_wait3A_285 = tpu.memref_slice %arg4[%add3A_13] : memref<16384xi32, #tpu.memory_space<hbm>> -> memref<128xi32, #tpu.memory_space<hbm>>
      %dma_wait3A_286 = arith.constant 0 : i32
      %dma_wait3A_287 = tpu.memref_slice %arg11[%run_scoped3A_16, %dma_wait3A_286] : memref<4x128xi32, #tpu.memory_space<vmem>> -> memref<1x128xi32, #tpu.memory_space<vmem>>
      %dma_wait3A_288 = tpu.memref_squeeze %dma_wait3A_287 : memref<1x128xi32, #tpu.memory_space<vmem>> -> memref<128xi32, #tpu.memory_space<vmem>>
      %dma_wait3A_289 = tpu.memref_slice %arg4[%add3A_13] : memref<16384xi32, #tpu.memory_space<hbm>> -> memref<128xi32, #tpu.memory_space<hbm>>
      tpu.wait_dma2 semaphore(%run_scoped3A_273 : memref<!tpu.dma_semaphore, #tpu.memory_space<semaphore_mem>>) src(%dma_wait3A_289 : memref<128xi32, #tpu.memory_space<hbm>>) dst(%dma_wait3A_288 : memref<128xi32, #tpu.memory_space<vmem>>)
      tpu.yield
    }) : () -> ()
    %add3A_17 = arith.constant 384 : i32
    %add3A_18 = arith.addi %mul3A_2, %add3A_17 : i32
    %run_scoped3A_19 = arith.constant 3 : i32
    "tpu.region"() ({
      %run_scoped3A_273 = tpu.sem_alloc : memref<!tpu.dma_semaphore, #tpu.memory_space<semaphore_mem>>
      %dma_start3A_274 = arith.constant 0 : i32
      %dma_start3A_275 = tpu.memref_slice %arg9[%run_scoped3A_19, %dma_start3A_274] : memref<4x128xi32, #tpu.memory_space<vmem>> -> memref<1x128xi32, #tpu.memory_space<vmem>>
      %dma_start3A_276 = tpu.memref_squeeze %dma_start3A_275 : memref<1x128xi32, #tpu.memory_space<vmem>> -> memref<128xi32, #tpu.memory_space<vmem>>
      %dma_start3A_277 = tpu.memref_slice %arg2[%add3A_18] : memref<16384xi32, #tpu.memory_space<hbm>> -> memref<128xi32, #tpu.memory_space<hbm>>
      %dma_start3A_278 = arith.constant 0 : i32
      %dma_start3A_279 = tpu.memref_slice %arg9[%run_scoped3A_19, %dma_start3A_278] : memref<4x128xi32, #tpu.memory_space<vmem>> -> memref<1x128xi32, #tpu.memory_space<vmem>>
      %dma_start3A_280 = tpu.memref_squeeze %dma_start3A_279 : memref<1x128xi32, #tpu.memory_space<vmem>> -> memref<128xi32, #tpu.memory_space<vmem>>
      %dma_start3A_281 = tpu.memref_slice %arg2[%add3A_18] : memref<16384xi32, #tpu.memory_space<hbm>> -> memref<128xi32, #tpu.memory_space<hbm>>
      tpu.enqueue_dma source(%dma_start3A_281 : memref<128xi32, #tpu.memory_space<hbm>>) target(%dma_start3A_280 : memref<128xi32, #tpu.memory_space<vmem>>) target_semaphore(%run_scoped3A_273 : memref<!tpu.dma_semaphore, #tpu.memory_space<semaphore_mem>>)
      %dma_wait3A_282 = arith.constant 0 : i32
      %dma_wait3A_283 = tpu.memref_slice %arg9[%run_scoped3A_19, %dma_wait3A_282] : memref<4x128xi32, #tpu.memory_space<vmem>> -> memref<1x128xi32, #tpu.memory_space<vmem>>
      %dma_wait3A_284 = tpu.memref_squeeze %dma_wait3A_283 : memref<1x128xi32, #tpu.memory_space<vmem>> -> memref<128xi32, #tpu.memory_space<vmem>>
      %dma_wait3A_285 = tpu.memref_slice %arg2[%add3A_18] : memref<16384xi32, #tpu.memory_space<hbm>> -> memref<128xi32, #tpu.memory_space<hbm>>
      %dma_wait3A_286 = arith.constant 0 : i32
      %dma_wait3A_287 = tpu.memref_slice %arg9[%run_scoped3A_19, %dma_wait3A_286] : memref<4x128xi32, #tpu.memory_space<vmem>> -> memref<1x128xi32, #tpu.memory_space<vmem>>
      %dma_wait3A_288 = tpu.memref_squeeze %dma_wait3A_287 : memref<1x128xi32, #tpu.memory_space<vmem>> -> memref<128xi32, #tpu.memory_space<vmem>>
      %dma_wait3A_289 = tpu.memref_slice %arg2[%add3A_18] : memref<16384xi32, #tpu.memory_space<hbm>> -> memref<128xi32, #tpu.memory_space<hbm>>
      tpu.wait_dma2 semaphore(%run_scoped3A_273 : memref<!tpu.dma_semaphore, #tpu.memory_space<semaphore_mem>>) src(%dma_wait3A_289 : memref<128xi32, #tpu.memory_space<hbm>>) dst(%dma_wait3A_288 : memref<128xi32, #tpu.memory_space<vmem>>)
      tpu.yield
    }) : () -> ()
    %run_scoped3A_20 = arith.constant 3 : i32
    "tpu.region"() ({
      %run_scoped3A_273 = tpu.sem_alloc : memref<!tpu.dma_semaphore, #tpu.memory_space<semaphore_mem>>
      %dma_start3A_274 = arith.constant 0 : i32
      %dma_start3A_275 = tpu.memref_slice %arg10[%run_scoped3A_20, %dma_start3A_274] : memref<4x128xi32, #tpu.memory_space<vmem>> -> memref<1x128xi32, #tpu.memory_space<vmem>>
      %dma_start3A_276 = tpu.memref_squeeze %dma_start3A_275 : memref<1x128xi32, #tpu.memory_space<vmem>> -> memref<128xi32, #tpu.memory_space<vmem>>
      %dma_start3A_277 = tpu.memref_slice %arg3[%add3A_18] : memref<16384xi32, #tpu.memory_space<hbm>> -> memref<128xi32, #tpu.memory_space<hbm>>
      %dma_start3A_278 = arith.constant 0 : i32
      %dma_start3A_279 = tpu.memref_slice %arg10[%run_scoped3A_20, %dma_start3A_278] : memref<4x128xi32, #tpu.memory_space<vmem>> -> memref<1x128xi32, #tpu.memory_space<vmem>>
      %dma_start3A_280 = tpu.memref_squeeze %dma_start3A_279 : memref<1x128xi32, #tpu.memory_space<vmem>> -> memref<128xi32, #tpu.memory_space<vmem>>
      %dma_start3A_281 = tpu.memref_slice %arg3[%add3A_18] : memref<16384xi32, #tpu.memory_space<hbm>> -> memref<128xi32, #tpu.memory_space<hbm>>
      tpu.enqueue_dma source(%dma_start3A_281 : memref<128xi32, #tpu.memory_space<hbm>>) target(%dma_start3A_280 : memref<128xi32, #tpu.memory_space<vmem>>) target_semaphore(%run_scoped3A_273 : memref<!tpu.dma_semaphore, #tpu.memory_space<semaphore_mem>>)
      %dma_wait3A_282 = arith.constant 0 : i32
      %dma_wait3A_283 = tpu.memref_slice %arg10[%run_scoped3A_20, %dma_wait3A_282] : memref<4x128xi32, #tpu.memory_space<vmem>> -> memref<1x128xi32, #tpu.memory_space<vmem>>
      %dma_wait3A_284 = tpu.memref_squeeze %dma_wait3A_283 : memref<1x128xi32, #tpu.memory_space<vmem>> -> memref<128xi32, #tpu.memory_space<vmem>>
      %dma_wait3A_285 = tpu.memref_slice %arg3[%add3A_18] : memref<16384xi32, #tpu.memory_space<hbm>> -> memref<128xi32, #tpu.memory_space<hbm>>
      %dma_wait3A_286 = arith.constant 0 : i32
      %dma_wait3A_287 = tpu.memref_slice %arg10[%run_scoped3A_20, %dma_wait3A_286] : memref<4x128xi32, #tpu.memory_space<vmem>> -> memref<1x128xi32, #tpu.memory_space<vmem>>
      %dma_wait3A_288 = tpu.memref_squeeze %dma_wait3A_287 : memref<1x128xi32, #tpu.memory_space<vmem>> -> memref<128xi32, #tpu.memory_space<vmem>>
      %dma_wait3A_289 = tpu.memref_slice %arg3[%add3A_18] : memref<16384xi32, #tpu.memory_space<hbm>> -> memref<128xi32, #tpu.memory_space<hbm>>
      tpu.wait_dma2 semaphore(%run_scoped3A_273 : memref<!tpu.dma_semaphore, #tpu.memory_space<semaphore_mem>>) src(%dma_wait3A_289 : memref<128xi32, #tpu.memory_space<hbm>>) dst(%dma_wait3A_288 : memref<128xi32, #tpu.memory_space<vmem>>)
      tpu.yield
    }) : () -> ()
    %run_scoped3A_21 = arith.constant 3 : i32
    "tpu.region"() ({
      %run_scoped3A_273 = tpu.sem_alloc : memref<!tpu.dma_semaphore, #tpu.memory_space<semaphore_mem>>
      %dma_start3A_274 = arith.constant 0 : i32
      %dma_start3A_275 = tpu.memref_slice %arg11[%run_scoped3A_21, %dma_start3A_274] : memref<4x128xi32, #tpu.memory_space<vmem>> -> memref<1x128xi32, #tpu.memory_space<vmem>>
      %dma_start3A_276 = tpu.memref_squeeze %dma_start3A_275 : memref<1x128xi32, #tpu.memory_space<vmem>> -> memref<128xi32, #tpu.memory_space<vmem>>
      %dma_start3A_277 = tpu.memref_slice %arg4[%add3A_18] : memref<16384xi32, #tpu.memory_space<hbm>> -> memref<128xi32, #tpu.memory_space<hbm>>
      %dma_start3A_278 = arith.constant 0 : i32
      %dma_start3A_279 = tpu.memref_slice %arg11[%run_scoped3A_21, %dma_start3A_278] : memref<4x128xi32, #tpu.memory_space<vmem>> -> memref<1x128xi32, #tpu.memory_space<vmem>>
      %dma_start3A_280 = tpu.memref_squeeze %dma_start3A_279 : memref<1x128xi32, #tpu.memory_space<vmem>> -> memref<128xi32, #tpu.memory_space<vmem>>
      %dma_start3A_281 = tpu.memref_slice %arg4[%add3A_18] : memref<16384xi32, #tpu.memory_space<hbm>> -> memref<128xi32, #tpu.memory_space<hbm>>
      tpu.enqueue_dma source(%dma_start3A_281 : memref<128xi32, #tpu.memory_space<hbm>>) target(%dma_start3A_280 : memref<128xi32, #tpu.memory_space<vmem>>) target_semaphore(%run_scoped3A_273 : memref<!tpu.dma_semaphore, #tpu.memory_space<semaphore_mem>>)
      %dma_wait3A_282 = arith.constant 0 : i32
      %dma_wait3A_283 = tpu.memref_slice %arg11[%run_scoped3A_21, %dma_wait3A_282] : memref<4x128xi32, #tpu.memory_space<vmem>> -> memref<1x128xi32, #tpu.memory_space<vmem>>
      %dma_wait3A_284 = tpu.memref_squeeze %dma_wait3A_283 : memref<1x128xi32, #tpu.memory_space<vmem>> -> memref<128xi32, #tpu.memory_space<vmem>>
      %dma_wait3A_285 = tpu.memref_slice %arg4[%add3A_18] : memref<16384xi32, #tpu.memory_space<hbm>> -> memref<128xi32, #tpu.memory_space<hbm>>
      %dma_wait3A_286 = arith.constant 0 : i32
      %dma_wait3A_287 = tpu.memref_slice %arg11[%run_scoped3A_21, %dma_wait3A_286] : memref<4x128xi32, #tpu.memory_space<vmem>> -> memref<1x128xi32, #tpu.memory_space<vmem>>
      %dma_wait3A_288 = tpu.memref_squeeze %dma_wait3A_287 : memref<1x128xi32, #tpu.memory_space<vmem>> -> memref<128xi32, #tpu.memory_space<vmem>>
      %dma_wait3A_289 = tpu.memref_slice %arg4[%add3A_18] : memref<16384xi32, #tpu.memory_space<hbm>> -> memref<128xi32, #tpu.memory_space<hbm>>
      tpu.wait_dma2 semaphore(%run_scoped3A_273 : memref<!tpu.dma_semaphore, #tpu.memory_space<semaphore_mem>>) src(%dma_wait3A_289 : memref<128xi32, #tpu.memory_space<hbm>>) dst(%dma_wait3A_288 : memref<128xi32, #tpu.memory_space<vmem>>)
      tpu.yield
    }) : () -> ()
    %dma_start3A = arith.constant 0 : i32
    %dma_start3A_22 = arith.constant 0 : i32
    %dma_start3A_23 = arith.constant 0 : i32
    %dma_start3A_24 = tpu.memref_slice %arg12[%dma_start3A_22, %dma_start3A_23] : memref<256x128xf32, #tpu.memory_space<vmem>> -> memref<128x128xf32, #tpu.memory_space<vmem>>
    %dma_start3A_25 = arith.constant 0 : i32
    %dma_start3A_26 = tpu.memref_slice %arg9[%dma_start3A, %dma_start3A_25] : memref<4x128xi32, #tpu.memory_space<vmem>> -> memref<1x128xi32, #tpu.memory_space<vmem>>
    %dma_start3A_27 = tpu.memref_squeeze %dma_start3A_26 : memref<1x128xi32, #tpu.memory_space<vmem>> -> memref<128xi32, #tpu.memory_space<vmem>>
    %dma_start3A_28 = arith.constant 0 : i32
    %dma_start3A_29 = arith.constant 0 : i32
    %dma_start3A_30 = tpu.memref_slice %arg5[%dma_start3A_28, %dma_start3A_29] : memref<100000x128xf32, #tpu.memory_space<hbm>> -> memref<100000x128xf32, #tpu.memory_space<hbm>>
    tpu.enqueue_indirect_dma source(%dma_start3A_30 : memref<100000x128xf32, #tpu.memory_space<hbm>>) target(%dma_start3A_24 : memref<128x128xf32, #tpu.memory_space<vmem>>) offsets(%dma_start3A_27 : memref<128xi32, #tpu.memory_space<vmem>>) semaphore(%arg19 : memref<!tpu.dma_semaphore, #tpu.memory_space<semaphore_mem>>)
    %dma_start3A_31 = arith.constant 0 : i32
    %dma_start3A_32 = arith.constant 0 : i32
    %dma_start3A_33 = arith.constant 0 : i32
    %dma_start3A_34 = tpu.memref_slice %arg13[%dma_start3A_32, %dma_start3A_33] : memref<256x128xf32, #tpu.memory_space<vmem>> -> memref<128x128xf32, #tpu.memory_space<vmem>>
    %dma_start3A_35 = arith.constant 0 : i32
    %dma_start3A_36 = tpu.memref_slice %arg10[%dma_start3A_31, %dma_start3A_35] : memref<4x128xi32, #tpu.memory_space<vmem>> -> memref<1x128xi32, #tpu.memory_space<vmem>>
    %dma_start3A_37 = tpu.memref_squeeze %dma_start3A_36 : memref<1x128xi32, #tpu.memory_space<vmem>> -> memref<128xi32, #tpu.memory_space<vmem>>
    %dma_start3A_38 = arith.constant 0 : i32
    %dma_start3A_39 = arith.constant 0 : i32
    %dma_start3A_40 = tpu.memref_slice %arg6[%dma_start3A_38, %dma_start3A_39] : memref<1000000x128xf32, #tpu.memory_space<hbm>> -> memref<1000000x128xf32, #tpu.memory_space<hbm>>
    tpu.enqueue_indirect_dma source(%dma_start3A_40 : memref<1000000x128xf32, #tpu.memory_space<hbm>>) target(%dma_start3A_34 : memref<128x128xf32, #tpu.memory_space<vmem>>) offsets(%dma_start3A_37 : memref<128xi32, #tpu.memory_space<vmem>>) semaphore(%arg19 : memref<!tpu.dma_semaphore, #tpu.memory_space<semaphore_mem>>)
    %dma_start3A_41 = arith.constant 0 : i32
    %dma_start3A_42 = arith.constant 0 : i32
    %dma_start3A_43 = arith.constant 0 : i32
    %dma_start3A_44 = tpu.memref_slice %arg14[%dma_start3A_42, %dma_start3A_43] : memref<256x128xf32, #tpu.memory_space<vmem>> -> memref<128x128xf32, #tpu.memory_space<vmem>>
    %dma_start3A_45 = arith.constant 0 : i32
    %dma_start3A_46 = tpu.memref_slice %arg11[%dma_start3A_41, %dma_start3A_45] : memref<4x128xi32, #tpu.memory_space<vmem>> -> memref<1x128xi32, #tpu.memory_space<vmem>>
    %dma_start3A_47 = tpu.memref_squeeze %dma_start3A_46 : memref<1x128xi32, #tpu.memory_space<vmem>> -> memref<128xi32, #tpu.memory_space<vmem>>
    %dma_start3A_48 = arith.constant 0 : i32
    %dma_start3A_49 = arith.constant 0 : i32
    %dma_start3A_50 = tpu.memref_slice %arg6[%dma_start3A_48, %dma_start3A_49] : memref<1000000x128xf32, #tpu.memory_space<hbm>> -> memref<1000000x128xf32, #tpu.memory_space<hbm>>
    tpu.enqueue_indirect_dma source(%dma_start3A_50 : memref<1000000x128xf32, #tpu.memory_space<hbm>>) target(%dma_start3A_44 : memref<128x128xf32, #tpu.memory_space<vmem>>) offsets(%dma_start3A_47 : memref<128xi32, #tpu.memory_space<vmem>>) semaphore(%arg19 : memref<!tpu.dma_semaphore, #tpu.memory_space<semaphore_mem>>)
    %dma_start3A_51 = arith.constant 1 : i32
    %dma_start3A_52 = arith.constant 128 : i32
    %dma_start3A_53 = arith.constant 0 : i32
    %dma_start3A_54 = tpu.memref_slice %arg12[%dma_start3A_52, %dma_start3A_53] : memref<256x128xf32, #tpu.memory_space<vmem>> -> memref<128x128xf32, #tpu.memory_space<vmem>>
    %dma_start3A_55 = arith.constant 0 : i32
    %dma_start3A_56 = tpu.memref_slice %arg9[%dma_start3A_51, %dma_start3A_55] : memref<4x128xi32, #tpu.memory_space<vmem>> -> memref<1x128xi32, #tpu.memory_space<vmem>>
    %dma_start3A_57 = tpu.memref_squeeze %dma_start3A_56 : memref<1x128xi32, #tpu.memory_space<vmem>> -> memref<128xi32, #tpu.memory_space<vmem>>
    %dma_start3A_58 = arith.constant 0 : i32
    %dma_start3A_59 = arith.constant 0 : i32
    %dma_start3A_60 = tpu.memref_slice %arg5[%dma_start3A_58, %dma_start3A_59] : memref<100000x128xf32, #tpu.memory_space<hbm>> -> memref<100000x128xf32, #tpu.memory_space<hbm>>
    tpu.enqueue_indirect_dma source(%dma_start3A_60 : memref<100000x128xf32, #tpu.memory_space<hbm>>) target(%dma_start3A_54 : memref<128x128xf32, #tpu.memory_space<vmem>>) offsets(%dma_start3A_57 : memref<128xi32, #tpu.memory_space<vmem>>) semaphore(%arg19 : memref<!tpu.dma_semaphore, #tpu.memory_space<semaphore_mem>>)
    %dma_start3A_61 = arith.constant 1 : i32
    %dma_start3A_62 = arith.constant 128 : i32
    %dma_start3A_63 = arith.constant 0 : i32
    %dma_start3A_64 = tpu.memref_slice %arg13[%dma_start3A_62, %dma_start3A_63] : memref<256x128xf32, #tpu.memory_space<vmem>> -> memref<128x128xf32, #tpu.memory_space<vmem>>
    %dma_start3A_65 = arith.constant 0 : i32
    %dma_start3A_66 = tpu.memref_slice %arg10[%dma_start3A_61, %dma_start3A_65] : memref<4x128xi32, #tpu.memory_space<vmem>> -> memref<1x128xi32, #tpu.memory_space<vmem>>
    %dma_start3A_67 = tpu.memref_squeeze %dma_start3A_66 : memref<1x128xi32, #tpu.memory_space<vmem>> -> memref<128xi32, #tpu.memory_space<vmem>>
    %dma_start3A_68 = arith.constant 0 : i32
    %dma_start3A_69 = arith.constant 0 : i32
    %dma_start3A_70 = tpu.memref_slice %arg6[%dma_start3A_68, %dma_start3A_69] : memref<1000000x128xf32, #tpu.memory_space<hbm>> -> memref<1000000x128xf32, #tpu.memory_space<hbm>>
    tpu.enqueue_indirect_dma source(%dma_start3A_70 : memref<1000000x128xf32, #tpu.memory_space<hbm>>) target(%dma_start3A_64 : memref<128x128xf32, #tpu.memory_space<vmem>>) offsets(%dma_start3A_67 : memref<128xi32, #tpu.memory_space<vmem>>) semaphore(%arg19 : memref<!tpu.dma_semaphore, #tpu.memory_space<semaphore_mem>>)
    %dma_start3A_71 = arith.constant 1 : i32
    %dma_start3A_72 = arith.constant 128 : i32
    %dma_start3A_73 = arith.constant 0 : i32
    %dma_start3A_74 = tpu.memref_slice %arg14[%dma_start3A_72, %dma_start3A_73] : memref<256x128xf32, #tpu.memory_space<vmem>> -> memref<128x128xf32, #tpu.memory_space<vmem>>
    %dma_start3A_75 = arith.constant 0 : i32
    %dma_start3A_76 = tpu.memref_slice %arg11[%dma_start3A_71, %dma_start3A_75] : memref<4x128xi32, #tpu.memory_space<vmem>> -> memref<1x128xi32, #tpu.memory_space<vmem>>
    %dma_start3A_77 = tpu.memref_squeeze %dma_start3A_76 : memref<1x128xi32, #tpu.memory_space<vmem>> -> memref<128xi32, #tpu.memory_space<vmem>>
    %dma_start3A_78 = arith.constant 0 : i32
    %dma_start3A_79 = arith.constant 0 : i32
    %dma_start3A_80 = tpu.memref_slice %arg6[%dma_start3A_78, %dma_start3A_79] : memref<1000000x128xf32, #tpu.memory_space<hbm>> -> memref<1000000x128xf32, #tpu.memory_space<hbm>>
    tpu.enqueue_indirect_dma source(%dma_start3A_80 : memref<1000000x128xf32, #tpu.memory_space<hbm>>) target(%dma_start3A_74 : memref<128x128xf32, #tpu.memory_space<vmem>>) offsets(%dma_start3A_77 : memref<128xi32, #tpu.memory_space<vmem>>) semaphore(%arg19 : memref<!tpu.dma_semaphore, #tpu.memory_space<semaphore_mem>>)
    %dma_wait3A = arith.constant 0 : i32
    %dma_wait3A_81 = arith.constant 0 : i32
    %dma_wait3A_82 = arith.constant 0 : i32
    %dma_wait3A_83 = tpu.memref_slice %arg12[%dma_wait3A_81, %dma_wait3A_82] : memref<256x128xf32, #tpu.memory_space<vmem>> -> memref<128x128xf32, #tpu.memory_space<vmem>>
    %dma_wait3A_84 = arith.constant 0 : i32
    %dma_wait3A_85 = tpu.memref_slice %arg9[%dma_wait3A, %dma_wait3A_84] : memref<4x128xi32, #tpu.memory_space<vmem>> -> memref<1x128xi32, #tpu.memory_space<vmem>>
    %dma_wait3A_86 = tpu.memref_squeeze %dma_wait3A_85 : memref<1x128xi32, #tpu.memory_space<vmem>> -> memref<128xi32, #tpu.memory_space<vmem>>
    %dma_wait3A_87 = arith.constant 0 : i32
    %dma_wait3A_88 = arith.constant 0 : i32
    %dma_wait3A_89 = tpu.memref_slice %arg5[%dma_wait3A_87, %dma_wait3A_88] : memref<100000x128xf32, #tpu.memory_space<hbm>> -> memref<100000x128xf32, #tpu.memory_space<hbm>>
    tpu.wait_indirect_dma semaphore(%arg19 : memref<!tpu.dma_semaphore, #tpu.memory_space<semaphore_mem>>) src(%dma_wait3A_89 : memref<100000x128xf32, #tpu.memory_space<hbm>>) dst(%dma_wait3A_83 : memref<128x128xf32, #tpu.memory_space<vmem>>)
    %dma_wait3A_90 = arith.constant 0 : i32
    %dma_wait3A_91 = arith.constant 0 : i32
    %dma_wait3A_92 = arith.constant 0 : i32
    %dma_wait3A_93 = tpu.memref_slice %arg13[%dma_wait3A_91, %dma_wait3A_92] : memref<256x128xf32, #tpu.memory_space<vmem>> -> memref<128x128xf32, #tpu.memory_space<vmem>>
    %dma_wait3A_94 = arith.constant 0 : i32
    %dma_wait3A_95 = tpu.memref_slice %arg10[%dma_wait3A_90, %dma_wait3A_94] : memref<4x128xi32, #tpu.memory_space<vmem>> -> memref<1x128xi32, #tpu.memory_space<vmem>>
    %dma_wait3A_96 = tpu.memref_squeeze %dma_wait3A_95 : memref<1x128xi32, #tpu.memory_space<vmem>> -> memref<128xi32, #tpu.memory_space<vmem>>
    %dma_wait3A_97 = arith.constant 0 : i32
    %dma_wait3A_98 = arith.constant 0 : i32
    %dma_wait3A_99 = tpu.memref_slice %arg6[%dma_wait3A_97, %dma_wait3A_98] : memref<1000000x128xf32, #tpu.memory_space<hbm>> -> memref<1000000x128xf32, #tpu.memory_space<hbm>>
    tpu.wait_indirect_dma semaphore(%arg19 : memref<!tpu.dma_semaphore, #tpu.memory_space<semaphore_mem>>) src(%dma_wait3A_99 : memref<1000000x128xf32, #tpu.memory_space<hbm>>) dst(%dma_wait3A_93 : memref<128x128xf32, #tpu.memory_space<vmem>>)
    %dma_wait3A_100 = arith.constant 0 : i32
    %dma_wait3A_101 = arith.constant 0 : i32
    %dma_wait3A_102 = arith.constant 0 : i32
    %dma_wait3A_103 = tpu.memref_slice %arg14[%dma_wait3A_101, %dma_wait3A_102] : memref<256x128xf32, #tpu.memory_space<vmem>> -> memref<128x128xf32, #tpu.memory_space<vmem>>
    %dma_wait3A_104 = arith.constant 0 : i32
    %dma_wait3A_105 = tpu.memref_slice %arg11[%dma_wait3A_100, %dma_wait3A_104] : memref<4x128xi32, #tpu.memory_space<vmem>> -> memref<1x128xi32, #tpu.memory_space<vmem>>
    %dma_wait3A_106 = tpu.memref_squeeze %dma_wait3A_105 : memref<1x128xi32, #tpu.memory_space<vmem>> -> memref<128xi32, #tpu.memory_space<vmem>>
    %dma_wait3A_107 = arith.constant 0 : i32
    %dma_wait3A_108 = arith.constant 0 : i32
    %dma_wait3A_109 = tpu.memref_slice %arg6[%dma_wait3A_107, %dma_wait3A_108] : memref<1000000x128xf32, #tpu.memory_space<hbm>> -> memref<1000000x128xf32, #tpu.memory_space<hbm>>
    tpu.wait_indirect_dma semaphore(%arg19 : memref<!tpu.dma_semaphore, #tpu.memory_space<semaphore_mem>>) src(%dma_wait3A_109 : memref<1000000x128xf32, #tpu.memory_space<hbm>>) dst(%dma_wait3A_103 : memref<128x128xf32, #tpu.memory_space<vmem>>)
    %dma_wait3A_110 = arith.constant 1 : i32
    %dma_wait3A_111 = arith.constant 128 : i32
    %dma_wait3A_112 = arith.constant 0 : i32
    %dma_wait3A_113 = tpu.memref_slice %arg12[%dma_wait3A_111, %dma_wait3A_112] : memref<256x128xf32, #tpu.memory_space<vmem>> -> memref<128x128xf32, #tpu.memory_space<vmem>>
    %dma_wait3A_114 = arith.constant 0 : i32
    %dma_wait3A_115 = tpu.memref_slice %arg9[%dma_wait3A_110, %dma_wait3A_114] : memref<4x128xi32, #tpu.memory_space<vmem>> -> memref<1x128xi32, #tpu.memory_space<vmem>>
    %dma_wait3A_116 = tpu.memref_squeeze %dma_wait3A_115 : memref<1x128xi32, #tpu.memory_space<vmem>> -> memref<128xi32, #tpu.memory_space<vmem>>
    %dma_wait3A_117 = arith.constant 0 : i32
    %dma_wait3A_118 = arith.constant 0 : i32
    %dma_wait3A_119 = tpu.memref_slice %arg5[%dma_wait3A_117, %dma_wait3A_118] : memref<100000x128xf32, #tpu.memory_space<hbm>> -> memref<100000x128xf32, #tpu.memory_space<hbm>>
    tpu.wait_indirect_dma semaphore(%arg19 : memref<!tpu.dma_semaphore, #tpu.memory_space<semaphore_mem>>) src(%dma_wait3A_119 : memref<100000x128xf32, #tpu.memory_space<hbm>>) dst(%dma_wait3A_113 : memref<128x128xf32, #tpu.memory_space<vmem>>)
    %dma_wait3A_120 = arith.constant 1 : i32
    %dma_wait3A_121 = arith.constant 128 : i32
    %dma_wait3A_122 = arith.constant 0 : i32
    %dma_wait3A_123 = tpu.memref_slice %arg13[%dma_wait3A_121, %dma_wait3A_122] : memref<256x128xf32, #tpu.memory_space<vmem>> -> memref<128x128xf32, #tpu.memory_space<vmem>>
    %dma_wait3A_124 = arith.constant 0 : i32
    %dma_wait3A_125 = tpu.memref_slice %arg10[%dma_wait3A_120, %dma_wait3A_124] : memref<4x128xi32, #tpu.memory_space<vmem>> -> memref<1x128xi32, #tpu.memory_space<vmem>>
    %dma_wait3A_126 = tpu.memref_squeeze %dma_wait3A_125 : memref<1x128xi32, #tpu.memory_space<vmem>> -> memref<128xi32, #tpu.memory_space<vmem>>
    %dma_wait3A_127 = arith.constant 0 : i32
    %dma_wait3A_128 = arith.constant 0 : i32
    %dma_wait3A_129 = tpu.memref_slice %arg6[%dma_wait3A_127, %dma_wait3A_128] : memref<1000000x128xf32, #tpu.memory_space<hbm>> -> memref<1000000x128xf32, #tpu.memory_space<hbm>>
    tpu.wait_indirect_dma semaphore(%arg19 : memref<!tpu.dma_semaphore, #tpu.memory_space<semaphore_mem>>) src(%dma_wait3A_129 : memref<1000000x128xf32, #tpu.memory_space<hbm>>) dst(%dma_wait3A_123 : memref<128x128xf32, #tpu.memory_space<vmem>>)
    %dma_wait3A_130 = arith.constant 1 : i32
    %dma_wait3A_131 = arith.constant 128 : i32
    %dma_wait3A_132 = arith.constant 0 : i32
    %dma_wait3A_133 = tpu.memref_slice %arg14[%dma_wait3A_131, %dma_wait3A_132] : memref<256x128xf32, #tpu.memory_space<vmem>> -> memref<128x128xf32, #tpu.memory_space<vmem>>
    %dma_wait3A_134 = arith.constant 0 : i32
    %dma_wait3A_135 = tpu.memref_slice %arg11[%dma_wait3A_130, %dma_wait3A_134] : memref<4x128xi32, #tpu.memory_space<vmem>> -> memref<1x128xi32, #tpu.memory_space<vmem>>
    %dma_wait3A_136 = tpu.memref_squeeze %dma_wait3A_135 : memref<1x128xi32, #tpu.memory_space<vmem>> -> memref<128xi32, #tpu.memory_space<vmem>>
    %dma_wait3A_137 = arith.constant 0 : i32
    %dma_wait3A_138 = arith.constant 0 : i32
    %dma_wait3A_139 = tpu.memref_slice %arg6[%dma_wait3A_137, %dma_wait3A_138] : memref<1000000x128xf32, #tpu.memory_space<hbm>> -> memref<1000000x128xf32, #tpu.memory_space<hbm>>
    tpu.wait_indirect_dma semaphore(%arg19 : memref<!tpu.dma_semaphore, #tpu.memory_space<semaphore_mem>>) src(%dma_wait3A_139 : memref<1000000x128xf32, #tpu.memory_space<hbm>>) dst(%dma_wait3A_133 : memref<128x128xf32, #tpu.memory_space<vmem>>)
    %scan3A = arith.constant 0 : i32
    %scan3A_140 = arith.constant 0 : i32
    %scan3A_141 = arith.constant 16 : i32
    %scan3A_142 = arith.addi %scan3A_140, %scan3A_141 : i32
    %scan3A_143 = arith.constant 1 : i32
    %scan3A_144 = scf.for %scan3A_273 = %scan3A_140 to %scan3A_142 step %scan3A_143 iter_args(%scan3A_274 = %scan3A) -> (i32)  : i32 {
      %mul3A_275 = arith.constant 16 : i32
      %mul3A_276 = arith.muli %scan3A_273, %mul3A_275 : i32
      %add3A_277 = arith.constant 0 : i32
      %add3A_278 = arith.addi %mul3A_276, %add3A_277 : i32
      %broadcast_in_dim3A = arith.constant 0.000000e+00 : f32
      %broadcast_in_dim3A_279 = vector.broadcast %broadcast_in_dim3A : f32 to vector<16xf32>
      %broadcast_in_dim3A_280 = arith.constant 0.000000e+00 : f32
      %broadcast_in_dim3A_281 = vector.broadcast %broadcast_in_dim3A_280 : f32 to vector<16xf32>
      %get3A = arith.index_cast %add3A_278 : i32 to index
      %get3A_282 = arith.constant 0 : index
      %get3A_283 = tpu.vector_load %arg12[%get3A, %get3A_282] {strides = array<i32>} : memref<256x128xf32, #tpu.memory_space<vmem>>, vector<16xf32>,
      %get3A_284 = arith.index_cast %add3A_278 : i32 to index
      %get3A_285 = arith.constant 0 : index
      %get3A_286 = tpu.vector_load %arg13[%get3A_284, %get3A_285] {strides = array<i32>} : memref<256x128xf32, #tpu.memory_space<vmem>>, vector<16xf32>,
      %mul3A_287 = arith.mulf %get3A_283, %get3A_286 : vector<16xf32>
      %add3A_288 = arith.addf %broadcast_in_dim3A_279, %mul3A_287 : vector<16xf32>
      %get3A_289 = arith.index_cast %add3A_278 : i32 to index
      %get3A_290 = arith.constant 0 : index
      %get3A_291 = tpu.vector_load %arg14[%get3A_289, %get3A_290] {strides = array<i32>} : memref<256x128xf32, #tpu.memory_space<vmem>>, vector<16xf32>,
      %mul3A_292 = arith.mulf %get3A_283, %get3A_291 : vector<16xf32>
      %add3A_293 = arith.addf %broadcast_in_dim3A_281, %mul3A_292 : vector<16xf32>
      %get3A_294 = arith.index_cast %add3A_278 : i32 to index
      %get3A_295 = arith.constant 16 : index
      %get3A_296 = tpu.vector_load %arg12[%get3A_294, %get3A_295] {strides = array<i32>} : memref<256x128xf32, #tpu.memory_space<vmem>>, vector<16xf32>,
      %get3A_297 = arith.index_cast %add3A_278 : i32 to index
      %get3A_298 = arith.constant 16 : index
      %get3A_299 = tpu.vector_load %arg13[%get3A_297, %get3A_298] {strides = array<i32>} : memref<256x128xf32, #tpu.memory_space<vmem>>, vector<16xf32>,
      %mul3A_300 = arith.mulf %get3A_296, %get3A_299 : vector<16xf32>
      %add3A_301 = arith.addf %add3A_288, %mul3A_300 : vector<16xf32>
      %get3A_302 = arith.index_cast %add3A_278 : i32 to index
      %get3A_303 = arith.constant 16 : index
      %get3A_304 = tpu.vector_load %arg14[%get3A_302, %get3A_303] {strides = array<i32>} : memref<256x128xf32, #tpu.memory_space<vmem>>, vector<16xf32>,
      %mul3A_305 = arith.mulf %get3A_296, %get3A_304 : vector<16xf32>
      %add3A_306 = arith.addf %add3A_293, %mul3A_305 : vector<16xf32>
      %get3A_307 = arith.index_cast %add3A_278 : i32 to index
      %get3A_308 = arith.constant 32 : index
      %get3A_309 = tpu.vector_load %arg12[%get3A_307, %get3A_308] {strides = array<i32>} : memref<256x128xf32, #tpu.memory_space<vmem>>, vector<16xf32>,
      %get3A_310 = arith.index_cast %add3A_278 : i32 to index
      %get3A_311 = arith.constant 32 : index
      %get3A_312 = tpu.vector_load %arg13[%get3A_310, %get3A_311] {strides = array<i32>} : memref<256x128xf32, #tpu.memory_space<vmem>>, vector<16xf32>,
      %mul3A_313 = arith.mulf %get3A_309, %get3A_312 : vector<16xf32>
      %add3A_314 = arith.addf %add3A_301, %mul3A_313 : vector<16xf32>
      %get3A_315 = arith.index_cast %add3A_278 : i32 to index
      %get3A_316 = arith.constant 32 : index
      %get3A_317 = tpu.vector_load %arg14[%get3A_315, %get3A_316] {strides = array<i32>} : memref<256x128xf32, #tpu.memory_space<vmem>>, vector<16xf32>,
      %mul3A_318 = arith.mulf %get3A_309, %get3A_317 : vector<16xf32>
      %add3A_319 = arith.addf %add3A_306, %mul3A_318 : vector<16xf32>
      %get3A_320 = arith.index_cast %add3A_278 : i32 to index
      %get3A_321 = arith.constant 48 : index
      %get3A_322 = tpu.vector_load %arg12[%get3A_320, %get3A_321] {strides = array<i32>} : memref<256x128xf32, #tpu.memory_space<vmem>>, vector<16xf32>,
      %get3A_323 = arith.index_cast %add3A_278 : i32 to index
      %get3A_324 = arith.constant 48 : index
      %get3A_325 = tpu.vector_load %arg13[%get3A_323, %get3A_324] {strides = array<i32>} : memref<256x128xf32, #tpu.memory_space<vmem>>, vector<16xf32>,
      %mul3A_326 = arith.mulf %get3A_322, %get3A_325 : vector<16xf32>
      %add3A_327 = arith.addf %add3A_314, %mul3A_326 : vector<16xf32>
      %get3A_328 = arith.index_cast %add3A_278 : i32 to index
      %get3A_329 = arith.constant 48 : index
      %get3A_330 = tpu.vector_load %arg14[%get3A_328, %get3A_329] {strides = array<i32>} : memref<256x128xf32, #tpu.memory_space<vmem>>, vector<16xf32>,
      %mul3A_331 = arith.mulf %get3A_322, %get3A_330 : vector<16xf32>
      %add3A_332 = arith.addf %add3A_319, %mul3A_331 : vector<16xf32>
      %mul3A_333 = arith.constant 16 : i32
      %mul3A_334 = vector.broadcast %mul3A_333 : i32 to vector<16xi32>
      %mul3A_335 = arith.muli %iota3A, %mul3A_334 : vector<16xi32>
      %add3A_336 = arith.constant 0 : i32
      %add3A_337 = vector.broadcast %add3A_336 : i32 to vector<16xi32>
      %add3A_338 = arith.addi %mul3A_335, %add3A_337 : vector<16xi32>
      tpu.vector_store_idx %arg15[%add3A_338], %add3A_327 : memref<256xf32, #tpu.memory_space<vmem>>[vector<16xi32>], vector<16xf32>,
      tpu.vector_store_idx %arg16[%add3A_338], %add3A_332 : memref<256xf32, #tpu.memory_space<vmem>>[vector<16xi32>], vector<16xf32>,
      %add3A_339 = arith.constant 1 : i32
      %add3A_340 = arith.addi %mul3A_276, %add3A_339 : i32
      %broadcast_in_dim3A_341 = arith.constant 0.000000e+00 : f32
      %broadcast_in_dim3A_342 = vector.broadcast %broadcast_in_dim3A_341 : f32 to vector<16xf32>
      %broadcast_in_dim3A_343 = arith.constant 0.000000e+00 : f32
      %broadcast_in_dim3A_344 = vector.broadcast %broadcast_in_dim3A_343 : f32 to vector<16xf32>
      %get3A_345 = arith.index_cast %add3A_340 : i32 to index
      %get3A_346 = arith.constant 0 : index
      %get3A_347 = tpu.vector_load %arg12[%get3A_345, %get3A_346] {strides = array<i32>} : memref<256x128xf32, #tpu.memory_space<vmem>>, vector<16xf32>,
      %get3A_348 = arith.index_cast %add3A_340 : i32 to index
      %get3A_349 = arith.constant 0 : index
      %get3A_350 = tpu.vector_load %arg13[%get3A_348, %get3A_349] {strides = array<i32>} : memref<256x128xf32, #tpu.memory_space<vmem>>, vector<16xf32>,
      %mul3A_351 = arith.mulf %get3A_347, %get3A_350 : vector<16xf32>
      %add3A_352 = arith.addf %broadcast_in_dim3A_342, %mul3A_351 : vector<16xf32>
      %get3A_353 = arith.index_cast %add3A_340 : i32 to index
      %get3A_354 = arith.constant 0 : index
      %get3A_355 = tpu.vector_load %arg14[%get3A_353, %get3A_354] {strides = array<i32>} : memref<256x128xf32, #tpu.memory_space<vmem>>, vector<16xf32>,
      %mul3A_356 = arith.mulf %get3A_347, %get3A_355 : vector<16xf32>
      %add3A_357 = arith.addf %broadcast_in_dim3A_344, %mul3A_356 : vector<16xf32>
      %get3A_358 = arith.index_cast %add3A_340 : i32 to index
      %get3A_359 = arith.constant 16 : index
      %get3A_360 = tpu.vector_load %arg12[%get3A_358, %get3A_359] {strides = array<i32>} : memref<256x128xf32, #tpu.memory_space<vmem>>, vector<16xf32>,
      %get3A_361 = arith.index_cast %add3A_340 : i32 to index
      %get3A_362 = arith.constant 16 : index
      %get3A_363 = tpu.vector_load %arg13[%get3A_361, %get3A_362] {strides = array<i32>} : memref<256x128xf32, #tpu.memory_space<vmem>>, vector<16xf32>,
      %mul3A_364 = arith.mulf %get3A_360, %get3A_363 : vector<16xf32>
      %add3A_365 = arith.addf %add3A_352, %mul3A_364 : vector<16xf32>
      %get3A_366 = arith.index_cast %add3A_340 : i32 to index
      %get3A_367 = arith.constant 16 : index
      %get3A_368 = tpu.vector_load %arg14[%get3A_366, %get3A_367] {strides = array<i32>} : memref<256x128xf32, #tpu.memory_space<vmem>>, vector<16xf32>,
      %mul3A_369 = arith.mulf %get3A_360, %get3A_368 : vector<16xf32>
      %add3A_370 = arith.addf %add3A_357, %mul3A_369 : vector<16xf32>
      %get3A_371 = arith.index_cast %add3A_340 : i32 to index
      %get3A_372 = arith.constant 32 : index
      %get3A_373 = tpu.vector_load %arg12[%get3A_371, %get3A_372] {strides = array<i32>} : memref<256x128xf32, #tpu.memory_space<vmem>>, vector<16xf32>,
      %get3A_374 = arith.index_cast %add3A_340 : i32 to index
      %get3A_375 = arith.constant 32 : index
      %get3A_376 = tpu.vector_load %arg13[%get3A_374, %get3A_375] {strides = array<i32>} : memref<256x128xf32, #tpu.memory_space<vmem>>, vector<16xf32>,
      %mul3A_377 = arith.mulf %get3A_373, %get3A_376 : vector<16xf32>
      %add3A_378 = arith.addf %add3A_365, %mul3A_377 : vector<16xf32>
      %get3A_379 = arith.index_cast %add3A_340 : i32 to index
      %get3A_380 = arith.constant 32 : index
      %get3A_381 = tpu.vector_load %arg14[%get3A_379, %get3A_380] {strides = array<i32>} : memref<256x128xf32, #tpu.memory_space<vmem>>, vector<16xf32>,
      %mul3A_382 = arith.mulf %get3A_373, %get3A_381 : vector<16xf32>
      %add3A_383 = arith.addf %add3A_370, %mul3A_382 : vector<16xf32>
      %get3A_384 = arith.index_cast %add3A_340 : i32 to index
      %get3A_385 = arith.constant 48 : index
      %get3A_386 = tpu.vector_load %arg12[%get3A_384, %get3A_385] {strides = array<i32>} : memref<256x128xf32, #tpu.memory_space<vmem>>, vector<16xf32>,
      %get3A_387 = arith.index_cast %add3A_340 : i32 to index
      %get3A_388 = arith.constant 48 : index
      %get3A_389 = tpu.vector_load %arg13[%get3A_387, %get3A_388] {strides = array<i32>} : memref<256x128xf32, #tpu.memory_space<vmem>>, vector<16xf32>,
      %mul3A_390 = arith.mulf %get3A_386, %get3A_389 : vector<16xf32>
      %add3A_391 = arith.addf %add3A_378, %mul3A_390 : vector<16xf32>
      %get3A_392 = arith.index_cast %add3A_340 : i32 to index
      %get3A_393 = arith.constant 48 : index
      %get3A_394 = tpu.vector_load %arg14[%get3A_392, %get3A_393] {strides = array<i32>} : memref<256x128xf32, #tpu.memory_space<vmem>>, vector<16xf32>,
      %mul3A_395 = arith.mulf %get3A_386, %get3A_394 : vector<16xf32>
      %add3A_396 = arith.addf %add3A_383, %mul3A_395 : vector<16xf32>
      %mul3A_397 = arith.constant 16 : i32
      %mul3A_398 = vector.broadcast %mul3A_397 : i32 to vector<16xi32>
      %mul3A_399 = arith.muli %iota3A, %mul3A_398 : vector<16xi32>
      %add3A_400 = arith.constant 1 : i32
      %add3A_401 = vector.broadcast %add3A_400 : i32 to vector<16xi32>
      %add3A_402 = arith.addi %mul3A_399, %add3A_401 : vector<16xi32>
      tpu.vector_store_idx %arg15[%add3A_402], %add3A_391 : memref<256xf32, #tpu.memory_space<vmem>>[vector<16xi32>], vector<16xf32>,
      tpu.vector_store_idx %arg16[%add3A_402], %add3A_396 : memref<256xf32, #tpu.memory_space<vmem>>[vector<16xi32>], vector<16xf32>,
      %add3A_403 = arith.constant 2 : i32
      %add3A_404 = arith.addi %mul3A_276, %add3A_403 : i32
      %broadcast_in_dim3A_405 = arith.constant 0.000000e+00 : f32
      %broadcast_in_dim3A_406 = vector.broadcast %broadcast_in_dim3A_405 : f32 to vector<16xf32>
      %broadcast_in_dim3A_407 = arith.constant 0.000000e+00 : f32
      %broadcast_in_dim3A_408 = vector.broadcast %broadcast_in_dim3A_407 : f32 to vector<16xf32>
      %get3A_409 = arith.index_cast %add3A_404 : i32 to index
      %get3A_410 = arith.constant 0 : index
      %get3A_411 = tpu.vector_load %arg12[%get3A_409, %get3A_410] {strides = array<i32>} : memref<256x128xf32, #tpu.memory_space<vmem>>, vector<16xf32>,
      %get3A_412 = arith.index_cast %add3A_404 : i32 to index
      %get3A_413 = arith.constant 0 : index
      %get3A_414 = tpu.vector_load %arg13[%get3A_412, %get3A_413] {strides = array<i32>} : memref<256x128xf32, #tpu.memory_space<vmem>>, vector<16xf32>,
      %mul3A_415 = arith.mulf %get3A_411, %get3A_414 : vector<16xf32>
      %add3A_416 = arith.addf %broadcast_in_dim3A_406, %mul3A_415 : vector<16xf32>
      %get3A_417 = arith.index_cast %add3A_404 : i32 to index
      %get3A_418 = arith.constant 0 : index
      %get3A_419 = tpu.vector_load %arg14[%get3A_417, %get3A_418] {strides = array<i32>} : memref<256x128xf32, #tpu.memory_space<vmem>>, vector<16xf32>,
      %mul3A_420 = arith.mulf %get3A_411, %get3A_419 : vector<16xf32>
      %add3A_421 = arith.addf %broadcast_in_dim3A_408, %mul3A_420 : vector<16xf32>
      %get3A_422 = arith.index_cast %add3A_404 : i32 to index
      %get3A_423 = arith.constant 16 : index
      %get3A_424 = tpu.vector_load %arg12[%get3A_422, %get3A_423] {strides = array<i32>} : memref<256x128xf32, #tpu.memory_space<vmem>>, vector<16xf32>,
      %get3A_425 = arith.index_cast %add3A_404 : i32 to index
      %get3A_426 = arith.constant 16 : index
      %get3A_427 = tpu.vector_load %arg13[%get3A_425, %get3A_426] {strides = array<i32>} : memref<256x128xf32, #tpu.memory_space<vmem>>, vector<16xf32>,
      %mul3A_428 = arith.mulf %get3A_424, %get3A_427 : vector<16xf32>
      %add3A_429 = arith.addf %add3A_416, %mul3A_428 : vector<16xf32>
      %get3A_430 = arith.index_cast %add3A_404 : i32 to index
      %get3A_431 = arith.constant 16 : index
      %get3A_432 = tpu.vector_load %arg14[%get3A_430, %get3A_431] {strides = array<i32>} : memref<256x128xf32, #tpu.memory_space<vmem>>, vector<16xf32>,
      %mul3A_433 = arith.mulf %get3A_424, %get3A_432 : vector<16xf32>
      %add3A_434 = arith.addf %add3A_421, %mul3A_433 : vector<16xf32>
      %get3A_435 = arith.index_cast %add3A_404 : i32 to index
      %get3A_436 = arith.constant 32 : index
      %get3A_437 = tpu.vector_load %arg12[%get3A_435, %get3A_436] {strides = array<i32>} : memref<256x128xf32, #tpu.memory_space<vmem>>, vector<16xf32>,
      %get3A_438 = arith.index_cast %add3A_404 : i32 to index
      %get3A_439 = arith.constant 32 : index
      %get3A_440 = tpu.vector_load %arg13[%get3A_438, %get3A_439] {strides = array<i32>} : memref<256x128xf32, #tpu.memory_space<vmem>>, vector<16xf32>,
      %mul3A_441 = arith.mulf %get3A_437, %get3A_440 : vector<16xf32>
      %add3A_442 = arith.addf %add3A_429, %mul3A_441 : vector<16xf32>
      %get3A_443 = arith.index_cast %add3A_404 : i32 to index
      %get3A_444 = arith.constant 32 : index
      %get3A_445 = tpu.vector_load %arg14[%get3A_443, %get3A_444] {strides = array<i32>} : memref<256x128xf32, #tpu.memory_space<vmem>>, vector<16xf32>,
      %mul3A_446 = arith.mulf %get3A_437, %get3A_445 : vector<16xf32>
      %add3A_447 = arith.addf %add3A_434, %mul3A_446 : vector<16xf32>
      %get3A_448 = arith.index_cast %add3A_404 : i32 to index
      %get3A_449 = arith.constant 48 : index
      %get3A_450 = tpu.vector_load %arg12[%get3A_448, %get3A_449] {strides = array<i32>} : memref<256x128xf32, #tpu.memory_space<vmem>>, vector<16xf32>,
      %get3A_451 = arith.index_cast %add3A_404 : i32 to index
      %get3A_452 = arith.constant 48 : index
      %get3A_453 = tpu.vector_load %arg13[%get3A_451, %get3A_452] {strides = array<i32>} : memref<256x128xf32, #tpu.memory_space<vmem>>, vector<16xf32>,
      %mul3A_454 = arith.mulf %get3A_450, %get3A_453 : vector<16xf32>
      %add3A_455 = arith.addf %add3A_442, %mul3A_454 : vector<16xf32>
      %get3A_456 = arith.index_cast %add3A_404 : i32 to index
      %get3A_457 = arith.constant 48 : index
      %get3A_458 = tpu.vector_load %arg14[%get3A_456, %get3A_457] {strides = array<i32>} : memref<256x128xf32, #tpu.memory_space<vmem>>, vector<16xf32>,
      %mul3A_459 = arith.mulf %get3A_450, %get3A_458 : vector<16xf32>
      %add3A_460 = arith.addf %add3A_447, %mul3A_459 : vector<16xf32>
      %mul3A_461 = arith.constant 16 : i32
      %mul3A_462 = vector.broadcast %mul3A_461 : i32 to vector<16xi32>
      %mul3A_463 = arith.muli %iota3A, %mul3A_462 : vector<16xi32>
      %add3A_464 = arith.constant 2 : i32
      %add3A_465 = vector.broadcast %add3A_464 : i32 to vector<16xi32>
      %add3A_466 = arith.addi %mul3A_463, %add3A_465 : vector<16xi32>
      tpu.vector_store_idx %arg15[%add3A_466], %add3A_455 : memref<256xf32, #tpu.memory_space<vmem>>[vector<16xi32>], vector<16xf32>,
      tpu.vector_store_idx %arg16[%add3A_466], %add3A_460 : memref<256xf32, #tpu.memory_space<vmem>>[vector<16xi32>], vector<16xf32>,
      %add3A_467 = arith.constant 3 : i32
      %add3A_468 = arith.addi %mul3A_276, %add3A_467 : i32
      %broadcast_in_dim3A_469 = arith.constant 0.000000e+00 : f32
      %broadcast_in_dim3A_470 = vector.broadcast %broadcast_in_dim3A_469 : f32 to vector<16xf32>
      %broadcast_in_dim3A_471 = arith.constant 0.000000e+00 : f32
      %broadcast_in_dim3A_472 = vector.broadcast %broadcast_in_dim3A_471 : f32 to vector<16xf32>
      %get3A_473 = arith.index_cast %add3A_468 : i32 to index
      %get3A_474 = arith.constant 0 : index
      %get3A_475 = tpu.vector_load %arg12[%get3A_473, %get3A_474] {strides = array<i32>} : memref<256x128xf32, #tpu.memory_space<vmem>>, vector<16xf32>,
      %get3A_476 = arith.index_cast %add3A_468 : i32 to index
      %get3A_477 = arith.constant 0 : index
      %get3A_478 = tpu.vector_load %arg13[%get3A_476, %get3A_477] {strides = array<i32>} : memref<256x128xf32, #tpu.memory_space<vmem>>, vector<16xf32>,
      %mul3A_479 = arith.mulf %get3A_475, %get3A_478 : vector<16xf32>
      %add3A_480 = arith.addf %broadcast_in_dim3A_470, %mul3A_479 : vector<16xf32>
      %get3A_481 = arith.index_cast %add3A_468 : i32 to index
      %get3A_482 = arith.constant 0 : index
      %get3A_483 = tpu.vector_load %arg14[%get3A_481, %get3A_482] {strides = array<i32>} : memref<256x128xf32, #tpu.memory_space<vmem>>, vector<16xf32>,
      %mul3A_484 = arith.mulf %get3A_475, %get3A_483 : vector<16xf32>
      %add3A_485 = arith.addf %broadcast_in_dim3A_472, %mul3A_484 : vector<16xf32>
      %get3A_486 = arith.index_cast %add3A_468 : i32 to index
      %get3A_487 = arith.constant 16 : index
      %get3A_488 = tpu.vector_load %arg12[%get3A_486, %get3A_487] {strides = array<i32>} : memref<256x128xf32, #tpu.memory_space<vmem>>, vector<16xf32>,
      %get3A_489 = arith.index_cast %add3A_468 : i32 to index
      %get3A_490 = arith.constant 16 : index
      %get3A_491 = tpu.vector_load %arg13[%get3A_489, %get3A_490] {strides = array<i32>} : memref<256x128xf32, #tpu.memory_space<vmem>>, vector<16xf32>,
      %mul3A_492 = arith.mulf %get3A_488, %get3A_491 : vector<16xf32>
      %add3A_493 = arith.addf %add3A_480, %mul3A_492 : vector<16xf32>
      %get3A_494 = arith.index_cast %add3A_468 : i32 to index
      %get3A_495 = arith.constant 16 : index
      %get3A_496 = tpu.vector_load %arg14[%get3A_494, %get3A_495] {strides = array<i32>} : memref<256x128xf32, #tpu.memory_space<vmem>>, vector<16xf32>,
      %mul3A_497 = arith.mulf %get3A_488, %get3A_496 : vector<16xf32>
      %add3A_498 = arith.addf %add3A_485, %mul3A_497 : vector<16xf32>
      %get3A_499 = arith.index_cast %add3A_468 : i32 to index
      %get3A_500 = arith.constant 32 : index
      %get3A_501 = tpu.vector_load %arg12[%get3A_499, %get3A_500] {strides = array<i32>} : memref<256x128xf32, #tpu.memory_space<vmem>>, vector<16xf32>,
      %get3A_502 = arith.index_cast %add3A_468 : i32 to index
      %get3A_503 = arith.constant 32 : index
      %get3A_504 = tpu.vector_load %arg13[%get3A_502, %get3A_503] {strides = array<i32>} : memref<256x128xf32, #tpu.memory_space<vmem>>, vector<16xf32>,
      %mul3A_505 = arith.mulf %get3A_501, %get3A_504 : vector<16xf32>
      %add3A_506 = arith.addf %add3A_493, %mul3A_505 : vector<16xf32>
      %get3A_507 = arith.index_cast %add3A_468 : i32 to index
      %get3A_508 = arith.constant 32 : index
      %get3A_509 = tpu.vector_load %arg14[%get3A_507, %get3A_508] {strides = array<i32>} : memref<256x128xf32, #tpu.memory_space<vmem>>, vector<16xf32>,
      %mul3A_510 = arith.mulf %get3A_501, %get3A_509 : vector<16xf32>
      %add3A_511 = arith.addf %add3A_498, %mul3A_510 : vector<16xf32>
      %get3A_512 = arith.index_cast %add3A_468 : i32 to index
      %get3A_513 = arith.constant 48 : index
      %get3A_514 = tpu.vector_load %arg12[%get3A_512, %get3A_513] {strides = array<i32>} : memref<256x128xf32, #tpu.memory_space<vmem>>, vector<16xf32>,
      %get3A_515 = arith.index_cast %add3A_468 : i32 to index
      %get3A_516 = arith.constant 48 : index
      %get3A_517 = tpu.vector_load %arg13[%get3A_515, %get3A_516] {strides = array<i32>} : memref<256x128xf32, #tpu.memory_space<vmem>>, vector<16xf32>,
      %mul3A_518 = arith.mulf %get3A_514, %get3A_517 : vector<16xf32>
      %add3A_519 = arith.addf %add3A_506, %mul3A_518 : vector<16xf32>
      %get3A_520 = arith.index_cast %add3A_468 : i32 to index
      %get3A_521 = arith.constant 48 : index
      %get3A_522 = tpu.vector_load %arg14[%get3A_520, %get3A_521] {strides = array<i32>} : memref<256x128xf32, #tpu.memory_space<vmem>>, vector<16xf32>,
      %mul3A_523 = arith.mulf %get3A_514, %get3A_522 : vector<16xf32>
      %add3A_524 = arith.addf %add3A_511, %mul3A_523 : vector<16xf32>
      %mul3A_525 = arith.constant 16 : i32
      %mul3A_526 = vector.broadcast %mul3A_525 : i32 to vector<16xi32>
      %mul3A_527 = arith.muli %iota3A, %mul3A_526 : vector<16xi32>
      %add3A_528 = arith.constant 3 : i32
      %add3A_529 = vector.broadcast %add3A_528 : i32 to vector<16xi32>
      %add3A_530 = arith.addi %mul3A_527, %add3A_529 : vector<16xi32>
      tpu.vector_store_idx %arg15[%add3A_530], %add3A_519 : memref<256xf32, #tpu.memory_space<vmem>>[vector<16xi32>], vector<16xf32>,
      tpu.vector_store_idx %arg16[%add3A_530], %add3A_524 : memref<256xf32, #tpu.memory_space<vmem>>[vector<16xi32>], vector<16xf32>,
      %add3A_531 = arith.constant 4 : i32
      %add3A_532 = arith.addi %mul3A_276, %add3A_531 : i32
      %broadcast_in_dim3A_533 = arith.constant 0.000000e+00 : f32
      %broadcast_in_dim3A_534 = vector.broadcast %broadcast_in_dim3A_533 : f32 to vector<16xf32>
      %broadcast_in_dim3A_535 = arith.constant 0.000000e+00 : f32
      %broadcast_in_dim3A_536 = vector.broadcast %broadcast_in_dim3A_535 : f32 to vector<16xf32>
      %get3A_537 = arith.index_cast %add3A_532 : i32 to index
      %get3A_538 = arith.constant 0 : index
      %get3A_539 = tpu.vector_load %arg12[%get3A_537, %get3A_538] {strides = array<i32>} : memref<256x128xf32, #tpu.memory_space<vmem>>, vector<16xf32>,
      %get3A_540 = arith.index_cast %add3A_532 : i32 to index
      %get3A_541 = arith.constant 0 : index
      %get3A_542 = tpu.vector_load %arg13[%get3A_540, %get3A_541] {strides = array<i32>} : memref<256x128xf32, #tpu.memory_space<vmem>>, vector<16xf32>,
      %mul3A_543 = arith.mulf %get3A_539, %get3A_542 : vector<16xf32>
      %add3A_544 = arith.addf %broadcast_in_dim3A_534, %mul3A_543 : vector<16xf32>
      %get3A_545 = arith.index_cast %add3A_532 : i32 to index
      %get3A_546 = arith.constant 0 : index
      %get3A_547 = tpu.vector_load %arg14[%get3A_545, %get3A_546] {strides = array<i32>} : memref<256x128xf32, #tpu.memory_space<vmem>>, vector<16xf32>,
      %mul3A_548 = arith.mulf %get3A_539, %get3A_547 : vector<16xf32>
      %add3A_549 = arith.addf %broadcast_in_dim3A_536, %mul3A_548 : vector<16xf32>
      %get3A_550 = arith.index_cast %add3A_532 : i32 to index
      %get3A_551 = arith.constant 16 : index
      %get3A_552 = tpu.vector_load %arg12[%get3A_550, %get3A_551] {strides = array<i32>} : memref<256x128xf32, #tpu.memory_space<vmem>>, vector<16xf32>,
      %get3A_553 = arith.index_cast %add3A_532 : i32 to index
      %get3A_554 = arith.constant 16 : index
      %get3A_555 = tpu.vector_load %arg13[%get3A_553, %get3A_554] {strides = array<i32>} : memref<256x128xf32, #tpu.memory_space<vmem>>, vector<16xf32>,
      %mul3A_556 = arith.mulf %get3A_552, %get3A_555 : vector<16xf32>
      %add3A_557 = arith.addf %add3A_544, %mul3A_556 : vector<16xf32>
      %get3A_558 = arith.index_cast %add3A_532 : i32 to index
      %get3A_559 = arith.constant 16 : index
      %get3A_560 = tpu.vector_load %arg14[%get3A_558, %get3A_559] {strides = array<i32>} : memref<256x128xf32, #tpu.memory_space<vmem>>, vector<16xf32>,
      %mul3A_561 = arith.mulf %get3A_552, %get3A_560 : vector<16xf32>
      %add3A_562 = arith.addf %add3A_549, %mul3A_561 : vector<16xf32>
      %get3A_563 = arith.index_cast %add3A_532 : i32 to index
      %get3A_564 = arith.constant 32 : index
      %get3A_565 = tpu.vector_load %arg12[%get3A_563, %get3A_564] {strides = array<i32>} : memref<256x128xf32, #tpu.memory_space<vmem>>, vector<16xf32>,
      %get3A_566 = arith.index_cast %add3A_532 : i32 to index
      %get3A_567 = arith.constant 32 : index
      %get3A_568 = tpu.vector_load %arg13[%get3A_566, %get3A_567] {strides = array<i32>} : memref<256x128xf32, #tpu.memory_space<vmem>>, vector<16xf32>,
      %mul3A_569 = arith.mulf %get3A_565, %get3A_568 : vector<16xf32>
      %add3A_570 = arith.addf %add3A_557, %mul3A_569 : vector<16xf32>
      %get3A_571 = arith.index_cast %add3A_532 : i32 to index
      %get3A_572 = arith.constant 32 : index
      %get3A_573 = tpu.vector_load %arg14[%get3A_571, %get3A_572] {strides = array<i32>} : memref<256x128xf32, #tpu.memory_space<vmem>>, vector<16xf32>,
      %mul3A_574 = arith.mulf %get3A_565, %get3A_573 : vector<16xf32>
      %add3A_575 = arith.addf %add3A_562, %mul3A_574 : vector<16xf32>
      %get3A_576 = arith.index_cast %add3A_532 : i32 to index
      %get3A_577 = arith.constant 48 : index
      %get3A_578 = tpu.vector_load %arg12[%get3A_576, %get3A_577] {strides = array<i32>} : memref<256x128xf32, #tpu.memory_space<vmem>>, vector<16xf32>,
      %get3A_579 = arith.index_cast %add3A_532 : i32 to index
      %get3A_580 = arith.constant 48 : index
      %get3A_581 = tpu.vector_load %arg13[%get3A_579, %get3A_580] {strides = array<i32>} : memref<256x128xf32, #tpu.memory_space<vmem>>, vector<16xf32>,
      %mul3A_582 = arith.mulf %get3A_578, %get3A_581 : vector<16xf32>
      %add3A_583 = arith.addf %add3A_570, %mul3A_582 : vector<16xf32>
      %get3A_584 = arith.index_cast %add3A_532 : i32 to index
      %get3A_585 = arith.constant 48 : index
      %get3A_586 = tpu.vector_load %arg14[%get3A_584, %get3A_585] {strides = array<i32>} : memref<256x128xf32, #tpu.memory_space<vmem>>, vector<16xf32>,
      %mul3A_587 = arith.mulf %get3A_578, %get3A_586 : vector<16xf32>
      %add3A_588 = arith.addf %add3A_575, %mul3A_587 : vector<16xf32>
      %mul3A_589 = arith.constant 16 : i32
      %mul3A_590 = vector.broadcast %mul3A_589 : i32 to vector<16xi32>
      %mul3A_591 = arith.muli %iota3A, %mul3A_590 : vector<16xi32>
      %add3A_592 = arith.constant 4 : i32
      %add3A_593 = vector.broadcast %add3A_592 : i32 to vector<16xi32>
      %add3A_594 = arith.addi %mul3A_591, %add3A_593 : vector<16xi32>
      tpu.vector_store_idx %arg15[%add3A_594], %add3A_583 : memref<256xf32, #tpu.memory_space<vmem>>[vector<16xi32>], vector<16xf32>,
      tpu.vector_store_idx %arg16[%add3A_594], %add3A_588 : memref<256xf32, #tpu.memory_space<vmem>>[vector<16xi32>], vector<16xf32>,
      %add3A_595 = arith.constant 5 : i32
      %add3A_596 = arith.addi %mul3A_276, %add3A_595 : i32
      %broadcast_in_dim3A_597 = arith.constant 0.000000e+00 : f32
      %broadcast_in_dim3A_598 = vector.broadcast %broadcast_in_dim3A_597 : f32 to vector<16xf32>
      %broadcast_in_dim3A_599 = arith.constant 0.000000e+00 : f32
      %broadcast_in_dim3A_600 = vector.broadcast %broadcast_in_dim3A_599 : f32 to vector<16xf32>
      %get3A_601 = arith.index_cast %add3A_596 : i32 to index
      %get3A_602 = arith.constant 0 : index
      %get3A_603 = tpu.vector_load %arg12[%get3A_601, %get3A_602] {strides = array<i32>} : memref<256x128xf32, #tpu.memory_space<vmem>>, vector<16xf32>,
      %get3A_604 = arith.index_cast %add3A_596 : i32 to index
      %get3A_605 = arith.constant 0 : index
      %get3A_606 = tpu.vector_load %arg13[%get3A_604, %get3A_605] {strides = array<i32>} : memref<256x128xf32, #tpu.memory_space<vmem>>, vector<16xf32>,
      %mul3A_607 = arith.mulf %get3A_603, %get3A_606 : vector<16xf32>
      %add3A_608 = arith.addf %broadcast_in_dim3A_598, %mul3A_607 : vector<16xf32>
      %get3A_609 = arith.index_cast %add3A_596 : i32 to index
      %get3A_610 = arith.constant 0 : index
      %get3A_611 = tpu.vector_load %arg14[%get3A_609, %get3A_610] {strides = array<i32>} : memref<256x128xf32, #tpu.memory_space<vmem>>, vector<16xf32>,
      %mul3A_612 = arith.mulf %get3A_603, %get3A_611 : vector<16xf32>
      %add3A_613 = arith.addf %broadcast_in_dim3A_600, %mul3A_612 : vector<16xf32>
      %get3A_614 = arith.index_cast %add3A_596 : i32 to index
      %get3A_615 = arith.constant 16 : index
      %get3A_616 = tpu.vector_load %arg12[%get3A_614, %get3A_615] {strides = array<i32>} : memref<256x128xf32, #tpu.memory_space<vmem>>, vector<16xf32>,
      %get3A_617 = arith.index_cast %add3A_596 : i32 to index
      %get3A_618 = arith.constant 16 : index
      %get3A_619 = tpu.vector_load %arg13[%get3A_617, %get3A_618] {strides = array<i32>} : memref<256x128xf32, #tpu.memory_space<vmem>>, vector<16xf32>,
      %mul3A_620 = arith.mulf %get3A_616, %get3A_619 : vector<16xf32>
      %add3A_621 = arith.addf %add3A_608, %mul3A_620 : vector<16xf32>
      %get3A_622 = arith.index_cast %add3A_596 : i32 to index
      %get3A_623 = arith.constant 16 : index
      %get3A_624 = tpu.vector_load %arg14[%get3A_622, %get3A_623] {strides = array<i32>} : memref<256x128xf32, #tpu.memory_space<vmem>>, vector<16xf32>,
      %mul3A_625 = arith.mulf %get3A_616, %get3A_624 : vector<16xf32>
      %add3A_626 = arith.addf %add3A_613, %mul3A_625 : vector<16xf32>
      %get3A_627 = arith.index_cast %add3A_596 : i32 to index
      %get3A_628 = arith.constant 32 : index
      %get3A_629 = tpu.vector_load %arg12[%get3A_627, %get3A_628] {strides = array<i32>} : memref<256x128xf32, #tpu.memory_space<vmem>>, vector<16xf32>,
      %get3A_630 = arith.index_cast %add3A_596 : i32 to index
      %get3A_631 = arith.constant 32 : index
      %get3A_632 = tpu.vector_load %arg13[%get3A_630, %get3A_631] {strides = array<i32>} : memref<256x128xf32, #tpu.memory_space<vmem>>, vector<16xf32>,
      %mul3A_633 = arith.mulf %get3A_629, %get3A_632 : vector<16xf32>
      %add3A_634 = arith.addf %add3A_621, %mul3A_633 : vector<16xf32>
      %get3A_635 = arith.index_cast %add3A_596 : i32 to index
      %get3A_636 = arith.constant 32 : index
      %get3A_637 = tpu.vector_load %arg14[%get3A_635, %get3A_636] {strides = array<i32>} : memref<256x128xf32, #tpu.memory_space<vmem>>, vector<16xf32>,
      %mul3A_638 = arith.mulf %get3A_629, %get3A_637 : vector<16xf32>
      %add3A_639 = arith.addf %add3A_626, %mul3A_638 : vector<16xf32>
      %get3A_640 = arith.index_cast %add3A_596 : i32 to index
      %get3A_641 = arith.constant 48 : index
      %get3A_642 = tpu.vector_load %arg12[%get3A_640, %get3A_641] {strides = array<i32>} : memref<256x128xf32, #tpu.memory_space<vmem>>, vector<16xf32>,
      %get3A_643 = arith.index_cast %add3A_596 : i32 to index
      %get3A_644 = arith.constant 48 : index
      %get3A_645 = tpu.vector_load %arg13[%get3A_643, %get3A_644] {strides = array<i32>} : memref<256x128xf32, #tpu.memory_space<vmem>>, vector<16xf32>,
      %mul3A_646 = arith.mulf %get3A_642, %get3A_645 : vector<16xf32>
      %add3A_647 = arith.addf %add3A_634, %mul3A_646 : vector<16xf32>
      %get3A_648 = arith.index_cast %add3A_596 : i32 to index
      %get3A_649 = arith.constant 48 : index
      %get3A_650 = tpu.vector_load %arg14[%get3A_648, %get3A_649] {strides = array<i32>} : memref<256x128xf32, #tpu.memory_space<vmem>>, vector<16xf32>,
      %mul3A_651 = arith.mulf %get3A_642, %get3A_650 : vector<16xf32>
      %add3A_652 = arith.addf %add3A_639, %mul3A_651 : vector<16xf32>
      %mul3A_653 = arith.constant 16 : i32
      %mul3A_654 = vector.broadcast %mul3A_653 : i32 to vector<16xi32>
      %mul3A_655 = arith.muli %iota3A, %mul3A_654 : vector<16xi32>
      %add3A_656 = arith.constant 5 : i32
      %add3A_657 = vector.broadcast %add3A_656 : i32 to vector<16xi32>
      %add3A_658 = arith.addi %mul3A_655, %add3A_657 : vector<16xi32>
      tpu.vector_store_idx %arg15[%add3A_658], %add3A_647 : memref<256xf32, #tpu.memory_space<vmem>>[vector<16xi32>], vector<16xf32>,
      tpu.vector_store_idx %arg16[%add3A_658], %add3A_652 : memref<256xf32, #tpu.memory_space<vmem>>[vector<16xi32>], vector<16xf32>,
      %add3A_659 = arith.constant 6 : i32
      %add3A_660 = arith.addi %mul3A_276, %add3A_659 : i32
      %broadcast_in_dim3A_661 = arith.constant 0.000000e+00 : f32
      %broadcast_in_dim3A_662 = vector.broadcast %broadcast_in_dim3A_661 : f32 to vector<16xf32>
      %broadcast_in_dim3A_663 = arith.constant 0.000000e+00 : f32
      %broadcast_in_dim3A_664 = vector.broadcast %broadcast_in_dim3A_663 : f32 to vector<16xf32>
      %get3A_665 = arith.index_cast %add3A_660 : i32 to index
      %get3A_666 = arith.constant 0 : index
      %get3A_667 = tpu.vector_load %arg12[%get3A_665, %get3A_666] {strides = array<i32>} : memref<256x128xf32, #tpu.memory_space<vmem>>, vector<16xf32>,
      %get3A_668 = arith.index_cast %add3A_660 : i32 to index
      %get3A_669 = arith.constant 0 : index
      %get3A_670 = tpu.vector_load %arg13[%get3A_668, %get3A_669] {strides = array<i32>} : memref<256x128xf32, #tpu.memory_space<vmem>>, vector<16xf32>,
      %mul3A_671 = arith.mulf %get3A_667, %get3A_670 : vector<16xf32>
      %add3A_672 = arith.addf %broadcast_in_dim3A_662, %mul3A_671 : vector<16xf32>
      %get3A_673 = arith.index_cast %add3A_660 : i32 to index
      %get3A_674 = arith.constant 0 : index
      %get3A_675 = tpu.vector_load %arg14[%get3A_673, %get3A_674] {strides = array<i32>} : memref<256x128xf32, #tpu.memory_space<vmem>>, vector<16xf32>,
      %mul3A_676 = arith.mulf %get3A_667, %get3A_675 : vector<16xf32>
      %add3A_677 = arith.addf %broadcast_in_dim3A_664, %mul3A_676 : vector<16xf32>
      %get3A_678 = arith.index_cast %add3A_660 : i32 to index
      %get3A_679 = arith.constant 16 : index
      %get3A_680 = tpu.vector_load %arg12[%get3A_678, %get3A_679] {strides = array<i32>} : memref<256x128xf32, #tpu.memory_space<vmem>>, vector<16xf32>,
      %get3A_681 = arith.index_cast %add3A_660 : i32 to index
      %get3A_682 = arith.constant 16 : index
      %get3A_683 = tpu.vector_load %arg13[%get3A_681, %get3A_682] {strides = array<i32>} : memref<256x128xf32, #tpu.memory_space<vmem>>, vector<16xf32>,
      %mul3A_684 = arith.mulf %get3A_680, %get3A_683 : vector<16xf32>
      %add3A_685 = arith.addf %add3A_672, %mul3A_684 : vector<16xf32>
      %get3A_686 = arith.index_cast %add3A_660 : i32 to index
      %get3A_687 = arith.constant 16 : index
      %get3A_688 = tpu.vector_load %arg14[%get3A_686, %get3A_687] {strides = array<i32>} : memref<256x128xf32, #tpu.memory_space<vmem>>, vector<16xf32>,
      %mul3A_689 = arith.mulf %get3A_680, %get3A_688 : vector<16xf32>
      %add3A_690 = arith.addf %add3A_677, %mul3A_689 : vector<16xf32>
      %get3A_691 = arith.index_cast %add3A_660 : i32 to index
      %get3A_692 = arith.constant 32 : index
      %get3A_693 = tpu.vector_load %arg12[%get3A_691, %get3A_692] {strides = array<i32>} : memref<256x128xf32, #tpu.memory_space<vmem>>, vector<16xf32>,
      %get3A_694 = arith.index_cast %add3A_660 : i32 to index
      %get3A_695 = arith.constant 32 : index
      %get3A_696 = tpu.vector_load %arg13[%get3A_694, %get3A_695] {strides = array<i32>} : memref<256x128xf32, #tpu.memory_space<vmem>>, vector<16xf32>,
      %mul3A_697 = arith.mulf %get3A_693, %get3A_696 : vector<16xf32>
      %add3A_698 = arith.addf %add3A_685, %mul3A_697 : vector<16xf32>
      %get3A_699 = arith.index_cast %add3A_660 : i32 to index
      %get3A_700 = arith.constant 32 : index
      %get3A_701 = tpu.vector_load %arg14[%get3A_699, %get3A_700] {strides = array<i32>} : memref<256x128xf32, #tpu.memory_space<vmem>>, vector<16xf32>,
      %mul3A_702 = arith.mulf %get3A_693, %get3A_701 : vector<16xf32>
      %add3A_703 = arith.addf %add3A_690, %mul3A_702 : vector<16xf32>
      %get3A_704 = arith.index_cast %add3A_660 : i32 to index
      %get3A_705 = arith.constant 48 : index
      %get3A_706 = tpu.vector_load %arg12[%get3A_704, %get3A_705] {strides = array<i32>} : memref<256x128xf32, #tpu.memory_space<vmem>>, vector<16xf32>,
      %get3A_707 = arith.index_cast %add3A_660 : i32 to index
      %get3A_708 = arith.constant 48 : index
      %get3A_709 = tpu.vector_load %arg13[%get3A_707, %get3A_708] {strides = array<i32>} : memref<256x128xf32, #tpu.memory_space<vmem>>, vector<16xf32>,
      %mul3A_710 = arith.mulf %get3A_706, %get3A_709 : vector<16xf32>
      %add3A_711 = arith.addf %add3A_698, %mul3A_710 : vector<16xf32>
      %get3A_712 = arith.index_cast %add3A_660 : i32 to index
      %get3A_713 = arith.constant 48 : index
      %get3A_714 = tpu.vector_load %arg14[%get3A_712, %get3A_713] {strides = array<i32>} : memref<256x128xf32, #tpu.memory_space<vmem>>, vector<16xf32>,
      %mul3A_715 = arith.mulf %get3A_706, %get3A_714 : vector<16xf32>
      %add3A_716 = arith.addf %add3A_703, %mul3A_715 : vector<16xf32>
      %mul3A_717 = arith.constant 16 : i32
      %mul3A_718 = vector.broadcast %mul3A_717 : i32 to vector<16xi32>
      %mul3A_719 = arith.muli %iota3A, %mul3A_718 : vector<16xi32>
      %add3A_720 = arith.constant 6 : i32
      %add3A_721 = vector.broadcast %add3A_720 : i32 to vector<16xi32>
      %add3A_722 = arith.addi %mul3A_719, %add3A_721 : vector<16xi32>
      tpu.vector_store_idx %arg15[%add3A_722], %add3A_711 : memref<256xf32, #tpu.memory_space<vmem>>[vector<16xi32>], vector<16xf32>,
      tpu.vector_store_idx %arg16[%add3A_722], %add3A_716 : memref<256xf32, #tpu.memory_space<vmem>>[vector<16xi32>], vector<16xf32>,
      %add3A_723 = arith.constant 7 : i32
      %add3A_724 = arith.addi %mul3A_276, %add3A_723 : i32
      %broadcast_in_dim3A_725 = arith.constant 0.000000e+00 : f32
      %broadcast_in_dim3A_726 = vector.broadcast %broadcast_in_dim3A_725 : f32 to vector<16xf32>
      %broadcast_in_dim3A_727 = arith.constant 0.000000e+00 : f32
      %broadcast_in_dim3A_728 = vector.broadcast %broadcast_in_dim3A_727 : f32 to vector<16xf32>
      %get3A_729 = arith.index_cast %add3A_724 : i32 to index
      %get3A_730 = arith.constant 0 : index
      %get3A_731 = tpu.vector_load %arg12[%get3A_729, %get3A_730] {strides = array<i32>} : memref<256x128xf32, #tpu.memory_space<vmem>>, vector<16xf32>,
      %get3A_732 = arith.index_cast %add3A_724 : i32 to index
      %get3A_733 = arith.constant 0 : index
      %get3A_734 = tpu.vector_load %arg13[%get3A_732, %get3A_733] {strides = array<i32>} : memref<256x128xf32, #tpu.memory_space<vmem>>, vector<16xf32>,
      %mul3A_735 = arith.mulf %get3A_731, %get3A_734 : vector<16xf32>
      %add3A_736 = arith.addf %broadcast_in_dim3A_726, %mul3A_735 : vector<16xf32>
      %get3A_737 = arith.index_cast %add3A_724 : i32 to index
      %get3A_738 = arith.constant 0 : index
      %get3A_739 = tpu.vector_load %arg14[%get3A_737, %get3A_738] {strides = array<i32>} : memref<256x128xf32, #tpu.memory_space<vmem>>, vector<16xf32>,
      %mul3A_740 = arith.mulf %get3A_731, %get3A_739 : vector<16xf32>
      %add3A_741 = arith.addf %broadcast_in_dim3A_728, %mul3A_740 : vector<16xf32>
      %get3A_742 = arith.index_cast %add3A_724 : i32 to index
      %get3A_743 = arith.constant 16 : index
      %get3A_744 = tpu.vector_load %arg12[%get3A_742, %get3A_743] {strides = array<i32>} : memref<256x128xf32, #tpu.memory_space<vmem>>, vector<16xf32>,
      %get3A_745 = arith.index_cast %add3A_724 : i32 to index
      %get3A_746 = arith.constant 16 : index
      %get3A_747 = tpu.vector_load %arg13[%get3A_745, %get3A_746] {strides = array<i32>} : memref<256x128xf32, #tpu.memory_space<vmem>>, vector<16xf32>,
      %mul3A_748 = arith.mulf %get3A_744, %get3A_747 : vector<16xf32>
      %add3A_749 = arith.addf %add3A_736, %mul3A_748 : vector<16xf32>
      %get3A_750 = arith.index_cast %add3A_724 : i32 to index
      %get3A_751 = arith.constant 16 : index
      %get3A_752 = tpu.vector_load %arg14[%get3A_750, %get3A_751] {strides = array<i32>} : memref<256x128xf32, #tpu.memory_space<vmem>>, vector<16xf32>,
      %mul3A_753 = arith.mulf %get3A_744, %get3A_752 : vector<16xf32>
      %add3A_754 = arith.addf %add3A_741, %mul3A_753 : vector<16xf32>
      %get3A_755 = arith.index_cast %add3A_724 : i32 to index
      %get3A_756 = arith.constant 32 : index
      %get3A_757 = tpu.vector_load %arg12[%get3A_755, %get3A_756] {strides = array<i32>} : memref<256x128xf32, #tpu.memory_space<vmem>>, vector<16xf32>,
      %get3A_758 = arith.index_cast %add3A_724 : i32 to index
      %get3A_759 = arith.constant 32 : index
      %get3A_760 = tpu.vector_load %arg13[%get3A_758, %get3A_759] {strides = array<i32>} : memref<256x128xf32, #tpu.memory_space<vmem>>, vector<16xf32>,
      %mul3A_761 = arith.mulf %get3A_757, %get3A_760 : vector<16xf32>
      %add3A_762 = arith.addf %add3A_749, %mul3A_761 : vector<16xf32>
      %get3A_763 = arith.index_cast %add3A_724 : i32 to index
      %get3A_764 = arith.constant 32 : index
      %get3A_765 = tpu.vector_load %arg14[%get3A_763, %get3A_764] {strides = array<i32>} : memref<256x128xf32, #tpu.memory_space<vmem>>, vector<16xf32>,
      %mul3A_766 = arith.mulf %get3A_757, %get3A_765 : vector<16xf32>
      %add3A_767 = arith.addf %add3A_754, %mul3A_766 : vector<16xf32>
      %get3A_768 = arith.index_cast %add3A_724 : i32 to index
      %get3A_769 = arith.constant 48 : index
      %get3A_770 = tpu.vector_load %arg12[%get3A_768, %get3A_769] {strides = array<i32>} : memref<256x128xf32, #tpu.memory_space<vmem>>, vector<16xf32>,
      %get3A_771 = arith.index_cast %add3A_724 : i32 to index
      %get3A_772 = arith.constant 48 : index
      %get3A_773 = tpu.vector_load %arg13[%get3A_771, %get3A_772] {strides = array<i32>} : memref<256x128xf32, #tpu.memory_space<vmem>>, vector<16xf32>,
      %mul3A_774 = arith.mulf %get3A_770, %get3A_773 : vector<16xf32>
      %add3A_775 = arith.addf %add3A_762, %mul3A_774 : vector<16xf32>
      %get3A_776 = arith.index_cast %add3A_724 : i32 to index
      %get3A_777 = arith.constant 48 : index
      %get3A_778 = tpu.vector_load %arg14[%get3A_776, %get3A_777] {strides = array<i32>} : memref<256x128xf32, #tpu.memory_space<vmem>>, vector<16xf32>,
      %mul3A_779 = arith.mulf %get3A_770, %get3A_778 : vector<16xf32>
      %add3A_780 = arith.addf %add3A_767, %mul3A_779 : vector<16xf32>
      %mul3A_781 = arith.constant 16 : i32
      %mul3A_782 = vector.broadcast %mul3A_781 : i32 to vector<16xi32>
      %mul3A_783 = arith.muli %iota3A, %mul3A_782 : vector<16xi32>
      %add3A_784 = arith.constant 7 : i32
      %add3A_785 = vector.broadcast %add3A_784 : i32 to vector<16xi32>
      %add3A_786 = arith.addi %mul3A_783, %add3A_785 : vector<16xi32>
      tpu.vector_store_idx %arg15[%add3A_786], %add3A_775 : memref<256xf32, #tpu.memory_space<vmem>>[vector<16xi32>], vector<16xf32>,
      tpu.vector_store_idx %arg16[%add3A_786], %add3A_780 : memref<256xf32, #tpu.memory_space<vmem>>[vector<16xi32>], vector<16xf32>,
      %add3A_787 = arith.constant 8 : i32
      %add3A_788 = arith.addi %mul3A_276, %add3A_787 : i32
      %broadcast_in_dim3A_789 = arith.constant 0.000000e+00 : f32
      %broadcast_in_dim3A_790 = vector.broadcast %broadcast_in_dim3A_789 : f32 to vector<16xf32>
      %broadcast_in_dim3A_791 = arith.constant 0.000000e+00 : f32
      %broadcast_in_dim3A_792 = vector.broadcast %broadcast_in_dim3A_791 : f32 to vector<16xf32>
      %get3A_793 = arith.index_cast %add3A_788 : i32 to index
      %get3A_794 = arith.constant 0 : index
      %get3A_795 = tpu.vector_load %arg12[%get3A_793, %get3A_794] {strides = array<i32>} : memref<256x128xf32, #tpu.memory_space<vmem>>, vector<16xf32>,
      %get3A_796 = arith.index_cast %add3A_788 : i32 to index
      %get3A_797 = arith.constant 0 : index
      %get3A_798 = tpu.vector_load %arg13[%get3A_796, %get3A_797] {strides = array<i32>} : memref<256x128xf32, #tpu.memory_space<vmem>>, vector<16xf32>,
      %mul3A_799 = arith.mulf %get3A_795, %get3A_798 : vector<16xf32>
      %add3A_800 = arith.addf %broadcast_in_dim3A_790, %mul3A_799 : vector<16xf32>
      %get3A_801 = arith.index_cast %add3A_788 : i32 to index
      %get3A_802 = arith.constant 0 : index
      %get3A_803 = tpu.vector_load %arg14[%get3A_801, %get3A_802] {strides = array<i32>} : memref<256x128xf32, #tpu.memory_space<vmem>>, vector<16xf32>,
      %mul3A_804 = arith.mulf %get3A_795, %get3A_803 : vector<16xf32>
      %add3A_805 = arith.addf %broadcast_in_dim3A_792, %mul3A_804 : vector<16xf32>
      %get3A_806 = arith.index_cast %add3A_788 : i32 to index
      %get3A_807 = arith.constant 16 : index
      %get3A_808 = tpu.vector_load %arg12[%get3A_806, %get3A_807] {strides = array<i32>} : memref<256x128xf32, #tpu.memory_space<vmem>>, vector<16xf32>,
      %get3A_809 = arith.index_cast %add3A_788 : i32 to index
      %get3A_810 = arith.constant 16 : index
      %get3A_811 = tpu.vector_load %arg13[%get3A_809, %get3A_810] {strides = array<i32>} : memref<256x128xf32, #tpu.memory_space<vmem>>, vector<16xf32>,
      %mul3A_812 = arith.mulf %get3A_808, %get3A_811 : vector<16xf32>
      %add3A_813 = arith.addf %add3A_800, %mul3A_812 : vector<16xf32>
      %get3A_814 = arith.index_cast %add3A_788 : i32 to index
      %get3A_815 = arith.constant 16 : index
      %get3A_816 = tpu.vector_load %arg14[%get3A_814, %get3A_815] {strides = array<i32>} : memref<256x128xf32, #tpu.memory_space<vmem>>, vector<16xf32>,
      %mul3A_817 = arith.mulf %get3A_808, %get3A_816 : vector<16xf32>
      %add3A_818 = arith.addf %add3A_805, %mul3A_817 : vector<16xf32>
      %get3A_819 = arith.index_cast %add3A_788 : i32 to index
      %get3A_820 = arith.constant 32 : index
      %get3A_821 = tpu.vector_load %arg12[%get3A_819, %get3A_820] {strides = array<i32>} : memref<256x128xf32, #tpu.memory_space<vmem>>, vector<16xf32>,
      %get3A_822 = arith.index_cast %add3A_788 : i32 to index
      %get3A_823 = arith.constant 32 : index
      %get3A_824 = tpu.vector_load %arg13[%get3A_822, %get3A_823] {strides = array<i32>} : memref<256x128xf32, #tpu.memory_space<vmem>>, vector<16xf32>,
      %mul3A_825 = arith.mulf %get3A_821, %get3A_824 : vector<16xf32>
      %add3A_826 = arith.addf %add3A_813, %mul3A_825 : vector<16xf32>
      %get3A_827 = arith.index_cast %add3A_788 : i32 to index
      %get3A_828 = arith.constant 32 : index
      %get3A_829 = tpu.vector_load %arg14[%get3A_827, %get3A_828] {strides = array<i32>} : memref<256x128xf32, #tpu.memory_space<vmem>>, vector<16xf32>,
      %mul3A_830 = arith.mulf %get3A_821, %get3A_829 : vector<16xf32>
      %add3A_831 = arith.addf %add3A_818, %mul3A_830 : vector<16xf32>
      %get3A_832 = arith.index_cast %add3A_788 : i32 to index
      %get3A_833 = arith.constant 48 : index
      %get3A_834 = tpu.vector_load %arg12[%get3A_832, %get3A_833] {strides = array<i32>} : memref<256x128xf32, #tpu.memory_space<vmem>>, vector<16xf32>,
      %get3A_835 = arith.index_cast %add3A_788 : i32 to index
      %get3A_836 = arith.constant 48 : index
      %get3A_837 = tpu.vector_load %arg13[%get3A_835, %get3A_836] {strides = array<i32>} : memref<256x128xf32, #tpu.memory_space<vmem>>, vector<16xf32>,
      %mul3A_838 = arith.mulf %get3A_834, %get3A_837 : vector<16xf32>
      %add3A_839 = arith.addf %add3A_826, %mul3A_838 : vector<16xf32>
      %get3A_840 = arith.index_cast %add3A_788 : i32 to index
      %get3A_841 = arith.constant 48 : index
      %get3A_842 = tpu.vector_load %arg14[%get3A_840, %get3A_841] {strides = array<i32>} : memref<256x128xf32, #tpu.memory_space<vmem>>, vector<16xf32>,
      %mul3A_843 = arith.mulf %get3A_834, %get3A_842 : vector<16xf32>
      %add3A_844 = arith.addf %add3A_831, %mul3A_843 : vector<16xf32>
      %mul3A_845 = arith.constant 16 : i32
      %mul3A_846 = vector.broadcast %mul3A_845 : i32 to vector<16xi32>
      %mul3A_847 = arith.muli %iota3A, %mul3A_846 : vector<16xi32>
      %add3A_848 = arith.constant 8 : i32
      %add3A_849 = vector.broadcast %add3A_848 : i32 to vector<16xi32>
      %add3A_850 = arith.addi %mul3A_847, %add3A_849 : vector<16xi32>
      tpu.vector_store_idx %arg15[%add3A_850], %add3A_839 : memref<256xf32, #tpu.memory_space<vmem>>[vector<16xi32>], vector<16xf32>,
      tpu.vector_store_idx %arg16[%add3A_850], %add3A_844 : memref<256xf32, #tpu.memory_space<vmem>>[vector<16xi32>], vector<16xf32>,
      %add3A_851 = arith.constant 9 : i32
      %add3A_852 = arith.addi %mul3A_276, %add3A_851 : i32
      %broadcast_in_dim3A_853 = arith.constant 0.000000e+00 : f32
      %broadcast_in_dim3A_854 = vector.broadcast %broadcast_in_dim3A_853 : f32 to vector<16xf32>
      %broadcast_in_dim3A_855 = arith.constant 0.000000e+00 : f32
      %broadcast_in_dim3A_856 = vector.broadcast %broadcast_in_dim3A_855 : f32 to vector<16xf32>
      %get3A_857 = arith.index_cast %add3A_852 : i32 to index
      %get3A_858 = arith.constant 0 : index
      %get3A_859 = tpu.vector_load %arg12[%get3A_857, %get3A_858] {strides = array<i32>} : memref<256x128xf32, #tpu.memory_space<vmem>>, vector<16xf32>,
      %get3A_860 = arith.index_cast %add3A_852 : i32 to index
      %get3A_861 = arith.constant 0 : index
      %get3A_862 = tpu.vector_load %arg13[%get3A_860, %get3A_861] {strides = array<i32>} : memref<256x128xf32, #tpu.memory_space<vmem>>, vector<16xf32>,
      %mul3A_863 = arith.mulf %get3A_859, %get3A_862 : vector<16xf32>
      %add3A_864 = arith.addf %broadcast_in_dim3A_854, %mul3A_863 : vector<16xf32>
      %get3A_865 = arith.index_cast %add3A_852 : i32 to index
      %get3A_866 = arith.constant 0 : index
      %get3A_867 = tpu.vector_load %arg14[%get3A_865, %get3A_866] {strides = array<i32>} : memref<256x128xf32, #tpu.memory_space<vmem>>, vector<16xf32>,
      %mul3A_868 = arith.mulf %get3A_859, %get3A_867 : vector<16xf32>
      %add3A_869 = arith.addf %broadcast_in_dim3A_856, %mul3A_868 : vector<16xf32>
      %get3A_870 = arith.index_cast %add3A_852 : i32 to index
      %get3A_871 = arith.constant 16 : index
      %get3A_872 = tpu.vector_load %arg12[%get3A_870, %get3A_871] {strides = array<i32>} : memref<256x128xf32, #tpu.memory_space<vmem>>, vector<16xf32>,
      %get3A_873 = arith.index_cast %add3A_852 : i32 to index
      %get3A_874 = arith.constant 16 : index
      %get3A_875 = tpu.vector_load %arg13[%get3A_873, %get3A_874] {strides = array<i32>} : memref<256x128xf32, #tpu.memory_space<vmem>>, vector<16xf32>,
      %mul3A_876 = arith.mulf %get3A_872, %get3A_875 : vector<16xf32>
      %add3A_877 = arith.addf %add3A_864, %mul3A_876 : vector<16xf32>
      %get3A_878 = arith.index_cast %add3A_852 : i32 to index
      %get3A_879 = arith.constant 16 : index
      %get3A_880 = tpu.vector_load %arg14[%get3A_878, %get3A_879] {strides = array<i32>} : memref<256x128xf32, #tpu.memory_space<vmem>>, vector<16xf32>,
      %mul3A_881 = arith.mulf %get3A_872, %get3A_880 : vector<16xf32>
      %add3A_882 = arith.addf %add3A_869, %mul3A_881 : vector<16xf32>
      %get3A_883 = arith.index_cast %add3A_852 : i32 to index
      %get3A_884 = arith.constant 32 : index
      %get3A_885 = tpu.vector_load %arg12[%get3A_883, %get3A_884] {strides = array<i32>} : memref<256x128xf32, #tpu.memory_space<vmem>>, vector<16xf32>,
      %get3A_886 = arith.index_cast %add3A_852 : i32 to index
      %get3A_887 = arith.constant 32 : index
      %get3A_888 = tpu.vector_load %arg13[%get3A_886, %get3A_887] {strides = array<i32>} : memref<256x128xf32, #tpu.memory_space<vmem>>, vector<16xf32>,
      %mul3A_889 = arith.mulf %get3A_885, %get3A_888 : vector<16xf32>
      %add3A_890 = arith.addf %add3A_877, %mul3A_889 : vector<16xf32>
      %get3A_891 = arith.index_cast %add3A_852 : i32 to index
      %get3A_892 = arith.constant 32 : index
      %get3A_893 = tpu.vector_load %arg14[%get3A_891, %get3A_892] {strides = array<i32>} : memref<256x128xf32, #tpu.memory_space<vmem>>, vector<16xf32>,
      %mul3A_894 = arith.mulf %get3A_885, %get3A_893 : vector<16xf32>
      %add3A_895 = arith.addf %add3A_882, %mul3A_894 : vector<16xf32>
      %get3A_896 = arith.index_cast %add3A_852 : i32 to index
      %get3A_897 = arith.constant 48 : index
      %get3A_898 = tpu.vector_load %arg12[%get3A_896, %get3A_897] {strides = array<i32>} : memref<256x128xf32, #tpu.memory_space<vmem>>, vector<16xf32>,
      %get3A_899 = arith.index_cast %add3A_852 : i32 to index
      %get3A_900 = arith.constant 48 : index
      %get3A_901 = tpu.vector_load %arg13[%get3A_899, %get3A_900] {strides = array<i32>} : memref<256x128xf32, #tpu.memory_space<vmem>>, vector<16xf32>,
      %mul3A_902 = arith.mulf %get3A_898, %get3A_901 : vector<16xf32>
      %add3A_903 = arith.addf %add3A_890, %mul3A_902 : vector<16xf32>
      %get3A_904 = arith.index_cast %add3A_852 : i32 to index
      %get3A_905 = arith.constant 48 : index
      %get3A_906 = tpu.vector_load %arg14[%get3A_904, %get3A_905] {strides = array<i32>} : memref<256x128xf32, #tpu.memory_space<vmem>>, vector<16xf32>,
      %mul3A_907 = arith.mulf %get3A_898, %get3A_906 : vector<16xf32>
      %add3A_908 = arith.addf %add3A_895, %mul3A_907 : vector<16xf32>
      %mul3A_909 = arith.constant 16 : i32
      %mul3A_910 = vector.broadcast %mul3A_909 : i32 to vector<16xi32>
      %mul3A_911 = arith.muli %iota3A, %mul3A_910 : vector<16xi32>
      %add3A_912 = arith.constant 9 : i32
      %add3A_913 = vector.broadcast %add3A_912 : i32 to vector<16xi32>
      %add3A_914 = arith.addi %mul3A_911, %add3A_913 : vector<16xi32>
      tpu.vector_store_idx %arg15[%add3A_914], %add3A_903 : memref<256xf32, #tpu.memory_space<vmem>>[vector<16xi32>], vector<16xf32>,
      tpu.vector_store_idx %arg16[%add3A_914], %add3A_908 : memref<256xf32, #tpu.memory_space<vmem>>[vector<16xi32>], vector<16xf32>,
      %add3A_915 = arith.constant 10 : i32
      %add3A_916 = arith.addi %mul3A_276, %add3A_915 : i32
      %broadcast_in_dim3A_917 = arith.constant 0.000000e+00 : f32
      %broadcast_in_dim3A_918 = vector.broadcast %broadcast_in_dim3A_917 : f32 to vector<16xf32>
      %broadcast_in_dim3A_919 = arith.constant 0.000000e+00 : f32
      %broadcast_in_dim3A_920 = vector.broadcast %broadcast_in_dim3A_919 : f32 to vector<16xf32>
      %get3A_921 = arith.index_cast %add3A_916 : i32 to index
      %get3A_922 = arith.constant 0 : index
      %get3A_923 = tpu.vector_load %arg12[%get3A_921, %get3A_922] {strides = array<i32>} : memref<256x128xf32, #tpu.memory_space<vmem>>, vector<16xf32>,
      %get3A_924 = arith.index_cast %add3A_916 : i32 to index
      %get3A_925 = arith.constant 0 : index
      %get3A_926 = tpu.vector_load %arg13[%get3A_924, %get3A_925] {strides = array<i32>} : memref<256x128xf32, #tpu.memory_space<vmem>>, vector<16xf32>,
      %mul3A_927 = arith.mulf %get3A_923, %get3A_926 : vector<16xf32>
      %add3A_928 = arith.addf %broadcast_in_dim3A_918, %mul3A_927 : vector<16xf32>
      %get3A_929 = arith.index_cast %add3A_916 : i32 to index
      %get3A_930 = arith.constant 0 : index
      %get3A_931 = tpu.vector_load %arg14[%get3A_929, %get3A_930] {strides = array<i32>} : memref<256x128xf32, #tpu.memory_space<vmem>>, vector<16xf32>,
      %mul3A_932 = arith.mulf %get3A_923, %get3A_931 : vector<16xf32>
      %add3A_933 = arith.addf %broadcast_in_dim3A_920, %mul3A_932 : vector<16xf32>
      %get3A_934 = arith.index_cast %add3A_916 : i32 to index
      %get3A_935 = arith.constant 16 : index
      %get3A_936 = tpu.vector_load %arg12[%get3A_934, %get3A_935] {strides = array<i32>} : memref<256x128xf32, #tpu.memory_space<vmem>>, vector<16xf32>,
      %get3A_937 = arith.index_cast %add3A_916 : i32 to index
      %get3A_938 = arith.constant 16 : index
      %get3A_939 = tpu.vector_load %arg13[%get3A_937, %get3A_938] {strides = array<i32>} : memref<256x128xf32, #tpu.memory_space<vmem>>, vector<16xf32>,
      %mul3A_940 = arith.mulf %get3A_936, %get3A_939 : vector<16xf32>
      %add3A_941 = arith.addf %add3A_928, %mul3A_940 : vector<16xf32>
      %get3A_942 = arith.index_cast %add3A_916 : i32 to index
      %get3A_943 = arith.constant 16 : index
      %get3A_944 = tpu.vector_load %arg14[%get3A_942, %get3A_943] {strides = array<i32>} : memref<256x128xf32, #tpu.memory_space<vmem>>, vector<16xf32>,
      %mul3A_945 = arith.mulf %get3A_936, %get3A_944 : vector<16xf32>
      %add3A_946 = arith.addf %add3A_933, %mul3A_945 : vector<16xf32>
      %get3A_947 = arith.index_cast %add3A_916 : i32 to index
      %get3A_948 = arith.constant 32 : index
      %get3A_949 = tpu.vector_load %arg12[%get3A_947, %get3A_948] {strides = array<i32>} : memref<256x128xf32, #tpu.memory_space<vmem>>, vector<16xf32>,
      %get3A_950 = arith.index_cast %add3A_916 : i32 to index
      %get3A_951 = arith.constant 32 : index
      %get3A_952 = tpu.vector_load %arg13[%get3A_950, %get3A_951] {strides = array<i32>} : memref<256x128xf32, #tpu.memory_space<vmem>>, vector<16xf32>,
      %mul3A_953 = arith.mulf %get3A_949, %get3A_952 : vector<16xf32>
      %add3A_954 = arith.addf %add3A_941, %mul3A_953 : vector<16xf32>
      %get3A_955 = arith.index_cast %add3A_916 : i32 to index
      %get3A_956 = arith.constant 32 : index
      %get3A_957 = tpu.vector_load %arg14[%get3A_955, %get3A_956] {strides = array<i32>} : memref<256x128xf32, #tpu.memory_space<vmem>>, vector<16xf32>,
      %mul3A_958 = arith.mulf %get3A_949, %get3A_957 : vector<16xf32>
      %add3A_959 = arith.addf %add3A_946, %mul3A_958 : vector<16xf32>
      %get3A_960 = arith.index_cast %add3A_916 : i32 to index
      %get3A_961 = arith.constant 48 : index
      %get3A_962 = tpu.vector_load %arg12[%get3A_960, %get3A_961] {strides = array<i32>} : memref<256x128xf32, #tpu.memory_space<vmem>>, vector<16xf32>,
      %get3A_963 = arith.index_cast %add3A_916 : i32 to index
      %get3A_964 = arith.constant 48 : index
      %get3A_965 = tpu.vector_load %arg13[%get3A_963, %get3A_964] {strides = array<i32>} : memref<256x128xf32, #tpu.memory_space<vmem>>, vector<16xf32>,
      %mul3A_966 = arith.mulf %get3A_962, %get3A_965 : vector<16xf32>
      %add3A_967 = arith.addf %add3A_954, %mul3A_966 : vector<16xf32>
      %get3A_968 = arith.index_cast %add3A_916 : i32 to index
      %get3A_969 = arith.constant 48 : index
      %get3A_970 = tpu.vector_load %arg14[%get3A_968, %get3A_969] {strides = array<i32>} : memref<256x128xf32, #tpu.memory_space<vmem>>, vector<16xf32>,
      %mul3A_971 = arith.mulf %get3A_962, %get3A_970 : vector<16xf32>
      %add3A_972 = arith.addf %add3A_959, %mul3A_971 : vector<16xf32>
      %mul3A_973 = arith.constant 16 : i32
      %mul3A_974 = vector.broadcast %mul3A_973 : i32 to vector<16xi32>
      %mul3A_975 = arith.muli %iota3A, %mul3A_974 : vector<16xi32>
      %add3A_976 = arith.constant 10 : i32
      %add3A_977 = vector.broadcast %add3A_976 : i32 to vector<16xi32>
      %add3A_978 = arith.addi %mul3A_975, %add3A_977 : vector<16xi32>
      tpu.vector_store_idx %arg15[%add3A_978], %add3A_967 : memref<256xf32, #tpu.memory_space<vmem>>[vector<16xi32>], vector<16xf32>,
      tpu.vector_store_idx %arg16[%add3A_978], %add3A_972 : memref<256xf32, #tpu.memory_space<vmem>>[vector<16xi32>], vector<16xf32>,
      %add3A_979 = arith.constant 11 : i32
      %add3A_980 = arith.addi %mul3A_276, %add3A_979 : i32
      %broadcast_in_dim3A_981 = arith.constant 0.000000e+00 : f32
      %broadcast_in_dim3A_982 = vector.broadcast %broadcast_in_dim3A_981 : f32 to vector<16xf32>
      %broadcast_in_dim3A_983 = arith.constant 0.000000e+00 : f32
      %broadcast_in_dim3A_984 = vector.broadcast %broadcast_in_dim3A_983 : f32 to vector<16xf32>
      %get3A_985 = arith.index_cast %add3A_980 : i32 to index
      %get3A_986 = arith.constant 0 : index
      %get3A_987 = tpu.vector_load %arg12[%get3A_985, %get3A_986] {strides = array<i32>} : memref<256x128xf32, #tpu.memory_space<vmem>>, vector<16xf32>,
      %get3A_988 = arith.index_cast %add3A_980 : i32 to index
      %get3A_989 = arith.constant 0 : index
      %get3A_990 = tpu.vector_load %arg13[%get3A_988, %get3A_989] {strides = array<i32>} : memref<256x128xf32, #tpu.memory_space<vmem>>, vector<16xf32>,
      %mul3A_991 = arith.mulf %get3A_987, %get3A_990 : vector<16xf32>
      %add3A_992 = arith.addf %broadcast_in_dim3A_982, %mul3A_991 : vector<16xf32>
      %get3A_993 = arith.index_cast %add3A_980 : i32 to index
      %get3A_994 = arith.constant 0 : index
      %get3A_995 = tpu.vector_load %arg14[%get3A_993, %get3A_994] {strides = array<i32>} : memref<256x128xf32, #tpu.memory_space<vmem>>, vector<16xf32>,
      %mul3A_996 = arith.mulf %get3A_987, %get3A_995 : vector<16xf32>
      %add3A_997 = arith.addf %broadcast_in_dim3A_984, %mul3A_996 : vector<16xf32>
      %get3A_998 = arith.index_cast %add3A_980 : i32 to index
      %get3A_999 = arith.constant 16 : index
      %get3A_1000 = tpu.vector_load %arg12[%get3A_998, %get3A_999] {strides = array<i32>} : memref<256x128xf32, #tpu.memory_space<vmem>>, vector<16xf32>,
      %get3A_1001 = arith.index_cast %add3A_980 : i32 to index
      %get3A_1002 = arith.constant 16 : index
      %get3A_1003 = tpu.vector_load %arg13[%get3A_1001, %get3A_1002] {strides = array<i32>} : memref<256x128xf32, #tpu.memory_space<vmem>>, vector<16xf32>,
      %mul3A_1004 = arith.mulf %get3A_1000, %get3A_1003 : vector<16xf32>
      %add3A_1005 = arith.addf %add3A_992, %mul3A_1004 : vector<16xf32>
      %get3A_1006 = arith.index_cast %add3A_980 : i32 to index
      %get3A_1007 = arith.constant 16 : index
      %get3A_1008 = tpu.vector_load %arg14[%get3A_1006, %get3A_1007] {strides = array<i32>} : memref<256x128xf32, #tpu.memory_space<vmem>>, vector<16xf32>,
      %mul3A_1009 = arith.mulf %get3A_1000, %get3A_1008 : vector<16xf32>
      %add3A_1010 = arith.addf %add3A_997, %mul3A_1009 : vector<16xf32>
      %get3A_1011 = arith.index_cast %add3A_980 : i32 to index
      %get3A_1012 = arith.constant 32 : index
      %get3A_1013 = tpu.vector_load %arg12[%get3A_1011, %get3A_1012] {strides = array<i32>} : memref<256x128xf32, #tpu.memory_space<vmem>>, vector<16xf32>,
      %get3A_1014 = arith.index_cast %add3A_980 : i32 to index
      %get3A_1015 = arith.constant 32 : index
      %get3A_1016 = tpu.vector_load %arg13[%get3A_1014, %get3A_1015] {strides = array<i32>} : memref<256x128xf32, #tpu.memory_space<vmem>>, vector<16xf32>,
      %mul3A_1017 = arith.mulf %get3A_1013, %get3A_1016 : vector<16xf32>
      %add3A_1018 = arith.addf %add3A_1005, %mul3A_1017 : vector<16xf32>
      %get3A_1019 = arith.index_cast %add3A_980 : i32 to index
      %get3A_1020 = arith.constant 32 : index
      %get3A_1021 = tpu.vector_load %arg14[%get3A_1019, %get3A_1020] {strides = array<i32>} : memref<256x128xf32, #tpu.memory_space<vmem>>, vector<16xf32>,
      %mul3A_1022 = arith.mulf %get3A_1013, %get3A_1021 : vector<16xf32>
      %add3A_1023 = arith.addf %add3A_1010, %mul3A_1022 : vector<16xf32>
      %get3A_1024 = arith.index_cast %add3A_980 : i32 to index
      %get3A_1025 = arith.constant 48 : index
      %get3A_1026 = tpu.vector_load %arg12[%get3A_1024, %get3A_1025] {strides = array<i32>} : memref<256x128xf32, #tpu.memory_space<vmem>>, vector<16xf32>,
      %get3A_1027 = arith.index_cast %add3A_980 : i32 to index
      %get3A_1028 = arith.constant 48 : index
      %get3A_1029 = tpu.vector_load %arg13[%get3A_1027, %get3A_1028] {strides = array<i32>} : memref<256x128xf32, #tpu.memory_space<vmem>>, vector<16xf32>,
      %mul3A_1030 = arith.mulf %get3A_1026, %get3A_1029 : vector<16xf32>
      %add3A_1031 = arith.addf %add3A_1018, %mul3A_1030 : vector<16xf32>
      %get3A_1032 = arith.index_cast %add3A_980 : i32 to index
      %get3A_1033 = arith.constant 48 : index
      %get3A_1034 = tpu.vector_load %arg14[%get3A_1032, %get3A_1033] {strides = array<i32>} : memref<256x128xf32, #tpu.memory_space<vmem>>, vector<16xf32>,
      %mul3A_1035 = arith.mulf %get3A_1026, %get3A_1034 : vector<16xf32>
      %add3A_1036 = arith.addf %add3A_1023, %mul3A_1035 : vector<16xf32>
      %mul3A_1037 = arith.constant 16 : i32
      %mul3A_1038 = vector.broadcast %mul3A_1037 : i32 to vector<16xi32>
      %mul3A_1039 = arith.muli %iota3A, %mul3A_1038 : vector<16xi32>
      %add3A_1040 = arith.constant 11 : i32
      %add3A_1041 = vector.broadcast %add3A_1040 : i32 to vector<16xi32>
      %add3A_1042 = arith.addi %mul3A_1039, %add3A_1041 : vector<16xi32>
      tpu.vector_store_idx %arg15[%add3A_1042], %add3A_1031 : memref<256xf32, #tpu.memory_space<vmem>>[vector<16xi32>], vector<16xf32>,
      tpu.vector_store_idx %arg16[%add3A_1042], %add3A_1036 : memref<256xf32, #tpu.memory_space<vmem>>[vector<16xi32>], vector<16xf32>,
      %add3A_1043 = arith.constant 12 : i32
      %add3A_1044 = arith.addi %mul3A_276, %add3A_1043 : i32
      %broadcast_in_dim3A_1045 = arith.constant 0.000000e+00 : f32
      %broadcast_in_dim3A_1046 = vector.broadcast %broadcast_in_dim3A_1045 : f32 to vector<16xf32>
      %broadcast_in_dim3A_1047 = arith.constant 0.000000e+00 : f32
      %broadcast_in_dim3A_1048 = vector.broadcast %broadcast_in_dim3A_1047 : f32 to vector<16xf32>
      %get3A_1049 = arith.index_cast %add3A_1044 : i32 to index
      %get3A_1050 = arith.constant 0 : index
      %get3A_1051 = tpu.vector_load %arg12[%get3A_1049, %get3A_1050] {strides = array<i32>} : memref<256x128xf32, #tpu.memory_space<vmem>>, vector<16xf32>,
      %get3A_1052 = arith.index_cast %add3A_1044 : i32 to index
      %get3A_1053 = arith.constant 0 : index
      %get3A_1054 = tpu.vector_load %arg13[%get3A_1052, %get3A_1053] {strides = array<i32>} : memref<256x128xf32, #tpu.memory_space<vmem>>, vector<16xf32>,
      %mul3A_1055 = arith.mulf %get3A_1051, %get3A_1054 : vector<16xf32>
      %add3A_1056 = arith.addf %broadcast_in_dim3A_1046, %mul3A_1055 : vector<16xf32>
      %get3A_1057 = arith.index_cast %add3A_1044 : i32 to index
      %get3A_1058 = arith.constant 0 : index
      %get3A_1059 = tpu.vector_load %arg14[%get3A_1057, %get3A_1058] {strides = array<i32>} : memref<256x128xf32, #tpu.memory_space<vmem>>, vector<16xf32>,
      %mul3A_1060 = arith.mulf %get3A_1051, %get3A_1059 : vector<16xf32>
      %add3A_1061 = arith.addf %broadcast_in_dim3A_1048, %mul3A_1060 : vector<16xf32>
      %get3A_1062 = arith.index_cast %add3A_1044 : i32 to index
      %get3A_1063 = arith.constant 16 : index
      %get3A_1064 = tpu.vector_load %arg12[%get3A_1062, %get3A_1063] {strides = array<i32>} : memref<256x128xf32, #tpu.memory_space<vmem>>, vector<16xf32>,
      %get3A_1065 = arith.index_cast %add3A_1044 : i32 to index
      %get3A_1066 = arith.constant 16 : index
      %get3A_1067 = tpu.vector_load %arg13[%get3A_1065, %get3A_1066] {strides = array<i32>} : memref<256x128xf32, #tpu.memory_space<vmem>>, vector<16xf32>,
      %mul3A_1068 = arith.mulf %get3A_1064, %get3A_1067 : vector<16xf32>
      %add3A_1069 = arith.addf %add3A_1056, %mul3A_1068 : vector<16xf32>
      %get3A_1070 = arith.index_cast %add3A_1044 : i32 to index
      %get3A_1071 = arith.constant 16 : index
      %get3A_1072 = tpu.vector_load %arg14[%get3A_1070, %get3A_1071] {strides = array<i32>} : memref<256x128xf32, #tpu.memory_space<vmem>>, vector<16xf32>,
      %mul3A_1073 = arith.mulf %get3A_1064, %get3A_1072 : vector<16xf32>
      %add3A_1074 = arith.addf %add3A_1061, %mul3A_1073 : vector<16xf32>
      %get3A_1075 = arith.index_cast %add3A_1044 : i32 to index
      %get3A_1076 = arith.constant 32 : index
      %get3A_1077 = tpu.vector_load %arg12[%get3A_1075, %get3A_1076] {strides = array<i32>} : memref<256x128xf32, #tpu.memory_space<vmem>>, vector<16xf32>,
      %get3A_1078 = arith.index_cast %add3A_1044 : i32 to index
      %get3A_1079 = arith.constant 32 : index
      %get3A_1080 = tpu.vector_load %arg13[%get3A_1078, %get3A_1079] {strides = array<i32>} : memref<256x128xf32, #tpu.memory_space<vmem>>, vector<16xf32>,
      %mul3A_1081 = arith.mulf %get3A_1077, %get3A_1080 : vector<16xf32>
      %add3A_1082 = arith.addf %add3A_1069, %mul3A_1081 : vector<16xf32>
      %get3A_1083 = arith.index_cast %add3A_1044 : i32 to index
      %get3A_1084 = arith.constant 32 : index
      %get3A_1085 = tpu.vector_load %arg14[%get3A_1083, %get3A_1084] {strides = array<i32>} : memref<256x128xf32, #tpu.memory_space<vmem>>, vector<16xf32>,
      %mul3A_1086 = arith.mulf %get3A_1077, %get3A_1085 : vector<16xf32>
      %add3A_1087 = arith.addf %add3A_1074, %mul3A_1086 : vector<16xf32>
      %get3A_1088 = arith.index_cast %add3A_1044 : i32 to index
      %get3A_1089 = arith.constant 48 : index
      %get3A_1090 = tpu.vector_load %arg12[%get3A_1088, %get3A_1089] {strides = array<i32>} : memref<256x128xf32, #tpu.memory_space<vmem>>, vector<16xf32>,
      %get3A_1091 = arith.index_cast %add3A_1044 : i32 to index
      %get3A_1092 = arith.constant 48 : index
      %get3A_1093 = tpu.vector_load %arg13[%get3A_1091, %get3A_1092] {strides = array<i32>} : memref<256x128xf32, #tpu.memory_space<vmem>>, vector<16xf32>,
      %mul3A_1094 = arith.mulf %get3A_1090, %get3A_1093 : vector<16xf32>
      %add3A_1095 = arith.addf %add3A_1082, %mul3A_1094 : vector<16xf32>
      %get3A_1096 = arith.index_cast %add3A_1044 : i32 to index
      %get3A_1097 = arith.constant 48 : index
      %get3A_1098 = tpu.vector_load %arg14[%get3A_1096, %get3A_1097] {strides = array<i32>} : memref<256x128xf32, #tpu.memory_space<vmem>>, vector<16xf32>,
      %mul3A_1099 = arith.mulf %get3A_1090, %get3A_1098 : vector<16xf32>
      %add3A_1100 = arith.addf %add3A_1087, %mul3A_1099 : vector<16xf32>
      %mul3A_1101 = arith.constant 16 : i32
      %mul3A_1102 = vector.broadcast %mul3A_1101 : i32 to vector<16xi32>
      %mul3A_1103 = arith.muli %iota3A, %mul3A_1102 : vector<16xi32>
      %add3A_1104 = arith.constant 12 : i32
      %add3A_1105 = vector.broadcast %add3A_1104 : i32 to vector<16xi32>
      %add3A_1106 = arith.addi %mul3A_1103, %add3A_1105 : vector<16xi32>
      tpu.vector_store_idx %arg15[%add3A_1106], %add3A_1095 : memref<256xf32, #tpu.memory_space<vmem>>[vector<16xi32>], vector<16xf32>,
      tpu.vector_store_idx %arg16[%add3A_1106], %add3A_1100 : memref<256xf32, #tpu.memory_space<vmem>>[vector<16xi32>], vector<16xf32>,
      %add3A_1107 = arith.constant 13 : i32
      %add3A_1108 = arith.addi %mul3A_276, %add3A_1107 : i32
      %broadcast_in_dim3A_1109 = arith.constant 0.000000e+00 : f32
      %broadcast_in_dim3A_1110 = vector.broadcast %broadcast_in_dim3A_1109 : f32 to vector<16xf32>
      %broadcast_in_dim3A_1111 = arith.constant 0.000000e+00 : f32
      %broadcast_in_dim3A_1112 = vector.broadcast %broadcast_in_dim3A_1111 : f32 to vector<16xf32>
      %get3A_1113 = arith.index_cast %add3A_1108 : i32 to index
      %get3A_1114 = arith.constant 0 : index
      %get3A_1115 = tpu.vector_load %arg12[%get3A_1113, %get3A_1114] {strides = array<i32>} : memref<256x128xf32, #tpu.memory_space<vmem>>, vector<16xf32>,
      %get3A_1116 = arith.index_cast %add3A_1108 : i32 to index
      %get3A_1117 = arith.constant 0 : index
      %get3A_1118 = tpu.vector_load %arg13[%get3A_1116, %get3A_1117] {strides = array<i32>} : memref<256x128xf32, #tpu.memory_space<vmem>>, vector<16xf32>,
      %mul3A_1119 = arith.mulf %get3A_1115, %get3A_1118 : vector<16xf32>
      %add3A_1120 = arith.addf %broadcast_in_dim3A_1110, %mul3A_1119 : vector<16xf32>
      %get3A_1121 = arith.index_cast %add3A_1108 : i32 to index
      %get3A_1122 = arith.constant 0 : index
      %get3A_1123 = tpu.vector_load %arg14[%get3A_1121, %get3A_1122] {strides = array<i32>} : memref<256x128xf32, #tpu.memory_space<vmem>>, vector<16xf32>,
      %mul3A_1124 = arith.mulf %get3A_1115, %get3A_1123 : vector<16xf32>
      %add3A_1125 = arith.addf %broadcast_in_dim3A_1112, %mul3A_1124 : vector<16xf32>
      %get3A_1126 = arith.index_cast %add3A_1108 : i32 to index
      %get3A_1127 = arith.constant 16 : index
      %get3A_1128 = tpu.vector_load %arg12[%get3A_1126, %get3A_1127] {strides = array<i32>} : memref<256x128xf32, #tpu.memory_space<vmem>>, vector<16xf32>,
      %get3A_1129 = arith.index_cast %add3A_1108 : i32 to index
      %get3A_1130 = arith.constant 16 : index
      %get3A_1131 = tpu.vector_load %arg13[%get3A_1129, %get3A_1130] {strides = array<i32>} : memref<256x128xf32, #tpu.memory_space<vmem>>, vector<16xf32>,
      %mul3A_1132 = arith.mulf %get3A_1128, %get3A_1131 : vector<16xf32>
      %add3A_1133 = arith.addf %add3A_1120, %mul3A_1132 : vector<16xf32>
      %get3A_1134 = arith.index_cast %add3A_1108 : i32 to index
      %get3A_1135 = arith.constant 16 : index
      %get3A_1136 = tpu.vector_load %arg14[%get3A_1134, %get3A_1135] {strides = array<i32>} : memref<256x128xf32, #tpu.memory_space<vmem>>, vector<16xf32>,
      %mul3A_1137 = arith.mulf %get3A_1128, %get3A_1136 : vector<16xf32>
      %add3A_1138 = arith.addf %add3A_1125, %mul3A_1137 : vector<16xf32>
      %get3A_1139 = arith.index_cast %add3A_1108 : i32 to index
      %get3A_1140 = arith.constant 32 : index
      %get3A_1141 = tpu.vector_load %arg12[%get3A_1139, %get3A_1140] {strides = array<i32>} : memref<256x128xf32, #tpu.memory_space<vmem>>, vector<16xf32>,
      %get3A_1142 = arith.index_cast %add3A_1108 : i32 to index
      %get3A_1143 = arith.constant 32 : index
      %get3A_1144 = tpu.vector_load %arg13[%get3A_1142, %get3A_1143] {strides = array<i32>} : memref<256x128xf32, #tpu.memory_space<vmem>>, vector<16xf32>,
      %mul3A_1145 = arith.mulf %get3A_1141, %get3A_1144 : vector<16xf32>
      %add3A_1146 = arith.addf %add3A_1133, %mul3A_1145 : vector<16xf32>
      %get3A_1147 = arith.index_cast %add3A_1108 : i32 to index
      %get3A_1148 = arith.constant 32 : index
      %get3A_1149 = tpu.vector_load %arg14[%get3A_1147, %get3A_1148] {strides = array<i32>} : memref<256x128xf32, #tpu.memory_space<vmem>>, vector<16xf32>,
      %mul3A_1150 = arith.mulf %get3A_1141, %get3A_1149 : vector<16xf32>
      %add3A_1151 = arith.addf %add3A_1138, %mul3A_1150 : vector<16xf32>
      %get3A_1152 = arith.index_cast %add3A_1108 : i32 to index
      %get3A_1153 = arith.constant 48 : index
      %get3A_1154 = tpu.vector_load %arg12[%get3A_1152, %get3A_1153] {strides = array<i32>} : memref<256x128xf32, #tpu.memory_space<vmem>>, vector<16xf32>,
      %get3A_1155 = arith.index_cast %add3A_1108 : i32 to index
      %get3A_1156 = arith.constant 48 : index
      %get3A_1157 = tpu.vector_load %arg13[%get3A_1155, %get3A_1156] {strides = array<i32>} : memref<256x128xf32, #tpu.memory_space<vmem>>, vector<16xf32>,
      %mul3A_1158 = arith.mulf %get3A_1154, %get3A_1157 : vector<16xf32>
      %add3A_1159 = arith.addf %add3A_1146, %mul3A_1158 : vector<16xf32>
      %get3A_1160 = arith.index_cast %add3A_1108 : i32 to index
      %get3A_1161 = arith.constant 48 : index
      %get3A_1162 = tpu.vector_load %arg14[%get3A_1160, %get3A_1161] {strides = array<i32>} : memref<256x128xf32, #tpu.memory_space<vmem>>, vector<16xf32>,
      %mul3A_1163 = arith.mulf %get3A_1154, %get3A_1162 : vector<16xf32>
      %add3A_1164 = arith.addf %add3A_1151, %mul3A_1163 : vector<16xf32>
      %mul3A_1165 = arith.constant 16 : i32
      %mul3A_1166 = vector.broadcast %mul3A_1165 : i32 to vector<16xi32>
      %mul3A_1167 = arith.muli %iota3A, %mul3A_1166 : vector<16xi32>
      %add3A_1168 = arith.constant 13 : i32
      %add3A_1169 = vector.broadcast %add3A_1168 : i32 to vector<16xi32>
      %add3A_1170 = arith.addi %mul3A_1167, %add3A_1169 : vector<16xi32>
      tpu.vector_store_idx %arg15[%add3A_1170], %add3A_1159 : memref<256xf32, #tpu.memory_space<vmem>>[vector<16xi32>], vector<16xf32>,
      tpu.vector_store_idx %arg16[%add3A_1170], %add3A_1164 : memref<256xf32, #tpu.memory_space<vmem>>[vector<16xi32>], vector<16xf32>,
      %add3A_1171 = arith.constant 14 : i32
      %add3A_1172 = arith.addi %mul3A_276, %add3A_1171 : i32
      %broadcast_in_dim3A_1173 = arith.constant 0.000000e+00 : f32
      %broadcast_in_dim3A_1174 = vector.broadcast %broadcast_in_dim3A_1173 : f32 to vector<16xf32>
      %broadcast_in_dim3A_1175 = arith.constant 0.000000e+00 : f32
      %broadcast_in_dim3A_1176 = vector.broadcast %broadcast_in_dim3A_1175 : f32 to vector<16xf32>
      %get3A_1177 = arith.index_cast %add3A_1172 : i32 to index
      %get3A_1178 = arith.constant 0 : index
      %get3A_1179 = tpu.vector_load %arg12[%get3A_1177, %get3A_1178] {strides = array<i32>} : memref<256x128xf32, #tpu.memory_space<vmem>>, vector<16xf32>,
      %get3A_1180 = arith.index_cast %add3A_1172 : i32 to index
      %get3A_1181 = arith.constant 0 : index
      %get3A_1182 = tpu.vector_load %arg13[%get3A_1180, %get3A_1181] {strides = array<i32>} : memref<256x128xf32, #tpu.memory_space<vmem>>, vector<16xf32>,
      %mul3A_1183 = arith.mulf %get3A_1179, %get3A_1182 : vector<16xf32>
      %add3A_1184 = arith.addf %broadcast_in_dim3A_1174, %mul3A_1183 : vector<16xf32>
      %get3A_1185 = arith.index_cast %add3A_1172 : i32 to index
      %get3A_1186 = arith.constant 0 : index
      %get3A_1187 = tpu.vector_load %arg14[%get3A_1185, %get3A_1186] {strides = array<i32>} : memref<256x128xf32, #tpu.memory_space<vmem>>, vector<16xf32>,
      %mul3A_1188 = arith.mulf %get3A_1179, %get3A_1187 : vector<16xf32>
      %add3A_1189 = arith.addf %broadcast_in_dim3A_1176, %mul3A_1188 : vector<16xf32>
      %get3A_1190 = arith.index_cast %add3A_1172 : i32 to index
      %get3A_1191 = arith.constant 16 : index
      %get3A_1192 = tpu.vector_load %arg12[%get3A_1190, %get3A_1191] {strides = array<i32>} : memref<256x128xf32, #tpu.memory_space<vmem>>, vector<16xf32>,
      %get3A_1193 = arith.index_cast %add3A_1172 : i32 to index
      %get3A_1194 = arith.constant 16 : index
      %get3A_1195 = tpu.vector_load %arg13[%get3A_1193, %get3A_1194] {strides = array<i32>} : memref<256x128xf32, #tpu.memory_space<vmem>>, vector<16xf32>,
      %mul3A_1196 = arith.mulf %get3A_1192, %get3A_1195 : vector<16xf32>
      %add3A_1197 = arith.addf %add3A_1184, %mul3A_1196 : vector<16xf32>
      %get3A_1198 = arith.index_cast %add3A_1172 : i32 to index
      %get3A_1199 = arith.constant 16 : index
      %get3A_1200 = tpu.vector_load %arg14[%get3A_1198, %get3A_1199] {strides = array<i32>} : memref<256x128xf32, #tpu.memory_space<vmem>>, vector<16xf32>,
      %mul3A_1201 = arith.mulf %get3A_1192, %get3A_1200 : vector<16xf32>
      %add3A_1202 = arith.addf %add3A_1189, %mul3A_1201 : vector<16xf32>
      %get3A_1203 = arith.index_cast %add3A_1172 : i32 to index
      %get3A_1204 = arith.constant 32 : index
      %get3A_1205 = tpu.vector_load %arg12[%get3A_1203, %get3A_1204] {strides = array<i32>} : memref<256x128xf32, #tpu.memory_space<vmem>>, vector<16xf32>,
      %get3A_1206 = arith.index_cast %add3A_1172 : i32 to index
      %get3A_1207 = arith.constant 32 : index
      %get3A_1208 = tpu.vector_load %arg13[%get3A_1206, %get3A_1207] {strides = array<i32>} : memref<256x128xf32, #tpu.memory_space<vmem>>, vector<16xf32>,
      %mul3A_1209 = arith.mulf %get3A_1205, %get3A_1208 : vector<16xf32>
      %add3A_1210 = arith.addf %add3A_1197, %mul3A_1209 : vector<16xf32>
      %get3A_1211 = arith.index_cast %add3A_1172 : i32 to index
      %get3A_1212 = arith.constant 32 : index
      %get3A_1213 = tpu.vector_load %arg14[%get3A_1211, %get3A_1212] {strides = array<i32>} : memref<256x128xf32, #tpu.memory_space<vmem>>, vector<16xf32>,
      %mul3A_1214 = arith.mulf %get3A_1205, %get3A_1213 : vector<16xf32>
      %add3A_1215 = arith.addf %add3A_1202, %mul3A_1214 : vector<16xf32>
      %get3A_1216 = arith.index_cast %add3A_1172 : i32 to index
      %get3A_1217 = arith.constant 48 : index
      %get3A_1218 = tpu.vector_load %arg12[%get3A_1216, %get3A_1217] {strides = array<i32>} : memref<256x128xf32, #tpu.memory_space<vmem>>, vector<16xf32>,
      %get3A_1219 = arith.index_cast %add3A_1172 : i32 to index
      %get3A_1220 = arith.constant 48 : index
      %get3A_1221 = tpu.vector_load %arg13[%get3A_1219, %get3A_1220] {strides = array<i32>} : memref<256x128xf32, #tpu.memory_space<vmem>>, vector<16xf32>,
      %mul3A_1222 = arith.mulf %get3A_1218, %get3A_1221 : vector<16xf32>
      %add3A_1223 = arith.addf %add3A_1210, %mul3A_1222 : vector<16xf32>
      %get3A_1224 = arith.index_cast %add3A_1172 : i32 to index
      %get3A_1225 = arith.constant 48 : index
      %get3A_1226 = tpu.vector_load %arg14[%get3A_1224, %get3A_1225] {strides = array<i32>} : memref<256x128xf32, #tpu.memory_space<vmem>>, vector<16xf32>,
      %mul3A_1227 = arith.mulf %get3A_1218, %get3A_1226 : vector<16xf32>
      %add3A_1228 = arith.addf %add3A_1215, %mul3A_1227 : vector<16xf32>
      %mul3A_1229 = arith.constant 16 : i32
      %mul3A_1230 = vector.broadcast %mul3A_1229 : i32 to vector<16xi32>
      %mul3A_1231 = arith.muli %iota3A, %mul3A_1230 : vector<16xi32>
      %add3A_1232 = arith.constant 14 : i32
      %add3A_1233 = vector.broadcast %add3A_1232 : i32 to vector<16xi32>
      %add3A_1234 = arith.addi %mul3A_1231, %add3A_1233 : vector<16xi32>
      tpu.vector_store_idx %arg15[%add3A_1234], %add3A_1223 : memref<256xf32, #tpu.memory_space<vmem>>[vector<16xi32>], vector<16xf32>,
      tpu.vector_store_idx %arg16[%add3A_1234], %add3A_1228 : memref<256xf32, #tpu.memory_space<vmem>>[vector<16xi32>], vector<16xf32>,
      %add3A_1235 = arith.constant 15 : i32
      %add3A_1236 = arith.addi %mul3A_276, %add3A_1235 : i32
      %broadcast_in_dim3A_1237 = arith.constant 0.000000e+00 : f32
      %broadcast_in_dim3A_1238 = vector.broadcast %broadcast_in_dim3A_1237 : f32 to vector<16xf32>
      %broadcast_in_dim3A_1239 = arith.constant 0.000000e+00 : f32
      %broadcast_in_dim3A_1240 = vector.broadcast %broadcast_in_dim3A_1239 : f32 to vector<16xf32>
      %get3A_1241 = arith.index_cast %add3A_1236 : i32 to index
      %get3A_1242 = arith.constant 0 : index
      %get3A_1243 = tpu.vector_load %arg12[%get3A_1241, %get3A_1242] {strides = array<i32>} : memref<256x128xf32, #tpu.memory_space<vmem>>, vector<16xf32>,
      %get3A_1244 = arith.index_cast %add3A_1236 : i32 to index
      %get3A_1245 = arith.constant 0 : index
      %get3A_1246 = tpu.vector_load %arg13[%get3A_1244, %get3A_1245] {strides = array<i32>} : memref<256x128xf32, #tpu.memory_space<vmem>>, vector<16xf32>,
      %mul3A_1247 = arith.mulf %get3A_1243, %get3A_1246 : vector<16xf32>
      %add3A_1248 = arith.addf %broadcast_in_dim3A_1238, %mul3A_1247 : vector<16xf32>
      %get3A_1249 = arith.index_cast %add3A_1236 : i32 to index
      %get3A_1250 = arith.constant 0 : index
      %get3A_1251 = tpu.vector_load %arg14[%get3A_1249, %get3A_1250] {strides = array<i32>} : memref<256x128xf32, #tpu.memory_space<vmem>>, vector<16xf32>,
      %mul3A_1252 = arith.mulf %get3A_1243, %get3A_1251 : vector<16xf32>
      %add3A_1253 = arith.addf %broadcast_in_dim3A_1240, %mul3A_1252 : vector<16xf32>
      %get3A_1254 = arith.index_cast %add3A_1236 : i32 to index
      %get3A_1255 = arith.constant 16 : index
      %get3A_1256 = tpu.vector_load %arg12[%get3A_1254, %get3A_1255] {strides = array<i32>} : memref<256x128xf32, #tpu.memory_space<vmem>>, vector<16xf32>,
      %get3A_1257 = arith.index_cast %add3A_1236 : i32 to index
      %get3A_1258 = arith.constant 16 : index
      %get3A_1259 = tpu.vector_load %arg13[%get3A_1257, %get3A_1258] {strides = array<i32>} : memref<256x128xf32, #tpu.memory_space<vmem>>, vector<16xf32>,
      %mul3A_1260 = arith.mulf %get3A_1256, %get3A_1259 : vector<16xf32>
      %add3A_1261 = arith.addf %add3A_1248, %mul3A_1260 : vector<16xf32>
      %get3A_1262 = arith.index_cast %add3A_1236 : i32 to index
      %get3A_1263 = arith.constant 16 : index
      %get3A_1264 = tpu.vector_load %arg14[%get3A_1262, %get3A_1263] {strides = array<i32>} : memref<256x128xf32, #tpu.memory_space<vmem>>, vector<16xf32>,
      %mul3A_1265 = arith.mulf %get3A_1256, %get3A_1264 : vector<16xf32>
      %add3A_1266 = arith.addf %add3A_1253, %mul3A_1265 : vector<16xf32>
      %get3A_1267 = arith.index_cast %add3A_1236 : i32 to index
      %get3A_1268 = arith.constant 32 : index
      %get3A_1269 = tpu.vector_load %arg12[%get3A_1267, %get3A_1268] {strides = array<i32>} : memref<256x128xf32, #tpu.memory_space<vmem>>, vector<16xf32>,
      %get3A_1270 = arith.index_cast %add3A_1236 : i32 to index
      %get3A_1271 = arith.constant 32 : index
      %get3A_1272 = tpu.vector_load %arg13[%get3A_1270, %get3A_1271] {strides = array<i32>} : memref<256x128xf32, #tpu.memory_space<vmem>>, vector<16xf32>,
      %mul3A_1273 = arith.mulf %get3A_1269, %get3A_1272 : vector<16xf32>
      %add3A_1274 = arith.addf %add3A_1261, %mul3A_1273 : vector<16xf32>
      %get3A_1275 = arith.index_cast %add3A_1236 : i32 to index
      %get3A_1276 = arith.constant 32 : index
      %get3A_1277 = tpu.vector_load %arg14[%get3A_1275, %get3A_1276] {strides = array<i32>} : memref<256x128xf32, #tpu.memory_space<vmem>>, vector<16xf32>,
      %mul3A_1278 = arith.mulf %get3A_1269, %get3A_1277 : vector<16xf32>
      %add3A_1279 = arith.addf %add3A_1266, %mul3A_1278 : vector<16xf32>
      %get3A_1280 = arith.index_cast %add3A_1236 : i32 to index
      %get3A_1281 = arith.constant 48 : index
      %get3A_1282 = tpu.vector_load %arg12[%get3A_1280, %get3A_1281] {strides = array<i32>} : memref<256x128xf32, #tpu.memory_space<vmem>>, vector<16xf32>,
      %get3A_1283 = arith.index_cast %add3A_1236 : i32 to index
      %get3A_1284 = arith.constant 48 : index
      %get3A_1285 = tpu.vector_load %arg13[%get3A_1283, %get3A_1284] {strides = array<i32>} : memref<256x128xf32, #tpu.memory_space<vmem>>, vector<16xf32>,
      %mul3A_1286 = arith.mulf %get3A_1282, %get3A_1285 : vector<16xf32>
      %add3A_1287 = arith.addf %add3A_1274, %mul3A_1286 : vector<16xf32>
      %get3A_1288 = arith.index_cast %add3A_1236 : i32 to index
      %get3A_1289 = arith.constant 48 : index
      %get3A_1290 = tpu.vector_load %arg14[%get3A_1288, %get3A_1289] {strides = array<i32>} : memref<256x128xf32, #tpu.memory_space<vmem>>, vector<16xf32>,
      %mul3A_1291 = arith.mulf %get3A_1282, %get3A_1290 : vector<16xf32>
      %add3A_1292 = arith.addf %add3A_1279, %mul3A_1291 : vector<16xf32>
      %mul3A_1293 = arith.constant 16 : i32
      %mul3A_1294 = vector.broadcast %mul3A_1293 : i32 to vector<16xi32>
      %mul3A_1295 = arith.muli %iota3A, %mul3A_1294 : vector<16xi32>
      %add3A_1296 = arith.constant 15 : i32
      %add3A_1297 = vector.broadcast %add3A_1296 : i32 to vector<16xi32>
      %add3A_1298 = arith.addi %mul3A_1295, %add3A_1297 : vector<16xi32>
      tpu.vector_store_idx %arg15[%add3A_1298], %add3A_1287 : memref<256xf32, #tpu.memory_space<vmem>>[vector<16xi32>], vector<16xf32>,
      tpu.vector_store_idx %arg16[%add3A_1298], %add3A_1292 : memref<256xf32, #tpu.memory_space<vmem>>[vector<16xi32>], vector<16xf32>,
      %get3A_1299 = arith.constant 0 : index
      %get3A_1300 = tpu.vector_load %arg15[%get3A_1299] {strides = array<i32>} : memref<256xf32, #tpu.memory_space<vmem>>, vector<16xf32>,
      %get3A_1301 = arith.constant 0 : index
      %get3A_1302 = tpu.vector_load %arg16[%get3A_1301] {strides = array<i32>} : memref<256xf32, #tpu.memory_space<vmem>>, vector<16xf32>,
      %get3A_1303 = arith.constant 16 : index
      %get3A_1304 = tpu.vector_load %arg15[%get3A_1303] {strides = array<i32>} : memref<256xf32, #tpu.memory_space<vmem>>, vector<16xf32>,
      %add3A_1305 = arith.addf %get3A_1300, %get3A_1304 : vector<16xf32>
      %get3A_1306 = arith.constant 16 : index
      %get3A_1307 = tpu.vector_load %arg16[%get3A_1306] {strides = array<i32>} : memref<256xf32, #tpu.memory_space<vmem>>, vector<16xf32>,
      %add3A_1308 = arith.addf %get3A_1302, %get3A_1307 : vector<16xf32>
      %get3A_1309 = arith.constant 32 : index
      %get3A_1310 = tpu.vector_load %arg15[%get3A_1309] {strides = array<i32>} : memref<256xf32, #tpu.memory_space<vmem>>, vector<16xf32>,
      %add3A_1311 = arith.addf %add3A_1305, %get3A_1310 : vector<16xf32>
      %get3A_1312 = arith.constant 32 : index
      %get3A_1313 = tpu.vector_load %arg16[%get3A_1312] {strides = array<i32>} : memref<256xf32, #tpu.memory_space<vmem>>, vector<16xf32>,
      %add3A_1314 = arith.addf %add3A_1308, %get3A_1313 : vector<16xf32>
      %get3A_1315 = arith.constant 48 : index
      %get3A_1316 = tpu.vector_load %arg15[%get3A_1315] {strides = array<i32>} : memref<256xf32, #tpu.memory_space<vmem>>, vector<16xf32>,
      %add3A_1317 = arith.addf %add3A_1311, %get3A_1316 : vector<16xf32>
      %get3A_1318 = arith.constant 48 : index
      %get3A_1319 = tpu.vector_load %arg16[%get3A_1318] {strides = array<i32>} : memref<256xf32, #tpu.memory_space<vmem>>, vector<16xf32>,
      %add3A_1320 = arith.addf %add3A_1314, %get3A_1319 : vector<16xf32>
      %get3A_1321 = arith.constant 64 : index
      %get3A_1322 = tpu.vector_load %arg15[%get3A_1321] {strides = array<i32>} : memref<256xf32, #tpu.memory_space<vmem>>, vector<16xf32>,
      %add3A_1323 = arith.addf %add3A_1317, %get3A_1322 : vector<16xf32>
      %get3A_1324 = arith.constant 64 : index
      %get3A_1325 = tpu.vector_load %arg16[%get3A_1324] {strides = array<i32>} : memref<256xf32, #tpu.memory_space<vmem>>, vector<16xf32>,
      %add3A_1326 = arith.addf %add3A_1320, %get3A_1325 : vector<16xf32>
      %get3A_1327 = arith.constant 80 : index
      %get3A_1328 = tpu.vector_load %arg15[%get3A_1327] {strides = array<i32>} : memref<256xf32, #tpu.memory_space<vmem>>, vector<16xf32>,
      %add3A_1329 = arith.addf %add3A_1323, %get3A_1328 : vector<16xf32>
      %get3A_1330 = arith.constant 80 : index
      %get3A_1331 = tpu.vector_load %arg16[%get3A_1330] {strides = array<i32>} : memref<256xf32, #tpu.memory_space<vmem>>, vector<16xf32>,
      %add3A_1332 = arith.addf %add3A_1326, %get3A_1331 : vector<16xf32>
      %get3A_1333 = arith.constant 96 : index
      %get3A_1334 = tpu.vector_load %arg15[%get3A_1333] {strides = array<i32>} : memref<256xf32, #tpu.memory_space<vmem>>, vector<16xf32>,
      %add3A_1335 = arith.addf %add3A_1329, %get3A_1334 : vector<16xf32>
      %get3A_1336 = arith.constant 96 : index
      %get3A_1337 = tpu.vector_load %arg16[%get3A_1336] {strides = array<i32>} : memref<256xf32, #tpu.memory_space<vmem>>, vector<16xf32>,
      %add3A_1338 = arith.addf %add3A_1332, %get3A_1337 : vector<16xf32>
      %get3A_1339 = arith.constant 112 : index
      %get3A_1340 = tpu.vector_load %arg15[%get3A_1339] {strides = array<i32>} : memref<256xf32, #tpu.memory_space<vmem>>, vector<16xf32>,
      %add3A_1341 = arith.addf %add3A_1335, %get3A_1340 : vector<16xf32>
      %get3A_1342 = arith.constant 112 : index
      %get3A_1343 = tpu.vector_load %arg16[%get3A_1342] {strides = array<i32>} : memref<256xf32, #tpu.memory_space<vmem>>, vector<16xf32>,
      %add3A_1344 = arith.addf %add3A_1338, %get3A_1343 : vector<16xf32>
      %get3A_1345 = arith.constant 128 : index
      %get3A_1346 = tpu.vector_load %arg15[%get3A_1345] {strides = array<i32>} : memref<256xf32, #tpu.memory_space<vmem>>, vector<16xf32>,
      %add3A_1347 = arith.addf %add3A_1341, %get3A_1346 : vector<16xf32>
      %get3A_1348 = arith.constant 128 : index
      %get3A_1349 = tpu.vector_load %arg16[%get3A_1348] {strides = array<i32>} : memref<256xf32, #tpu.memory_space<vmem>>, vector<16xf32>,
      %add3A_1350 = arith.addf %add3A_1344, %get3A_1349 : vector<16xf32>
      %get3A_1351 = arith.constant 144 : index
      %get3A_1352 = tpu.vector_load %arg15[%get3A_1351] {strides = array<i32>} : memref<256xf32, #tpu.memory_space<vmem>>, vector<16xf32>,
      %add3A_1353 = arith.addf %add3A_1347, %get3A_1352 : vector<16xf32>
      %get3A_1354 = arith.constant 144 : index
      %get3A_1355 = tpu.vector_load %arg16[%get3A_1354] {strides = array<i32>} : memref<256xf32, #tpu.memory_space<vmem>>, vector<16xf32>,
      %add3A_1356 = arith.addf %add3A_1350, %get3A_1355 : vector<16xf32>
      %get3A_1357 = arith.constant 160 : index
      %get3A_1358 = tpu.vector_load %arg15[%get3A_1357] {strides = array<i32>} : memref<256xf32, #tpu.memory_space<vmem>>, vector<16xf32>,
      %add3A_1359 = arith.addf %add3A_1353, %get3A_1358 : vector<16xf32>
      %get3A_1360 = arith.constant 160 : index
      %get3A_1361 = tpu.vector_load %arg16[%get3A_1360] {strides = array<i32>} : memref<256xf32, #tpu.memory_space<vmem>>, vector<16xf32>,
      %add3A_1362 = arith.addf %add3A_1356, %get3A_1361 : vector<16xf32>
      %get3A_1363 = arith.constant 176 : index
      %get3A_1364 = tpu.vector_load %arg15[%get3A_1363] {strides = array<i32>} : memref<256xf32, #tpu.memory_space<vmem>>, vector<16xf32>,
      %add3A_1365 = arith.addf %add3A_1359, %get3A_1364 : vector<16xf32>
      %get3A_1366 = arith.constant 176 : index
      %get3A_1367 = tpu.vector_load %arg16[%get3A_1366] {strides = array<i32>} : memref<256xf32, #tpu.memory_space<vmem>>, vector<16xf32>,
      %add3A_1368 = arith.addf %add3A_1362, %get3A_1367 : vector<16xf32>
      %get3A_1369 = arith.constant 192 : index
      %get3A_1370 = tpu.vector_load %arg15[%get3A_1369] {strides = array<i32>} : memref<256xf32, #tpu.memory_space<vmem>>, vector<16xf32>,
      %add3A_1371 = arith.addf %add3A_1365, %get3A_1370 : vector<16xf32>
      %get3A_1372 = arith.constant 192 : index
      %get3A_1373 = tpu.vector_load %arg16[%get3A_1372] {strides = array<i32>} : memref<256xf32, #tpu.memory_space<vmem>>, vector<16xf32>,
      %add3A_1374 = arith.addf %add3A_1368, %get3A_1373 : vector<16xf32>
      %get3A_1375 = arith.constant 208 : index
      %get3A_1376 = tpu.vector_load %arg15[%get3A_1375] {strides = array<i32>} : memref<256xf32, #tpu.memory_space<vmem>>, vector<16xf32>,
      %add3A_1377 = arith.addf %add3A_1371, %get3A_1376 : vector<16xf32>
      %get3A_1378 = arith.constant 208 : index
      %get3A_1379 = tpu.vector_load %arg16[%get3A_1378] {strides = array<i32>} : memref<256xf32, #tpu.memory_space<vmem>>, vector<16xf32>,
      %add3A_1380 = arith.addf %add3A_1374, %get3A_1379 : vector<16xf32>
      %get3A_1381 = arith.constant 224 : index
      %get3A_1382 = tpu.vector_load %arg15[%get3A_1381] {strides = array<i32>} : memref<256xf32, #tpu.memory_space<vmem>>, vector<16xf32>,
      %add3A_1383 = arith.addf %add3A_1377, %get3A_1382 : vector<16xf32>
      %get3A_1384 = arith.constant 224 : index
      %get3A_1385 = tpu.vector_load %arg16[%get3A_1384] {strides = array<i32>} : memref<256xf32, #tpu.memory_space<vmem>>, vector<16xf32>,
      %add3A_1386 = arith.addf %add3A_1380, %get3A_1385 : vector<16xf32>
      %get3A_1387 = arith.constant 240 : index
      %get3A_1388 = tpu.vector_load %arg15[%get3A_1387] {strides = array<i32>} : memref<256xf32, #tpu.memory_space<vmem>>, vector<16xf32>,
      %add3A_1389 = arith.addf %add3A_1383, %get3A_1388 : vector<16xf32>
      %get3A_1390 = arith.constant 240 : index
      %get3A_1391 = tpu.vector_load %arg16[%get3A_1390] {strides = array<i32>} : memref<256xf32, #tpu.memory_space<vmem>>, vector<16xf32>,
      %add3A_1392 = arith.addf %add3A_1386, %get3A_1391 : vector<16xf32>
      %add3A_1393 = arith.constant 0 : i32
      %add3A_1394 = arith.addi %add3A_1393, %mul3A_276 : i32
      %swap3A = arith.index_cast %add3A_1394 : i32 to index
      %swap3A_1395 = tpu.vector_load %arg17[%swap3A] {strides = array<i32>} : memref<512xf32, #tpu.memory_space<vmem>>, vector<16xf32>,
      tpu.vector_store %arg17[%swap3A], %add3A_1389 {strides = array<i32>} : memref<512xf32, #tpu.memory_space<vmem>>, vector<16xf32>,
      %add3A_1396 = arith.constant 0 : i32
      %add3A_1397 = arith.addi %add3A_1396, %mul3A_276 : i32
      %swap3A_1398 = arith.index_cast %add3A_1397 : i32 to index
      %swap3A_1399 = tpu.vector_load %arg18[%swap3A_1398] {strides = array<i32>} : memref<512xf32, #tpu.memory_space<vmem>>, vector<16xf32>,
      tpu.vector_store %arg18[%swap3A_1398], %add3A_1392 {strides = array<i32>} : memref<512xf32, #tpu.memory_space<vmem>>, vector<16xf32>,
      %scan3A_1400 = arith.constant 0 : i32
      scf.yield %scan3A_1400 : i32
    }
    %scan3A_145 = arith.constant 16 : i32
    %dma_start3A_146 = arith.constant 2 : i32
    %dma_start3A_147 = arith.constant 0 : i32
    %dma_start3A_148 = arith.constant 0 : i32
    %dma_start3A_149 = tpu.memref_slice %arg12[%dma_start3A_147, %dma_start3A_148] : memref<256x128xf32, #tpu.memory_space<vmem>> -> memref<128x128xf32, #tpu.memory_space<vmem>>
    %dma_start3A_150 = arith.constant 0 : i32
    %dma_start3A_151 = tpu.memref_slice %arg9[%dma_start3A_146, %dma_start3A_150] : memref<4x128xi32, #tpu.memory_space<vmem>> -> memref<1x128xi32, #tpu.memory_space<vmem>>
    %dma_start3A_152 = tpu.memref_squeeze %dma_start3A_151 : memref<1x128xi32, #tpu.memory_space<vmem>> -> memref<128xi32, #tpu.memory_space<vmem>>
    %dma_start3A_153 = arith.constant 0 : i32
    %dma_start3A_154 = arith.constant 0 : i32
    %dma_start3A_155 = tpu.memref_slice %arg5[%dma_start3A_153, %dma_start3A_154] : memref<100000x128xf32, #tpu.memory_space<hbm>> -> memref<100000x128xf32, #tpu.memory_space<hbm>>
    tpu.enqueue_indirect_dma source(%dma_start3A_155 : memref<100000x128xf32, #tpu.memory_space<hbm>>) target(%dma_start3A_149 : memref<128x128xf32, #tpu.memory_space<vmem>>) offsets(%dma_start3A_152 : memref<128xi32, #tpu.memory_space<vmem>>) semaphore(%arg19 : memref<!tpu.dma_semaphore, #tpu.memory_space<semaphore_mem>>)
    %dma_start3A_156 = arith.constant 2 : i32
    %dma_start3A_157 = arith.constant 0 : i32
    %dma_start3A_158 = arith.constant 0 : i32
    %dma_start3A_159 = tpu.memref_slice %arg13[%dma_start3A_157, %dma_start3A_158] : memref<256x128xf32, #tpu.memory_space<vmem>> -> memref<128x128xf32, #tpu.memory_space<vmem>>
    %dma_start3A_160 = arith.constant 0 : i32
    %dma_start3A_161 = tpu.memref_slice %arg10[%dma_start3A_156, %dma_start3A_160] : memref<4x128xi32, #tpu.memory_space<vmem>> -> memref<1x128xi32, #tpu.memory_space<vmem>>
    %dma_start3A_162 = tpu.memref_squeeze %dma_start3A_161 : memref<1x128xi32, #tpu.memory_space<vmem>> -> memref<128xi32, #tpu.memory_space<vmem>>
    %dma_start3A_163 = arith.constant 0 : i32
    %dma_start3A_164 = arith.constant 0 : i32
    %dma_start3A_165 = tpu.memref_slice %arg6[%dma_start3A_163, %dma_start3A_164] : memref<1000000x128xf32, #tpu.memory_space<hbm>> -> memref<1000000x128xf32, #tpu.memory_space<hbm>>
    tpu.enqueue_indirect_dma source(%dma_start3A_165 : memref<1000000x128xf32, #tpu.memory_space<hbm>>) target(%dma_start3A_159 : memref<128x128xf32, #tpu.memory_space<vmem>>) offsets(%dma_start3A_162 : memref<128xi32, #tpu.memory_space<vmem>>) semaphore(%arg19 : memref<!tpu.dma_semaphore, #tpu.memory_space<semaphore_mem>>)
    %dma_start3A_166 = arith.constant 2 : i32
    %dma_start3A_167 = arith.constant 0 : i32
    %dma_start3A_168 = arith.constant 0 : i32
    %dma_start3A_169 = tpu.memref_slice %arg14[%dma_start3A_167, %dma_start3A_168] : memref<256x128xf32, #tpu.memory_space<vmem>> -> memref<128x128xf32, #tpu.memory_space<vmem>>
    %dma_start3A_170 = arith.constant 0 : i32
    %dma_start3A_171 = tpu.memref_slice %arg11[%dma_start3A_166, %dma_start3A_170] : memref<4x128xi32, #tpu.memory_space<vmem>> -> memref<1x128xi32, #tpu.memory_space<vmem>>
    %dma_start3A_172 = tpu.memref_squeeze %dma_start3A_171 : memref<1x128xi32, #tpu.memory_space<vmem>> -> memref<128xi32, #tpu.memory_space<vmem>>
    %dma_start3A_173 = arith.constant 0 : i32
    %dma_start3A_174 = arith.constant 0 : i32
    %dma_start3A_175 = tpu.memref_slice %arg6[%dma_start3A_173, %dma_start3A_174] : memref<1000000x128xf32, #tpu.memory_space<hbm>> -> memref<1000000x128xf32, #tpu.memory_space<hbm>>
    tpu.enqueue_indirect_dma source(%dma_start3A_175 : memref<1000000x128xf32, #tpu.memory_space<hbm>>) target(%dma_start3A_169 : memref<128x128xf32, #tpu.memory_space<vmem>>) offsets(%dma_start3A_172 : memref<128xi32, #tpu.memory_space<vmem>>) semaphore(%arg19 : memref<!tpu.dma_semaphore, #tpu.memory_space<semaphore_mem>>)
    %dma_start3A_176 = arith.constant 3 : i32
    %dma_start3A_177 = arith.constant 128 : i32
    %dma_start3A_178 = arith.constant 0 : i32
    %dma_start3A_179 = tpu.memref_slice %arg12[%dma_start3A_177, %dma_start3A_178] : memref<256x128xf32, #tpu.memory_space<vmem>> -> memref<128x128xf32, #tpu.memory_space<vmem>>
    %dma_start3A_180 = arith.constant 0 : i32
    %dma_start3A_181 = tpu.memref_slice %arg9[%dma_start3A_176, %dma_start3A_180] : memref<4x128xi32, #tpu.memory_space<vmem>> -> memref<1x128xi32, #tpu.memory_space<vmem>>
    %dma_start3A_182 = tpu.memref_squeeze %dma_start3A_181 : memref<1x128xi32, #tpu.memory_space<vmem>> -> memref<128xi32, #tpu.memory_space<vmem>>
    %dma_start3A_183 = arith.constant 0 : i32
    %dma_start3A_184 = arith.constant 0 : i32
    %dma_start3A_185 = tpu.memref_slice %arg5[%dma_start3A_183, %dma_start3A_184] : memref<100000x128xf32, #tpu.memory_space<hbm>> -> memref<100000x128xf32, #tpu.memory_space<hbm>>
    tpu.enqueue_indirect_dma source(%dma_start3A_185 : memref<100000x128xf32, #tpu.memory_space<hbm>>) target(%dma_start3A_179 : memref<128x128xf32, #tpu.memory_space<vmem>>) offsets(%dma_start3A_182 : memref<128xi32, #tpu.memory_space<vmem>>) semaphore(%arg19 : memref<!tpu.dma_semaphore, #tpu.memory_space<semaphore_mem>>)
    %dma_start3A_186 = arith.constant 3 : i32
    %dma_start3A_187 = arith.constant 128 : i32
    %dma_start3A_188 = arith.constant 0 : i32
    %dma_start3A_189 = tpu.memref_slice %arg13[%dma_start3A_187, %dma_start3A_188] : memref<256x128xf32, #tpu.memory_space<vmem>> -> memref<128x128xf32, #tpu.memory_space<vmem>>
    %dma_start3A_190 = arith.constant 0 : i32
    %dma_start3A_191 = tpu.memref_slice %arg10[%dma_start3A_186, %dma_start3A_190] : memref<4x128xi32, #tpu.memory_space<vmem>> -> memref<1x128xi32, #tpu.memory_space<vmem>>
    %dma_start3A_192 = tpu.memref_squeeze %dma_start3A_191 : memref<1x128xi32, #tpu.memory_space<vmem>> -> memref<128xi32, #tpu.memory_space<vmem>>
    %dma_start3A_193 = arith.constant 0 : i32
    %dma_start3A_194 = arith.constant 0 : i32
    %dma_start3A_195 = tpu.memref_slice %arg6[%dma_start3A_193, %dma_start3A_194] : memref<1000000x128xf32, #tpu.memory_space<hbm>> -> memref<1000000x128xf32, #tpu.memory_space<hbm>>
    tpu.enqueue_indirect_dma source(%dma_start3A_195 : memref<1000000x128xf32, #tpu.memory_space<hbm>>) target(%dma_start3A_189 : memref<128x128xf32, #tpu.memory_space<vmem>>) offsets(%dma_start3A_192 : memref<128xi32, #tpu.memory_space<vmem>>) semaphore(%arg19 : memref<!tpu.dma_semaphore, #tpu.memory_space<semaphore_mem>>)
    %dma_start3A_196 = arith.constant 3 : i32
    %dma_start3A_197 = arith.constant 128 : i32
    %dma_start3A_198 = arith.constant 0 : i32
    %dma_start3A_199 = tpu.memref_slice %arg14[%dma_start3A_197, %dma_start3A_198] : memref<256x128xf32, #tpu.memory_space<vmem>> -> memref<128x128xf32, #tpu.memory_space<vmem>>
    %dma_start3A_200 = arith.constant 0 : i32
    %dma_start3A_201 = tpu.memref_slice %arg11[%dma_start3A_196, %dma_start3A_200] : memref<4x128xi32, #tpu.memory_space<vmem>> -> memref<1x128xi32, #tpu.memory_space<vmem>>
    %dma_start3A_202 = tpu.memref_squeeze %dma_start3A_201 : memref<1x128xi32, #tpu.memory_space<vmem>> -> memref<128xi32, #tpu.memory_space<vmem>>
    %dma_start3A_203 = arith.constant 0 : i32
    %dma_start3A_204 = arith.constant 0 : i32
    %dma_start3A_205 = tpu.memref_slice %arg6[%dma_start3A_203, %dma_start3A_204] : memref<1000000x128xf32, #tpu.memory_space<hbm>> -> memref<1000000x128xf32, #tpu.memory_space<hbm>>
    tpu.enqueue_indirect_dma source(%dma_start3A_205 : memref<1000000x128xf32, #tpu.memory_space<hbm>>) target(%dma_start3A_199 : memref<128x128xf32, #tpu.memory_space<vmem>>) offsets(%dma_start3A_202 : memref<128xi32, #tpu.memory_space<vmem>>) semaphore(%arg19 : memref<!tpu.dma_semaphore, #tpu.memory_space<semaphore_mem>>)
    %dma_wait3A_206 = arith.constant 2 : i32
    %dma_wait3A_207 = arith.constant 0 : i32
    %dma_wait3A_208 = arith.constant 0 : i32
    %dma_wait3A_209 = tpu.memref_slice %arg12[%dma_wait3A_207, %dma_wait3A_208] : memref<256x128xf32, #tpu.memory_space<vmem>> -> memref<128x128xf32, #tpu.memory_space<vmem>>
    %dma_wait3A_210 = arith.constant 0 : i32
    %dma_wait3A_211 = tpu.memref_slice %arg9[%dma_wait3A_206, %dma_wait3A_210] : memref<4x128xi32, #tpu.memory_space<vmem>> -> memref<1x128xi32, #tpu.memory_space<vmem>>
    %dma_wait3A_212 = tpu.memref_squeeze %dma_wait3A_211 : memref<1x128xi32, #tpu.memory_space<vmem>> -> memref<128xi32, #tpu.memory_space<vmem>>
    %dma_wait3A_213 = arith.constant 0 : i32
    %dma_wait3A_214 = arith.constant 0 : i32
    %dma_wait3A_215 = tpu.memref_slice %arg5[%dma_wait3A_213, %dma_wait3A_214] : memref<100000x128xf32, #tpu.memory_space<hbm>> -> memref<100000x128xf32, #tpu.memory_space<hbm>>
    tpu.wait_indirect_dma semaphore(%arg19 : memref<!tpu.dma_semaphore, #tpu.memory_space<semaphore_mem>>) src(%dma_wait3A_215 : memref<100000x128xf32, #tpu.memory_space<hbm>>) dst(%dma_wait3A_209 : memref<128x128xf32, #tpu.memory_space<vmem>>)
    %dma_wait3A_216 = arith.constant 2 : i32
    %dma_wait3A_217 = arith.constant 0 : i32
    %dma_wait3A_218 = arith.constant 0 : i32
    %dma_wait3A_219 = tpu.memref_slice %arg13[%dma_wait3A_217, %dma_wait3A_218] : memref<256x128xf32, #tpu.memory_space<vmem>> -> memref<128x128xf32, #tpu.memory_space<vmem>>
    %dma_wait3A_220 = arith.constant 0 : i32
    %dma_wait3A_221 = tpu.memref_slice %arg10[%dma_wait3A_216, %dma_wait3A_220] : memref<4x128xi32, #tpu.memory_space<vmem>> -> memref<1x128xi32, #tpu.memory_space<vmem>>
    %dma_wait3A_222 = tpu.memref_squeeze %dma_wait3A_221 : memref<1x128xi32, #tpu.memory_space<vmem>> -> memref<128xi32, #tpu.memory_space<vmem>>
    %dma_wait3A_223 = arith.constant 0 : i32
    %dma_wait3A_224 = arith.constant 0 : i32
    %dma_wait3A_225 = tpu.memref_slice %arg6[%dma_wait3A_223, %dma_wait3A_224] : memref<1000000x128xf32, #tpu.memory_space<hbm>> -> memref<1000000x128xf32, #tpu.memory_space<hbm>>
    tpu.wait_indirect_dma semaphore(%arg19 : memref<!tpu.dma_semaphore, #tpu.memory_space<semaphore_mem>>) src(%dma_wait3A_225 : memref<1000000x128xf32, #tpu.memory_space<hbm>>) dst(%dma_wait3A_219 : memref<128x128xf32, #tpu.memory_space<vmem>>)
    %dma_wait3A_226 = arith.constant 2 : i32
    %dma_wait3A_227 = arith.constant 0 : i32
    %dma_wait3A_228 = arith.constant 0 : i32
    %dma_wait3A_229 = tpu.memref_slice %arg14[%dma_wait3A_227, %dma_wait3A_228] : memref<256x128xf32, #tpu.memory_space<vmem>> -> memref<128x128xf32, #tpu.memory_space<vmem>>
    %dma_wait3A_230 = arith.constant 0 : i32
    %dma_wait3A_231 = tpu.memref_slice %arg11[%dma_wait3A_226, %dma_wait3A_230] : memref<4x128xi32, #tpu.memory_space<vmem>> -> memref<1x128xi32, #tpu.memory_space<vmem>>
    %dma_wait3A_232 = tpu.memref_squeeze %dma_wait3A_231 : memref<1x128xi32, #tpu.memory_space<vmem>> -> memref<128xi32, #tpu.memory_space<vmem>>
    %dma_wait3A_233 = arith.constant 0 : i32
    %dma_wait3A_234 = arith.constant 0 : i32
    %dma_wait3A_235 = tpu.memref_slice %arg6[%dma_wait3A_233, %dma_wait3A_234] : memref<1000000x128xf32, #tpu.memory_space<hbm>> -> memref<1000000x128xf32, #tpu.memory_space<hbm>>
    tpu.wait_indirect_dma semaphore(%arg19 : memref<!tpu.dma_semaphore, #tpu.memory_space<semaphore_mem>>) src(%dma_wait3A_235 : memref<1000000x128xf32, #tpu.memory_space<hbm>>) dst(%dma_wait3A_229 : memref<128x128xf32, #tpu.memory_space<vmem>>)
    %dma_wait3A_236 = arith.constant 3 : i32
    %dma_wait3A_237 = arith.constant 128 : i32
    %dma_wait3A_238 = arith.constant 0 : i32
    %dma_wait3A_239 = tpu.memref_slice %arg12[%dma_wait3A_237, %dma_wait3A_238] : memref<256x128xf32, #tpu.memory_space<vmem>> -> memref<128x128xf32, #tpu.memory_space<vmem>>
    %dma_wait3A_240 = arith.constant 0 : i32
    %dma_wait3A_241 = tpu.memref_slice %arg9[%dma_wait3A_236, %dma_wait3A_240] : memref<4x128xi32, #tpu.memory_space<vmem>> -> memref<1x128xi32, #tpu.memory_space<vmem>>
    %dma_wait3A_242 = tpu.memref_squeeze %dma_wait3A_241 : memref<1x128xi32, #tpu.memory_space<vmem>> -> memref<128xi32, #tpu.memory_space<vmem>>
    %dma_wait3A_243 = arith.constant 0 : i32
    %dma_wait3A_244 = arith.constant 0 : i32
    %dma_wait3A_245 = tpu.memref_slice %arg5[%dma_wait3A_243, %dma_wait3A_244] : memref<100000x128xf32, #tpu.memory_space<hbm>> -> memref<100000x128xf32, #tpu.memory_space<hbm>>
    tpu.wait_indirect_dma semaphore(%arg19 : memref<!tpu.dma_semaphore, #tpu.memory_space<semaphore_mem>>) src(%dma_wait3A_245 : memref<100000x128xf32, #tpu.memory_space<hbm>>) dst(%dma_wait3A_239 : memref<128x128xf32, #tpu.memory_space<vmem>>)
    %dma_wait3A_246 = arith.constant 3 : i32
    %dma_wait3A_247 = arith.constant 128 : i32
    %dma_wait3A_248 = arith.constant 0 : i32
    %dma_wait3A_249 = tpu.memref_slice %arg13[%dma_wait3A_247, %dma_wait3A_248] : memref<256x128xf32, #tpu.memory_space<vmem>> -> memref<128x128xf32, #tpu.memory_space<vmem>>
    %dma_wait3A_250 = arith.constant 0 : i32
    %dma_wait3A_251 = tpu.memref_slice %arg10[%dma_wait3A_246, %dma_wait3A_250] : memref<4x128xi32, #tpu.memory_space<vmem>> -> memref<1x128xi32, #tpu.memory_space<vmem>>
    %dma_wait3A_252 = tpu.memref_squeeze %dma_wait3A_251 : memref<1x128xi32, #tpu.memory_space<vmem>> -> memref<128xi32, #tpu.memory_space<vmem>>
    %dma_wait3A_253 = arith.constant 0 : i32
    %dma_wait3A_254 = arith.constant 0 : i32
    %dma_wait3A_255 = tpu.memref_slice %arg6[%dma_wait3A_253, %dma_wait3A_254] : memref<1000000x128xf32, #tpu.memory_space<hbm>> -> memref<1000000x128xf32, #tpu.memory_space<hbm>>
    tpu.wait_indirect_dma semaphore(%arg19 : memref<!tpu.dma_semaphore, #tpu.memory_space<semaphore_mem>>) src(%dma_wait3A_255 : memref<1000000x128xf32, #tpu.memory_space<hbm>>) dst(%dma_wait3A_249 : memref<128x128xf32, #tpu.memory_space<vmem>>)
    %dma_wait3A_256 = arith.constant 3 : i32
    %dma_wait3A_257 = arith.constant 128 : i32
    %dma_wait3A_258 = arith.constant 0 : i32
    %dma_wait3A_259 = tpu.memref_slice %arg14[%dma_wait3A_257, %dma_wait3A_258] : memref<256x128xf32, #tpu.memory_space<vmem>> -> memref<128x128xf32, #tpu.memory_space<vmem>>
    %dma_wait3A_260 = arith.constant 0 : i32
    %dma_wait3A_261 = tpu.memref_slice %arg11[%dma_wait3A_256, %dma_wait3A_260] : memref<4x128xi32, #tpu.memory_space<vmem>> -> memref<1x128xi32, #tpu.memory_space<vmem>>
    %dma_wait3A_262 = tpu.memref_squeeze %dma_wait3A_261 : memref<1x128xi32, #tpu.memory_space<vmem>> -> memref<128xi32, #tpu.memory_space<vmem>>
    %dma_wait3A_263 = arith.constant 0 : i32
    %dma_wait3A_264 = arith.constant 0 : i32
    %dma_wait3A_265 = tpu.memref_slice %arg6[%dma_wait3A_263, %dma_wait3A_264] : memref<1000000x128xf32, #tpu.memory_space<hbm>> -> memref<1000000x128xf32, #tpu.memory_space<hbm>>
    tpu.wait_indirect_dma semaphore(%arg19 : memref<!tpu.dma_semaphore, #tpu.memory_space<semaphore_mem>>) src(%dma_wait3A_265 : memref<1000000x128xf32, #tpu.memory_space<hbm>>) dst(%dma_wait3A_259 : memref<128x128xf32, #tpu.memory_space<vmem>>)
    %scan3A_266 = arith.constant 0 : i32
    %scan3A_267 = arith.constant 0 : i32
    %scan3A_268 = arith.constant 16 : i32
    %scan3A_269 = arith.addi %scan3A_267, %scan3A_268 : i32
    %scan3A_270 = arith.constant 1 : i32
    %scan3A_271 = scf.for %scan3A_273 = %scan3A_267 to %scan3A_269 step %scan3A_270 iter_args(%scan3A_274 = %scan3A_266) -> (i32)  : i32 {
      %mul3A_275 = arith.constant 16 : i32
      %mul3A_276 = arith.muli %scan3A_273, %mul3A_275 : i32
      %add3A_277 = arith.constant 0 : i32
      %add3A_278 = arith.addi %mul3A_276, %add3A_277 : i32
      %broadcast_in_dim3A = arith.constant 0.000000e+00 : f32
      %broadcast_in_dim3A_279 = vector.broadcast %broadcast_in_dim3A : f32 to vector<16xf32>
      %broadcast_in_dim3A_280 = arith.constant 0.000000e+00 : f32
      %broadcast_in_dim3A_281 = vector.broadcast %broadcast_in_dim3A_280 : f32 to vector<16xf32>
      %get3A = arith.index_cast %add3A_278 : i32 to index
      %get3A_282 = arith.constant 0 : index
      %get3A_283 = tpu.vector_load %arg12[%get3A, %get3A_282] {strides = array<i32>} : memref<256x128xf32, #tpu.memory_space<vmem>>, vector<16xf32>,
      %get3A_284 = arith.index_cast %add3A_278 : i32 to index
      %get3A_285 = arith.constant 0 : index
      %get3A_286 = tpu.vector_load %arg13[%get3A_284, %get3A_285] {strides = array<i32>} : memref<256x128xf32, #tpu.memory_space<vmem>>, vector<16xf32>,
      %mul3A_287 = arith.mulf %get3A_283, %get3A_286 : vector<16xf32>
      %add3A_288 = arith.addf %broadcast_in_dim3A_279, %mul3A_287 : vector<16xf32>
      %get3A_289 = arith.index_cast %add3A_278 : i32 to index
      %get3A_290 = arith.constant 0 : index
      %get3A_291 = tpu.vector_load %arg14[%get3A_289, %get3A_290] {strides = array<i32>} : memref<256x128xf32, #tpu.memory_space<vmem>>, vector<16xf32>,
      %mul3A_292 = arith.mulf %get3A_283, %get3A_291 : vector<16xf32>
      %add3A_293 = arith.addf %broadcast_in_dim3A_281, %mul3A_292 : vector<16xf32>
      %get3A_294 = arith.index_cast %add3A_278 : i32 to index
      %get3A_295 = arith.constant 16 : index
      %get3A_296 = tpu.vector_load %arg12[%get3A_294, %get3A_295] {strides = array<i32>} : memref<256x128xf32, #tpu.memory_space<vmem>>, vector<16xf32>,
      %get3A_297 = arith.index_cast %add3A_278 : i32 to index
      %get3A_298 = arith.constant 16 : index
      %get3A_299 = tpu.vector_load %arg13[%get3A_297, %get3A_298] {strides = array<i32>} : memref<256x128xf32, #tpu.memory_space<vmem>>, vector<16xf32>,
      %mul3A_300 = arith.mulf %get3A_296, %get3A_299 : vector<16xf32>
      %add3A_301 = arith.addf %add3A_288, %mul3A_300 : vector<16xf32>
      %get3A_302 = arith.index_cast %add3A_278 : i32 to index
      %get3A_303 = arith.constant 16 : index
      %get3A_304 = tpu.vector_load %arg14[%get3A_302, %get3A_303] {strides = array<i32>} : memref<256x128xf32, #tpu.memory_space<vmem>>, vector<16xf32>,
      %mul3A_305 = arith.mulf %get3A_296, %get3A_304 : vector<16xf32>
      %add3A_306 = arith.addf %add3A_293, %mul3A_305 : vector<16xf32>
      %get3A_307 = arith.index_cast %add3A_278 : i32 to index
      %get3A_308 = arith.constant 32 : index
      %get3A_309 = tpu.vector_load %arg12[%get3A_307, %get3A_308] {strides = array<i32>} : memref<256x128xf32, #tpu.memory_space<vmem>>, vector<16xf32>,
      %get3A_310 = arith.index_cast %add3A_278 : i32 to index
      %get3A_311 = arith.constant 32 : index
      %get3A_312 = tpu.vector_load %arg13[%get3A_310, %get3A_311] {strides = array<i32>} : memref<256x128xf32, #tpu.memory_space<vmem>>, vector<16xf32>,
      %mul3A_313 = arith.mulf %get3A_309, %get3A_312 : vector<16xf32>
      %add3A_314 = arith.addf %add3A_301, %mul3A_313 : vector<16xf32>
      %get3A_315 = arith.index_cast %add3A_278 : i32 to index
      %get3A_316 = arith.constant 32 : index
      %get3A_317 = tpu.vector_load %arg14[%get3A_315, %get3A_316] {strides = array<i32>} : memref<256x128xf32, #tpu.memory_space<vmem>>, vector<16xf32>,
      %mul3A_318 = arith.mulf %get3A_309, %get3A_317 : vector<16xf32>
      %add3A_319 = arith.addf %add3A_306, %mul3A_318 : vector<16xf32>
      %get3A_320 = arith.index_cast %add3A_278 : i32 to index
      %get3A_321 = arith.constant 48 : index
      %get3A_322 = tpu.vector_load %arg12[%get3A_320, %get3A_321] {strides = array<i32>} : memref<256x128xf32, #tpu.memory_space<vmem>>, vector<16xf32>,
      %get3A_323 = arith.index_cast %add3A_278 : i32 to index
      %get3A_324 = arith.constant 48 : index
      %get3A_325 = tpu.vector_load %arg13[%get3A_323, %get3A_324] {strides = array<i32>} : memref<256x128xf32, #tpu.memory_space<vmem>>, vector<16xf32>,
      %mul3A_326 = arith.mulf %get3A_322, %get3A_325 : vector<16xf32>
      %add3A_327 = arith.addf %add3A_314, %mul3A_326 : vector<16xf32>
      %get3A_328 = arith.index_cast %add3A_278 : i32 to index
      %get3A_329 = arith.constant 48 : index
      %get3A_330 = tpu.vector_load %arg14[%get3A_328, %get3A_329] {strides = array<i32>} : memref<256x128xf32, #tpu.memory_space<vmem>>, vector<16xf32>,
      %mul3A_331 = arith.mulf %get3A_322, %get3A_330 : vector<16xf32>
      %add3A_332 = arith.addf %add3A_319, %mul3A_331 : vector<16xf32>
      %mul3A_333 = arith.constant 16 : i32
      %mul3A_334 = vector.broadcast %mul3A_333 : i32 to vector<16xi32>
      %mul3A_335 = arith.muli %iota3A, %mul3A_334 : vector<16xi32>
      %add3A_336 = arith.constant 0 : i32
      %add3A_337 = vector.broadcast %add3A_336 : i32 to vector<16xi32>
      %add3A_338 = arith.addi %mul3A_335, %add3A_337 : vector<16xi32>
      tpu.vector_store_idx %arg15[%add3A_338], %add3A_327 : memref<256xf32, #tpu.memory_space<vmem>>[vector<16xi32>], vector<16xf32>,
      tpu.vector_store_idx %arg16[%add3A_338], %add3A_332 : memref<256xf32, #tpu.memory_space<vmem>>[vector<16xi32>], vector<16xf32>,
      %add3A_339 = arith.constant 1 : i32
      %add3A_340 = arith.addi %mul3A_276, %add3A_339 : i32
      %broadcast_in_dim3A_341 = arith.constant 0.000000e+00 : f32
      %broadcast_in_dim3A_342 = vector.broadcast %broadcast_in_dim3A_341 : f32 to vector<16xf32>
      %broadcast_in_dim3A_343 = arith.constant 0.000000e+00 : f32
      %broadcast_in_dim3A_344 = vector.broadcast %broadcast_in_dim3A_343 : f32 to vector<16xf32>
      %get3A_345 = arith.index_cast %add3A_340 : i32 to index
      %get3A_346 = arith.constant 0 : index
      %get3A_347 = tpu.vector_load %arg12[%get3A_345, %get3A_346] {strides = array<i32>} : memref<256x128xf32, #tpu.memory_space<vmem>>, vector<16xf32>,
      %get3A_348 = arith.index_cast %add3A_340 : i32 to index
      %get3A_349 = arith.constant 0 : index
      %get3A_350 = tpu.vector_load %arg13[%get3A_348, %get3A_349] {strides = array<i32>} : memref<256x128xf32, #tpu.memory_space<vmem>>, vector<16xf32>,
      %mul3A_351 = arith.mulf %get3A_347, %get3A_350 : vector<16xf32>
      %add3A_352 = arith.addf %broadcast_in_dim3A_342, %mul3A_351 : vector<16xf32>
      %get3A_353 = arith.index_cast %add3A_340 : i32 to index
      %get3A_354 = arith.constant 0 : index
      %get3A_355 = tpu.vector_load %arg14[%get3A_353, %get3A_354] {strides = array<i32>} : memref<256x128xf32, #tpu.memory_space<vmem>>, vector<16xf32>,
      %mul3A_356 = arith.mulf %get3A_347, %get3A_355 : vector<16xf32>
      %add3A_357 = arith.addf %broadcast_in_dim3A_344, %mul3A_356 : vector<16xf32>
      %get3A_358 = arith.index_cast %add3A_340 : i32 to index
      %get3A_359 = arith.constant 16 : index
      %get3A_360 = tpu.vector_load %arg12[%get3A_358, %get3A_359] {strides = array<i32>} : memref<256x128xf32, #tpu.memory_space<vmem>>, vector<16xf32>,
      %get3A_361 = arith.index_cast %add3A_340 : i32 to index
      %get3A_362 = arith.constant 16 : index
      %get3A_363 = tpu.vector_load %arg13[%get3A_361, %get3A_362] {strides = array<i32>} : memref<256x128xf32, #tpu.memory_space<vmem>>, vector<16xf32>,
      %mul3A_364 = arith.mulf %get3A_360, %get3A_363 : vector<16xf32>
      %add3A_365 = arith.addf %add3A_352, %mul3A_364 : vector<16xf32>
      %get3A_366 = arith.index_cast %add3A_340 : i32 to index
      %get3A_367 = arith.constant 16 : index
      %get3A_368 = tpu.vector_load %arg14[%get3A_366, %get3A_367] {strides = array<i32>} : memref<256x128xf32, #tpu.memory_space<vmem>>, vector<16xf32>,
      %mul3A_369 = arith.mulf %get3A_360, %get3A_368 : vector<16xf32>
      %add3A_370 = arith.addf %add3A_357, %mul3A_369 : vector<16xf32>
      %get3A_371 = arith.index_cast %add3A_340 : i32 to index
      %get3A_372 = arith.constant 32 : index
      %get3A_373 = tpu.vector_load %arg12[%get3A_371, %get3A_372] {strides = array<i32>} : memref<256x128xf32, #tpu.memory_space<vmem>>, vector<16xf32>,
      %get3A_374 = arith.index_cast %add3A_340 : i32 to index
      %get3A_375 = arith.constant 32 : index
      %get3A_376 = tpu.vector_load %arg13[%get3A_374, %get3A_375] {strides = array<i32>} : memref<256x128xf32, #tpu.memory_space<vmem>>, vector<16xf32>,
      %mul3A_377 = arith.mulf %get3A_373, %get3A_376 : vector<16xf32>
      %add3A_378 = arith.addf %add3A_365, %mul3A_377 : vector<16xf32>
      %get3A_379 = arith.index_cast %add3A_340 : i32 to index
      %get3A_380 = arith.constant 32 : index
      %get3A_381 = tpu.vector_load %arg14[%get3A_379, %get3A_380] {strides = array<i32>} : memref<256x128xf32, #tpu.memory_space<vmem>>, vector<16xf32>,
      %mul3A_382 = arith.mulf %get3A_373, %get3A_381 : vector<16xf32>
      %add3A_383 = arith.addf %add3A_370, %mul3A_382 : vector<16xf32>
      %get3A_384 = arith.index_cast %add3A_340 : i32 to index
      %get3A_385 = arith.constant 48 : index
      %get3A_386 = tpu.vector_load %arg12[%get3A_384, %get3A_385] {strides = array<i32>} : memref<256x128xf32, #tpu.memory_space<vmem>>, vector<16xf32>,
      %get3A_387 = arith.index_cast %add3A_340 : i32 to index
      %get3A_388 = arith.constant 48 : index
      %get3A_389 = tpu.vector_load %arg13[%get3A_387, %get3A_388] {strides = array<i32>} : memref<256x128xf32, #tpu.memory_space<vmem>>, vector<16xf32>,
      %mul3A_390 = arith.mulf %get3A_386, %get3A_389 : vector<16xf32>
      %add3A_391 = arith.addf %add3A_378, %mul3A_390 : vector<16xf32>
      %get3A_392 = arith.index_cast %add3A_340 : i32 to index
      %get3A_393 = arith.constant 48 : index
      %get3A_394 = tpu.vector_load %arg14[%get3A_392, %get3A_393] {strides = array<i32>} : memref<256x128xf32, #tpu.memory_space<vmem>>, vector<16xf32>,
      %mul3A_395 = arith.mulf %get3A_386, %get3A_394 : vector<16xf32>
      %add3A_396 = arith.addf %add3A_383, %mul3A_395 : vector<16xf32>
      %mul3A_397 = arith.constant 16 : i32
      %mul3A_398 = vector.broadcast %mul3A_397 : i32 to vector<16xi32>
      %mul3A_399 = arith.muli %iota3A, %mul3A_398 : vector<16xi32>
      %add3A_400 = arith.constant 1 : i32
      %add3A_401 = vector.broadcast %add3A_400 : i32 to vector<16xi32>
      %add3A_402 = arith.addi %mul3A_399, %add3A_401 : vector<16xi32>
      tpu.vector_store_idx %arg15[%add3A_402], %add3A_391 : memref<256xf32, #tpu.memory_space<vmem>>[vector<16xi32>], vector<16xf32>,
      tpu.vector_store_idx %arg16[%add3A_402], %add3A_396 : memref<256xf32, #tpu.memory_space<vmem>>[vector<16xi32>], vector<16xf32>,
      %add3A_403 = arith.constant 2 : i32
      %add3A_404 = arith.addi %mul3A_276, %add3A_403 : i32
      %broadcast_in_dim3A_405 = arith.constant 0.000000e+00 : f32
      %broadcast_in_dim3A_406 = vector.broadcast %broadcast_in_dim3A_405 : f32 to vector<16xf32>
      %broadcast_in_dim3A_407 = arith.constant 0.000000e+00 : f32
      %broadcast_in_dim3A_408 = vector.broadcast %broadcast_in_dim3A_407 : f32 to vector<16xf32>
      %get3A_409 = arith.index_cast %add3A_404 : i32 to index
      %get3A_410 = arith.constant 0 : index
      %get3A_411 = tpu.vector_load %arg12[%get3A_409, %get3A_410] {strides = array<i32>} : memref<256x128xf32, #tpu.memory_space<vmem>>, vector<16xf32>,
      %get3A_412 = arith.index_cast %add3A_404 : i32 to index
      %get3A_413 = arith.constant 0 : index
      %get3A_414 = tpu.vector_load %arg13[%get3A_412, %get3A_413] {strides = array<i32>} : memref<256x128xf32, #tpu.memory_space<vmem>>, vector<16xf32>,
      %mul3A_415 = arith.mulf %get3A_411, %get3A_414 : vector<16xf32>
      %add3A_416 = arith.addf %broadcast_in_dim3A_406, %mul3A_415 : vector<16xf32>
      %get3A_417 = arith.index_cast %add3A_404 : i32 to index
      %get3A_418 = arith.constant 0 : index
      %get3A_419 = tpu.vector_load %arg14[%get3A_417, %get3A_418] {strides = array<i32>} : memref<256x128xf32, #tpu.memory_space<vmem>>, vector<16xf32>,
      %mul3A_420 = arith.mulf %get3A_411, %get3A_419 : vector<16xf32>
      %add3A_421 = arith.addf %broadcast_in_dim3A_408, %mul3A_420 : vector<16xf32>
      %get3A_422 = arith.index_cast %add3A_404 : i32 to index
      %get3A_423 = arith.constant 16 : index
      %get3A_424 = tpu.vector_load %arg12[%get3A_422, %get3A_423] {strides = array<i32>} : memref<256x128xf32, #tpu.memory_space<vmem>>, vector<16xf32>,
      %get3A_425 = arith.index_cast %add3A_404 : i32 to index
      %get3A_426 = arith.constant 16 : index
      %get3A_427 = tpu.vector_load %arg13[%get3A_425, %get3A_426] {strides = array<i32>} : memref<256x128xf32, #tpu.memory_space<vmem>>, vector<16xf32>,
      %mul3A_428 = arith.mulf %get3A_424, %get3A_427 : vector<16xf32>
      %add3A_429 = arith.addf %add3A_416, %mul3A_428 : vector<16xf32>
      %get3A_430 = arith.index_cast %add3A_404 : i32 to index
      %get3A_431 = arith.constant 16 : index
      %get3A_432 = tpu.vector_load %arg14[%get3A_430, %get3A_431] {strides = array<i32>} : memref<256x128xf32, #tpu.memory_space<vmem>>, vector<16xf32>,
      %mul3A_433 = arith.mulf %get3A_424, %get3A_432 : vector<16xf32>
      %add3A_434 = arith.addf %add3A_421, %mul3A_433 : vector<16xf32>
      %get3A_435 = arith.index_cast %add3A_404 : i32 to index
      %get3A_436 = arith.constant 32 : index
      %get3A_437 = tpu.vector_load %arg12[%get3A_435, %get3A_436] {strides = array<i32>} : memref<256x128xf32, #tpu.memory_space<vmem>>, vector<16xf32>,
      %get3A_438 = arith.index_cast %add3A_404 : i32 to index
      %get3A_439 = arith.constant 32 : index
      %get3A_440 = tpu.vector_load %arg13[%get3A_438, %get3A_439] {strides = array<i32>} : memref<256x128xf32, #tpu.memory_space<vmem>>, vector<16xf32>,
      %mul3A_441 = arith.mulf %get3A_437, %get3A_440 : vector<16xf32>
      %add3A_442 = arith.addf %add3A_429, %mul3A_441 : vector<16xf32>
      %get3A_443 = arith.index_cast %add3A_404 : i32 to index
      %get3A_444 = arith.constant 32 : index
      %get3A_445 = tpu.vector_load %arg14[%get3A_443, %get3A_444] {strides = array<i32>} : memref<256x128xf32, #tpu.memory_space<vmem>>, vector<16xf32>,
      %mul3A_446 = arith.mulf %get3A_437, %get3A_445 : vector<16xf32>
      %add3A_447 = arith.addf %add3A_434, %mul3A_446 : vector<16xf32>
      %get3A_448 = arith.index_cast %add3A_404 : i32 to index
      %get3A_449 = arith.constant 48 : index
      %get3A_450 = tpu.vector_load %arg12[%get3A_448, %get3A_449] {strides = array<i32>} : memref<256x128xf32, #tpu.memory_space<vmem>>, vector<16xf32>,
      %get3A_451 = arith.index_cast %add3A_404 : i32 to index
      %get3A_452 = arith.constant 48 : index
      %get3A_453 = tpu.vector_load %arg13[%get3A_451, %get3A_452] {strides = array<i32>} : memref<256x128xf32, #tpu.memory_space<vmem>>, vector<16xf32>,
      %mul3A_454 = arith.mulf %get3A_450, %get3A_453 : vector<16xf32>
      %add3A_455 = arith.addf %add3A_442, %mul3A_454 : vector<16xf32>
      %get3A_456 = arith.index_cast %add3A_404 : i32 to index
      %get3A_457 = arith.constant 48 : index
      %get3A_458 = tpu.vector_load %arg14[%get3A_456, %get3A_457] {strides = array<i32>} : memref<256x128xf32, #tpu.memory_space<vmem>>, vector<16xf32>,
      %mul3A_459 = arith.mulf %get3A_450, %get3A_458 : vector<16xf32>
      %add3A_460 = arith.addf %add3A_447, %mul3A_459 : vector<16xf32>
      %mul3A_461 = arith.constant 16 : i32
      %mul3A_462 = vector.broadcast %mul3A_461 : i32 to vector<16xi32>
      %mul3A_463 = arith.muli %iota3A, %mul3A_462 : vector<16xi32>
      %add3A_464 = arith.constant 2 : i32
      %add3A_465 = vector.broadcast %add3A_464 : i32 to vector<16xi32>
      %add3A_466 = arith.addi %mul3A_463, %add3A_465 : vector<16xi32>
      tpu.vector_store_idx %arg15[%add3A_466], %add3A_455 : memref<256xf32, #tpu.memory_space<vmem>>[vector<16xi32>], vector<16xf32>,
      tpu.vector_store_idx %arg16[%add3A_466], %add3A_460 : memref<256xf32, #tpu.memory_space<vmem>>[vector<16xi32>], vector<16xf32>,
      %add3A_467 = arith.constant 3 : i32
      %add3A_468 = arith.addi %mul3A_276, %add3A_467 : i32
      %broadcast_in_dim3A_469 = arith.constant 0.000000e+00 : f32
      %broadcast_in_dim3A_470 = vector.broadcast %broadcast_in_dim3A_469 : f32 to vector<16xf32>
      %broadcast_in_dim3A_471 = arith.constant 0.000000e+00 : f32
      %broadcast_in_dim3A_472 = vector.broadcast %broadcast_in_dim3A_471 : f32 to vector<16xf32>
      %get3A_473 = arith.index_cast %add3A_468 : i32 to index
      %get3A_474 = arith.constant 0 : index
      %get3A_475 = tpu.vector_load %arg12[%get3A_473, %get3A_474] {strides = array<i32>} : memref<256x128xf32, #tpu.memory_space<vmem>>, vector<16xf32>,
      %get3A_476 = arith.index_cast %add3A_468 : i32 to index
      %get3A_477 = arith.constant 0 : index
      %get3A_478 = tpu.vector_load %arg13[%get3A_476, %get3A_477] {strides = array<i32>} : memref<256x128xf32, #tpu.memory_space<vmem>>, vector<16xf32>,
      %mul3A_479 = arith.mulf %get3A_475, %get3A_478 : vector<16xf32>
      %add3A_480 = arith.addf %broadcast_in_dim3A_470, %mul3A_479 : vector<16xf32>
      %get3A_481 = arith.index_cast %add3A_468 : i32 to index
      %get3A_482 = arith.constant 0 : index
      %get3A_483 = tpu.vector_load %arg14[%get3A_481, %get3A_482] {strides = array<i32>} : memref<256x128xf32, #tpu.memory_space<vmem>>, vector<16xf32>,
      %mul3A_484 = arith.mulf %get3A_475, %get3A_483 : vector<16xf32>
      %add3A_485 = arith.addf %broadcast_in_dim3A_472, %mul3A_484 : vector<16xf32>
      %get3A_486 = arith.index_cast %add3A_468 : i32 to index
      %get3A_487 = arith.constant 16 : index
      %get3A_488 = tpu.vector_load %arg12[%get3A_486, %get3A_487] {strides = array<i32>} : memref<256x128xf32, #tpu.memory_space<vmem>>, vector<16xf32>,
      %get3A_489 = arith.index_cast %add3A_468 : i32 to index
      %get3A_490 = arith.constant 16 : index
      %get3A_491 = tpu.vector_load %arg13[%get3A_489, %get3A_490] {strides = array<i32>} : memref<256x128xf32, #tpu.memory_space<vmem>>, vector<16xf32>,
      %mul3A_492 = arith.mulf %get3A_488, %get3A_491 : vector<16xf32>
      %add3A_493 = arith.addf %add3A_480, %mul3A_492 : vector<16xf32>
      %get3A_494 = arith.index_cast %add3A_468 : i32 to index
      %get3A_495 = arith.constant 16 : index
      %get3A_496 = tpu.vector_load %arg14[%get3A_494, %get3A_495] {strides = array<i32>} : memref<256x128xf32, #tpu.memory_space<vmem>>, vector<16xf32>,
      %mul3A_497 = arith.mulf %get3A_488, %get3A_496 : vector<16xf32>
      %add3A_498 = arith.addf %add3A_485, %mul3A_497 : vector<16xf32>
      %get3A_499 = arith.index_cast %add3A_468 : i32 to index
      %get3A_500 = arith.constant 32 : index
      %get3A_501 = tpu.vector_load %arg12[%get3A_499, %get3A_500] {strides = array<i32>} : memref<256x128xf32, #tpu.memory_space<vmem>>, vector<16xf32>,
      %get3A_502 = arith.index_cast %add3A_468 : i32 to index
      %get3A_503 = arith.constant 32 : index
      %get3A_504 = tpu.vector_load %arg13[%get3A_502, %get3A_503] {strides = array<i32>} : memref<256x128xf32, #tpu.memory_space<vmem>>, vector<16xf32>,
      %mul3A_505 = arith.mulf %get3A_501, %get3A_504 : vector<16xf32>
      %add3A_506 = arith.addf %add3A_493, %mul3A_505 : vector<16xf32>
      %get3A_507 = arith.index_cast %add3A_468 : i32 to index
      %get3A_508 = arith.constant 32 : index
      %get3A_509 = tpu.vector_load %arg14[%get3A_507, %get3A_508] {strides = array<i32>} : memref<256x128xf32, #tpu.memory_space<vmem>>, vector<16xf32>,
      %mul3A_510 = arith.mulf %get3A_501, %get3A_509 : vector<16xf32>
      %add3A_511 = arith.addf %add3A_498, %mul3A_510 : vector<16xf32>
      %get3A_512 = arith.index_cast %add3A_468 : i32 to index
      %get3A_513 = arith.constant 48 : index
      %get3A_514 = tpu.vector_load %arg12[%get3A_512, %get3A_513] {strides = array<i32>} : memref<256x128xf32, #tpu.memory_space<vmem>>, vector<16xf32>,
      %get3A_515 = arith.index_cast %add3A_468 : i32 to index
      %get3A_516 = arith.constant 48 : index
      %get3A_517 = tpu.vector_load %arg13[%get3A_515, %get3A_516] {strides = array<i32>} : memref<256x128xf32, #tpu.memory_space<vmem>>, vector<16xf32>,
      %mul3A_518 = arith.mulf %get3A_514, %get3A_517 : vector<16xf32>
      %add3A_519 = arith.addf %add3A_506, %mul3A_518 : vector<16xf32>
      %get3A_520 = arith.index_cast %add3A_468 : i32 to index
      %get3A_521 = arith.constant 48 : index
      %get3A_522 = tpu.vector_load %arg14[%get3A_520, %get3A_521] {strides = array<i32>} : memref<256x128xf32, #tpu.memory_space<vmem>>, vector<16xf32>,
      %mul3A_523 = arith.mulf %get3A_514, %get3A_522 : vector<16xf32>
      %add3A_524 = arith.addf %add3A_511, %mul3A_523 : vector<16xf32>
      %mul3A_525 = arith.constant 16 : i32
      %mul3A_526 = vector.broadcast %mul3A_525 : i32 to vector<16xi32>
      %mul3A_527 = arith.muli %iota3A, %mul3A_526 : vector<16xi32>
      %add3A_528 = arith.constant 3 : i32
      %add3A_529 = vector.broadcast %add3A_528 : i32 to vector<16xi32>
      %add3A_530 = arith.addi %mul3A_527, %add3A_529 : vector<16xi32>
      tpu.vector_store_idx %arg15[%add3A_530], %add3A_519 : memref<256xf32, #tpu.memory_space<vmem>>[vector<16xi32>], vector<16xf32>,
      tpu.vector_store_idx %arg16[%add3A_530], %add3A_524 : memref<256xf32, #tpu.memory_space<vmem>>[vector<16xi32>], vector<16xf32>,
      %add3A_531 = arith.constant 4 : i32
      %add3A_532 = arith.addi %mul3A_276, %add3A_531 : i32
      %broadcast_in_dim3A_533 = arith.constant 0.000000e+00 : f32
      %broadcast_in_dim3A_534 = vector.broadcast %broadcast_in_dim3A_533 : f32 to vector<16xf32>
      %broadcast_in_dim3A_535 = arith.constant 0.000000e+00 : f32
      %broadcast_in_dim3A_536 = vector.broadcast %broadcast_in_dim3A_535 : f32 to vector<16xf32>
      %get3A_537 = arith.index_cast %add3A_532 : i32 to index
      %get3A_538 = arith.constant 0 : index
      %get3A_539 = tpu.vector_load %arg12[%get3A_537, %get3A_538] {strides = array<i32>} : memref<256x128xf32, #tpu.memory_space<vmem>>, vector<16xf32>,
      %get3A_540 = arith.index_cast %add3A_532 : i32 to index
      %get3A_541 = arith.constant 0 : index
      %get3A_542 = tpu.vector_load %arg13[%get3A_540, %get3A_541] {strides = array<i32>} : memref<256x128xf32, #tpu.memory_space<vmem>>, vector<16xf32>,
      %mul3A_543 = arith.mulf %get3A_539, %get3A_542 : vector<16xf32>
      %add3A_544 = arith.addf %broadcast_in_dim3A_534, %mul3A_543 : vector<16xf32>
      %get3A_545 = arith.index_cast %add3A_532 : i32 to index
      %get3A_546 = arith.constant 0 : index
      %get3A_547 = tpu.vector_load %arg14[%get3A_545, %get3A_546] {strides = array<i32>} : memref<256x128xf32, #tpu.memory_space<vmem>>, vector<16xf32>,
      %mul3A_548 = arith.mulf %get3A_539, %get3A_547 : vector<16xf32>
      %add3A_549 = arith.addf %broadcast_in_dim3A_536, %mul3A_548 : vector<16xf32>
      %get3A_550 = arith.index_cast %add3A_532 : i32 to index
      %get3A_551 = arith.constant 16 : index
      %get3A_552 = tpu.vector_load %arg12[%get3A_550, %get3A_551] {strides = array<i32>} : memref<256x128xf32, #tpu.memory_space<vmem>>, vector<16xf32>,
      %get3A_553 = arith.index_cast %add3A_532 : i32 to index
      %get3A_554 = arith.constant 16 : index
      %get3A_555 = tpu.vector_load %arg13[%get3A_553, %get3A_554] {strides = array<i32>} : memref<256x128xf32, #tpu.memory_space<vmem>>, vector<16xf32>,
      %mul3A_556 = arith.mulf %get3A_552, %get3A_555 : vector<16xf32>
      %add3A_557 = arith.addf %add3A_544, %mul3A_556 : vector<16xf32>
      %get3A_558 = arith.index_cast %add3A_532 : i32 to index
      %get3A_559 = arith.constant 16 : index
      %get3A_560 = tpu.vector_load %arg14[%get3A_558, %get3A_559] {strides = array<i32>} : memref<256x128xf32, #tpu.memory_space<vmem>>, vector<16xf32>,
      %mul3A_561 = arith.mulf %get3A_552, %get3A_560 : vector<16xf32>
      %add3A_562 = arith.addf %add3A_549, %mul3A_561 : vector<16xf32>
      %get3A_563 = arith.index_cast %add3A_532 : i32 to index
      %get3A_564 = arith.constant 32 : index
      %get3A_565 = tpu.vector_load %arg12[%get3A_563, %get3A_564] {strides = array<i32>} : memref<256x128xf32, #tpu.memory_space<vmem>>, vector<16xf32>,
      %get3A_566 = arith.index_cast %add3A_532 : i32 to index
      %get3A_567 = arith.constant 32 : index
      %get3A_568 = tpu.vector_load %arg13[%get3A_566, %get3A_567] {strides = array<i32>} : memref<256x128xf32, #tpu.memory_space<vmem>>, vector<16xf32>,
      %mul3A_569 = arith.mulf %get3A_565, %get3A_568 : vector<16xf32>
      %add3A_570 = arith.addf %add3A_557, %mul3A_569 : vector<16xf32>
      %get3A_571 = arith.index_cast %add3A_532 : i32 to index
      %get3A_572 = arith.constant 32 : index
      %get3A_573 = tpu.vector_load %arg14[%get3A_571, %get3A_572] {strides = array<i32>} : memref<256x128xf32, #tpu.memory_space<vmem>>, vector<16xf32>,
      %mul3A_574 = arith.mulf %get3A_565, %get3A_573 : vector<16xf32>
      %add3A_575 = arith.addf %add3A_562, %mul3A_574 : vector<16xf32>
      %get3A_576 = arith.index_cast %add3A_532 : i32 to index
      %get3A_577 = arith.constant 48 : index
      %get3A_578 = tpu.vector_load %arg12[%get3A_576, %get3A_577] {strides = array<i32>} : memref<256x128xf32, #tpu.memory_space<vmem>>, vector<16xf32>,
      %get3A_579 = arith.index_cast %add3A_532 : i32 to index
      %get3A_580 = arith.constant 48 : index
      %get3A_581 = tpu.vector_load %arg13[%get3A_579, %get3A_580] {strides = array<i32>} : memref<256x128xf32, #tpu.memory_space<vmem>>, vector<16xf32>,
      %mul3A_582 = arith.mulf %get3A_578, %get3A_581 : vector<16xf32>
      %add3A_583 = arith.addf %add3A_570, %mul3A_582 : vector<16xf32>
      %get3A_584 = arith.index_cast %add3A_532 : i32 to index
      %get3A_585 = arith.constant 48 : index
      %get3A_586 = tpu.vector_load %arg14[%get3A_584, %get3A_585] {strides = array<i32>} : memref<256x128xf32, #tpu.memory_space<vmem>>, vector<16xf32>,
      %mul3A_587 = arith.mulf %get3A_578, %get3A_586 : vector<16xf32>
      %add3A_588 = arith.addf %add3A_575, %mul3A_587 : vector<16xf32>
      %mul3A_589 = arith.constant 16 : i32
      %mul3A_590 = vector.broadcast %mul3A_589 : i32 to vector<16xi32>
      %mul3A_591 = arith.muli %iota3A, %mul3A_590 : vector<16xi32>
      %add3A_592 = arith.constant 4 : i32
      %add3A_593 = vector.broadcast %add3A_592 : i32 to vector<16xi32>
      %add3A_594 = arith.addi %mul3A_591, %add3A_593 : vector<16xi32>
      tpu.vector_store_idx %arg15[%add3A_594], %add3A_583 : memref<256xf32, #tpu.memory_space<vmem>>[vector<16xi32>], vector<16xf32>,
      tpu.vector_store_idx %arg16[%add3A_594], %add3A_588 : memref<256xf32, #tpu.memory_space<vmem>>[vector<16xi32>], vector<16xf32>,
      %add3A_595 = arith.constant 5 : i32
      %add3A_596 = arith.addi %mul3A_276, %add3A_595 : i32
      %broadcast_in_dim3A_597 = arith.constant 0.000000e+00 : f32
      %broadcast_in_dim3A_598 = vector.broadcast %broadcast_in_dim3A_597 : f32 to vector<16xf32>
      %broadcast_in_dim3A_599 = arith.constant 0.000000e+00 : f32
      %broadcast_in_dim3A_600 = vector.broadcast %broadcast_in_dim3A_599 : f32 to vector<16xf32>
      %get3A_601 = arith.index_cast %add3A_596 : i32 to index
      %get3A_602 = arith.constant 0 : index
      %get3A_603 = tpu.vector_load %arg12[%get3A_601, %get3A_602] {strides = array<i32>} : memref<256x128xf32, #tpu.memory_space<vmem>>, vector<16xf32>,
      %get3A_604 = arith.index_cast %add3A_596 : i32 to index
      %get3A_605 = arith.constant 0 : index
      %get3A_606 = tpu.vector_load %arg13[%get3A_604, %get3A_605] {strides = array<i32>} : memref<256x128xf32, #tpu.memory_space<vmem>>, vector<16xf32>,
      %mul3A_607 = arith.mulf %get3A_603, %get3A_606 : vector<16xf32>
      %add3A_608 = arith.addf %broadcast_in_dim3A_598, %mul3A_607 : vector<16xf32>
      %get3A_609 = arith.index_cast %add3A_596 : i32 to index
      %get3A_610 = arith.constant 0 : index
      %get3A_611 = tpu.vector_load %arg14[%get3A_609, %get3A_610] {strides = array<i32>} : memref<256x128xf32, #tpu.memory_space<vmem>>, vector<16xf32>,
      %mul3A_612 = arith.mulf %get3A_603, %get3A_611 : vector<16xf32>
      %add3A_613 = arith.addf %broadcast_in_dim3A_600, %mul3A_612 : vector<16xf32>
      %get3A_614 = arith.index_cast %add3A_596 : i32 to index
      %get3A_615 = arith.constant 16 : index
      %get3A_616 = tpu.vector_load %arg12[%get3A_614, %get3A_615] {strides = array<i32>} : memref<256x128xf32, #tpu.memory_space<vmem>>, vector<16xf32>,
      %get3A_617 = arith.index_cast %add3A_596 : i32 to index
      %get3A_618 = arith.constant 16 : index
      %get3A_619 = tpu.vector_load %arg13[%get3A_617, %get3A_618] {strides = array<i32>} : memref<256x128xf32, #tpu.memory_space<vmem>>, vector<16xf32>,
      %mul3A_620 = arith.mulf %get3A_616, %get3A_619 : vector<16xf32>
      %add3A_621 = arith.addf %add3A_608, %mul3A_620 : vector<16xf32>
      %get3A_622 = arith.index_cast %add3A_596 : i32 to index
      %get3A_623 = arith.constant 16 : index
      %get3A_624 = tpu.vector_load %arg14[%get3A_622, %get3A_623] {strides = array<i32>} : memref<256x128xf32, #tpu.memory_space<vmem>>, vector<16xf32>,
      %mul3A_625 = arith.mulf %get3A_616, %get3A_624 : vector<16xf32>
      %add3A_626 = arith.addf %add3A_613, %mul3A_625 : vector<16xf32>
      %get3A_627 = arith.index_cast %add3A_596 : i32 to index
      %get3A_628 = arith.constant 32 : index
      %get3A_629 = tpu.vector_load %arg12[%get3A_627, %get3A_628] {strides = array<i32>} : memref<256x128xf32, #tpu.memory_space<vmem>>, vector<16xf32>,
      %get3A_630 = arith.index_cast %add3A_596 : i32 to index
      %get3A_631 = arith.constant 32 : index
      %get3A_632 = tpu.vector_load %arg13[%get3A_630, %get3A_631] {strides = array<i32>} : memref<256x128xf32, #tpu.memory_space<vmem>>, vector<16xf32>,
      %mul3A_633 = arith.mulf %get3A_629, %get3A_632 : vector<16xf32>
      %add3A_634 = arith.addf %add3A_621, %mul3A_633 : vector<16xf32>
      %get3A_635 = arith.index_cast %add3A_596 : i32 to index
      %get3A_636 = arith.constant 32 : index
      %get3A_637 = tpu.vector_load %arg14[%get3A_635, %get3A_636] {strides = array<i32>} : memref<256x128xf32, #tpu.memory_space<vmem>>, vector<16xf32>,
      %mul3A_638 = arith.mulf %get3A_629, %get3A_637 : vector<16xf32>
      %add3A_639 = arith.addf %add3A_626, %mul3A_638 : vector<16xf32>
      %get3A_640 = arith.index_cast %add3A_596 : i32 to index
      %get3A_641 = arith.constant 48 : index
      %get3A_642 = tpu.vector_load %arg12[%get3A_640, %get3A_641] {strides = array<i32>} : memref<256x128xf32, #tpu.memory_space<vmem>>, vector<16xf32>,
      %get3A_643 = arith.index_cast %add3A_596 : i32 to index
      %get3A_644 = arith.constant 48 : index
      %get3A_645 = tpu.vector_load %arg13[%get3A_643, %get3A_644] {strides = array<i32>} : memref<256x128xf32, #tpu.memory_space<vmem>>, vector<16xf32>,
      %mul3A_646 = arith.mulf %get3A_642, %get3A_645 : vector<16xf32>
      %add3A_647 = arith.addf %add3A_634, %mul3A_646 : vector<16xf32>
      %get3A_648 = arith.index_cast %add3A_596 : i32 to index
      %get3A_649 = arith.constant 48 : index
      %get3A_650 = tpu.vector_load %arg14[%get3A_648, %get3A_649] {strides = array<i32>} : memref<256x128xf32, #tpu.memory_space<vmem>>, vector<16xf32>,
      %mul3A_651 = arith.mulf %get3A_642, %get3A_650 : vector<16xf32>
      %add3A_652 = arith.addf %add3A_639, %mul3A_651 : vector<16xf32>
      %mul3A_653 = arith.constant 16 : i32
      %mul3A_654 = vector.broadcast %mul3A_653 : i32 to vector<16xi32>
      %mul3A_655 = arith.muli %iota3A, %mul3A_654 : vector<16xi32>
      %add3A_656 = arith.constant 5 : i32
      %add3A_657 = vector.broadcast %add3A_656 : i32 to vector<16xi32>
      %add3A_658 = arith.addi %mul3A_655, %add3A_657 : vector<16xi32>
      tpu.vector_store_idx %arg15[%add3A_658], %add3A_647 : memref<256xf32, #tpu.memory_space<vmem>>[vector<16xi32>], vector<16xf32>,
      tpu.vector_store_idx %arg16[%add3A_658], %add3A_652 : memref<256xf32, #tpu.memory_space<vmem>>[vector<16xi32>], vector<16xf32>,
      %add3A_659 = arith.constant 6 : i32
      %add3A_660 = arith.addi %mul3A_276, %add3A_659 : i32
      %broadcast_in_dim3A_661 = arith.constant 0.000000e+00 : f32
      %broadcast_in_dim3A_662 = vector.broadcast %broadcast_in_dim3A_661 : f32 to vector<16xf32>
      %broadcast_in_dim3A_663 = arith.constant 0.000000e+00 : f32
      %broadcast_in_dim3A_664 = vector.broadcast %broadcast_in_dim3A_663 : f32 to vector<16xf32>
      %get3A_665 = arith.index_cast %add3A_660 : i32 to index
      %get3A_666 = arith.constant 0 : index
      %get3A_667 = tpu.vector_load %arg12[%get3A_665, %get3A_666] {strides = array<i32>} : memref<256x128xf32, #tpu.memory_space<vmem>>, vector<16xf32>,
      %get3A_668 = arith.index_cast %add3A_660 : i32 to index
      %get3A_669 = arith.constant 0 : index
      %get3A_670 = tpu.vector_load %arg13[%get3A_668, %get3A_669] {strides = array<i32>} : memref<256x128xf32, #tpu.memory_space<vmem>>, vector<16xf32>,
      %mul3A_671 = arith.mulf %get3A_667, %get3A_670 : vector<16xf32>
      %add3A_672 = arith.addf %broadcast_in_dim3A_662, %mul3A_671 : vector<16xf32>
      %get3A_673 = arith.index_cast %add3A_660 : i32 to index
      %get3A_674 = arith.constant 0 : index
      %get3A_675 = tpu.vector_load %arg14[%get3A_673, %get3A_674] {strides = array<i32>} : memref<256x128xf32, #tpu.memory_space<vmem>>, vector<16xf32>,
      %mul3A_676 = arith.mulf %get3A_667, %get3A_675 : vector<16xf32>
      %add3A_677 = arith.addf %broadcast_in_dim3A_664, %mul3A_676 : vector<16xf32>
      %get3A_678 = arith.index_cast %add3A_660 : i32 to index
      %get3A_679 = arith.constant 16 : index
      %get3A_680 = tpu.vector_load %arg12[%get3A_678, %get3A_679] {strides = array<i32>} : memref<256x128xf32, #tpu.memory_space<vmem>>, vector<16xf32>,
      %get3A_681 = arith.index_cast %add3A_660 : i32 to index
      %get3A_682 = arith.constant 16 : index
      %get3A_683 = tpu.vector_load %arg13[%get3A_681, %get3A_682] {strides = array<i32>} : memref<256x128xf32, #tpu.memory_space<vmem>>, vector<16xf32>,
      %mul3A_684 = arith.mulf %get3A_680, %get3A_683 : vector<16xf32>
      %add3A_685 = arith.addf %add3A_672, %mul3A_684 : vector<16xf32>
      %get3A_686 = arith.index_cast %add3A_660 : i32 to index
      %get3A_687 = arith.constant 16 : index
      %get3A_688 = tpu.vector_load %arg14[%get3A_686, %get3A_687] {strides = array<i32>} : memref<256x128xf32, #tpu.memory_space<vmem>>, vector<16xf32>,
      %mul3A_689 = arith.mulf %get3A_680, %get3A_688 : vector<16xf32>
      %add3A_690 = arith.addf %add3A_677, %mul3A_689 : vector<16xf32>
      %get3A_691 = arith.index_cast %add3A_660 : i32 to index
      %get3A_692 = arith.constant 32 : index
      %get3A_693 = tpu.vector_load %arg12[%get3A_691, %get3A_692] {strides = array<i32>} : memref<256x128xf32, #tpu.memory_space<vmem>>, vector<16xf32>,
      %get3A_694 = arith.index_cast %add3A_660 : i32 to index
      %get3A_695 = arith.constant 32 : index
      %get3A_696 = tpu.vector_load %arg13[%get3A_694, %get3A_695] {strides = array<i32>} : memref<256x128xf32, #tpu.memory_space<vmem>>, vector<16xf32>,
      %mul3A_697 = arith.mulf %get3A_693, %get3A_696 : vector<16xf32>
      %add3A_698 = arith.addf %add3A_685, %mul3A_697 : vector<16xf32>
      %get3A_699 = arith.index_cast %add3A_660 : i32 to index
      %get3A_700 = arith.constant 32 : index
      %get3A_701 = tpu.vector_load %arg14[%get3A_699, %get3A_700] {strides = array<i32>} : memref<256x128xf32, #tpu.memory_space<vmem>>, vector<16xf32>,
      %mul3A_702 = arith.mulf %get3A_693, %get3A_701 : vector<16xf32>
      %add3A_703 = arith.addf %add3A_690, %mul3A_702 : vector<16xf32>
      %get3A_704 = arith.index_cast %add3A_660 : i32 to index
      %get3A_705 = arith.constant 48 : index
      %get3A_706 = tpu.vector_load %arg12[%get3A_704, %get3A_705] {strides = array<i32>} : memref<256x128xf32, #tpu.memory_space<vmem>>, vector<16xf32>,
      %get3A_707 = arith.index_cast %add3A_660 : i32 to index
      %get3A_708 = arith.constant 48 : index
      %get3A_709 = tpu.vector_load %arg13[%get3A_707, %get3A_708] {strides = array<i32>} : memref<256x128xf32, #tpu.memory_space<vmem>>, vector<16xf32>,
      %mul3A_710 = arith.mulf %get3A_706, %get3A_709 : vector<16xf32>
      %add3A_711 = arith.addf %add3A_698, %mul3A_710 : vector<16xf32>
      %get3A_712 = arith.index_cast %add3A_660 : i32 to index
      %get3A_713 = arith.constant 48 : index
      %get3A_714 = tpu.vector_load %arg14[%get3A_712, %get3A_713] {strides = array<i32>} : memref<256x128xf32, #tpu.memory_space<vmem>>, vector<16xf32>,
      %mul3A_715 = arith.mulf %get3A_706, %get3A_714 : vector<16xf32>
      %add3A_716 = arith.addf %add3A_703, %mul3A_715 : vector<16xf32>
      %mul3A_717 = arith.constant 16 : i32
      %mul3A_718 = vector.broadcast %mul3A_717 : i32 to vector<16xi32>
      %mul3A_719 = arith.muli %iota3A, %mul3A_718 : vector<16xi32>
      %add3A_720 = arith.constant 6 : i32
      %add3A_721 = vector.broadcast %add3A_720 : i32 to vector<16xi32>
      %add3A_722 = arith.addi %mul3A_719, %add3A_721 : vector<16xi32>
      tpu.vector_store_idx %arg15[%add3A_722], %add3A_711 : memref<256xf32, #tpu.memory_space<vmem>>[vector<16xi32>], vector<16xf32>,
      tpu.vector_store_idx %arg16[%add3A_722], %add3A_716 : memref<256xf32, #tpu.memory_space<vmem>>[vector<16xi32>], vector<16xf32>,
      %add3A_723 = arith.constant 7 : i32
      %add3A_724 = arith.addi %mul3A_276, %add3A_723 : i32
      %broadcast_in_dim3A_725 = arith.constant 0.000000e+00 : f32
      %broadcast_in_dim3A_726 = vector.broadcast %broadcast_in_dim3A_725 : f32 to vector<16xf32>
      %broadcast_in_dim3A_727 = arith.constant 0.000000e+00 : f32
      %broadcast_in_dim3A_728 = vector.broadcast %broadcast_in_dim3A_727 : f32 to vector<16xf32>
      %get3A_729 = arith.index_cast %add3A_724 : i32 to index
      %get3A_730 = arith.constant 0 : index
      %get3A_731 = tpu.vector_load %arg12[%get3A_729, %get3A_730] {strides = array<i32>} : memref<256x128xf32, #tpu.memory_space<vmem>>, vector<16xf32>,
      %get3A_732 = arith.index_cast %add3A_724 : i32 to index
      %get3A_733 = arith.constant 0 : index
      %get3A_734 = tpu.vector_load %arg13[%get3A_732, %get3A_733] {strides = array<i32>} : memref<256x128xf32, #tpu.memory_space<vmem>>, vector<16xf32>,
      %mul3A_735 = arith.mulf %get3A_731, %get3A_734 : vector<16xf32>
      %add3A_736 = arith.addf %broadcast_in_dim3A_726, %mul3A_735 : vector<16xf32>
      %get3A_737 = arith.index_cast %add3A_724 : i32 to index
      %get3A_738 = arith.constant 0 : index
      %get3A_739 = tpu.vector_load %arg14[%get3A_737, %get3A_738] {strides = array<i32>} : memref<256x128xf32, #tpu.memory_space<vmem>>, vector<16xf32>,
      %mul3A_740 = arith.mulf %get3A_731, %get3A_739 : vector<16xf32>
      %add3A_741 = arith.addf %broadcast_in_dim3A_728, %mul3A_740 : vector<16xf32>
      %get3A_742 = arith.index_cast %add3A_724 : i32 to index
      %get3A_743 = arith.constant 16 : index
      %get3A_744 = tpu.vector_load %arg12[%get3A_742, %get3A_743] {strides = array<i32>} : memref<256x128xf32, #tpu.memory_space<vmem>>, vector<16xf32>,
      %get3A_745 = arith.index_cast %add3A_724 : i32 to index
      %get3A_746 = arith.constant 16 : index
      %get3A_747 = tpu.vector_load %arg13[%get3A_745, %get3A_746] {strides = array<i32>} : memref<256x128xf32, #tpu.memory_space<vmem>>, vector<16xf32>,
      %mul3A_748 = arith.mulf %get3A_744, %get3A_747 : vector<16xf32>
      %add3A_749 = arith.addf %add3A_736, %mul3A_748 : vector<16xf32>
      %get3A_750 = arith.index_cast %add3A_724 : i32 to index
      %get3A_751 = arith.constant 16 : index
      %get3A_752 = tpu.vector_load %arg14[%get3A_750, %get3A_751] {strides = array<i32>} : memref<256x128xf32, #tpu.memory_space<vmem>>, vector<16xf32>,
      %mul3A_753 = arith.mulf %get3A_744, %get3A_752 : vector<16xf32>
      %add3A_754 = arith.addf %add3A_741, %mul3A_753 : vector<16xf32>
      %get3A_755 = arith.index_cast %add3A_724 : i32 to index
      %get3A_756 = arith.constant 32 : index
      %get3A_757 = tpu.vector_load %arg12[%get3A_755, %get3A_756] {strides = array<i32>} : memref<256x128xf32, #tpu.memory_space<vmem>>, vector<16xf32>,
      %get3A_758 = arith.index_cast %add3A_724 : i32 to index
      %get3A_759 = arith.constant 32 : index
      %get3A_760 = tpu.vector_load %arg13[%get3A_758, %get3A_759] {strides = array<i32>} : memref<256x128xf32, #tpu.memory_space<vmem>>, vector<16xf32>,
      %mul3A_761 = arith.mulf %get3A_757, %get3A_760 : vector<16xf32>
      %add3A_762 = arith.addf %add3A_749, %mul3A_761 : vector<16xf32>
      %get3A_763 = arith.index_cast %add3A_724 : i32 to index
      %get3A_764 = arith.constant 32 : index
      %get3A_765 = tpu.vector_load %arg14[%get3A_763, %get3A_764] {strides = array<i32>} : memref<256x128xf32, #tpu.memory_space<vmem>>, vector<16xf32>,
      %mul3A_766 = arith.mulf %get3A_757, %get3A_765 : vector<16xf32>
      %add3A_767 = arith.addf %add3A_754, %mul3A_766 : vector<16xf32>
      %get3A_768 = arith.index_cast %add3A_724 : i32 to index
      %get3A_769 = arith.constant 48 : index
      %get3A_770 = tpu.vector_load %arg12[%get3A_768, %get3A_769] {strides = array<i32>} : memref<256x128xf32, #tpu.memory_space<vmem>>, vector<16xf32>,
      %get3A_771 = arith.index_cast %add3A_724 : i32 to index
      %get3A_772 = arith.constant 48 : index
      %get3A_773 = tpu.vector_load %arg13[%get3A_771, %get3A_772] {strides = array<i32>} : memref<256x128xf32, #tpu.memory_space<vmem>>, vector<16xf32>,
      %mul3A_774 = arith.mulf %get3A_770, %get3A_773 : vector<16xf32>
      %add3A_775 = arith.addf %add3A_762, %mul3A_774 : vector<16xf32>
      %get3A_776 = arith.index_cast %add3A_724 : i32 to index
      %get3A_777 = arith.constant 48 : index
      %get3A_778 = tpu.vector_load %arg14[%get3A_776, %get3A_777] {strides = array<i32>} : memref<256x128xf32, #tpu.memory_space<vmem>>, vector<16xf32>,
      %mul3A_779 = arith.mulf %get3A_770, %get3A_778 : vector<16xf32>
      %add3A_780 = arith.addf %add3A_767, %mul3A_779 : vector<16xf32>
      %mul3A_781 = arith.constant 16 : i32
      %mul3A_782 = vector.broadcast %mul3A_781 : i32 to vector<16xi32>
      %mul3A_783 = arith.muli %iota3A, %mul3A_782 : vector<16xi32>
      %add3A_784 = arith.constant 7 : i32
      %add3A_785 = vector.broadcast %add3A_784 : i32 to vector<16xi32>
      %add3A_786 = arith.addi %mul3A_783, %add3A_785 : vector<16xi32>
      tpu.vector_store_idx %arg15[%add3A_786], %add3A_775 : memref<256xf32, #tpu.memory_space<vmem>>[vector<16xi32>], vector<16xf32>,
      tpu.vector_store_idx %arg16[%add3A_786], %add3A_780 : memref<256xf32, #tpu.memory_space<vmem>>[vector<16xi32>], vector<16xf32>,
      %add3A_787 = arith.constant 8 : i32
      %add3A_788 = arith.addi %mul3A_276, %add3A_787 : i32
      %broadcast_in_dim3A_789 = arith.constant 0.000000e+00 : f32
      %broadcast_in_dim3A_790 = vector.broadcast %broadcast_in_dim3A_789 : f32 to vector<16xf32>
      %broadcast_in_dim3A_791 = arith.constant 0.000000e+00 : f32
      %broadcast_in_dim3A_792 = vector.broadcast %broadcast_in_dim3A_791 : f32 to vector<16xf32>
      %get3A_793 = arith.index_cast %add3A_788 : i32 to index
      %get3A_794 = arith.constant 0 : index
      %get3A_795 = tpu.vector_load %arg12[%get3A_793, %get3A_794] {strides = array<i32>} : memref<256x128xf32, #tpu.memory_space<vmem>>, vector<16xf32>,
      %get3A_796 = arith.index_cast %add3A_788 : i32 to index
      %get3A_797 = arith.constant 0 : index
      %get3A_798 = tpu.vector_load %arg13[%get3A_796, %get3A_797] {strides = array<i32>} : memref<256x128xf32, #tpu.memory_space<vmem>>, vector<16xf32>,
      %mul3A_799 = arith.mulf %get3A_795, %get3A_798 : vector<16xf32>
      %add3A_800 = arith.addf %broadcast_in_dim3A_790, %mul3A_799 : vector<16xf32>
      %get3A_801 = arith.index_cast %add3A_788 : i32 to index
      %get3A_802 = arith.constant 0 : index
      %get3A_803 = tpu.vector_load %arg14[%get3A_801, %get3A_802] {strides = array<i32>} : memref<256x128xf32, #tpu.memory_space<vmem>>, vector<16xf32>,
      %mul3A_804 = arith.mulf %get3A_795, %get3A_803 : vector<16xf32>
      %add3A_805 = arith.addf %broadcast_in_dim3A_792, %mul3A_804 : vector<16xf32>
      %get3A_806 = arith.index_cast %add3A_788 : i32 to index
      %get3A_807 = arith.constant 16 : index
      %get3A_808 = tpu.vector_load %arg12[%get3A_806, %get3A_807] {strides = array<i32>} : memref<256x128xf32, #tpu.memory_space<vmem>>, vector<16xf32>,
      %get3A_809 = arith.index_cast %add3A_788 : i32 to index
      %get3A_810 = arith.constant 16 : index
      %get3A_811 = tpu.vector_load %arg13[%get3A_809, %get3A_810] {strides = array<i32>} : memref<256x128xf32, #tpu.memory_space<vmem>>, vector<16xf32>,
      %mul3A_812 = arith.mulf %get3A_808, %get3A_811 : vector<16xf32>
      %add3A_813 = arith.addf %add3A_800, %mul3A_812 : vector<16xf32>
      %get3A_814 = arith.index_cast %add3A_788 : i32 to index
      %get3A_815 = arith.constant 16 : index
      %get3A_816 = tpu.vector_load %arg14[%get3A_814, %get3A_815] {strides = array<i32>} : memref<256x128xf32, #tpu.memory_space<vmem>>, vector<16xf32>,
      %mul3A_817 = arith.mulf %get3A_808, %get3A_816 : vector<16xf32>
      %add3A_818 = arith.addf %add3A_805, %mul3A_817 : vector<16xf32>
      %get3A_819 = arith.index_cast %add3A_788 : i32 to index
      %get3A_820 = arith.constant 32 : index
      %get3A_821 = tpu.vector_load %arg12[%get3A_819, %get3A_820] {strides = array<i32>} : memref<256x128xf32, #tpu.memory_space<vmem>>, vector<16xf32>,
      %get3A_822 = arith.index_cast %add3A_788 : i32 to index
      %get3A_823 = arith.constant 32 : index
      %get3A_824 = tpu.vector_load %arg13[%get3A_822, %get3A_823] {strides = array<i32>} : memref<256x128xf32, #tpu.memory_space<vmem>>, vector<16xf32>,
      %mul3A_825 = arith.mulf %get3A_821, %get3A_824 : vector<16xf32>
      %add3A_826 = arith.addf %add3A_813, %mul3A_825 : vector<16xf32>
      %get3A_827 = arith.index_cast %add3A_788 : i32 to index
      %get3A_828 = arith.constant 32 : index
      %get3A_829 = tpu.vector_load %arg14[%get3A_827, %get3A_828] {strides = array<i32>} : memref<256x128xf32, #tpu.memory_space<vmem>>, vector<16xf32>,
      %mul3A_830 = arith.mulf %get3A_821, %get3A_829 : vector<16xf32>
      %add3A_831 = arith.addf %add3A_818, %mul3A_830 : vector<16xf32>
      %get3A_832 = arith.index_cast %add3A_788 : i32 to index
      %get3A_833 = arith.constant 48 : index
      %get3A_834 = tpu.vector_load %arg12[%get3A_832, %get3A_833] {strides = array<i32>} : memref<256x128xf32, #tpu.memory_space<vmem>>, vector<16xf32>,
      %get3A_835 = arith.index_cast %add3A_788 : i32 to index
      %get3A_836 = arith.constant 48 : index
      %get3A_837 = tpu.vector_load %arg13[%get3A_835, %get3A_836] {strides = array<i32>} : memref<256x128xf32, #tpu.memory_space<vmem>>, vector<16xf32>,
      %mul3A_838 = arith.mulf %get3A_834, %get3A_837 : vector<16xf32>
      %add3A_839 = arith.addf %add3A_826, %mul3A_838 : vector<16xf32>
      %get3A_840 = arith.index_cast %add3A_788 : i32 to index
      %get3A_841 = arith.constant 48 : index
      %get3A_842 = tpu.vector_load %arg14[%get3A_840, %get3A_841] {strides = array<i32>} : memref<256x128xf32, #tpu.memory_space<vmem>>, vector<16xf32>,
      %mul3A_843 = arith.mulf %get3A_834, %get3A_842 : vector<16xf32>
      %add3A_844 = arith.addf %add3A_831, %mul3A_843 : vector<16xf32>
      %mul3A_845 = arith.constant 16 : i32
      %mul3A_846 = vector.broadcast %mul3A_845 : i32 to vector<16xi32>
      %mul3A_847 = arith.muli %iota3A, %mul3A_846 : vector<16xi32>
      %add3A_848 = arith.constant 8 : i32
      %add3A_849 = vector.broadcast %add3A_848 : i32 to vector<16xi32>
      %add3A_850 = arith.addi %mul3A_847, %add3A_849 : vector<16xi32>
      tpu.vector_store_idx %arg15[%add3A_850], %add3A_839 : memref<256xf32, #tpu.memory_space<vmem>>[vector<16xi32>], vector<16xf32>,
      tpu.vector_store_idx %arg16[%add3A_850], %add3A_844 : memref<256xf32, #tpu.memory_space<vmem>>[vector<16xi32>], vector<16xf32>,
      %add3A_851 = arith.constant 9 : i32
      %add3A_852 = arith.addi %mul3A_276, %add3A_851 : i32
      %broadcast_in_dim3A_853 = arith.constant 0.000000e+00 : f32
      %broadcast_in_dim3A_854 = vector.broadcast %broadcast_in_dim3A_853 : f32 to vector<16xf32>
      %broadcast_in_dim3A_855 = arith.constant 0.000000e+00 : f32
      %broadcast_in_dim3A_856 = vector.broadcast %broadcast_in_dim3A_855 : f32 to vector<16xf32>
      %get3A_857 = arith.index_cast %add3A_852 : i32 to index
      %get3A_858 = arith.constant 0 : index
      %get3A_859 = tpu.vector_load %arg12[%get3A_857, %get3A_858] {strides = array<i32>} : memref<256x128xf32, #tpu.memory_space<vmem>>, vector<16xf32>,
      %get3A_860 = arith.index_cast %add3A_852 : i32 to index
      %get3A_861 = arith.constant 0 : index
      %get3A_862 = tpu.vector_load %arg13[%get3A_860, %get3A_861] {strides = array<i32>} : memref<256x128xf32, #tpu.memory_space<vmem>>, vector<16xf32>,
      %mul3A_863 = arith.mulf %get3A_859, %get3A_862 : vector<16xf32>
      %add3A_864 = arith.addf %broadcast_in_dim3A_854, %mul3A_863 : vector<16xf32>
      %get3A_865 = arith.index_cast %add3A_852 : i32 to index
      %get3A_866 = arith.constant 0 : index
      %get3A_867 = tpu.vector_load %arg14[%get3A_865, %get3A_866] {strides = array<i32>} : memref<256x128xf32, #tpu.memory_space<vmem>>, vector<16xf32>,
      %mul3A_868 = arith.mulf %get3A_859, %get3A_867 : vector<16xf32>
      %add3A_869 = arith.addf %broadcast_in_dim3A_856, %mul3A_868 : vector<16xf32>
      %get3A_870 = arith.index_cast %add3A_852 : i32 to index
      %get3A_871 = arith.constant 16 : index
      %get3A_872 = tpu.vector_load %arg12[%get3A_870, %get3A_871] {strides = array<i32>} : memref<256x128xf32, #tpu.memory_space<vmem>>, vector<16xf32>,
      %get3A_873 = arith.index_cast %add3A_852 : i32 to index
      %get3A_874 = arith.constant 16 : index
      %get3A_875 = tpu.vector_load %arg13[%get3A_873, %get3A_874] {strides = array<i32>} : memref<256x128xf32, #tpu.memory_space<vmem>>, vector<16xf32>,
      %mul3A_876 = arith.mulf %get3A_872, %get3A_875 : vector<16xf32>
      %add3A_877 = arith.addf %add3A_864, %mul3A_876 : vector<16xf32>
      %get3A_878 = arith.index_cast %add3A_852 : i32 to index
      %get3A_879 = arith.constant 16 : index
      %get3A_880 = tpu.vector_load %arg14[%get3A_878, %get3A_879] {strides = array<i32>} : memref<256x128xf32, #tpu.memory_space<vmem>>, vector<16xf32>,
      %mul3A_881 = arith.mulf %get3A_872, %get3A_880 : vector<16xf32>
      %add3A_882 = arith.addf %add3A_869, %mul3A_881 : vector<16xf32>
      %get3A_883 = arith.index_cast %add3A_852 : i32 to index
      %get3A_884 = arith.constant 32 : index
      %get3A_885 = tpu.vector_load %arg12[%get3A_883, %get3A_884] {strides = array<i32>} : memref<256x128xf32, #tpu.memory_space<vmem>>, vector<16xf32>,
      %get3A_886 = arith.index_cast %add3A_852 : i32 to index
      %get3A_887 = arith.constant 32 : index
      %get3A_888 = tpu.vector_load %arg13[%get3A_886, %get3A_887] {strides = array<i32>} : memref<256x128xf32, #tpu.memory_space<vmem>>, vector<16xf32>,
      %mul3A_889 = arith.mulf %get3A_885, %get3A_888 : vector<16xf32>
      %add3A_890 = arith.addf %add3A_877, %mul3A_889 : vector<16xf32>
      %get3A_891 = arith.index_cast %add3A_852 : i32 to index
      %get3A_892 = arith.constant 32 : index
      %get3A_893 = tpu.vector_load %arg14[%get3A_891, %get3A_892] {strides = array<i32>} : memref<256x128xf32, #tpu.memory_space<vmem>>, vector<16xf32>,
      %mul3A_894 = arith.mulf %get3A_885, %get3A_893 : vector<16xf32>
      %add3A_895 = arith.addf %add3A_882, %mul3A_894 : vector<16xf32>
      %get3A_896 = arith.index_cast %add3A_852 : i32 to index
      %get3A_897 = arith.constant 48 : index
      %get3A_898 = tpu.vector_load %arg12[%get3A_896, %get3A_897] {strides = array<i32>} : memref<256x128xf32, #tpu.memory_space<vmem>>, vector<16xf32>,
      %get3A_899 = arith.index_cast %add3A_852 : i32 to index
      %get3A_900 = arith.constant 48 : index
      %get3A_901 = tpu.vector_load %arg13[%get3A_899, %get3A_900] {strides = array<i32>} : memref<256x128xf32, #tpu.memory_space<vmem>>, vector<16xf32>,
      %mul3A_902 = arith.mulf %get3A_898, %get3A_901 : vector<16xf32>
      %add3A_903 = arith.addf %add3A_890, %mul3A_902 : vector<16xf32>
      %get3A_904 = arith.index_cast %add3A_852 : i32 to index
      %get3A_905 = arith.constant 48 : index
      %get3A_906 = tpu.vector_load %arg14[%get3A_904, %get3A_905] {strides = array<i32>} : memref<256x128xf32, #tpu.memory_space<vmem>>, vector<16xf32>,
      %mul3A_907 = arith.mulf %get3A_898, %get3A_906 : vector<16xf32>
      %add3A_908 = arith.addf %add3A_895, %mul3A_907 : vector<16xf32>
      %mul3A_909 = arith.constant 16 : i32
      %mul3A_910 = vector.broadcast %mul3A_909 : i32 to vector<16xi32>
      %mul3A_911 = arith.muli %iota3A, %mul3A_910 : vector<16xi32>
      %add3A_912 = arith.constant 9 : i32
      %add3A_913 = vector.broadcast %add3A_912 : i32 to vector<16xi32>
      %add3A_914 = arith.addi %mul3A_911, %add3A_913 : vector<16xi32>
      tpu.vector_store_idx %arg15[%add3A_914], %add3A_903 : memref<256xf32, #tpu.memory_space<vmem>>[vector<16xi32>], vector<16xf32>,
      tpu.vector_store_idx %arg16[%add3A_914], %add3A_908 : memref<256xf32, #tpu.memory_space<vmem>>[vector<16xi32>], vector<16xf32>,
      %add3A_915 = arith.constant 10 : i32
      %add3A_916 = arith.addi %mul3A_276, %add3A_915 : i32
      %broadcast_in_dim3A_917 = arith.constant 0.000000e+00 : f32
      %broadcast_in_dim3A_918 = vector.broadcast %broadcast_in_dim3A_917 : f32 to vector<16xf32>
      %broadcast_in_dim3A_919 = arith.constant 0.000000e+00 : f32
      %broadcast_in_dim3A_920 = vector.broadcast %broadcast_in_dim3A_919 : f32 to vector<16xf32>
      %get3A_921 = arith.index_cast %add3A_916 : i32 to index
      %get3A_922 = arith.constant 0 : index
      %get3A_923 = tpu.vector_load %arg12[%get3A_921, %get3A_922] {strides = array<i32>} : memref<256x128xf32, #tpu.memory_space<vmem>>, vector<16xf32>,
      %get3A_924 = arith.index_cast %add3A_916 : i32 to index
      %get3A_925 = arith.constant 0 : index
      %get3A_926 = tpu.vector_load %arg13[%get3A_924, %get3A_925] {strides = array<i32>} : memref<256x128xf32, #tpu.memory_space<vmem>>, vector<16xf32>,
      %mul3A_927 = arith.mulf %get3A_923, %get3A_926 : vector<16xf32>
      %add3A_928 = arith.addf %broadcast_in_dim3A_918, %mul3A_927 : vector<16xf32>
      %get3A_929 = arith.index_cast %add3A_916 : i32 to index
      %get3A_930 = arith.constant 0 : index
      %get3A_931 = tpu.vector_load %arg14[%get3A_929, %get3A_930] {strides = array<i32>} : memref<256x128xf32, #tpu.memory_space<vmem>>, vector<16xf32>,
      %mul3A_932 = arith.mulf %get3A_923, %get3A_931 : vector<16xf32>
      %add3A_933 = arith.addf %broadcast_in_dim3A_920, %mul3A_932 : vector<16xf32>
      %get3A_934 = arith.index_cast %add3A_916 : i32 to index
      %get3A_935 = arith.constant 16 : index
      %get3A_936 = tpu.vector_load %arg12[%get3A_934, %get3A_935] {strides = array<i32>} : memref<256x128xf32, #tpu.memory_space<vmem>>, vector<16xf32>,
      %get3A_937 = arith.index_cast %add3A_916 : i32 to index
      %get3A_938 = arith.constant 16 : index
      %get3A_939 = tpu.vector_load %arg13[%get3A_937, %get3A_938] {strides = array<i32>} : memref<256x128xf32, #tpu.memory_space<vmem>>, vector<16xf32>,
      %mul3A_940 = arith.mulf %get3A_936, %get3A_939 : vector<16xf32>
      %add3A_941 = arith.addf %add3A_928, %mul3A_940 : vector<16xf32>
      %get3A_942 = arith.index_cast %add3A_916 : i32 to index
      %get3A_943 = arith.constant 16 : index
      %get3A_944 = tpu.vector_load %arg14[%get3A_942, %get3A_943] {strides = array<i32>} : memref<256x128xf32, #tpu.memory_space<vmem>>, vector<16xf32>,
      %mul3A_945 = arith.mulf %get3A_936, %get3A_944 : vector<16xf32>
      %add3A_946 = arith.addf %add3A_933, %mul3A_945 : vector<16xf32>
      %get3A_947 = arith.index_cast %add3A_916 : i32 to index
      %get3A_948 = arith.constant 32 : index
      %get3A_949 = tpu.vector_load %arg12[%get3A_947, %get3A_948] {strides = array<i32>} : memref<256x128xf32, #tpu.memory_space<vmem>>, vector<16xf32>,
      %get3A_950 = arith.index_cast %add3A_916 : i32 to index
      %get3A_951 = arith.constant 32 : index
      %get3A_952 = tpu.vector_load %arg13[%get3A_950, %get3A_951] {strides = array<i32>} : memref<256x128xf32, #tpu.memory_space<vmem>>, vector<16xf32>,
      %mul3A_953 = arith.mulf %get3A_949, %get3A_952 : vector<16xf32>
      %add3A_954 = arith.addf %add3A_941, %mul3A_953 : vector<16xf32>
      %get3A_955 = arith.index_cast %add3A_916 : i32 to index
      %get3A_956 = arith.constant 32 : index
      %get3A_957 = tpu.vector_load %arg14[%get3A_955, %get3A_956] {strides = array<i32>} : memref<256x128xf32, #tpu.memory_space<vmem>>, vector<16xf32>,
      %mul3A_958 = arith.mulf %get3A_949, %get3A_957 : vector<16xf32>
      %add3A_959 = arith.addf %add3A_946, %mul3A_958 : vector<16xf32>
      %get3A_960 = arith.index_cast %add3A_916 : i32 to index
      %get3A_961 = arith.constant 48 : index
      %get3A_962 = tpu.vector_load %arg12[%get3A_960, %get3A_961] {strides = array<i32>} : memref<256x128xf32, #tpu.memory_space<vmem>>, vector<16xf32>,
      %get3A_963 = arith.index_cast %add3A_916 : i32 to index
      %get3A_964 = arith.constant 48 : index
      %get3A_965 = tpu.vector_load %arg13[%get3A_963, %get3A_964] {strides = array<i32>} : memref<256x128xf32, #tpu.memory_space<vmem>>, vector<16xf32>,
      %mul3A_966 = arith.mulf %get3A_962, %get3A_965 : vector<16xf32>
      %add3A_967 = arith.addf %add3A_954, %mul3A_966 : vector<16xf32>
      %get3A_968 = arith.index_cast %add3A_916 : i32 to index
      %get3A_969 = arith.constant 48 : index
      %get3A_970 = tpu.vector_load %arg14[%get3A_968, %get3A_969] {strides = array<i32>} : memref<256x128xf32, #tpu.memory_space<vmem>>, vector<16xf32>,
      %mul3A_971 = arith.mulf %get3A_962, %get3A_970 : vector<16xf32>
      %add3A_972 = arith.addf %add3A_959, %mul3A_971 : vector<16xf32>
      %mul3A_973 = arith.constant 16 : i32
      %mul3A_974 = vector.broadcast %mul3A_973 : i32 to vector<16xi32>
      %mul3A_975 = arith.muli %iota3A, %mul3A_974 : vector<16xi32>
      %add3A_976 = arith.constant 10 : i32
      %add3A_977 = vector.broadcast %add3A_976 : i32 to vector<16xi32>
      %add3A_978 = arith.addi %mul3A_975, %add3A_977 : vector<16xi32>
      tpu.vector_store_idx %arg15[%add3A_978], %add3A_967 : memref<256xf32, #tpu.memory_space<vmem>>[vector<16xi32>], vector<16xf32>,
      tpu.vector_store_idx %arg16[%add3A_978], %add3A_972 : memref<256xf32, #tpu.memory_space<vmem>>[vector<16xi32>], vector<16xf32>,
      %add3A_979 = arith.constant 11 : i32
      %add3A_980 = arith.addi %mul3A_276, %add3A_979 : i32
      %broadcast_in_dim3A_981 = arith.constant 0.000000e+00 : f32
      %broadcast_in_dim3A_982 = vector.broadcast %broadcast_in_dim3A_981 : f32 to vector<16xf32>
      %broadcast_in_dim3A_983 = arith.constant 0.000000e+00 : f32
      %broadcast_in_dim3A_984 = vector.broadcast %broadcast_in_dim3A_983 : f32 to vector<16xf32>
      %get3A_985 = arith.index_cast %add3A_980 : i32 to index
      %get3A_986 = arith.constant 0 : index
      %get3A_987 = tpu.vector_load %arg12[%get3A_985, %get3A_986] {strides = array<i32>} : memref<256x128xf32, #tpu.memory_space<vmem>>, vector<16xf32>,
      %get3A_988 = arith.index_cast %add3A_980 : i32 to index
      %get3A_989 = arith.constant 0 : index
      %get3A_990 = tpu.vector_load %arg13[%get3A_988, %get3A_989] {strides = array<i32>} : memref<256x128xf32, #tpu.memory_space<vmem>>, vector<16xf32>,
      %mul3A_991 = arith.mulf %get3A_987, %get3A_990 : vector<16xf32>
      %add3A_992 = arith.addf %broadcast_in_dim3A_982, %mul3A_991 : vector<16xf32>
      %get3A_993 = arith.index_cast %add3A_980 : i32 to index
      %get3A_994 = arith.constant 0 : index
      %get3A_995 = tpu.vector_load %arg14[%get3A_993, %get3A_994] {strides = array<i32>} : memref<256x128xf32, #tpu.memory_space<vmem>>, vector<16xf32>,
      %mul3A_996 = arith.mulf %get3A_987, %get3A_995 : vector<16xf32>
      %add3A_997 = arith.addf %broadcast_in_dim3A_984, %mul3A_996 : vector<16xf32>
      %get3A_998 = arith.index_cast %add3A_980 : i32 to index
      %get3A_999 = arith.constant 16 : index
      %get3A_1000 = tpu.vector_load %arg12[%get3A_998, %get3A_999] {strides = array<i32>} : memref<256x128xf32, #tpu.memory_space<vmem>>, vector<16xf32>,
      %get3A_1001 = arith.index_cast %add3A_980 : i32 to index
      %get3A_1002 = arith.constant 16 : index
      %get3A_1003 = tpu.vector_load %arg13[%get3A_1001, %get3A_1002] {strides = array<i32>} : memref<256x128xf32, #tpu.memory_space<vmem>>, vector<16xf32>,
      %mul3A_1004 = arith.mulf %get3A_1000, %get3A_1003 : vector<16xf32>
      %add3A_1005 = arith.addf %add3A_992, %mul3A_1004 : vector<16xf32>
      %get3A_1006 = arith.index_cast %add3A_980 : i32 to index
      %get3A_1007 = arith.constant 16 : index
      %get3A_1008 = tpu.vector_load %arg14[%get3A_1006, %get3A_1007] {strides = array<i32>} : memref<256x128xf32, #tpu.memory_space<vmem>>, vector<16xf32>,
      %mul3A_1009 = arith.mulf %get3A_1000, %get3A_1008 : vector<16xf32>
      %add3A_1010 = arith.addf %add3A_997, %mul3A_1009 : vector<16xf32>
      %get3A_1011 = arith.index_cast %add3A_980 : i32 to index
      %get3A_1012 = arith.constant 32 : index
      %get3A_1013 = tpu.vector_load %arg12[%get3A_1011, %get3A_1012] {strides = array<i32>} : memref<256x128xf32, #tpu.memory_space<vmem>>, vector<16xf32>,
      %get3A_1014 = arith.index_cast %add3A_980 : i32 to index
      %get3A_1015 = arith.constant 32 : index
      %get3A_1016 = tpu.vector_load %arg13[%get3A_1014, %get3A_1015] {strides = array<i32>} : memref<256x128xf32, #tpu.memory_space<vmem>>, vector<16xf32>,
      %mul3A_1017 = arith.mulf %get3A_1013, %get3A_1016 : vector<16xf32>
      %add3A_1018 = arith.addf %add3A_1005, %mul3A_1017 : vector<16xf32>
      %get3A_1019 = arith.index_cast %add3A_980 : i32 to index
      %get3A_1020 = arith.constant 32 : index
      %get3A_1021 = tpu.vector_load %arg14[%get3A_1019, %get3A_1020] {strides = array<i32>} : memref<256x128xf32, #tpu.memory_space<vmem>>, vector<16xf32>,
      %mul3A_1022 = arith.mulf %get3A_1013, %get3A_1021 : vector<16xf32>
      %add3A_1023 = arith.addf %add3A_1010, %mul3A_1022 : vector<16xf32>
      %get3A_1024 = arith.index_cast %add3A_980 : i32 to index
      %get3A_1025 = arith.constant 48 : index
      %get3A_1026 = tpu.vector_load %arg12[%get3A_1024, %get3A_1025] {strides = array<i32>} : memref<256x128xf32, #tpu.memory_space<vmem>>, vector<16xf32>,
      %get3A_1027 = arith.index_cast %add3A_980 : i32 to index
      %get3A_1028 = arith.constant 48 : index
      %get3A_1029 = tpu.vector_load %arg13[%get3A_1027, %get3A_1028] {strides = array<i32>} : memref<256x128xf32, #tpu.memory_space<vmem>>, vector<16xf32>,
      %mul3A_1030 = arith.mulf %get3A_1026, %get3A_1029 : vector<16xf32>
      %add3A_1031 = arith.addf %add3A_1018, %mul3A_1030 : vector<16xf32>
      %get3A_1032 = arith.index_cast %add3A_980 : i32 to index
      %get3A_1033 = arith.constant 48 : index
      %get3A_1034 = tpu.vector_load %arg14[%get3A_1032, %get3A_1033] {strides = array<i32>} : memref<256x128xf32, #tpu.memory_space<vmem>>, vector<16xf32>,
      %mul3A_1035 = arith.mulf %get3A_1026, %get3A_1034 : vector<16xf32>
      %add3A_1036 = arith.addf %add3A_1023, %mul3A_1035 : vector<16xf32>
      %mul3A_1037 = arith.constant 16 : i32
      %mul3A_1038 = vector.broadcast %mul3A_1037 : i32 to vector<16xi32>
      %mul3A_1039 = arith.muli %iota3A, %mul3A_1038 : vector<16xi32>
      %add3A_1040 = arith.constant 11 : i32
      %add3A_1041 = vector.broadcast %add3A_1040 : i32 to vector<16xi32>
      %add3A_1042 = arith.addi %mul3A_1039, %add3A_1041 : vector<16xi32>
      tpu.vector_store_idx %arg15[%add3A_1042], %add3A_1031 : memref<256xf32, #tpu.memory_space<vmem>>[vector<16xi32>], vector<16xf32>,
      tpu.vector_store_idx %arg16[%add3A_1042], %add3A_1036 : memref<256xf32, #tpu.memory_space<vmem>>[vector<16xi32>], vector<16xf32>,
      %add3A_1043 = arith.constant 12 : i32
      %add3A_1044 = arith.addi %mul3A_276, %add3A_1043 : i32
      %broadcast_in_dim3A_1045 = arith.constant 0.000000e+00 : f32
      %broadcast_in_dim3A_1046 = vector.broadcast %broadcast_in_dim3A_1045 : f32 to vector<16xf32>
      %broadcast_in_dim3A_1047 = arith.constant 0.000000e+00 : f32
      %broadcast_in_dim3A_1048 = vector.broadcast %broadcast_in_dim3A_1047 : f32 to vector<16xf32>
      %get3A_1049 = arith.index_cast %add3A_1044 : i32 to index
      %get3A_1050 = arith.constant 0 : index
      %get3A_1051 = tpu.vector_load %arg12[%get3A_1049, %get3A_1050] {strides = array<i32>} : memref<256x128xf32, #tpu.memory_space<vmem>>, vector<16xf32>,
      %get3A_1052 = arith.index_cast %add3A_1044 : i32 to index
      %get3A_1053 = arith.constant 0 : index
      %get3A_1054 = tpu.vector_load %arg13[%get3A_1052, %get3A_1053] {strides = array<i32>} : memref<256x128xf32, #tpu.memory_space<vmem>>, vector<16xf32>,
      %mul3A_1055 = arith.mulf %get3A_1051, %get3A_1054 : vector<16xf32>
      %add3A_1056 = arith.addf %broadcast_in_dim3A_1046, %mul3A_1055 : vector<16xf32>
      %get3A_1057 = arith.index_cast %add3A_1044 : i32 to index
      %get3A_1058 = arith.constant 0 : index
      %get3A_1059 = tpu.vector_load %arg14[%get3A_1057, %get3A_1058] {strides = array<i32>} : memref<256x128xf32, #tpu.memory_space<vmem>>, vector<16xf32>,
      %mul3A_1060 = arith.mulf %get3A_1051, %get3A_1059 : vector<16xf32>
      %add3A_1061 = arith.addf %broadcast_in_dim3A_1048, %mul3A_1060 : vector<16xf32>
      %get3A_1062 = arith.index_cast %add3A_1044 : i32 to index
      %get3A_1063 = arith.constant 16 : index
      %get3A_1064 = tpu.vector_load %arg12[%get3A_1062, %get3A_1063] {strides = array<i32>} : memref<256x128xf32, #tpu.memory_space<vmem>>, vector<16xf32>,
      %get3A_1065 = arith.index_cast %add3A_1044 : i32 to index
      %get3A_1066 = arith.constant 16 : index
      %get3A_1067 = tpu.vector_load %arg13[%get3A_1065, %get3A_1066] {strides = array<i32>} : memref<256x128xf32, #tpu.memory_space<vmem>>, vector<16xf32>,
      %mul3A_1068 = arith.mulf %get3A_1064, %get3A_1067 : vector<16xf32>
      %add3A_1069 = arith.addf %add3A_1056, %mul3A_1068 : vector<16xf32>
      %get3A_1070 = arith.index_cast %add3A_1044 : i32 to index
      %get3A_1071 = arith.constant 16 : index
      %get3A_1072 = tpu.vector_load %arg14[%get3A_1070, %get3A_1071] {strides = array<i32>} : memref<256x128xf32, #tpu.memory_space<vmem>>, vector<16xf32>,
      %mul3A_1073 = arith.mulf %get3A_1064, %get3A_1072 : vector<16xf32>
      %add3A_1074 = arith.addf %add3A_1061, %mul3A_1073 : vector<16xf32>
      %get3A_1075 = arith.index_cast %add3A_1044 : i32 to index
      %get3A_1076 = arith.constant 32 : index
      %get3A_1077 = tpu.vector_load %arg12[%get3A_1075, %get3A_1076] {strides = array<i32>} : memref<256x128xf32, #tpu.memory_space<vmem>>, vector<16xf32>,
      %get3A_1078 = arith.index_cast %add3A_1044 : i32 to index
      %get3A_1079 = arith.constant 32 : index
      %get3A_1080 = tpu.vector_load %arg13[%get3A_1078, %get3A_1079] {strides = array<i32>} : memref<256x128xf32, #tpu.memory_space<vmem>>, vector<16xf32>,
      %mul3A_1081 = arith.mulf %get3A_1077, %get3A_1080 : vector<16xf32>
      %add3A_1082 = arith.addf %add3A_1069, %mul3A_1081 : vector<16xf32>
      %get3A_1083 = arith.index_cast %add3A_1044 : i32 to index
      %get3A_1084 = arith.constant 32 : index
      %get3A_1085 = tpu.vector_load %arg14[%get3A_1083, %get3A_1084] {strides = array<i32>} : memref<256x128xf32, #tpu.memory_space<vmem>>, vector<16xf32>,
      %mul3A_1086 = arith.mulf %get3A_1077, %get3A_1085 : vector<16xf32>
      %add3A_1087 = arith.addf %add3A_1074, %mul3A_1086 : vector<16xf32>
      %get3A_1088 = arith.index_cast %add3A_1044 : i32 to index
      %get3A_1089 = arith.constant 48 : index
      %get3A_1090 = tpu.vector_load %arg12[%get3A_1088, %get3A_1089] {strides = array<i32>} : memref<256x128xf32, #tpu.memory_space<vmem>>, vector<16xf32>,
      %get3A_1091 = arith.index_cast %add3A_1044 : i32 to index
      %get3A_1092 = arith.constant 48 : index
      %get3A_1093 = tpu.vector_load %arg13[%get3A_1091, %get3A_1092] {strides = array<i32>} : memref<256x128xf32, #tpu.memory_space<vmem>>, vector<16xf32>,
      %mul3A_1094 = arith.mulf %get3A_1090, %get3A_1093 : vector<16xf32>
      %add3A_1095 = arith.addf %add3A_1082, %mul3A_1094 : vector<16xf32>
      %get3A_1096 = arith.index_cast %add3A_1044 : i32 to index
      %get3A_1097 = arith.constant 48 : index
      %get3A_1098 = tpu.vector_load %arg14[%get3A_1096, %get3A_1097] {strides = array<i32>} : memref<256x128xf32, #tpu.memory_space<vmem>>, vector<16xf32>,
      %mul3A_1099 = arith.mulf %get3A_1090, %get3A_1098 : vector<16xf32>
      %add3A_1100 = arith.addf %add3A_1087, %mul3A_1099 : vector<16xf32>
      %mul3A_1101 = arith.constant 16 : i32
      %mul3A_1102 = vector.broadcast %mul3A_1101 : i32 to vector<16xi32>
      %mul3A_1103 = arith.muli %iota3A, %mul3A_1102 : vector<16xi32>
      %add3A_1104 = arith.constant 12 : i32
      %add3A_1105 = vector.broadcast %add3A_1104 : i32 to vector<16xi32>
      %add3A_1106 = arith.addi %mul3A_1103, %add3A_1105 : vector<16xi32>
      tpu.vector_store_idx %arg15[%add3A_1106], %add3A_1095 : memref<256xf32, #tpu.memory_space<vmem>>[vector<16xi32>], vector<16xf32>,
      tpu.vector_store_idx %arg16[%add3A_1106], %add3A_1100 : memref<256xf32, #tpu.memory_space<vmem>>[vector<16xi32>], vector<16xf32>,
      %add3A_1107 = arith.constant 13 : i32
      %add3A_1108 = arith.addi %mul3A_276, %add3A_1107 : i32
      %broadcast_in_dim3A_1109 = arith.constant 0.000000e+00 : f32
      %broadcast_in_dim3A_1110 = vector.broadcast %broadcast_in_dim3A_1109 : f32 to vector<16xf32>
      %broadcast_in_dim3A_1111 = arith.constant 0.000000e+00 : f32
      %broadcast_in_dim3A_1112 = vector.broadcast %broadcast_in_dim3A_1111 : f32 to vector<16xf32>
      %get3A_1113 = arith.index_cast %add3A_1108 : i32 to index
      %get3A_1114 = arith.constant 0 : index
      %get3A_1115 = tpu.vector_load %arg12[%get3A_1113, %get3A_1114] {strides = array<i32>} : memref<256x128xf32, #tpu.memory_space<vmem>>, vector<16xf32>,
      %get3A_1116 = arith.index_cast %add3A_1108 : i32 to index
      %get3A_1117 = arith.constant 0 : index
      %get3A_1118 = tpu.vector_load %arg13[%get3A_1116, %get3A_1117] {strides = array<i32>} : memref<256x128xf32, #tpu.memory_space<vmem>>, vector<16xf32>,
      %mul3A_1119 = arith.mulf %get3A_1115, %get3A_1118 : vector<16xf32>
      %add3A_1120 = arith.addf %broadcast_in_dim3A_1110, %mul3A_1119 : vector<16xf32>
      %get3A_1121 = arith.index_cast %add3A_1108 : i32 to index
      %get3A_1122 = arith.constant 0 : index
      %get3A_1123 = tpu.vector_load %arg14[%get3A_1121, %get3A_1122] {strides = array<i32>} : memref<256x128xf32, #tpu.memory_space<vmem>>, vector<16xf32>,
      %mul3A_1124 = arith.mulf %get3A_1115, %get3A_1123 : vector<16xf32>
      %add3A_1125 = arith.addf %broadcast_in_dim3A_1112, %mul3A_1124 : vector<16xf32>
      %get3A_1126 = arith.index_cast %add3A_1108 : i32 to index
      %get3A_1127 = arith.constant 16 : index
      %get3A_1128 = tpu.vector_load %arg12[%get3A_1126, %get3A_1127] {strides = array<i32>} : memref<256x128xf32, #tpu.memory_space<vmem>>, vector<16xf32>,
      %get3A_1129 = arith.index_cast %add3A_1108 : i32 to index
      %get3A_1130 = arith.constant 16 : index
      %get3A_1131 = tpu.vector_load %arg13[%get3A_1129, %get3A_1130] {strides = array<i32>} : memref<256x128xf32, #tpu.memory_space<vmem>>, vector<16xf32>,
      %mul3A_1132 = arith.mulf %get3A_1128, %get3A_1131 : vector<16xf32>
      %add3A_1133 = arith.addf %add3A_1120, %mul3A_1132 : vector<16xf32>
      %get3A_1134 = arith.index_cast %add3A_1108 : i32 to index
      %get3A_1135 = arith.constant 16 : index
      %get3A_1136 = tpu.vector_load %arg14[%get3A_1134, %get3A_1135] {strides = array<i32>} : memref<256x128xf32, #tpu.memory_space<vmem>>, vector<16xf32>,
      %mul3A_1137 = arith.mulf %get3A_1128, %get3A_1136 : vector<16xf32>
      %add3A_1138 = arith.addf %add3A_1125, %mul3A_1137 : vector<16xf32>
      %get3A_1139 = arith.index_cast %add3A_1108 : i32 to index
      %get3A_1140 = arith.constant 32 : index
      %get3A_1141 = tpu.vector_load %arg12[%get3A_1139, %get3A_1140] {strides = array<i32>} : memref<256x128xf32, #tpu.memory_space<vmem>>, vector<16xf32>,
      %get3A_1142 = arith.index_cast %add3A_1108 : i32 to index
      %get3A_1143 = arith.constant 32 : index
      %get3A_1144 = tpu.vector_load %arg13[%get3A_1142, %get3A_1143] {strides = array<i32>} : memref<256x128xf32, #tpu.memory_space<vmem>>, vector<16xf32>,
      %mul3A_1145 = arith.mulf %get3A_1141, %get3A_1144 : vector<16xf32>
      %add3A_1146 = arith.addf %add3A_1133, %mul3A_1145 : vector<16xf32>
      %get3A_1147 = arith.index_cast %add3A_1108 : i32 to index
      %get3A_1148 = arith.constant 32 : index
      %get3A_1149 = tpu.vector_load %arg14[%get3A_1147, %get3A_1148] {strides = array<i32>} : memref<256x128xf32, #tpu.memory_space<vmem>>, vector<16xf32>,
      %mul3A_1150 = arith.mulf %get3A_1141, %get3A_1149 : vector<16xf32>
      %add3A_1151 = arith.addf %add3A_1138, %mul3A_1150 : vector<16xf32>
      %get3A_1152 = arith.index_cast %add3A_1108 : i32 to index
      %get3A_1153 = arith.constant 48 : index
      %get3A_1154 = tpu.vector_load %arg12[%get3A_1152, %get3A_1153] {strides = array<i32>} : memref<256x128xf32, #tpu.memory_space<vmem>>, vector<16xf32>,
      %get3A_1155 = arith.index_cast %add3A_1108 : i32 to index
      %get3A_1156 = arith.constant 48 : index
      %get3A_1157 = tpu.vector_load %arg13[%get3A_1155, %get3A_1156] {strides = array<i32>} : memref<256x128xf32, #tpu.memory_space<vmem>>, vector<16xf32>,
      %mul3A_1158 = arith.mulf %get3A_1154, %get3A_1157 : vector<16xf32>
      %add3A_1159 = arith.addf %add3A_1146, %mul3A_1158 : vector<16xf32>
      %get3A_1160 = arith.index_cast %add3A_1108 : i32 to index
      %get3A_1161 = arith.constant 48 : index
      %get3A_1162 = tpu.vector_load %arg14[%get3A_1160, %get3A_1161] {strides = array<i32>} : memref<256x128xf32, #tpu.memory_space<vmem>>, vector<16xf32>,
      %mul3A_1163 = arith.mulf %get3A_1154, %get3A_1162 : vector<16xf32>
      %add3A_1164 = arith.addf %add3A_1151, %mul3A_1163 : vector<16xf32>
      %mul3A_1165 = arith.constant 16 : i32
      %mul3A_1166 = vector.broadcast %mul3A_1165 : i32 to vector<16xi32>
      %mul3A_1167 = arith.muli %iota3A, %mul3A_1166 : vector<16xi32>
      %add3A_1168 = arith.constant 13 : i32
      %add3A_1169 = vector.broadcast %add3A_1168 : i32 to vector<16xi32>
      %add3A_1170 = arith.addi %mul3A_1167, %add3A_1169 : vector<16xi32>
      tpu.vector_store_idx %arg15[%add3A_1170], %add3A_1159 : memref<256xf32, #tpu.memory_space<vmem>>[vector<16xi32>], vector<16xf32>,
      tpu.vector_store_idx %arg16[%add3A_1170], %add3A_1164 : memref<256xf32, #tpu.memory_space<vmem>>[vector<16xi32>], vector<16xf32>,
      %add3A_1171 = arith.constant 14 : i32
      %add3A_1172 = arith.addi %mul3A_276, %add3A_1171 : i32
      %broadcast_in_dim3A_1173 = arith.constant 0.000000e+00 : f32
      %broadcast_in_dim3A_1174 = vector.broadcast %broadcast_in_dim3A_1173 : f32 to vector<16xf32>
      %broadcast_in_dim3A_1175 = arith.constant 0.000000e+00 : f32
      %broadcast_in_dim3A_1176 = vector.broadcast %broadcast_in_dim3A_1175 : f32 to vector<16xf32>
      %get3A_1177 = arith.index_cast %add3A_1172 : i32 to index
      %get3A_1178 = arith.constant 0 : index
      %get3A_1179 = tpu.vector_load %arg12[%get3A_1177, %get3A_1178] {strides = array<i32>} : memref<256x128xf32, #tpu.memory_space<vmem>>, vector<16xf32>,
      %get3A_1180 = arith.index_cast %add3A_1172 : i32 to index
      %get3A_1181 = arith.constant 0 : index
      %get3A_1182 = tpu.vector_load %arg13[%get3A_1180, %get3A_1181] {strides = array<i32>} : memref<256x128xf32, #tpu.memory_space<vmem>>, vector<16xf32>,
      %mul3A_1183 = arith.mulf %get3A_1179, %get3A_1182 : vector<16xf32>
      %add3A_1184 = arith.addf %broadcast_in_dim3A_1174, %mul3A_1183 : vector<16xf32>
      %get3A_1185 = arith.index_cast %add3A_1172 : i32 to index
      %get3A_1186 = arith.constant 0 : index
      %get3A_1187 = tpu.vector_load %arg14[%get3A_1185, %get3A_1186] {strides = array<i32>} : memref<256x128xf32, #tpu.memory_space<vmem>>, vector<16xf32>,
      %mul3A_1188 = arith.mulf %get3A_1179, %get3A_1187 : vector<16xf32>
      %add3A_1189 = arith.addf %broadcast_in_dim3A_1176, %mul3A_1188 : vector<16xf32>
      %get3A_1190 = arith.index_cast %add3A_1172 : i32 to index
      %get3A_1191 = arith.constant 16 : index
      %get3A_1192 = tpu.vector_load %arg12[%get3A_1190, %get3A_1191] {strides = array<i32>} : memref<256x128xf32, #tpu.memory_space<vmem>>, vector<16xf32>,
      %get3A_1193 = arith.index_cast %add3A_1172 : i32 to index
      %get3A_1194 = arith.constant 16 : index
      %get3A_1195 = tpu.vector_load %arg13[%get3A_1193, %get3A_1194] {strides = array<i32>} : memref<256x128xf32, #tpu.memory_space<vmem>>, vector<16xf32>,
      %mul3A_1196 = arith.mulf %get3A_1192, %get3A_1195 : vector<16xf32>
      %add3A_1197 = arith.addf %add3A_1184, %mul3A_1196 : vector<16xf32>
      %get3A_1198 = arith.index_cast %add3A_1172 : i32 to index
      %get3A_1199 = arith.constant 16 : index
      %get3A_1200 = tpu.vector_load %arg14[%get3A_1198, %get3A_1199] {strides = array<i32>} : memref<256x128xf32, #tpu.memory_space<vmem>>, vector<16xf32>,
      %mul3A_1201 = arith.mulf %get3A_1192, %get3A_1200 : vector<16xf32>
      %add3A_1202 = arith.addf %add3A_1189, %mul3A_1201 : vector<16xf32>
      %get3A_1203 = arith.index_cast %add3A_1172 : i32 to index
      %get3A_1204 = arith.constant 32 : index
      %get3A_1205 = tpu.vector_load %arg12[%get3A_1203, %get3A_1204] {strides = array<i32>} : memref<256x128xf32, #tpu.memory_space<vmem>>, vector<16xf32>,
      %get3A_1206 = arith.index_cast %add3A_1172 : i32 to index
      %get3A_1207 = arith.constant 32 : index
      %get3A_1208 = tpu.vector_load %arg13[%get3A_1206, %get3A_1207] {strides = array<i32>} : memref<256x128xf32, #tpu.memory_space<vmem>>, vector<16xf32>,
      %mul3A_1209 = arith.mulf %get3A_1205, %get3A_1208 : vector<16xf32>
      %add3A_1210 = arith.addf %add3A_1197, %mul3A_1209 : vector<16xf32>
      %get3A_1211 = arith.index_cast %add3A_1172 : i32 to index
      %get3A_1212 = arith.constant 32 : index
      %get3A_1213 = tpu.vector_load %arg14[%get3A_1211, %get3A_1212] {strides = array<i32>} : memref<256x128xf32, #tpu.memory_space<vmem>>, vector<16xf32>,
      %mul3A_1214 = arith.mulf %get3A_1205, %get3A_1213 : vector<16xf32>
      %add3A_1215 = arith.addf %add3A_1202, %mul3A_1214 : vector<16xf32>
      %get3A_1216 = arith.index_cast %add3A_1172 : i32 to index
      %get3A_1217 = arith.constant 48 : index
      %get3A_1218 = tpu.vector_load %arg12[%get3A_1216, %get3A_1217] {strides = array<i32>} : memref<256x128xf32, #tpu.memory_space<vmem>>, vector<16xf32>,
      %get3A_1219 = arith.index_cast %add3A_1172 : i32 to index
      %get3A_1220 = arith.constant 48 : index
      %get3A_1221 = tpu.vector_load %arg13[%get3A_1219, %get3A_1220] {strides = array<i32>} : memref<256x128xf32, #tpu.memory_space<vmem>>, vector<16xf32>,
      %mul3A_1222 = arith.mulf %get3A_1218, %get3A_1221 : vector<16xf32>
      %add3A_1223 = arith.addf %add3A_1210, %mul3A_1222 : vector<16xf32>
      %get3A_1224 = arith.index_cast %add3A_1172 : i32 to index
      %get3A_1225 = arith.constant 48 : index
      %get3A_1226 = tpu.vector_load %arg14[%get3A_1224, %get3A_1225] {strides = array<i32>} : memref<256x128xf32, #tpu.memory_space<vmem>>, vector<16xf32>,
      %mul3A_1227 = arith.mulf %get3A_1218, %get3A_1226 : vector<16xf32>
      %add3A_1228 = arith.addf %add3A_1215, %mul3A_1227 : vector<16xf32>
      %mul3A_1229 = arith.constant 16 : i32
      %mul3A_1230 = vector.broadcast %mul3A_1229 : i32 to vector<16xi32>
      %mul3A_1231 = arith.muli %iota3A, %mul3A_1230 : vector<16xi32>
      %add3A_1232 = arith.constant 14 : i32
      %add3A_1233 = vector.broadcast %add3A_1232 : i32 to vector<16xi32>
      %add3A_1234 = arith.addi %mul3A_1231, %add3A_1233 : vector<16xi32>
      tpu.vector_store_idx %arg15[%add3A_1234], %add3A_1223 : memref<256xf32, #tpu.memory_space<vmem>>[vector<16xi32>], vector<16xf32>,
      tpu.vector_store_idx %arg16[%add3A_1234], %add3A_1228 : memref<256xf32, #tpu.memory_space<vmem>>[vector<16xi32>], vector<16xf32>,
      %add3A_1235 = arith.constant 15 : i32
      %add3A_1236 = arith.addi %mul3A_276, %add3A_1235 : i32
      %broadcast_in_dim3A_1237 = arith.constant 0.000000e+00 : f32
      %broadcast_in_dim3A_1238 = vector.broadcast %broadcast_in_dim3A_1237 : f32 to vector<16xf32>
      %broadcast_in_dim3A_1239 = arith.constant 0.000000e+00 : f32
      %broadcast_in_dim3A_1240 = vector.broadcast %broadcast_in_dim3A_1239 : f32 to vector<16xf32>
      %get3A_1241 = arith.index_cast %add3A_1236 : i32 to index
      %get3A_1242 = arith.constant 0 : index
      %get3A_1243 = tpu.vector_load %arg12[%get3A_1241, %get3A_1242] {strides = array<i32>} : memref<256x128xf32, #tpu.memory_space<vmem>>, vector<16xf32>,
      %get3A_1244 = arith.index_cast %add3A_1236 : i32 to index
      %get3A_1245 = arith.constant 0 : index
      %get3A_1246 = tpu.vector_load %arg13[%get3A_1244, %get3A_1245] {strides = array<i32>} : memref<256x128xf32, #tpu.memory_space<vmem>>, vector<16xf32>,
      %mul3A_1247 = arith.mulf %get3A_1243, %get3A_1246 : vector<16xf32>
      %add3A_1248 = arith.addf %broadcast_in_dim3A_1238, %mul3A_1247 : vector<16xf32>
      %get3A_1249 = arith.index_cast %add3A_1236 : i32 to index
      %get3A_1250 = arith.constant 0 : index
      %get3A_1251 = tpu.vector_load %arg14[%get3A_1249, %get3A_1250] {strides = array<i32>} : memref<256x128xf32, #tpu.memory_space<vmem>>, vector<16xf32>,
      %mul3A_1252 = arith.mulf %get3A_1243, %get3A_1251 : vector<16xf32>
      %add3A_1253 = arith.addf %broadcast_in_dim3A_1240, %mul3A_1252 : vector<16xf32>
      %get3A_1254 = arith.index_cast %add3A_1236 : i32 to index
      %get3A_1255 = arith.constant 16 : index
      %get3A_1256 = tpu.vector_load %arg12[%get3A_1254, %get3A_1255] {strides = array<i32>} : memref<256x128xf32, #tpu.memory_space<vmem>>, vector<16xf32>,
      %get3A_1257 = arith.index_cast %add3A_1236 : i32 to index
      %get3A_1258 = arith.constant 16 : index
      %get3A_1259 = tpu.vector_load %arg13[%get3A_1257, %get3A_1258] {strides = array<i32>} : memref<256x128xf32, #tpu.memory_space<vmem>>, vector<16xf32>,
      %mul3A_1260 = arith.mulf %get3A_1256, %get3A_1259 : vector<16xf32>
      %add3A_1261 = arith.addf %add3A_1248, %mul3A_1260 : vector<16xf32>
      %get3A_1262 = arith.index_cast %add3A_1236 : i32 to index
      %get3A_1263 = arith.constant 16 : index
      %get3A_1264 = tpu.vector_load %arg14[%get3A_1262, %get3A_1263] {strides = array<i32>} : memref<256x128xf32, #tpu.memory_space<vmem>>, vector<16xf32>,
      %mul3A_1265 = arith.mulf %get3A_1256, %get3A_1264 : vector<16xf32>
      %add3A_1266 = arith.addf %add3A_1253, %mul3A_1265 : vector<16xf32>
      %get3A_1267 = arith.index_cast %add3A_1236 : i32 to index
      %get3A_1268 = arith.constant 32 : index
      %get3A_1269 = tpu.vector_load %arg12[%get3A_1267, %get3A_1268] {strides = array<i32>} : memref<256x128xf32, #tpu.memory_space<vmem>>, vector<16xf32>,
      %get3A_1270 = arith.index_cast %add3A_1236 : i32 to index
      %get3A_1271 = arith.constant 32 : index
      %get3A_1272 = tpu.vector_load %arg13[%get3A_1270, %get3A_1271] {strides = array<i32>} : memref<256x128xf32, #tpu.memory_space<vmem>>, vector<16xf32>,
      %mul3A_1273 = arith.mulf %get3A_1269, %get3A_1272 : vector<16xf32>
      %add3A_1274 = arith.addf %add3A_1261, %mul3A_1273 : vector<16xf32>
      %get3A_1275 = arith.index_cast %add3A_1236 : i32 to index
      %get3A_1276 = arith.constant 32 : index
      %get3A_1277 = tpu.vector_load %arg14[%get3A_1275, %get3A_1276] {strides = array<i32>} : memref<256x128xf32, #tpu.memory_space<vmem>>, vector<16xf32>,
      %mul3A_1278 = arith.mulf %get3A_1269, %get3A_1277 : vector<16xf32>
      %add3A_1279 = arith.addf %add3A_1266, %mul3A_1278 : vector<16xf32>
      %get3A_1280 = arith.index_cast %add3A_1236 : i32 to index
      %get3A_1281 = arith.constant 48 : index
      %get3A_1282 = tpu.vector_load %arg12[%get3A_1280, %get3A_1281] {strides = array<i32>} : memref<256x128xf32, #tpu.memory_space<vmem>>, vector<16xf32>,
      %get3A_1283 = arith.index_cast %add3A_1236 : i32 to index
      %get3A_1284 = arith.constant 48 : index
      %get3A_1285 = tpu.vector_load %arg13[%get3A_1283, %get3A_1284] {strides = array<i32>} : memref<256x128xf32, #tpu.memory_space<vmem>>, vector<16xf32>,
      %mul3A_1286 = arith.mulf %get3A_1282, %get3A_1285 : vector<16xf32>
      %add3A_1287 = arith.addf %add3A_1274, %mul3A_1286 : vector<16xf32>
      %get3A_1288 = arith.index_cast %add3A_1236 : i32 to index
      %get3A_1289 = arith.constant 48 : index
      %get3A_1290 = tpu.vector_load %arg14[%get3A_1288, %get3A_1289] {strides = array<i32>} : memref<256x128xf32, #tpu.memory_space<vmem>>, vector<16xf32>,
      %mul3A_1291 = arith.mulf %get3A_1282, %get3A_1290 : vector<16xf32>
      %add3A_1292 = arith.addf %add3A_1279, %mul3A_1291 : vector<16xf32>
      %mul3A_1293 = arith.constant 16 : i32
      %mul3A_1294 = vector.broadcast %mul3A_1293 : i32 to vector<16xi32>
      %mul3A_1295 = arith.muli %iota3A, %mul3A_1294 : vector<16xi32>
      %add3A_1296 = arith.constant 15 : i32
      %add3A_1297 = vector.broadcast %add3A_1296 : i32 to vector<16xi32>
      %add3A_1298 = arith.addi %mul3A_1295, %add3A_1297 : vector<16xi32>
      tpu.vector_store_idx %arg15[%add3A_1298], %add3A_1287 : memref<256xf32, #tpu.memory_space<vmem>>[vector<16xi32>], vector<16xf32>,
      tpu.vector_store_idx %arg16[%add3A_1298], %add3A_1292 : memref<256xf32, #tpu.memory_space<vmem>>[vector<16xi32>], vector<16xf32>,
      %get3A_1299 = arith.constant 0 : index
      %get3A_1300 = tpu.vector_load %arg15[%get3A_1299] {strides = array<i32>} : memref<256xf32, #tpu.memory_space<vmem>>, vector<16xf32>,
      %get3A_1301 = arith.constant 0 : index
      %get3A_1302 = tpu.vector_load %arg16[%get3A_1301] {strides = array<i32>} : memref<256xf32, #tpu.memory_space<vmem>>, vector<16xf32>,
      %get3A_1303 = arith.constant 16 : index
      %get3A_1304 = tpu.vector_load %arg15[%get3A_1303] {strides = array<i32>} : memref<256xf32, #tpu.memory_space<vmem>>, vector<16xf32>,
      %add3A_1305 = arith.addf %get3A_1300, %get3A_1304 : vector<16xf32>
      %get3A_1306 = arith.constant 16 : index
      %get3A_1307 = tpu.vector_load %arg16[%get3A_1306] {strides = array<i32>} : memref<256xf32, #tpu.memory_space<vmem>>, vector<16xf32>,
      %add3A_1308 = arith.addf %get3A_1302, %get3A_1307 : vector<16xf32>
      %get3A_1309 = arith.constant 32 : index
      %get3A_1310 = tpu.vector_load %arg15[%get3A_1309] {strides = array<i32>} : memref<256xf32, #tpu.memory_space<vmem>>, vector<16xf32>,
      %add3A_1311 = arith.addf %add3A_1305, %get3A_1310 : vector<16xf32>
      %get3A_1312 = arith.constant 32 : index
      %get3A_1313 = tpu.vector_load %arg16[%get3A_1312] {strides = array<i32>} : memref<256xf32, #tpu.memory_space<vmem>>, vector<16xf32>,
      %add3A_1314 = arith.addf %add3A_1308, %get3A_1313 : vector<16xf32>
      %get3A_1315 = arith.constant 48 : index
      %get3A_1316 = tpu.vector_load %arg15[%get3A_1315] {strides = array<i32>} : memref<256xf32, #tpu.memory_space<vmem>>, vector<16xf32>,
      %add3A_1317 = arith.addf %add3A_1311, %get3A_1316 : vector<16xf32>
      %get3A_1318 = arith.constant 48 : index
      %get3A_1319 = tpu.vector_load %arg16[%get3A_1318] {strides = array<i32>} : memref<256xf32, #tpu.memory_space<vmem>>, vector<16xf32>,
      %add3A_1320 = arith.addf %add3A_1314, %get3A_1319 : vector<16xf32>
      %get3A_1321 = arith.constant 64 : index
      %get3A_1322 = tpu.vector_load %arg15[%get3A_1321] {strides = array<i32>} : memref<256xf32, #tpu.memory_space<vmem>>, vector<16xf32>,
      %add3A_1323 = arith.addf %add3A_1317, %get3A_1322 : vector<16xf32>
      %get3A_1324 = arith.constant 64 : index
      %get3A_1325 = tpu.vector_load %arg16[%get3A_1324] {strides = array<i32>} : memref<256xf32, #tpu.memory_space<vmem>>, vector<16xf32>,
      %add3A_1326 = arith.addf %add3A_1320, %get3A_1325 : vector<16xf32>
      %get3A_1327 = arith.constant 80 : index
      %get3A_1328 = tpu.vector_load %arg15[%get3A_1327] {strides = array<i32>} : memref<256xf32, #tpu.memory_space<vmem>>, vector<16xf32>,
      %add3A_1329 = arith.addf %add3A_1323, %get3A_1328 : vector<16xf32>
      %get3A_1330 = arith.constant 80 : index
      %get3A_1331 = tpu.vector_load %arg16[%get3A_1330] {strides = array<i32>} : memref<256xf32, #tpu.memory_space<vmem>>, vector<16xf32>,
      %add3A_1332 = arith.addf %add3A_1326, %get3A_1331 : vector<16xf32>
      %get3A_1333 = arith.constant 96 : index
      %get3A_1334 = tpu.vector_load %arg15[%get3A_1333] {strides = array<i32>} : memref<256xf32, #tpu.memory_space<vmem>>, vector<16xf32>,
      %add3A_1335 = arith.addf %add3A_1329, %get3A_1334 : vector<16xf32>
      %get3A_1336 = arith.constant 96 : index
      %get3A_1337 = tpu.vector_load %arg16[%get3A_1336] {strides = array<i32>} : memref<256xf32, #tpu.memory_space<vmem>>, vector<16xf32>,
      %add3A_1338 = arith.addf %add3A_1332, %get3A_1337 : vector<16xf32>
      %get3A_1339 = arith.constant 112 : index
      %get3A_1340 = tpu.vector_load %arg15[%get3A_1339] {strides = array<i32>} : memref<256xf32, #tpu.memory_space<vmem>>, vector<16xf32>,
      %add3A_1341 = arith.addf %add3A_1335, %get3A_1340 : vector<16xf32>
      %get3A_1342 = arith.constant 112 : index
      %get3A_1343 = tpu.vector_load %arg16[%get3A_1342] {strides = array<i32>} : memref<256xf32, #tpu.memory_space<vmem>>, vector<16xf32>,
      %add3A_1344 = arith.addf %add3A_1338, %get3A_1343 : vector<16xf32>
      %get3A_1345 = arith.constant 128 : index
      %get3A_1346 = tpu.vector_load %arg15[%get3A_1345] {strides = array<i32>} : memref<256xf32, #tpu.memory_space<vmem>>, vector<16xf32>,
      %add3A_1347 = arith.addf %add3A_1341, %get3A_1346 : vector<16xf32>
      %get3A_1348 = arith.constant 128 : index
      %get3A_1349 = tpu.vector_load %arg16[%get3A_1348] {strides = array<i32>} : memref<256xf32, #tpu.memory_space<vmem>>, vector<16xf32>,
      %add3A_1350 = arith.addf %add3A_1344, %get3A_1349 : vector<16xf32>
      %get3A_1351 = arith.constant 144 : index
      %get3A_1352 = tpu.vector_load %arg15[%get3A_1351] {strides = array<i32>} : memref<256xf32, #tpu.memory_space<vmem>>, vector<16xf32>,
      %add3A_1353 = arith.addf %add3A_1347, %get3A_1352 : vector<16xf32>
      %get3A_1354 = arith.constant 144 : index
      %get3A_1355 = tpu.vector_load %arg16[%get3A_1354] {strides = array<i32>} : memref<256xf32, #tpu.memory_space<vmem>>, vector<16xf32>,
      %add3A_1356 = arith.addf %add3A_1350, %get3A_1355 : vector<16xf32>
      %get3A_1357 = arith.constant 160 : index
      %get3A_1358 = tpu.vector_load %arg15[%get3A_1357] {strides = array<i32>} : memref<256xf32, #tpu.memory_space<vmem>>, vector<16xf32>,
      %add3A_1359 = arith.addf %add3A_1353, %get3A_1358 : vector<16xf32>
      %get3A_1360 = arith.constant 160 : index
      %get3A_1361 = tpu.vector_load %arg16[%get3A_1360] {strides = array<i32>} : memref<256xf32, #tpu.memory_space<vmem>>, vector<16xf32>,
      %add3A_1362 = arith.addf %add3A_1356, %get3A_1361 : vector<16xf32>
      %get3A_1363 = arith.constant 176 : index
      %get3A_1364 = tpu.vector_load %arg15[%get3A_1363] {strides = array<i32>} : memref<256xf32, #tpu.memory_space<vmem>>, vector<16xf32>,
      %add3A_1365 = arith.addf %add3A_1359, %get3A_1364 : vector<16xf32>
      %get3A_1366 = arith.constant 176 : index
      %get3A_1367 = tpu.vector_load %arg16[%get3A_1366] {strides = array<i32>} : memref<256xf32, #tpu.memory_space<vmem>>, vector<16xf32>,
      %add3A_1368 = arith.addf %add3A_1362, %get3A_1367 : vector<16xf32>
      %get3A_1369 = arith.constant 192 : index
      %get3A_1370 = tpu.vector_load %arg15[%get3A_1369] {strides = array<i32>} : memref<256xf32, #tpu.memory_space<vmem>>, vector<16xf32>,
      %add3A_1371 = arith.addf %add3A_1365, %get3A_1370 : vector<16xf32>
      %get3A_1372 = arith.constant 192 : index
      %get3A_1373 = tpu.vector_load %arg16[%get3A_1372] {strides = array<i32>} : memref<256xf32, #tpu.memory_space<vmem>>, vector<16xf32>,
      %add3A_1374 = arith.addf %add3A_1368, %get3A_1373 : vector<16xf32>
      %get3A_1375 = arith.constant 208 : index
      %get3A_1376 = tpu.vector_load %arg15[%get3A_1375] {strides = array<i32>} : memref<256xf32, #tpu.memory_space<vmem>>, vector<16xf32>,
      %add3A_1377 = arith.addf %add3A_1371, %get3A_1376 : vector<16xf32>
      %get3A_1378 = arith.constant 208 : index
      %get3A_1379 = tpu.vector_load %arg16[%get3A_1378] {strides = array<i32>} : memref<256xf32, #tpu.memory_space<vmem>>, vector<16xf32>,
      %add3A_1380 = arith.addf %add3A_1374, %get3A_1379 : vector<16xf32>
      %get3A_1381 = arith.constant 224 : index
      %get3A_1382 = tpu.vector_load %arg15[%get3A_1381] {strides = array<i32>} : memref<256xf32, #tpu.memory_space<vmem>>, vector<16xf32>,
      %add3A_1383 = arith.addf %add3A_1377, %get3A_1382 : vector<16xf32>
      %get3A_1384 = arith.constant 224 : index
      %get3A_1385 = tpu.vector_load %arg16[%get3A_1384] {strides = array<i32>} : memref<256xf32, #tpu.memory_space<vmem>>, vector<16xf32>,
      %add3A_1386 = arith.addf %add3A_1380, %get3A_1385 : vector<16xf32>
      %get3A_1387 = arith.constant 240 : index
      %get3A_1388 = tpu.vector_load %arg15[%get3A_1387] {strides = array<i32>} : memref<256xf32, #tpu.memory_space<vmem>>, vector<16xf32>,
      %add3A_1389 = arith.addf %add3A_1383, %get3A_1388 : vector<16xf32>
      %get3A_1390 = arith.constant 240 : index
      %get3A_1391 = tpu.vector_load %arg16[%get3A_1390] {strides = array<i32>} : memref<256xf32, #tpu.memory_space<vmem>>, vector<16xf32>,
      %add3A_1392 = arith.addf %add3A_1386, %get3A_1391 : vector<16xf32>
      %add3A_1393 = arith.constant 256 : i32
      %add3A_1394 = arith.addi %add3A_1393, %mul3A_276 : i32
      %swap3A = arith.index_cast %add3A_1394 : i32 to index
      %swap3A_1395 = tpu.vector_load %arg17[%swap3A] {strides = array<i32>} : memref<512xf32, #tpu.memory_space<vmem>>, vector<16xf32>,
      tpu.vector_store %arg17[%swap3A], %add3A_1389 {strides = array<i32>} : memref<512xf32, #tpu.memory_space<vmem>>, vector<16xf32>,
      %add3A_1396 = arith.constant 256 : i32
      %add3A_1397 = arith.addi %add3A_1396, %mul3A_276 : i32
      %swap3A_1398 = arith.index_cast %add3A_1397 : i32 to index
      %swap3A_1399 = tpu.vector_load %arg18[%swap3A_1398] {strides = array<i32>} : memref<512xf32, #tpu.memory_space<vmem>>, vector<16xf32>,
      tpu.vector_store %arg18[%swap3A_1398], %add3A_1392 {strides = array<i32>} : memref<512xf32, #tpu.memory_space<vmem>>, vector<16xf32>,
      %scan3A_1400 = arith.constant 0 : i32
      scf.yield %scan3A_1400 : i32
    }
    %scan3A_272 = arith.constant 16 : i32
    "tpu.region"() ({
      %run_scoped3A_273 = tpu.sem_alloc : memref<!tpu.dma_semaphore, #tpu.memory_space<semaphore_mem>>
      %dma_start3A_274 = tpu.memref_slice %arg7[%mul3A_2] : memref<16384xf32, #tpu.memory_space<hbm>> -> memref<512xf32, #tpu.memory_space<hbm>>
      %dma_start3A_275 = tpu.memref_slice %arg7[%mul3A_2] : memref<16384xf32, #tpu.memory_space<hbm>> -> memref<512xf32, #tpu.memory_space<hbm>>
      tpu.enqueue_dma source(%arg17 : memref<512xf32, #tpu.memory_space<vmem>>) target(%dma_start3A_275 : memref<512xf32, #tpu.memory_space<hbm>>) target_semaphore(%run_scoped3A_273 : memref<!tpu.dma_semaphore, #tpu.memory_space<semaphore_mem>>)
      %dma_wait3A_276 = tpu.memref_slice %arg7[%mul3A_2] : memref<16384xf32, #tpu.memory_space<hbm>> -> memref<512xf32, #tpu.memory_space<hbm>>
      %dma_wait3A_277 = tpu.memref_slice %arg7[%mul3A_2] : memref<16384xf32, #tpu.memory_space<hbm>> -> memref<512xf32, #tpu.memory_space<hbm>>
      tpu.wait_dma2 semaphore(%run_scoped3A_273 : memref<!tpu.dma_semaphore, #tpu.memory_space<semaphore_mem>>) src(%arg17 : memref<512xf32, #tpu.memory_space<vmem>>) dst(%dma_wait3A_277 : memref<512xf32, #tpu.memory_space<hbm>>)
      tpu.yield
    }) : () -> ()
    "tpu.region"() ({
      %run_scoped3A_273 = tpu.sem_alloc : memref<!tpu.dma_semaphore, #tpu.memory_space<semaphore_mem>>
      %dma_start3A_274 = tpu.memref_slice %arg8[%mul3A_2] : memref<16384xf32, #tpu.memory_space<hbm>> -> memref<512xf32, #tpu.memory_space<hbm>>
      %dma_start3A_275 = tpu.memref_slice %arg8[%mul3A_2] : memref<16384xf32, #tpu.memory_space<hbm>> -> memref<512xf32, #tpu.memory_space<hbm>>
      tpu.enqueue_dma source(%arg18 : memref<512xf32, #tpu.memory_space<vmem>>) target(%dma_start3A_275 : memref<512xf32, #tpu.memory_space<hbm>>) target_semaphore(%run_scoped3A_273 : memref<!tpu.dma_semaphore, #tpu.memory_space<semaphore_mem>>)
      %dma_wait3A_276 = tpu.memref_slice %arg8[%mul3A_2] : memref<16384xf32, #tpu.memory_space<hbm>> -> memref<512xf32, #tpu.memory_space<hbm>>
      %dma_wait3A_277 = tpu.memref_slice %arg8[%mul3A_2] : memref<16384xf32, #tpu.memory_space<hbm>> -> memref<512xf32, #tpu.memory_space<hbm>>
      tpu.wait_dma2 semaphore(%run_scoped3A_273 : memref<!tpu.dma_semaphore, #tpu.memory_space<semaphore_mem>>) src(%arg18 : memref<512xf32, #tpu.memory_space<vmem>>) dst(%dma_wait3A_277 : memref<512xf32, #tpu.memory_space<hbm>>)
      tpu.yield
    }) : () -> ()
    return
  }
}

</mosaic_0001>

<sc_bundles>
// kernel: _bpr.3.cloned.1.call-start
scs
__scs_entry_jumppad:
0x0: {  	(pc) =	sbr.rel $0x88, $3  }
0x1: {  	(tag) =	ssettag $0x0;
	lr =	simm.s32 $0x1  }
0x2: {  	[smem:$0x3F9C] =	sst lr;
	_ =	strace $0xD0000000  }
0x3: {  	_ = 	snop  }
0x4: {  	_ = 	snop  }
0x5: {  	_ = 	snop  }
0x6: {  	_ = 	snop  }
0x7: {  	_ = 	snop  }
__scs_overlays_trampoline_lowered:
0x8: {  	[smem:$0x3FAB] =	sst s0  }
0x9: {  	[smem:$0x3FAC] =	sst s1  }
0xa: {  	[smem:$0x3FAD] =	sst s2  }
0xb: {  	[smem:$0x3FAE] =	sst s3  }
0xc: {  	[smem:$0x3FAF] =	sst s4  }
0xd: {  	[smem:$0x3FB0] =	sst s5  }
0xe: {  	[smem:$0x3FB1] =	sst s6  }
0xf: {  	[smem:$0x3FB2] =	sst s7  }
0x10: {  	[smem:$0x3FB3] =	sst s8  }
0x11: {  	[smem:$0x3FB4] =	sst s9;
	s0 =	simm.s32 @!p0 $0x0  }
0x12: {  	s1 =	sld [smem:$0x3F9A];
	s0 =	simm.s32 @p0 $0x1  }
0x13: {  	[smem:$0x3FB5] =	sst s0;
	s0 =	simm.s32 @!p1 $0x0  }
0x14: {  	s2 =	sld [smem:$0x3F99];
	s0 =	simm.s32 @p1 $0x1  }
0x15: {  	[smem:$0x3FB6] =	sst s0;
	s0 =	simm.s32 @!p2 $0x0  }
0x16: {  	s3 =	sld [smem:$0x3FDB];
	s0 =	simm.s32 @p2 $0x1  }
0x17: {  	s4 =	simm.s32 $0x1BF5;
	[smem:$0x3FB8] =	sst s0  }
0x18: {  	s0 =	sld [smem:$0x3F9B];
	_ =	swait.ge [sflag:s4], $0x0  }
0x19: {  	s7 =	sld [smem:$0x3F9C]  }
0x1a: {  	s8 =	sadd.s32 $0xFFFFE003, lr  }
0x1b: {  	s9 =	sadd.s32 $0xFFFFFEF7, lr;
	s5 =	simm.s32 $0xFFFFFFFF;
	p2 =	slt.u32 s8, $0xFFFFF086  }
0x1c: {  	p1 =	slt.u32 s9, $0xF7A;
	s5 =	simm.s32 @!p2 $0x0  }
0x1d: {  	s5 =	simm.s32 @p1 $0x1;
	p0 =	seq.s32 s7, s2  }
0x1e: {  	s7 =	smul.u32 @!p0 $0xF7A, s2;
	p2 =	seq.s32 @!p0 s5, $0x0  }
0x1f: {  	s9 =	smul.u32 $0xF7A, s1;
	s8 =	simm.s32 @!p0 $0x1BF5;
	p2 =	por !p2, p0  }
0x20: {  	[sflag:s8] =	ssyncset.s32 @!p0 $0xFFFFF086;
	s6 =	sadd.s32 @!p0 s3, s7;
	s7 =	simm.s32 @!p0 $0x108  }
0x21: {  	s3 =	sadd.s32 s3, s9;
	s6 =	sadd.s32 @!p0 $0x88, s6;
	s7 =	simm.s32 @p2 $0x1082  }
0x22: {  	[simem:s7], [sflag:s8] =	dma.local @!p0 [hbm:s6], $0xF7A  }
0x23: {  	s9 =	sor.u32 $0xD0000000, s2;
	s6 =	simm.s32 $0x108;
	_ =	swait.ge @!p0 [sflag:s8], $0x0  }
0x24: {  	s3 =	sadd.s32 $0x88, s3;
	s6 =	simm.s32 @!p1 $0x1082;
	[sflag:s4] =	ssyncset.s32 $0xFFFFF086  }
0x25: {  	[simem:s6], [sflag:s4] =	dma.local [hbm:s3], $0xF7A  }
0x26: {  	[smem:$0x3F9C] =	sst s1;
	(tag) =	ssettag s2;
	_ =	strace s9  }
0x27: {  	s1 =	sld [smem:$0x3FAC]  }
0x28: {  	s2 =	sld [smem:$0x3FAD]  }
0x29: {  	s4 =	sld [smem:$0x3FAF]  }
0x2a: {  	p0 =	seq.s32 s5, $0x0;
	s5 =	sld [smem:$0x3FB0]  }
0x2b: {  	s6 =	sld [smem:$0x3FB1]  }
0x2c: {  	s7 =	sld [smem:$0x3FB2]  }
0x2d: {  	s3 =	simm.s32 $0x108;
	s8 =	sld [smem:$0x3FB3]  }
0x2e: {  	s3 =	simm.s32 @!p0 $0x1082;
	s9 =	sld [smem:$0x3FB4]  }
0x2f: {  	lr =	sadd.s32 s0, s3;
	s0 =	sld [smem:$0x3FAB]  }
0x30: {  	s3 =	sld [smem:$0x3FAE]  }
0x31: {  	[smem:$0x3FB7] =	sst s10  }
0x32: {  	s10 =	sld [smem:$0x3FB5];
	_ =	sdelay $0x3  }
0x33: {  	p0 =	seq.s32 s10, $0x1;
	s10 =	sld [smem:$0x3FB7];
	_ =	sdelay $0x3  }
0x34: {  	[smem:$0x3FB7] =	sst s10  }
0x35: {  	s10 =	sld [smem:$0x3FB6];
	_ =	sdelay $0x3  }
0x36: {  	p1 =	seq.s32 s10, $0x1;
	s10 =	sld [smem:$0x3FB7];
	_ =	sdelay $0x3  }
0x37: {  	[smem:$0x3FB7] =	sst s10  }
0x38: {  	s10 =	sld [smem:$0x3FB8]  }
0x39: {  	_ = 	snop;
	(pc) =	sbr.ind lr, $3  }
0x3a: {  	_ = 	snop  }
0x3b: {  	_ = 	snop  }
0x3c: {  	p2 =	seq.s32 s10, $0x1;
	s10 =	sld [smem:$0x3FB7]  }
0x3d: {  	_ =	shalt  }
0x3e: {  	_ =	shalt  }
0x3f: {  	_ =	shalt  }
0x40: {  	_ =	shalt  }
0x41: {  	_ =	shalt  }
0x42: {  	_ =	shalt  }
0x43: {  	_ =	shalt  }
0x44: {  	_ =	shalt  }
0x45: {  	_ =	shalt  }
0x46: {  	_ =	shalt  }
0x47: {  	_ =	shalt  }
0x48: {  	_ =	shalt  }
0x49: {  	_ =	shalt  }
0x4a: {  	_ =	shalt  }
0x4b: {  	_ =	shalt  }
0x4c: {  	_ =	shalt  }
0x4d: {  	_ =	shalt  }
0x4e: {  	_ =	shalt  }
0x4f: {  	_ =	shalt  }
0x50: {  	_ =	shalt  }
0x51: {  	_ =	shalt  }
0x52: {  	_ =	shalt  }
0x53: {  	_ =	shalt  }
0x54: {  	_ =	shalt  }
0x55: {  	_ =	shalt  }
0x56: {  	_ =	shalt  }
0x57: {  	_ =	shalt  }
0x58: {  	_ =	shalt  }
0x59: {  	_ =	shalt  }
0x5a: {  	_ =	shalt  }
0x5b: {  	_ =	shalt  }
0x5c: {  	_ =	shalt  }
0x5d: {  	_ =	shalt  }
0x5e: {  	_ =	shalt  }
0x5f: {  	_ =	shalt  }
0x60: {  	_ =	shalt  }
0x61: {  	_ =	shalt  }
0x62: {  	_ =	shalt  }
0x63: {  	_ =	shalt  }
0x64: {  	_ =	shalt  }
0x65: {  	_ =	shalt  }
0x66: {  	_ =	shalt  }
0x67: {  	_ =	shalt  }
0x68: {  	_ =	shalt  }
0x69: {  	_ =	shalt  }
0x6a: {  	_ =	shalt  }
0x6b: {  	_ =	shalt  }
0x6c: {  	_ =	shalt  }
0x6d: {  	_ =	shalt  }
0x6e: {  	_ =	shalt  }
0x6f: {  	_ =	shalt  }
0x70: {  	_ =	shalt  }
0x71: {  	_ =	shalt  }
0x72: {  	_ =	shalt  }
0x73: {  	_ =	shalt  }
0x74: {  	_ =	shalt  }
0x75: {  	_ =	shalt  }
0x76: {  	_ =	shalt  }
0x77: {  	_ =	shalt  }
0x78: {  	_ =	shalt  }
0x79: {  	_ =	shalt  }
0x7a: {  	_ =	shalt  }
0x7b: {  	_ =	shalt  }
0x7c: {  	_ =	shalt  }
0x7d: {  	_ =	shalt  }
0x7e: {  	_ =	shalt  }
0x7f: {  	_ =	shalt  }
0x80: {  	_ =	shalt  }
0x81: {  	_ =	shalt  }
0x82: {  	_ =	shalt  }
0x83: {  	_ =	shalt  }
0x84: {  	_ =	shalt  }
0x85: {  	_ =	shalt  }
0x86: {  	_ =	shalt  }
0x87: {  	_ =	shalt  }
.Lfunc_end0:
.L_simem_size_0:
called_computation_lowered:
.L_overlay_start_0:
0x88: {  	s2 =	sld [smem:$0x3FD9]  }
0x89: {  	s3 =	sld [smem:$0x3FFE];
	_ =	sdelay $0x1  }
0x8a: {  	s1 =	srdreg.scid  }
0x8b: {  	s0 =	sand.u32 $0x1, s1  }
0x8c: {  	s14 =	sshll.u32 s0, $0xA;
	s2 =	sadd.s32 s3, s2  }
0x8d: {  	s2 =	sadd.s32 s2, s14  }
0x8e: {  	[smem:$0x3FC3] =	sst s2  }
0x8f: {  	_ = 	snop  }
0x90: {  	s2 =	sld [smem:$0x3FD0]  }
0x91: {  	s15 =	sld [smem:$0x3FC9]  }
0x92: {  	s4 =	sld [smem:$0x3FC8]  }
0x93: {  	s6 =	simm.s32 $0xA;
	s7 =	simm.s32 $0x10;
	s5 =	sld [smem:$0x3FC7]  }
0x94: {  	[smem:s7], [sflag:s6] =	dma.local [hbm:s2], $0x1  }
0x95: {  	_ =	swait.eq [sflag:s6], $0x1  }
0x96: {  	[sflag:s6] =	ssyncset.done $0x0  }
0x97: {  	s16 =	sld [smem:$0x10];
	[sflag:s6] =	ssyncadd.s32 $0xFFFFFFFF  }
0x98: {  	s17 =	sld [smem:$0x11];
	(tm) =	ssettm $0x1  }
0x99: {  	s18 =	sld [smem:$0x3FFB];
	_ =	sdelay $0x3  }
0x9a: {  	_ =	strace s18  }
0x9b: {  	s7 =	sld [smem:$0x3FFC];
	_ =	sdelay $0x3  }
0x9c: {  	_ =	strace s7  }
0x9d: {  	s7 =	sld [smem:$0x3FFD];
	_ =	sdelay $0x3  }
0x9e: {  	_ =	strace s7  }
0x9f: {  	_ =	strace $0x8FFFFFFF  }
0xa0: {  	s19 =	sld [smem:$0x3FDB];
	_ =	sdelay $0x1  }
0xa1: {  	s8 =	simm.s32 $_scs_section_size  }
0xa2: {  	s9 =	simm.s32 $_size__tile_overlayer_lowered;
	s10 =	simm.s32 $_tile_overlayer_lowered  }
0xa3: {  	s22 =	simm.s32 $0x1BFF;
	s21 =	sshll.u32 s10, $0x1;
	s7 =	sadd.s32 s8, s19  }
0xa4: {  	s11 =	simm.s32 $0x0;
	s20 =	sshll.u32 s9, $0x1;
	s9 =	sadd.s32 s21, s7  }
0xa5: {  	[timem:s11], [sflag:s22] =	dma.local [hbm:s9], s20  }
0xa6: {  	_ =	swait.ge [sflag:s22], s20  }
0xa7: {  	s8 =	ssub.s32 $0x0, s20;
	[sflag:s22] =	ssyncset.done $0x0  }
0xa8: {  	[sflag:s22] =	ssyncadd.s32 s8;
	_ =	sdelay $0x1  }
0xa9: {  	s23 =	simm.s32 $0x1B8B  }
0xaa: {  	_ =	swait.ge [sflag:s23], $0x1  }
0xab: {  	[sflag:s23] =	ssyncset.done $0x0  }
0xac: {  	s25 =	simm.s32 $0x1B8E;
	s24 =	sld [smem:$0x3FFE];
	[sflag:s23] =	ssyncadd.s32 $0xFFFFFFFF  }
0xad: {  	s26 =	simm.s32 $execute0_lowered;
	[smem:$0x3FD2] =	sst s25  }
0xae: {  	s9 =	sshll.u32 s26, $0x1;
	_ =	strace $0x80000046;
	[dreg:$0x1] =	wrdreg $0xFFFFFFFF  }
0xaf: {  	s28 =	simm.s32 $_size_execute0_lowered;
	s7 =	sadd.s32 s7, s9;
	[dreg:$0x0] =	wrdreg $0x0  }
0xb0: {  	s9 =	sshll.u32 s28, $0x1;
	[dreg:$0x2] =	wrdreg s7  }
0xb1: {  	[dreg:$0x3] =	wrdreg s9  }
0xb2: {  	[dreg:$0x4] =	wrdreg $0xC0  }
0xb3: {  	_ =	task [dreg:s11], $0x5FFFF  }
0xb4: {  	[dreg:$0x1] =	wrdreg $0xFFFFFFFF  }
0xb5: {  	[dreg:$0x0] =	wrdreg $0x60  }
0xb6: {  	[dreg:$0x2] =	wrdreg s15  }
0xb7: {  	[dreg:$0x3] =	wrdreg s4  }
0xb8: {  	[dreg:$0x4] =	wrdreg s5  }
0xb9: {  	[dreg:$0x5] =	wrdreg s24  }
0xba: {  	[dreg:$0x6] =	wrdreg s16  }
0xbb: {  	[dreg:$0x7] =	wrdreg s17  }
0xbc: {  	[dreg:$0x8] =	wrdreg $0x9  }
0xbd: {  	_ =	task.clear_ibuf [dreg:s11], $0x9FFFF;
	_ =	strace $0x90000046  }
0xbe: {  	s29 =	simm.s32 $0x9;
	_ =	strace $0x80000048  }
0xbf: {  	_ =	swait.ge [sflag:s29], $0x1  }
0xc0: {  	[sflag:s29] =	ssyncadd.s32 $0xFFFFFFFF  }
0xc1: {  	_ =	strace $0x90000048  }
0xc2: {  	_ =	sfence  }
0xc3: {  	s30 =	sld [smem:$0x0];
	_ =	sdelay $0x2  }
0xc4: {  	s31 =	sshll.u32 s1, $0xD;
	s1 =	sshrl.u32 s1, $0x2  }
0xc5: {  	s3 =	sand.u32 $0x4000, s31;
	s1 =	sadd.s32 s1, s30  }
0xc6: {  	s0 =	sor.u32 s3, s0;
	s1 =	sshll.u32 s1, $0x11  }
0xc7: {  	s0 =	sor.u32 s1, s0  }
0xc8: {  	s0 =	sadd.s32 $0x8F2B, s0  }
0xc9: {  	[sflag:s0] =	ssyncadd.remote.s32 $0x1  }
0xca: {  	_ =	sfence.sel $0xFFFF  }
0xcb: {  	[dreg:$0x0] =	wrdreg $0xFFFFFFFF;
	(pc) =	sbr.abs _section_cstart, $3  }
0xcc: {  	[dreg:$0x1] =	wrdreg $0xFFFFFFFF  }
0xcd: {  	_ =	task.clear_ibuf [dreg:s11], $0x2FFFF;
	_ =	strace $0x9FFFFFFF  }
0xce: {  	(tm) =	ssettm $0x7FFFFFFF  }
0xcf: {  	_ =	shalt  }
tec
execute0_lowered:
.L_overlay_start_1:
0x0: {  	(tag) =	ssettag $0x1  }
0x1: {  	s0 =	rddreg [dreg:$0x0]  }
0x2: {  	s2 =	rddreg [dreg:$0x1]  }
0x3: {  	s5 =	rddreg [dreg:$0x2]  }
0x4: {  	s4 =	rddreg [dreg:$0x3]  }
0x5: {  	s6 =	rddreg [dreg:$0x4]  }
0x6: {  	s7 =	rddreg [dreg:$0x5];
	s1 =	simm.s32 $0x0;
	s3 =	srdreg.scid  }
0x7: {  	s11 =	stileid.u32;
	s30 =	simm.s32 $0x180;
	s31 =	simm.s32 $0x380  }
0x8: {  	s29 =	simm.s32 $0x480;
	[smem:$0x7FF] =	sst s1;
	s8 =	sand.u32 $0x1, s3  }
0x9: {  	s3 =	sadd.s32 $0x800, s4;
	s11 =	sshll.u32 s11, $0x7;
	s9 =	ssub.s32 $0x2, s8  }
0xa: {  	s4 =	sadd.s32 $0x10C9600, s4;
	s8 =	sshll.u32 s8, $0x6;
	s10 =	sshrl.u32 s9, $0x1  }
0xb: {  	_ =	strace $0x80000047;
	s8 =	sor.u32 s8, s11;
	s9 =	ssub.s32 s9, s10  }
0xc: {  	s20 =	sadd.s32 s0, s8;
	s21 =	sadd.s32 s2, s8;
	s22 =	sor.u32 $0x10, s8  }
0xd: {  	s11 =	sadd.s32 s5, s8;
	s24 =	sor.u32 $0x20, s8;
	s28 =	sor.u32 $0x30, s8  }
0xe: {  	s17 =	sadd.s32 s6, s8;
	s18 =	sadd.s32 s7, s8;
	[dreg:$0x7] =	wrdreg s20  }
0xf: {  	s6 =	simm.s32 $0xC600;
	s7 =	simm.s32 $0x14600;
	[dreg:$0x8] =	wrdreg s21  }
0x10: {  	s8 =	simm.s32 $0x18600;
	[dreg:$0x9] =	wrdreg s11;
	s23 =	sadd.s32 s0, s22  }
0x11: {  	v0 =	vlaneseq.u32;
	s12 =	sadd.s32 s2, s22;
	s10 =	sadd.s32 s5, s22;
	s25 =	sadd.s32 s0, s24  }
0x12: {  	v0 =	vmul.u32 $0x10, v0;
	s26 =	sadd.s32 s2, s24;
	s13 =	sadd.s32 s5, s24;
	s14 =	sadd.s32 s0, s28  }
0x13: {  	s15 =	sadd.s32 s2, s28;
	s16 =	sadd.s32 s5, s28;
	s19 =	smax.u32 s9, $0x1  }
0x14: {  	v1 =	vor.u32 $0x1, v0;
	v2 =	vor.u32 $0x2, v0;
	v3 =	vor.u32 $0x3, v0;
	s20 =	simm.s32 $0x2;
	s0 =	simm.s32 $0x580;
	[dreg:$0xa] =	wrdreg s23  }
0x15: {  	v4 =	vor.u32 $0x4, v0;
	v5 =	vor.u32 $0x5, v0;
	v6 =	vor.u32 $0x6, v0;
	s2 =	simm.s32 $0x600;
	s21 =	simm.s32 $0x8600;
	[dreg:$0xb] =	wrdreg s12  }
0x16: {  	v7 =	vor.u32 $0x7, v0;
	v8 =	vor.u32 $0x8, v0;
	v9 =	vor.u32 $0x9, v0;
	s5 =	simm.s32 $0x10600;
	s22 =	simm.s32 $0x4600;
	[dreg:$0xc] =	wrdreg s10  }
0x17: {  	v10 =	vor.u32 $0xA, v0;
	v11 =	vor.u32 $0xB, v0;
	v12 =	vor.u32 $0xC, v0;
	s24 =	simm.s32 $0x1;
	s9 =	simm.s32 $0x0;
	[dreg:$0xd] =	wrdreg s25  }
0x18: {  	v13 =	vor.u32 $0xD, v0;
	v14 =	vor.u32 $0xE, v0;
	v15 =	vor.u32 $0xF, v0;
	[dreg:$0xe] =	wrdreg s26;
	s23 =	simm.s32 $0x80;
	s25 =	simm.s32 $0x18700  }
.LBB2_1:
0x19: {  	s10 =	rddreg [dreg:$0x7]  }
0x1a: {  	[tilespmem:s1], [sflag:$0x2] =	stream.linear.gather [hbm4b:s10+s1], $0x80, $0x38;
	[tilespmem:$0x18C00] =	vst v63  }
0x1b: {  	_ =	swait.ge [sflag:s20], $0x80  }
0x1c: {  	[sflag:s20] =	ssyncset.done $0x0  }
0x1d: {  	s11 =	simm.s32 $0x200;
	s26 =	rddreg [dreg:$0x8];
	[sflag:s20] =	ssyncadd.s32 $0xFFFFFF80  }
0x1e: {  	[tilespmem:s11], [sflag:$0x2] =	stream.linear.gather [hbm4b:s26+s1], $0x80, $0x38;
	[tilespmem:$0x18C00] =	vst v63  }
0x1f: {  	_ =	swait.ge [sflag:s20], $0x80  }
0x20: {  	[sflag:s20] =	ssyncset.done $0x0  }
0x21: {  	s26 =	simm.s32 $0x400;
	s12 =	rddreg [dreg:$0x9];
	[sflag:s20] =	ssyncadd.s32 $0xFFFFFF80  }
0x22: {  	[tilespmem:s26], [sflag:$0x2] =	stream.linear.gather [hbm4b:s12+s1], $0x80, $0x38;
	[tilespmem:$0x18C00] =	vst v63  }
0x23: {  	_ =	swait.ge [sflag:s20], $0x80  }
0x24: {  	[sflag:s20] =	ssyncset.done $0x0  }
0x25: {  	s12 =	rddreg [dreg:$0xa];
	[sflag:s20] =	ssyncadd.s32 $0xFFFFFF80  }
0x26: {  	[tilespmem:s23], [sflag:$0x2] =	stream.linear.gather [hbm4b:s12+s1], $0x80, $0x38;
	[tilespmem:$0x18C00] =	vst v63  }
0x27: {  	_ =	swait.ge [sflag:s20], $0x80  }
0x28: {  	[sflag:s20] =	ssyncset.done $0x0  }
0x29: {  	s28 =	simm.s32 $0x280;
	s12 =	rddreg [dreg:$0xb];
	[sflag:s20] =	ssyncadd.s32 $0xFFFFFF80  }
0x2a: {  	[tilespmem:s28], [sflag:$0x2] =	stream.linear.gather [hbm4b:s12+s1], $0x80, $0x38;
	[tilespmem:$0x18C00] =	vst v63  }
0x2b: {  	_ =	swait.ge [sflag:s20], $0x80  }
0x2c: {  	[sflag:s20] =	ssyncset.done $0x0  }
0x2d: {  	s12 =	rddreg [dreg:$0xc];
	[sflag:s20] =	ssyncadd.s32 $0xFFFFFF80  }
0x2e: {  	[tilespmem:s29], [sflag:$0x2] =	stream.linear.gather [hbm4b:s12+s1], $0x80, $0x38;
	[tilespmem:$0x18C00] =	vst v63  }
0x2f: {  	_ =	swait.ge [sflag:s20], $0x80  }
0x30: {  	[sflag:s20] =	ssyncset.done $0x0  }
0x31: {  	s12 =	simm.s32 $0x100;
	s10 =	rddreg [dreg:$0xd];
	[sflag:s20] =	ssyncadd.s32 $0xFFFFFF80  }
0x32: {  	[tilespmem:s12], [sflag:$0x2] =	stream.linear.gather [hbm4b:s10+s1], $0x80, $0x38;
	[tilespmem:$0x18C00] =	vst v63  }
0x33: {  	_ =	swait.ge [sflag:s20], $0x80  }
0x34: {  	[sflag:s20] =	ssyncset.done $0x0  }
0x35: {  	s12 =	simm.s32 $0x300;
	s10 =	rddreg [dreg:$0xe];
	[sflag:s20] =	ssyncadd.s32 $0xFFFFFF80  }
0x36: {  	[tilespmem:s12], [sflag:$0x2] =	stream.linear.gather [hbm4b:s10+s1], $0x80, $0x38;
	[tilespmem:$0x18C00] =	vst v63  }
0x37: {  	_ =	swait.ge [sflag:s20], $0x80  }
0x38: {  	[sflag:s20] =	ssyncset.done $0x0  }
0x39: {  	s12 =	simm.s32 $0x500;
	[sflag:s20] =	ssyncadd.s32 $0xFFFFFF80  }
0x3a: {  	[tilespmem:s12], [sflag:$0x2] =	stream.linear.gather [hbm4b:s13+s1], $0x80, $0x38;
	[tilespmem:$0x18C00] =	vst v63  }
0x3b: {  	_ =	swait.ge [sflag:s20], $0x80  }
0x3c: {  	[sflag:s20] =	ssyncset.done $0x0  }
0x3d: {  	[sflag:s20] =	ssyncadd.s32 $0xFFFFFF80  }
0x3e: {  	[tilespmem:s30], [sflag:$0x2] =	stream.linear.gather [hbm4b:s14+s1], $0x80, $0x38;
	[tilespmem:$0x18C00] =	vst v63  }
0x3f: {  	_ =	swait.ge [sflag:s20], $0x80  }
0x40: {  	[sflag:s20] =	ssyncset.done $0x0  }
0x41: {  	[sflag:s20] =	ssyncadd.s32 $0xFFFFFF80  }
0x42: {  	[tilespmem:s31], [sflag:$0x2] =	stream.linear.gather [hbm4b:s15+s1], $0x80, $0x38;
	[tilespmem:$0x18C00] =	vst v63  }
0x43: {  	_ =	swait.ge [sflag:s20], $0x80  }
0x44: {  	[sflag:s20] =	ssyncset.done $0x0  }
0x45: {  	[sflag:s20] =	ssyncadd.s32 $0xFFFFFF80  }
0x46: {  	[tilespmem:s0], [sflag:$0x2] =	stream.linear.gather [hbm4b:s16+s1], $0x80, $0x38;
	[tilespmem:$0x18C00] =	vst v63  }
0x47: {  	_ =	swait.ge [sflag:s20], $0x80  }
0x48: {  	[sflag:s20] =	ssyncset.done $0x0  }
0x49: {  	[sflag:s20] =	ssyncadd.s32 $0xFFFFFF80  }
0x4a: {  	[tilespmem:s2], [sflag:$0x1] =	stream.indirect.gather [hbm4b:s3+s23], $0x80, s1, s23, $0xb8;
	[tilespmem:$0x18C00] =	vst v63  }
0x4b: {  	_ = 	snop  }
0x4c: {  	[tilespmem:s21], [sflag:$0x1] =	stream.indirect.gather [hbm4b:s4+s23], $0x80, s11, s23, $0xb8;
	[tilespmem:$0x18C00] =	vst v63  }
0x4d: {  	_ = 	snop  }
0x4e: {  	[tilespmem:s5], [sflag:$0x1] =	stream.indirect.gather [hbm4b:s4+s23], $0x80, s26, s23, $0xb8;
	[tilespmem:$0x18C00] =	vst v63  }
0x4f: {  	_ = 	snop  }
0x50: {  	[tilespmem:s22], [sflag:$0x1] =	stream.indirect.gather [hbm4b:s3+s23], $0x80, s23, s23, $0xb8;
	[tilespmem:$0x18C00] =	vst v63  }
0x51: {  	_ = 	snop  }
0x52: {  	[tilespmem:s6], [sflag:$0x1] =	stream.indirect.gather [hbm4b:s4+s23], $0x80, s28, s23, $0xb8;
	[tilespmem:$0x18C00] =	vst v63  }
0x53: {  	_ = 	snop  }
0x54: {  	[tilespmem:s7], [sflag:$0x1] =	stream.indirect.gather [hbm4b:s4+s23], $0x80, s29, s23, $0xb8;
	[tilespmem:$0x18C00] =	vst v63  }
0x55: {  	_ =	swait.ge [sflag:s24], $0x4000  }
0x56: {  	[sflag:s24] =	ssyncset.done $0x0  }
0x57: {  	[sflag:s24] =	ssyncadd.s32 $0xFFFFC000  }
0x58: {  	_ =	swait.ge [sflag:s24], $0x4000  }
0x59: {  	[sflag:s24] =	ssyncset.done $0x0  }
0x5a: {  	[sflag:s24] =	ssyncadd.s32 $0xFFFFC000  }
0x5b: {  	_ =	swait.ge [sflag:s24], $0x4000  }
0x5c: {  	[sflag:s24] =	ssyncset.done $0x0  }
0x5d: {  	[sflag:s24] =	ssyncadd.s32 $0xFFFFC000  }
0x5e: {  	_ =	swait.ge [sflag:s24], $0x4000  }
0x5f: {  	[sflag:s24] =	ssyncset.done $0x0  }
0x60: {  	[sflag:s24] =	ssyncadd.s32 $0xFFFFC000  }
0x61: {  	_ =	swait.ge [sflag:s24], $0x4000  }
0x62: {  	[sflag:s24] =	ssyncset.done $0x0  }
0x63: {  	[sflag:s24] =	ssyncadd.s32 $0xFFFFC000  }
0x64: {  	_ =	swait.ge [sflag:s24], $0x4000  }
0x65: {  	s10 =	simm.s32 $0x18A00;
	[sflag:s24] =	ssyncset.done $0x0  }
0x66: {  	s26 =	simm.s32 $0x18800;
	s28 =	simm.s32 $0x0;
	[sflag:s24] =	ssyncadd.s32 $0xFFFFC000  }
.LBB2_2:
0x67: {  	s11 =	sshra.s32 s28, $0x2  }
0x68: {  	v16 =	vld [tilespmem:s11+$0x600]  }
0x69: {  	v17 =	vld [tilespmem:s11+$0x8600]  }
0x6a: {  	v18 =	vld [tilespmem:s11+$0x10600]  }
0x6b: {  	v19 =	vld [tilespmem:s11+$0x610]  }
0x6c: {  	v20 =	vld [tilespmem:s11+$0x8610]  }
0x6d: {  	v21 =	vld [tilespmem:s11+$0x10610]  }
0x6e: {  	v22 =	vld [tilespmem:s11+$0x620]  }
0x6f: {  	v23 =	vld [tilespmem:s11+$0x8620]  }
0x70: {  	v24 =	vld [tilespmem:s11+$0x10620]  }
0x71: {  	v25 =	vld [tilespmem:s11+$0x630];
	v17 =	vmul.f32 v17, v16  }
0x72: {  	v53 =	vld [tilespmem:s11+$0x8630];
	v16 =	vmul.f32 v18, v16  }
0x73: {  	v26 =	vld [tilespmem:s11+$0x10630];
	v20 =	vmul.f32 v20, v19;
	v17 =	vadd.f32 $0.0e+00, v17  }
0x74: {  	v19 =	vmul.f32 v21, v19;
	v16 =	vadd.f32 $0.0e+00, v16  }
0x75: {  	v54 =	vmul.f32 v23, v22;
	v17 =	vadd.f32 v20, v17  }
0x76: {  	v55 =	vmul.f32 v24, v22;
	v16 =	vadd.f32 v19, v16  }
0x77: {  	v18 =	vmul.f32 v53, v25;
	v17 =	vadd.f32 v54, v17  }
0x78: {  	v56 =	vmul.f32 v26, v25;
	v16 =	vadd.f32 v55, v16  }
0x79: {  	v17 =	vadd.f32 v18, v17  }
0x7a: {  	v16 =	vadd.f32 v56, v16  }
0x7b: {  	[tilespmem:v0+s8+$0x0] =	vst.idx.msk $0xffff, v17  }
0x7c: {  	[tilespmem:v0+s25+$0x0] =	vst.idx.msk $0xffff, v16  }
0x7d: {  	v16 =	vld [tilespmem:s11+$0x680]  }
0x7e: {  	v17 =	vld [tilespmem:s11+$0x8680]  }
0x7f: {  	v57 =	vld [tilespmem:s11+$0x10680]  }
0x80: {  	v58 =	vld [tilespmem:s11+$0x690]  }
0x81: {  	v59 =	vld [tilespmem:s11+$0x8690]  }
0x82: {  	v60 =	vld [tilespmem:s11+$0x10690]  }
0x83: {  	v61 =	vld [tilespmem:s11+$0x6A0]  }
0x84: {  	v62 =	vld [tilespmem:s11+$0x86A0]  }
0x85: {  	v63 =	vld [tilespmem:s11+$0x106A0]  }
0x86: {  	v28 =	vld [tilespmem:s11+$0x6B0];
	v17 =	vmul.f32 v17, v16  }
0x87: {  	v29 =	vld [tilespmem:s11+$0x86B0];
	v16 =	vmul.f32 v57, v16  }
0x88: {  	v30 =	vld [tilespmem:s11+$0x106B0];
	v20 =	vmul.f32 v59, v58;
	v17 =	vadd.f32 $0.0e+00, v17  }
0x89: {  	v19 =	vmul.f32 v60, v58;
	v16 =	vadd.f32 $0.0e+00, v16  }
0x8a: {  	v31 =	vmul.f32 v62, v61;
	v17 =	vadd.f32 v20, v17  }
0x8b: {  	v32 =	vmul.f32 v63, v61;
	v16 =	vadd.f32 v19, v16  }
0x8c: {  	v18 =	vmul.f32 v29, v28;
	v17 =	vadd.f32 v31, v17  }
0x8d: {  	v33 =	vmul.f32 v30, v28;
	v16 =	vadd.f32 v32, v16  }
0x8e: {  	v17 =	vadd.f32 v18, v17  }
0x8f: {  	v16 =	vadd.f32 v33, v16  }
0x90: {  	[tilespmem:v1+s8+$0x0] =	vst.idx.msk $0xffff, v17  }
0x91: {  	[tilespmem:v1+s25+$0x0] =	vst.idx.msk $0xffff, v16  }
0x92: {  	v16 =	vld [tilespmem:s11+$0x700]  }
0x93: {  	v17 =	vld [tilespmem:s11+$0x8700]  }
0x94: {  	v34 =	vld [tilespmem:s11+$0x10700]  }
0x95: {  	v35 =	vld [tilespmem:s11+$0x710]  }
0x96: {  	v36 =	vld [tilespmem:s11+$0x8710]  }
0x97: {  	v37 =	vld [tilespmem:s11+$0x10710]  }
0x98: {  	v38 =	vld [tilespmem:s11+$0x720]  }
0x99: {  	v39 =	vld [tilespmem:s11+$0x8720]  }
0x9a: {  	v40 =	vld [tilespmem:s11+$0x10720]  }
0x9b: {  	v41 =	vld [tilespmem:s11+$0x730];
	v17 =	vmul.f32 v17, v16  }
0x9c: {  	v42 =	vld [tilespmem:s11+$0x8730];
	v16 =	vmul.f32 v34, v16  }
0x9d: {  	v43 =	vld [tilespmem:s11+$0x10730];
	v20 =	vmul.f32 v36, v35;
	v17 =	vadd.f32 $0.0e+00, v17  }
0x9e: {  	v19 =	vmul.f32 v37, v35;
	v16 =	vadd.f32 $0.0e+00, v16  }
0x9f: {  	v44 =	vmul.f32 v39, v38;
	v17 =	vadd.f32 v20, v17  }
0xa0: {  	v45 =	vmul.f32 v40, v38;
	v16 =	vadd.f32 v19, v16  }
0xa1: {  	v18 =	vmul.f32 v42, v41;
	v17 =	vadd.f32 v44, v17  }
0xa2: {  	v46 =	vmul.f32 v43, v41;
	v16 =	vadd.f32 v45, v16  }
0xa3: {  	v17 =	vadd.f32 v18, v17  }
0xa4: {  	v16 =	vadd.f32 v46, v16  }
0xa5: {  	[tilespmem:v2+s8+$0x0] =	vst.idx.msk $0xffff, v17  }
0xa6: {  	[tilespmem:v2+s25+$0x0] =	vst.idx.msk $0xffff, v16  }
0xa7: {  	v16 =	vld [tilespmem:s11+$0x780]  }
0xa8: {  	v17 =	vld [tilespmem:s11+$0x8780]  }
0xa9: {  	v47 =	vld [tilespmem:s11+$0x10780]  }
0xaa: {  	v48 =	vld [tilespmem:s11+$0x790]  }
0xab: {  	v49 =	vld [tilespmem:s11+$0x8790]  }
0xac: {  	v50 =	vld [tilespmem:s11+$0x10790]  }
0xad: {  	v51 =	vld [tilespmem:s11+$0x7A0]  }
0xae: {  	v52 =	vld [tilespmem:s11+$0x87A0]  }
0xaf: {  	v53 =	vld [tilespmem:s11+$0x107A0]  }
0xb0: {  	v54 =	vld [tilespmem:s11+$0x7B0];
	v17 =	vmul.f32 v17, v16  }
0xb1: {  	v55 =	vld [tilespmem:s11+$0x87B0];
	v16 =	vmul.f32 v47, v16  }
0xb2: {  	v56 =	vld [tilespmem:s11+$0x107B0];
	v20 =	vmul.f32 v49, v48;
	v17 =	vadd.f32 $0.0e+00, v17  }
0xb3: {  	v19 =	vmul.f32 v50, v48;
	v16 =	vadd.f32 $0.0e+00, v16  }
0xb4: {  	v57 =	vmul.f32 v52, v51;
	v17 =	vadd.f32 v20, v17  }
0xb5: {  	v58 =	vmul.f32 v53, v51;
	v16 =	vadd.f32 v19, v16  }
0xb6: {  	v18 =	vmul.f32 v55, v54;
	v17 =	vadd.f32 v57, v17  }
0xb7: {  	v59 =	vmul.f32 v56, v54;
	v16 =	vadd.f32 v58, v16  }
0xb8: {  	v17 =	vadd.f32 v18, v17  }
0xb9: {  	v16 =	vadd.f32 v59, v16  }
0xba: {  	[tilespmem:v3+s8+$0x0] =	vst.idx.msk $0xffff, v17  }
0xbb: {  	[tilespmem:v3+s25+$0x0] =	vst.idx.msk $0xffff, v16  }
0xbc: {  	v16 =	vld [tilespmem:s11+$0x800]  }
0xbd: {  	v17 =	vld [tilespmem:s11+$0x8800]  }
0xbe: {  	v60 =	vld [tilespmem:s11+$0x10800]  }
0xbf: {  	v61 =	vld [tilespmem:s11+$0x810]  }
0xc0: {  	v62 =	vld [tilespmem:s11+$0x8810]  }
0xc1: {  	v63 =	vld [tilespmem:s11+$0x10810]  }
0xc2: {  	v28 =	vld [tilespmem:s11+$0x820]  }
0xc3: {  	v29 =	vld [tilespmem:s11+$0x8820]  }
0xc4: {  	v30 =	vld [tilespmem:s11+$0x10820]  }
0xc5: {  	v31 =	vld [tilespmem:s11+$0x830];
	v17 =	vmul.f32 v17, v16  }
0xc6: {  	v32 =	vld [tilespmem:s11+$0x8830];
	v16 =	vmul.f32 v60, v16  }
0xc7: {  	v33 =	vld [tilespmem:s11+$0x10830];
	v20 =	vmul.f32 v62, v61;
	v17 =	vadd.f32 $0.0e+00, v17  }
0xc8: {  	v19 =	vmul.f32 v63, v61;
	v16 =	vadd.f32 $0.0e+00, v16  }
0xc9: {  	v34 =	vmul.f32 v29, v28;
	v17 =	vadd.f32 v20, v17  }
0xca: {  	v35 =	vmul.f32 v30, v28;
	v16 =	vadd.f32 v19, v16  }
0xcb: {  	v18 =	vmul.f32 v32, v31;
	v17 =	vadd.f32 v34, v17  }
0xcc: {  	v36 =	vmul.f32 v33, v31;
	v16 =	vadd.f32 v35, v16  }
0xcd: {  	v17 =	vadd.f32 v18, v17  }
0xce: {  	v16 =	vadd.f32 v36, v16  }
0xcf: {  	[tilespmem:v4+s8+$0x0] =	vst.idx.msk $0xffff, v17  }
0xd0: {  	[tilespmem:v4+s25+$0x0] =	vst.idx.msk $0xffff, v16  }
0xd1: {  	v16 =	vld [tilespmem:s11+$0x880]  }
0xd2: {  	v17 =	vld [tilespmem:s11+$0x8880]  }
0xd3: {  	v37 =	vld [tilespmem:s11+$0x10880]  }
0xd4: {  	v38 =	vld [tilespmem:s11+$0x890]  }
0xd5: {  	v39 =	vld [tilespmem:s11+$0x8890]  }
0xd6: {  	v40 =	vld [tilespmem:s11+$0x10890]  }
0xd7: {  	v41 =	vld [tilespmem:s11+$0x8A0]  }
0xd8: {  	v42 =	vld [tilespmem:s11+$0x88A0]  }
0xd9: {  	v43 =	vld [tilespmem:s11+$0x108A0]  }
0xda: {  	v44 =	vld [tilespmem:s11+$0x8B0];
	v17 =	vmul.f32 v17, v16  }
0xdb: {  	v45 =	vld [tilespmem:s11+$0x88B0];
	v16 =	vmul.f32 v37, v16  }
0xdc: {  	v46 =	vld [tilespmem:s11+$0x108B0];
	v20 =	vmul.f32 v39, v38;
	v17 =	vadd.f32 $0.0e+00, v17  }
0xdd: {  	v19 =	vmul.f32 v40, v38;
	v16 =	vadd.f32 $0.0e+00, v16  }
0xde: {  	v47 =	vmul.f32 v42, v41;
	v17 =	vadd.f32 v20, v17  }
0xdf: {  	v48 =	vmul.f32 v43, v41;
	v16 =	vadd.f32 v19, v16  }
0xe0: {  	v18 =	vmul.f32 v45, v44;
	v17 =	vadd.f32 v47, v17  }
0xe1: {  	v49 =	vmul.f32 v46, v44;
	v16 =	vadd.f32 v48, v16  }
0xe2: {  	v17 =	vadd.f32 v18, v17  }
0xe3: {  	v16 =	vadd.f32 v49, v16  }
0xe4: {  	[tilespmem:v5+s8+$0x0] =	vst.idx.msk $0xffff, v17  }
0xe5: {  	[tilespmem:v5+s25+$0x0] =	vst.idx.msk $0xffff, v16  }
0xe6: {  	v16 =	vld [tilespmem:s11+$0x900]  }
0xe7: {  	v17 =	vld [tilespmem:s11+$0x8900]  }
0xe8: {  	v50 =	vld [tilespmem:s11+$0x10900]  }
0xe9: {  	v51 =	vld [tilespmem:s11+$0x910]  }
0xea: {  	v52 =	vld [tilespmem:s11+$0x8910]  }
0xeb: {  	v53 =	vld [tilespmem:s11+$0x10910]  }
0xec: {  	v54 =	vld [tilespmem:s11+$0x920]  }
0xed: {  	v55 =	vld [tilespmem:s11+$0x8920]  }
0xee: {  	v56 =	vld [tilespmem:s11+$0x10920]  }
0xef: {  	v57 =	vld [tilespmem:s11+$0x930];
	v17 =	vmul.f32 v17, v16  }
0xf0: {  	v58 =	vld [tilespmem:s11+$0x8930];
	v16 =	vmul.f32 v50, v16  }
0xf1: {  	v59 =	vld [tilespmem:s11+$0x10930];
	v20 =	vmul.f32 v52, v51;
	v17 =	vadd.f32 $0.0e+00, v17  }
0xf2: {  	v19 =	vmul.f32 v53, v51;
	v16 =	vadd.f32 $0.0e+00, v16  }
0xf3: {  	v60 =	vmul.f32 v55, v54;
	v17 =	vadd.f32 v20, v17  }
0xf4: {  	v61 =	vmul.f32 v56, v54;
	v16 =	vadd.f32 v19, v16  }
0xf5: {  	v18 =	vmul.f32 v58, v57;
	v17 =	vadd.f32 v60, v17  }
0xf6: {  	v62 =	vmul.f32 v59, v57;
	v16 =	vadd.f32 v61, v16  }
0xf7: {  	v17 =	vadd.f32 v18, v17  }
0xf8: {  	v16 =	vadd.f32 v62, v16  }
0xf9: {  	[tilespmem:v6+s8+$0x0] =	vst.idx.msk $0xffff, v17  }
0xfa: {  	[tilespmem:v6+s25+$0x0] =	vst.idx.msk $0xffff, v16  }
0xfb: {  	v16 =	vld [tilespmem:s11+$0x980]  }
0xfc: {  	v17 =	vld [tilespmem:s11+$0x8980]  }
0xfd: {  	v63 =	vld [tilespmem:s11+$0x10980]  }
0xfe: {  	v28 =	vld [tilespmem:s11+$0x990]  }
0xff: {  	v29 =	vld [tilespmem:s11+$0x8990]  }
0x100: {  	v30 =	vld [tilespmem:s11+$0x10990]  }
0x101: {  	v31 =	vld [tilespmem:s11+$0x9A0]  }
0x102: {  	v32 =	vld [tilespmem:s11+$0x89A0]  }
0x103: {  	v33 =	vld [tilespmem:s11+$0x109A0]  }
0x104: {  	v34 =	vld [tilespmem:s11+$0x9B0];
	v17 =	vmul.f32 v17, v16  }
0x105: {  	v35 =	vld [tilespmem:s11+$0x89B0];
	v16 =	vmul.f32 v63, v16  }
0x106: {  	v36 =	vld [tilespmem:s11+$0x109B0];
	v20 =	vmul.f32 v29, v28;
	v17 =	vadd.f32 $0.0e+00, v17  }
0x107: {  	v19 =	vmul.f32 v30, v28;
	v16 =	vadd.f32 $0.0e+00, v16  }
0x108: {  	v37 =	vmul.f32 v32, v31;
	v17 =	vadd.f32 v20, v17  }
0x109: {  	v38 =	vmul.f32 v33, v31;
	v16 =	vadd.f32 v19, v16  }
0x10a: {  	v18 =	vmul.f32 v35, v34;
	v17 =	vadd.f32 v37, v17  }
0x10b: {  	v39 =	vmul.f32 v36, v34;
	v16 =	vadd.f32 v38, v16  }
0x10c: {  	v17 =	vadd.f32 v18, v17  }
0x10d: {  	v16 =	vadd.f32 v39, v16  }
0x10e: {  	[tilespmem:v7+s8+$0x0] =	vst.idx.msk $0xffff, v17  }
0x10f: {  	[tilespmem:v7+s25+$0x0] =	vst.idx.msk $0xffff, v16  }
0x110: {  	v16 =	vld [tilespmem:s11+$0xA00]  }
0x111: {  	v17 =	vld [tilespmem:s11+$0x8A00]  }
0x112: {  	v40 =	vld [tilespmem:s11+$0x10A00]  }
0x113: {  	v41 =	vld [tilespmem:s11+$0xA10]  }
0x114: {  	v42 =	vld [tilespmem:s11+$0x8A10]  }
0x115: {  	v43 =	vld [tilespmem:s11+$0x10A10]  }
0x116: {  	v44 =	vld [tilespmem:s11+$0xA20]  }
0x117: {  	v45 =	vld [tilespmem:s11+$0x8A20]  }
0x118: {  	v46 =	vld [tilespmem:s11+$0x10A20]  }
0x119: {  	v47 =	vld [tilespmem:s11+$0xA30];
	v17 =	vmul.f32 v17, v16  }
0x11a: {  	v48 =	vld [tilespmem:s11+$0x8A30];
	v16 =	vmul.f32 v40, v16  }
0x11b: {  	v49 =	vld [tilespmem:s11+$0x10A30];
	v20 =	vmul.f32 v42, v41;
	v17 =	vadd.f32 $0.0e+00, v17  }
0x11c: {  	v19 =	vmul.f32 v43, v41;
	v16 =	vadd.f32 $0.0e+00, v16  }
0x11d: {  	v50 =	vmul.f32 v45, v44;
	v17 =	vadd.f32 v20, v17  }
0x11e: {  	v51 =	vmul.f32 v46, v44;
	v16 =	vadd.f32 v19, v16  }
0x11f: {  	v18 =	vmul.f32 v48, v47;
	v17 =	vadd.f32 v50, v17  }
0x120: {  	v52 =	vmul.f32 v49, v47;
	v16 =	vadd.f32 v51, v16  }
0x121: {  	v17 =	vadd.f32 v18, v17  }
0x122: {  	v16 =	vadd.f32 v52, v16  }
0x123: {  	[tilespmem:v8+s8+$0x0] =	vst.idx.msk $0xffff, v17  }
0x124: {  	[tilespmem:v8+s25+$0x0] =	vst.idx.msk $0xffff, v16  }
0x125: {  	v16 =	vld [tilespmem:s11+$0xA80]  }
0x126: {  	v17 =	vld [tilespmem:s11+$0x8A80]  }
0x127: {  	v53 =	vld [tilespmem:s11+$0x10A80]  }
0x128: {  	v54 =	vld [tilespmem:s11+$0xA90]  }
0x129: {  	v55 =	vld [tilespmem:s11+$0x8A90]  }
0x12a: {  	v56 =	vld [tilespmem:s11+$0x10A90]  }
0x12b: {  	v57 =	vld [tilespmem:s11+$0xAA0]  }
0x12c: {  	v58 =	vld [tilespmem:s11+$0x8AA0]  }
0x12d: {  	v59 =	vld [tilespmem:s11+$0x10AA0]  }
0x12e: {  	v60 =	vld [tilespmem:s11+$0xAB0];
	v17 =	vmul.f32 v17, v16  }
0x12f: {  	v61 =	vld [tilespmem:s11+$0x8AB0];
	v16 =	vmul.f32 v53, v16  }
0x130: {  	v62 =	vld [tilespmem:s11+$0x10AB0];
	v20 =	vmul.f32 v55, v54;
	v17 =	vadd.f32 $0.0e+00, v17  }
0x131: {  	v19 =	vmul.f32 v56, v54;
	v16 =	vadd.f32 $0.0e+00, v16  }
0x132: {  	v63 =	vmul.f32 v58, v57;
	v17 =	vadd.f32 v20, v17  }
0x133: {  	v24 =	vmul.f32 v59, v57;
	v16 =	vadd.f32 v19, v16  }
0x134: {  	v18 =	vmul.f32 v61, v60;
	v17 =	vadd.f32 v63, v17  }
0x135: {  	v27 =	vmul.f32 v62, v60;
	v16 =	vadd.f32 v24, v16  }
0x136: {  	v17 =	vadd.f32 v18, v17  }
0x137: {  	v16 =	vadd.f32 v27, v16  }
0x138: {  	[tilespmem:v9+s8+$0x0] =	vst.idx.msk $0xffff, v17  }
0x139: {  	[tilespmem:v9+s25+$0x0] =	vst.idx.msk $0xffff, v16  }
0x13a: {  	v16 =	vld [tilespmem:s11+$0xB00]  }
0x13b: {  	v17 =	vld [tilespmem:s11+$0x8B00]  }
0x13c: {  	v28 =	vld [tilespmem:s11+$0x10B00]  }
0x13d: {  	v29 =	vld [tilespmem:s11+$0xB10]  }
0x13e: {  	v30 =	vld [tilespmem:s11+$0x8B10]  }
0x13f: {  	v31 =	vld [tilespmem:s11+$0x10B10]  }
0x140: {  	v32 =	vld [tilespmem:s11+$0xB20]  }
0x141: {  	v33 =	vld [tilespmem:s11+$0x8B20]  }
0x142: {  	v34 =	vld [tilespmem:s11+$0x10B20]  }
0x143: {  	v35 =	vld [tilespmem:s11+$0xB30];
	v17 =	vmul.f32 v17, v16  }
0x144: {  	v36 =	vld [tilespmem:s11+$0x8B30];
	v16 =	vmul.f32 v28, v16  }
0x145: {  	v37 =	vld [tilespmem:s11+$0x10B30];
	v20 =	vmul.f32 v30, v29;
	v17 =	vadd.f32 $0.0e+00, v17  }
0x146: {  	v19 =	vmul.f32 v31, v29;
	v16 =	vadd.f32 $0.0e+00, v16  }
0x147: {  	v38 =	vmul.f32 v33, v32;
	v17 =	vadd.f32 v20, v17  }
0x148: {  	v39 =	vmul.f32 v34, v32;
	v16 =	vadd.f32 v19, v16  }
0x149: {  	v18 =	vmul.f32 v36, v35;
	v17 =	vadd.f32 v38, v17  }
0x14a: {  	v40 =	vmul.f32 v37, v35;
	v16 =	vadd.f32 v39, v16  }
0x14b: {  	v17 =	vadd.f32 v18, v17  }
0x14c: {  	v16 =	vadd.f32 v40, v16  }
0x14d: {  	[tilespmem:v10+s8+$0x0] =	vst.idx.msk $0xffff, v17  }
0x14e: {  	[tilespmem:v10+s25+$0x0] =	vst.idx.msk $0xffff, v16  }
0x14f: {  	v16 =	vld [tilespmem:s11+$0xB80]  }
0x150: {  	v17 =	vld [tilespmem:s11+$0x8B80]  }
0x151: {  	v41 =	vld [tilespmem:s11+$0x10B80]  }
0x152: {  	v42 =	vld [tilespmem:s11+$0xB90]  }
0x153: {  	v43 =	vld [tilespmem:s11+$0x8B90]  }
0x154: {  	v44 =	vld [tilespmem:s11+$0x10B90]  }
0x155: {  	v45 =	vld [tilespmem:s11+$0xBA0]  }
0x156: {  	v46 =	vld [tilespmem:s11+$0x8BA0]  }
0x157: {  	v47 =	vld [tilespmem:s11+$0x10BA0]  }
0x158: {  	v48 =	vld [tilespmem:s11+$0xBB0];
	v17 =	vmul.f32 v17, v16  }
0x159: {  	v49 =	vld [tilespmem:s11+$0x8BB0];
	v16 =	vmul.f32 v41, v16  }
0x15a: {  	v50 =	vld [tilespmem:s11+$0x10BB0];
	v20 =	vmul.f32 v43, v42;
	v17 =	vadd.f32 $0.0e+00, v17  }
0x15b: {  	v19 =	vmul.f32 v44, v42;
	v16 =	vadd.f32 $0.0e+00, v16  }
0x15c: {  	v51 =	vmul.f32 v46, v45;
	v17 =	vadd.f32 v20, v17  }
0x15d: {  	v52 =	vmul.f32 v47, v45;
	v16 =	vadd.f32 v19, v16  }
0x15e: {  	v18 =	vmul.f32 v49, v48;
	v17 =	vadd.f32 v51, v17  }
0x15f: {  	v53 =	vmul.f32 v50, v48;
	v16 =	vadd.f32 v52, v16  }
0x160: {  	v17 =	vadd.f32 v18, v17  }
0x161: {  	v16 =	vadd.f32 v53, v16  }
0x162: {  	[tilespmem:v11+s8+$0x0] =	vst.idx.msk $0xffff, v17  }
0x163: {  	[tilespmem:v11+s25+$0x0] =	vst.idx.msk $0xffff, v16  }
0x164: {  	v16 =	vld [tilespmem:s11+$0xC00]  }
0x165: {  	v17 =	vld [tilespmem:s11+$0x8C00]  }
0x166: {  	v54 =	vld [tilespmem:s11+$0x10C00]  }
0x167: {  	v55 =	vld [tilespmem:s11+$0xC10]  }
0x168: {  	v56 =	vld [tilespmem:s11+$0x8C10]  }
0x169: {  	v57 =	vld [tilespmem:s11+$0x10C10]  }
0x16a: {  	v58 =	vld [tilespmem:s11+$0xC20]  }
0x16b: {  	v59 =	vld [tilespmem:s11+$0x8C20]  }
0x16c: {  	v60 =	vld [tilespmem:s11+$0x10C20]  }
0x16d: {  	v61 =	vld [tilespmem:s11+$0xC30];
	v17 =	vmul.f32 v17, v16  }
0x16e: {  	v62 =	vld [tilespmem:s11+$0x8C30];
	v16 =	vmul.f32 v54, v16  }
0x16f: {  	v63 =	vld [tilespmem:s11+$0x10C30];
	v20 =	vmul.f32 v56, v55;
	v17 =	vadd.f32 $0.0e+00, v17  }
0x170: {  	v19 =	vmul.f32 v57, v55;
	v16 =	vadd.f32 $0.0e+00, v16  }
0x171: {  	v28 =	vmul.f32 v59, v58;
	v17 =	vadd.f32 v20, v17  }
0x172: {  	v29 =	vmul.f32 v60, v58;
	v16 =	vadd.f32 v19, v16  }
0x173: {  	v18 =	vmul.f32 v62, v61;
	v17 =	vadd.f32 v28, v17  }
0x174: {  	v30 =	vmul.f32 v63, v61;
	v16 =	vadd.f32 v29, v16  }
0x175: {  	v17 =	vadd.f32 v18, v17  }
0x176: {  	v16 =	vadd.f32 v30, v16  }
0x177: {  	[tilespmem:v12+s8+$0x0] =	vst.idx.msk $0xffff, v17  }
0x178: {  	[tilespmem:v12+s25+$0x0] =	vst.idx.msk $0xffff, v16  }
0x179: {  	v16 =	vld [tilespmem:s11+$0xC80]  }
0x17a: {  	v17 =	vld [tilespmem:s11+$0x8C80]  }
0x17b: {  	v31 =	vld [tilespmem:s11+$0x10C80]  }
0x17c: {  	v32 =	vld [tilespmem:s11+$0xC90]  }
0x17d: {  	v33 =	vld [tilespmem:s11+$0x8C90]  }
0x17e: {  	v34 =	vld [tilespmem:s11+$0x10C90]  }
0x17f: {  	v35 =	vld [tilespmem:s11+$0xCA0]  }
0x180: {  	v36 =	vld [tilespmem:s11+$0x8CA0]  }
0x181: {  	v37 =	vld [tilespmem:s11+$0x10CA0]  }
0x182: {  	v38 =	vld [tilespmem:s11+$0xCB0];
	v17 =	vmul.f32 v17, v16  }
0x183: {  	v39 =	vld [tilespmem:s11+$0x8CB0];
	v16 =	vmul.f32 v31, v16  }
0x184: {  	v40 =	vld [tilespmem:s11+$0x10CB0];
	v20 =	vmul.f32 v33, v32;
	v17 =	vadd.f32 $0.0e+00, v17  }
0x185: {  	v19 =	vmul.f32 v34, v32;
	v16 =	vadd.f32 $0.0e+00, v16  }
0x186: {  	v41 =	vmul.f32 v36, v35;
	v17 =	vadd.f32 v20, v17  }
0x187: {  	v42 =	vmul.f32 v37, v35;
	v16 =	vadd.f32 v19, v16  }
0x188: {  	v18 =	vmul.f32 v39, v38;
	v17 =	vadd.f32 v41, v17  }
0x189: {  	v43 =	vmul.f32 v40, v38;
	v16 =	vadd.f32 v42, v16  }
0x18a: {  	v17 =	vadd.f32 v18, v17  }
0x18b: {  	v16 =	vadd.f32 v43, v16  }
0x18c: {  	[tilespmem:v13+s8+$0x0] =	vst.idx.msk $0xffff, v17  }
0x18d: {  	[tilespmem:v13+s25+$0x0] =	vst.idx.msk $0xffff, v16  }
0x18e: {  	v16 =	vld [tilespmem:s11+$0xD00]  }
0x18f: {  	v17 =	vld [tilespmem:s11+$0x8D00]  }
0x190: {  	v44 =	vld [tilespmem:s11+$0x10D00]  }
0x191: {  	v45 =	vld [tilespmem:s11+$0xD10]  }
0x192: {  	v46 =	vld [tilespmem:s11+$0x8D10]  }
0x193: {  	v47 =	vld [tilespmem:s11+$0x10D10]  }
0x194: {  	v48 =	vld [tilespmem:s11+$0xD20]  }
0x195: {  	v49 =	vld [tilespmem:s11+$0x8D20]  }
0x196: {  	v50 =	vld [tilespmem:s11+$0x10D20]  }
0x197: {  	v51 =	vld [tilespmem:s11+$0xD30];
	v17 =	vmul.f32 v17, v16  }
0x198: {  	v52 =	vld [tilespmem:s11+$0x8D30];
	v16 =	vmul.f32 v44, v16  }
0x199: {  	v53 =	vld [tilespmem:s11+$0x10D30];
	v20 =	vmul.f32 v46, v45;
	v17 =	vadd.f32 $0.0e+00, v17  }
0x19a: {  	v19 =	vmul.f32 v47, v45;
	v16 =	vadd.f32 $0.0e+00, v16  }
0x19b: {  	v54 =	vmul.f32 v49, v48;
	v17 =	vadd.f32 v20, v17  }
0x19c: {  	v55 =	vmul.f32 v50, v48;
	v16 =	vadd.f32 v19, v16  }
0x19d: {  	v18 =	vmul.f32 v52, v51;
	v17 =	vadd.f32 v54, v17  }
0x19e: {  	v56 =	vmul.f32 v53, v51;
	v16 =	vadd.f32 v55, v16  }
0x19f: {  	v17 =	vadd.f32 v18, v17  }
0x1a0: {  	v16 =	vadd.f32 v56, v16  }
0x1a1: {  	[tilespmem:v14+s8+$0x0] =	vst.idx.msk $0xffff, v17  }
0x1a2: {  	[tilespmem:v14+s25+$0x0] =	vst.idx.msk $0xffff, v16  }
0x1a3: {  	v16 =	vld [tilespmem:s11+$0xD80]  }
0x1a4: {  	v17 =	vld [tilespmem:s11+$0x8D80]  }
0x1a5: {  	v57 =	vld [tilespmem:s11+$0x10D80]  }
0x1a6: {  	v58 =	vld [tilespmem:s11+$0xD90]  }
0x1a7: {  	v59 =	vld [tilespmem:s11+$0x8D90]  }
0x1a8: {  	v60 =	vld [tilespmem:s11+$0x10D90]  }
0x1a9: {  	v61 =	vld [tilespmem:s11+$0xDA0]  }
0x1aa: {  	v62 =	vld [tilespmem:s11+$0x8DA0]  }
0x1ab: {  	v63 =	vld [tilespmem:s11+$0x10DA0]  }
0x1ac: {  	v28 =	vld [tilespmem:s11+$0xDB0];
	v17 =	vmul.f32 v17, v16  }
0x1ad: {  	v29 =	vld [tilespmem:s11+$0x8DB0];
	v16 =	vmul.f32 v57, v16  }
0x1ae: {  	v30 =	vld [tilespmem:s11+$0x10DB0];
	v20 =	vmul.f32 v59, v58;
	v17 =	vadd.f32 $0.0e+00, v17  }
0x1af: {  	v19 =	vmul.f32 v60, v58;
	v16 =	vadd.f32 $0.0e+00, v16  }
0x1b0: {  	v31 =	vmul.f32 v62, v61;
	v17 =	vadd.f32 v20, v17  }
0x1b1: {  	v32 =	vmul.f32 v63, v61;
	v16 =	vadd.f32 v19, v16  }
0x1b2: {  	v18 =	vmul.f32 v29, v28;
	v17 =	vadd.f32 v31, v17  }
0x1b3: {  	v33 =	vmul.f32 v30, v28;
	v16 =	vadd.f32 v32, v16  }
0x1b4: {  	v17 =	vadd.f32 v18, v17  }
0x1b5: {  	v16 =	vadd.f32 v33, v16  }
0x1b6: {  	[tilespmem:v15+s8+$0x0] =	vst.idx.msk $0xffff, v17  }
0x1b7: {  	[tilespmem:v15+s25+$0x0] =	vst.idx.msk $0xffff, v16  }
0x1b8: {  	v16 =	vld [tilespmem:$0x18600]  }
0x1b9: {  	v17 =	vld [tilespmem:$0x18700]  }
0x1ba: {  	v34 =	vld [tilespmem:$0x18610]  }
0x1bb: {  	v35 =	vld [tilespmem:$0x18710]  }
0x1bc: {  	v36 =	vld [tilespmem:$0x18620]  }
0x1bd: {  	v37 =	vld [tilespmem:$0x18720]  }
0x1be: {  	v38 =	vld [tilespmem:$0x18630]  }
0x1bf: {  	v39 =	vld [tilespmem:$0x18730];
	v16 =	vadd.f32 v34, v16  }
0x1c0: {  	v40 =	vld [tilespmem:$0x18640];
	v17 =	vadd.f32 v35, v17  }
0x1c1: {  	v41 =	vld [tilespmem:$0x18740];
	v16 =	vadd.f32 v36, v16  }
0x1c2: {  	v42 =	vld [tilespmem:$0x18650];
	v17 =	vadd.f32 v37, v17  }
0x1c3: {  	v43 =	vld [tilespmem:$0x18750];
	v16 =	vadd.f32 v38, v16  }
0x1c4: {  	v44 =	vld [tilespmem:$0x18660];
	v17 =	vadd.f32 v39, v17  }
0x1c5: {  	v45 =	vld [tilespmem:$0x18760];
	v16 =	vadd.f32 v40, v16  }
0x1c6: {  	v46 =	vld [tilespmem:$0x18670];
	v17 =	vadd.f32 v41, v17  }
0x1c7: {  	v47 =	vld [tilespmem:$0x18770];
	v16 =	vadd.f32 v42, v16  }
0x1c8: {  	v48 =	vld [tilespmem:$0x18680];
	v17 =	vadd.f32 v43, v17  }
0x1c9: {  	v49 =	vld [tilespmem:$0x18780];
	v16 =	vadd.f32 v44, v16  }
0x1ca: {  	v50 =	vld [tilespmem:$0x18690];
	v17 =	vadd.f32 v45, v17  }
0x1cb: {  	v51 =	vld [tilespmem:$0x18790];
	v16 =	vadd.f32 v46, v16  }
0x1cc: {  	v52 =	vld [tilespmem:$0x186A0];
	v17 =	vadd.f32 v47, v17  }
0x1cd: {  	v53 =	vld [tilespmem:$0x187A0];
	v16 =	vadd.f32 v48, v16  }
0x1ce: {  	v54 =	vld [tilespmem:$0x186B0];
	v17 =	vadd.f32 v49, v17  }
0x1cf: {  	v55 =	vld [tilespmem:$0x187B0];
	v16 =	vadd.f32 v50, v16  }
0x1d0: {  	v56 =	vld [tilespmem:$0x186C0];
	v17 =	vadd.f32 v51, v17  }
0x1d1: {  	v57 =	vld [tilespmem:$0x187C0];
	v16 =	vadd.f32 v52, v16  }
0x1d2: {  	v58 =	vld [tilespmem:$0x186D0];
	v17 =	vadd.f32 v53, v17  }
0x1d3: {  	v59 =	vld [tilespmem:$0x187D0];
	v16 =	vadd.f32 v54, v16  }
0x1d4: {  	v60 =	vld [tilespmem:$0x186E0];
	v17 =	vadd.f32 v55, v17  }
0x1d5: {  	v61 =	vld [tilespmem:$0x187E0];
	v16 =	vadd.f32 v56, v16  }
0x1d6: {  	v62 =	vld [tilespmem:$0x186F0];
	v17 =	vadd.f32 v57, v17  }
0x1d7: {  	v63 =	vld [tilespmem:$0x187F0];
	v16 =	vadd.f32 v58, v16  }
0x1d8: {  	v17 =	vadd.f32 v59, v17  }
0x1d9: {  	p0 =	sne.s32 s28, $0x1E000;
	v16 =	vadd.f32 v60, v16  }
.Ltmp0:
0x1da: {  	v17 =	vadd.f32 v61, v17;
	(pc) =	sbr.rel @p0 .LBB2_2-.Ltmp0, $4  }
0x1db: {  	v16 =	vadd.f32 v62, v16  }
0x1dc: {  	v17 =	vadd.f32 v63, v17  }
0x1dd: {  	[tilespmem:s26+$0x0] =	vst v16  }
0x1de: {  	s28 =	sadd.s32 $0x2000, s28;
	s26 =	sadd.s32 $0x10, s26;
	[tilespmem:s10+$0x0] =	vst v17;
	s10 =	sadd.s32 $0x10, s10  }
0x1df: {  	s10 =	simm.s32 $0x100  }
0x1e0: {  	[tilespmem:s2], [sflag:$0x1] =	stream.indirect.gather [hbm4b:s3+s23], $0x80, s10, s23, $0xb8;
	[tilespmem:$0x18C00] =	vst v63  }
0x1e1: {  	s12 =	simm.s32 $0x300  }
0x1e2: {  	[tilespmem:s21], [sflag:$0x1] =	stream.indirect.gather [hbm4b:s4+s23], $0x80, s12, s23, $0xb8;
	[tilespmem:$0x18C00] =	vst v63  }
0x1e3: {  	s26 =	simm.s32 $0x500  }
0x1e4: {  	[tilespmem:s5], [sflag:$0x1] =	stream.indirect.gather [hbm4b:s4+s23], $0x80, s26, s23, $0xb8;
	[tilespmem:$0x18C00] =	vst v63  }
0x1e5: {  	_ = 	snop  }
0x1e6: {  	[tilespmem:s22], [sflag:$0x1] =	stream.indirect.gather [hbm4b:s3+s23], $0x80, s30, s23, $0xb8;
	[tilespmem:$0x18C00] =	vst v63  }
0x1e7: {  	_ = 	snop  }
0x1e8: {  	[tilespmem:s6], [sflag:$0x1] =	stream.indirect.gather [hbm4b:s4+s23], $0x80, s31, s23, $0xb8;
	[tilespmem:$0x18C00] =	vst v63  }
0x1e9: {  	_ = 	snop  }
0x1ea: {  	[tilespmem:s7], [sflag:$0x1] =	stream.indirect.gather [hbm4b:s4+s23], $0x80, s0, s23, $0xb8;
	[tilespmem:$0x18C00] =	vst v63  }
0x1eb: {  	_ =	swait.ge [sflag:s24], $0x4000  }
0x1ec: {  	[sflag:s24] =	ssyncset.done $0x0  }
0x1ed: {  	[sflag:s24] =	ssyncadd.s32 $0xFFFFC000  }
0x1ee: {  	_ =	swait.ge [sflag:s24], $0x4000  }
0x1ef: {  	[sflag:s24] =	ssyncset.done $0x0  }
0x1f0: {  	[sflag:s24] =	ssyncadd.s32 $0xFFFFC000  }
0x1f1: {  	_ =	swait.ge [sflag:s24], $0x4000  }
0x1f2: {  	[sflag:s24] =	ssyncset.done $0x0  }
0x1f3: {  	[sflag:s24] =	ssyncadd.s32 $0xFFFFC000  }
0x1f4: {  	_ =	swait.ge [sflag:s24], $0x4000  }
0x1f5: {  	[sflag:s24] =	ssyncset.done $0x0  }
0x1f6: {  	[sflag:s24] =	ssyncadd.s32 $0xFFFFC000  }
0x1f7: {  	_ =	swait.ge [sflag:s24], $0x4000  }
0x1f8: {  	[sflag:s24] =	ssyncset.done $0x0  }
0x1f9: {  	[sflag:s24] =	ssyncadd.s32 $0xFFFFC000  }
0x1fa: {  	_ =	swait.ge [sflag:s24], $0x4000  }
0x1fb: {  	s28 =	simm.s32 $0x18900;
	[sflag:s24] =	ssyncset.done $0x0  }
0x1fc: {  	s10 =	simm.s32 $0x18B00;
	s26 =	simm.s32 $0x0;
	[sflag:s24] =	ssyncadd.s32 $0xFFFFC000  }
.LBB2_4:
0x1fd: {  	s11 =	sshra.s32 s26, $0x2  }
0x1fe: {  	v16 =	vld [tilespmem:s11+$0x600]  }
0x1ff: {  	v17 =	vld [tilespmem:s11+$0x8600]  }
0x200: {  	v18 =	vld [tilespmem:s11+$0x10600]  }
0x201: {  	v19 =	vld [tilespmem:s11+$0x610]  }
0x202: {  	v20 =	vld [tilespmem:s11+$0x8610]  }
0x203: {  	v21 =	vld [tilespmem:s11+$0x10610]  }
0x204: {  	v22 =	vld [tilespmem:s11+$0x620]  }
0x205: {  	v23 =	vld [tilespmem:s11+$0x8620]  }
0x206: {  	v24 =	vld [tilespmem:s11+$0x10620]  }
0x207: {  	v25 =	vld [tilespmem:s11+$0x630];
	v17 =	vmul.f32 v17, v16  }
0x208: {  	v53 =	vld [tilespmem:s11+$0x8630];
	v16 =	vmul.f32 v18, v16  }
0x209: {  	v26 =	vld [tilespmem:s11+$0x10630];
	v20 =	vmul.f32 v20, v19;
	v17 =	vadd.f32 $0.0e+00, v17  }
0x20a: {  	v19 =	vmul.f32 v21, v19;
	v16 =	vadd.f32 $0.0e+00, v16  }
0x20b: {  	v54 =	vmul.f32 v23, v22;
	v17 =	vadd.f32 v20, v17  }
0x20c: {  	v55 =	vmul.f32 v24, v22;
	v16 =	vadd.f32 v19, v16  }
0x20d: {  	v18 =	vmul.f32 v53, v25;
	v17 =	vadd.f32 v54, v17  }
0x20e: {  	v56 =	vmul.f32 v26, v25;
	v16 =	vadd.f32 v55, v16  }
0x20f: {  	v17 =	vadd.f32 v18, v17  }
0x210: {  	v16 =	vadd.f32 v56, v16  }
0x211: {  	[tilespmem:v0+s8+$0x0] =	vst.idx.msk $0xffff, v17  }
0x212: {  	[tilespmem:v0+s25+$0x0] =	vst.idx.msk $0xffff, v16  }
0x213: {  	v16 =	vld [tilespmem:s11+$0x680]  }
0x214: {  	v17 =	vld [tilespmem:s11+$0x8680]  }
0x215: {  	v57 =	vld [tilespmem:s11+$0x10680]  }
0x216: {  	v58 =	vld [tilespmem:s11+$0x690]  }
0x217: {  	v59 =	vld [tilespmem:s11+$0x8690]  }
0x218: {  	v60 =	vld [tilespmem:s11+$0x10690]  }
0x219: {  	v61 =	vld [tilespmem:s11+$0x6A0]  }
0x21a: {  	v62 =	vld [tilespmem:s11+$0x86A0]  }
0x21b: {  	v63 =	vld [tilespmem:s11+$0x106A0]  }
0x21c: {  	v28 =	vld [tilespmem:s11+$0x6B0];
	v17 =	vmul.f32 v17, v16  }
0x21d: {  	v29 =	vld [tilespmem:s11+$0x86B0];
	v16 =	vmul.f32 v57, v16  }
0x21e: {  	v30 =	vld [tilespmem:s11+$0x106B0];
	v20 =	vmul.f32 v59, v58;
	v17 =	vadd.f32 $0.0e+00, v17  }
0x21f: {  	v19 =	vmul.f32 v60, v58;
	v16 =	vadd.f32 $0.0e+00, v16  }
0x220: {  	v31 =	vmul.f32 v62, v61;
	v17 =	vadd.f32 v20, v17  }
0x221: {  	v32 =	vmul.f32 v63, v61;
	v16 =	vadd.f32 v19, v16  }
0x222: {  	v18 =	vmul.f32 v29, v28;
	v17 =	vadd.f32 v31, v17  }
0x223: {  	v33 =	vmul.f32 v30, v28;
	v16 =	vadd.f32 v32, v16  }
0x224: {  	v17 =	vadd.f32 v18, v17  }
0x225: {  	v16 =	vadd.f32 v33, v16  }
0x226: {  	[tilespmem:v1+s8+$0x0] =	vst.idx.msk $0xffff, v17  }
0x227: {  	[tilespmem:v1+s25+$0x0] =	vst.idx.msk $0xffff, v16  }
0x228: {  	v16 =	vld [tilespmem:s11+$0x700]  }
0x229: {  	v17 =	vld [tilespmem:s11+$0x8700]  }
0x22a: {  	v34 =	vld [tilespmem:s11+$0x10700]  }
0x22b: {  	v35 =	vld [tilespmem:s11+$0x710]  }
0x22c: {  	v36 =	vld [tilespmem:s11+$0x8710]  }
0x22d: {  	v37 =	vld [tilespmem:s11+$0x10710]  }
0x22e: {  	v38 =	vld [tilespmem:s11+$0x720]  }
0x22f: {  	v39 =	vld [tilespmem:s11+$0x8720]  }
0x230: {  	v40 =	vld [tilespmem:s11+$0x10720]  }
0x231: {  	v41 =	vld [tilespmem:s11+$0x730];
	v17 =	vmul.f32 v17, v16  }
0x232: {  	v42 =	vld [tilespmem:s11+$0x8730];
	v16 =	vmul.f32 v34, v16  }
0x233: {  	v43 =	vld [tilespmem:s11+$0x10730];
	v20 =	vmul.f32 v36, v35;
	v17 =	vadd.f32 $0.0e+00, v17  }
0x234: {  	v19 =	vmul.f32 v37, v35;
	v16 =	vadd.f32 $0.0e+00, v16  }
0x235: {  	v44 =	vmul.f32 v39, v38;
	v17 =	vadd.f32 v20, v17  }
0x236: {  	v45 =	vmul.f32 v40, v38;
	v16 =	vadd.f32 v19, v16  }
0x237: {  	v18 =	vmul.f32 v42, v41;
	v17 =	vadd.f32 v44, v17  }
0x238: {  	v46 =	vmul.f32 v43, v41;
	v16 =	vadd.f32 v45, v16  }
0x239: {  	v17 =	vadd.f32 v18, v17  }
0x23a: {  	v16 =	vadd.f32 v46, v16  }
0x23b: {  	[tilespmem:v2+s8+$0x0] =	vst.idx.msk $0xffff, v17  }
0x23c: {  	[tilespmem:v2+s25+$0x0] =	vst.idx.msk $0xffff, v16  }
0x23d: {  	v16 =	vld [tilespmem:s11+$0x780]  }
0x23e: {  	v17 =	vld [tilespmem:s11+$0x8780]  }
0x23f: {  	v47 =	vld [tilespmem:s11+$0x10780]  }
0x240: {  	v48 =	vld [tilespmem:s11+$0x790]  }
0x241: {  	v49 =	vld [tilespmem:s11+$0x8790]  }
0x242: {  	v50 =	vld [tilespmem:s11+$0x10790]  }
0x243: {  	v51 =	vld [tilespmem:s11+$0x7A0]  }
0x244: {  	v52 =	vld [tilespmem:s11+$0x87A0]  }
0x245: {  	v53 =	vld [tilespmem:s11+$0x107A0]  }
0x246: {  	v54 =	vld [tilespmem:s11+$0x7B0];
	v17 =	vmul.f32 v17, v16  }
0x247: {  	v55 =	vld [tilespmem:s11+$0x87B0];
	v16 =	vmul.f32 v47, v16  }
0x248: {  	v56 =	vld [tilespmem:s11+$0x107B0];
	v20 =	vmul.f32 v49, v48;
	v17 =	vadd.f32 $0.0e+00, v17  }
0x249: {  	v19 =	vmul.f32 v50, v48;
	v16 =	vadd.f32 $0.0e+00, v16  }
0x24a: {  	v57 =	vmul.f32 v52, v51;
	v17 =	vadd.f32 v20, v17  }
0x24b: {  	v58 =	vmul.f32 v53, v51;
	v16 =	vadd.f32 v19, v16  }
0x24c: {  	v18 =	vmul.f32 v55, v54;
	v17 =	vadd.f32 v57, v17  }
0x24d: {  	v59 =	vmul.f32 v56, v54;
	v16 =	vadd.f32 v58, v16  }
0x24e: {  	v17 =	vadd.f32 v18, v17  }
0x24f: {  	v16 =	vadd.f32 v59, v16  }
0x250: {  	[tilespmem:v3+s8+$0x0] =	vst.idx.msk $0xffff, v17  }
0x251: {  	[tilespmem:v3+s25+$0x0] =	vst.idx.msk $0xffff, v16  }
0x252: {  	v16 =	vld [tilespmem:s11+$0x800]  }
0x253: {  	v17 =	vld [tilespmem:s11+$0x8800]  }
0x254: {  	v60 =	vld [tilespmem:s11+$0x10800]  }
0x255: {  	v61 =	vld [tilespmem:s11+$0x810]  }
0x256: {  	v62 =	vld [tilespmem:s11+$0x8810]  }
0x257: {  	v63 =	vld [tilespmem:s11+$0x10810]  }
0x258: {  	v28 =	vld [tilespmem:s11+$0x820]  }
0x259: {  	v29 =	vld [tilespmem:s11+$0x8820]  }
0x25a: {  	v30 =	vld [tilespmem:s11+$0x10820]  }
0x25b: {  	v31 =	vld [tilespmem:s11+$0x830];
	v17 =	vmul.f32 v17, v16  }
0x25c: {  	v32 =	vld [tilespmem:s11+$0x8830];
	v16 =	vmul.f32 v60, v16  }
0x25d: {  	v33 =	vld [tilespmem:s11+$0x10830];
	v20 =	vmul.f32 v62, v61;
	v17 =	vadd.f32 $0.0e+00, v17  }
0x25e: {  	v19 =	vmul.f32 v63, v61;
	v16 =	vadd.f32 $0.0e+00, v16  }
0x25f: {  	v34 =	vmul.f32 v29, v28;
	v17 =	vadd.f32 v20, v17  }
0x260: {  	v35 =	vmul.f32 v30, v28;
	v16 =	vadd.f32 v19, v16  }
0x261: {  	v18 =	vmul.f32 v32, v31;
	v17 =	vadd.f32 v34, v17  }
0x262: {  	v36 =	vmul.f32 v33, v31;
	v16 =	vadd.f32 v35, v16  }
0x263: {  	v17 =	vadd.f32 v18, v17  }
0x264: {  	v16 =	vadd.f32 v36, v16  }
0x265: {  	[tilespmem:v4+s8+$0x0] =	vst.idx.msk $0xffff, v17  }
0x266: {  	[tilespmem:v4+s25+$0x0] =	vst.idx.msk $0xffff, v16  }
0x267: {  	v16 =	vld [tilespmem:s11+$0x880]  }
0x268: {  	v17 =	vld [tilespmem:s11+$0x8880]  }
0x269: {  	v37 =	vld [tilespmem:s11+$0x10880]  }
0x26a: {  	v38 =	vld [tilespmem:s11+$0x890]  }
0x26b: {  	v39 =	vld [tilespmem:s11+$0x8890]  }
0x26c: {  	v40 =	vld [tilespmem:s11+$0x10890]  }
0x26d: {  	v41 =	vld [tilespmem:s11+$0x8A0]  }
0x26e: {  	v42 =	vld [tilespmem:s11+$0x88A0]  }
0x26f: {  	v43 =	vld [tilespmem:s11+$0x108A0]  }
0x270: {  	v44 =	vld [tilespmem:s11+$0x8B0];
	v17 =	vmul.f32 v17, v16  }
0x271: {  	v45 =	vld [tilespmem:s11+$0x88B0];
	v16 =	vmul.f32 v37, v16  }
0x272: {  	v46 =	vld [tilespmem:s11+$0x108B0];
	v20 =	vmul.f32 v39, v38;
	v17 =	vadd.f32 $0.0e+00, v17  }
0x273: {  	v19 =	vmul.f32 v40, v38;
	v16 =	vadd.f32 $0.0e+00, v16  }
0x274: {  	v47 =	vmul.f32 v42, v41;
	v17 =	vadd.f32 v20, v17  }
0x275: {  	v48 =	vmul.f32 v43, v41;
	v16 =	vadd.f32 v19, v16  }
0x276: {  	v18 =	vmul.f32 v45, v44;
	v17 =	vadd.f32 v47, v17  }
0x277: {  	v49 =	vmul.f32 v46, v44;
	v16 =	vadd.f32 v48, v16  }
0x278: {  	v17 =	vadd.f32 v18, v17  }
0x279: {  	v16 =	vadd.f32 v49, v16  }
0x27a: {  	[tilespmem:v5+s8+$0x0] =	vst.idx.msk $0xffff, v17  }
0x27b: {  	[tilespmem:v5+s25+$0x0] =	vst.idx.msk $0xffff, v16  }
0x27c: {  	v16 =	vld [tilespmem:s11+$0x900]  }
0x27d: {  	v17 =	vld [tilespmem:s11+$0x8900]  }
0x27e: {  	v50 =	vld [tilespmem:s11+$0x10900]  }
0x27f: {  	v51 =	vld [tilespmem:s11+$0x910]  }
0x280: {  	v52 =	vld [tilespmem:s11+$0x8910]  }
0x281: {  	v53 =	vld [tilespmem:s11+$0x10910]  }
0x282: {  	v54 =	vld [tilespmem:s11+$0x920]  }
0x283: {  	v55 =	vld [tilespmem:s11+$0x8920]  }
0x284: {  	v56 =	vld [tilespmem:s11+$0x10920]  }
0x285: {  	v57 =	vld [tilespmem:s11+$0x930];
	v17 =	vmul.f32 v17, v16  }
0x286: {  	v58 =	vld [tilespmem:s11+$0x8930];
	v16 =	vmul.f32 v50, v16  }
0x287: {  	v59 =	vld [tilespmem:s11+$0x10930];
	v20 =	vmul.f32 v52, v51;
	v17 =	vadd.f32 $0.0e+00, v17  }
0x288: {  	v19 =	vmul.f32 v53, v51;
	v16 =	vadd.f32 $0.0e+00, v16  }
0x289: {  	v60 =	vmul.f32 v55, v54;
	v17 =	vadd.f32 v20, v17  }
0x28a: {  	v61 =	vmul.f32 v56, v54;
	v16 =	vadd.f32 v19, v16  }
0x28b: {  	v18 =	vmul.f32 v58, v57;
	v17 =	vadd.f32 v60, v17  }
0x28c: {  	v62 =	vmul.f32 v59, v57;
	v16 =	vadd.f32 v61, v16  }
0x28d: {  	v17 =	vadd.f32 v18, v17  }
0x28e: {  	v16 =	vadd.f32 v62, v16  }
0x28f: {  	[tilespmem:v6+s8+$0x0] =	vst.idx.msk $0xffff, v17  }
0x290: {  	[tilespmem:v6+s25+$0x0] =	vst.idx.msk $0xffff, v16  }
0x291: {  	v16 =	vld [tilespmem:s11+$0x980]  }
0x292: {  	v17 =	vld [tilespmem:s11+$0x8980]  }
0x293: {  	v63 =	vld [tilespmem:s11+$0x10980]  }
0x294: {  	v28 =	vld [tilespmem:s11+$0x990]  }
0x295: {  	v29 =	vld [tilespmem:s11+$0x8990]  }
0x296: {  	v30 =	vld [tilespmem:s11+$0x10990]  }
0x297: {  	v31 =	vld [tilespmem:s11+$0x9A0]  }
0x298: {  	v32 =	vld [tilespmem:s11+$0x89A0]  }
0x299: {  	v33 =	vld [tilespmem:s11+$0x109A0]  }
0x29a: {  	v34 =	vld [tilespmem:s11+$0x9B0];
	v17 =	vmul.f32 v17, v16  }
0x29b: {  	v35 =	vld [tilespmem:s11+$0x89B0];
	v16 =	vmul.f32 v63, v16  }
0x29c: {  	v36 =	vld [tilespmem:s11+$0x109B0];
	v20 =	vmul.f32 v29, v28;
	v17 =	vadd.f32 $0.0e+00, v17  }
0x29d: {  	v19 =	vmul.f32 v30, v28;
	v16 =	vadd.f32 $0.0e+00, v16  }
0x29e: {  	v37 =	vmul.f32 v32, v31;
	v17 =	vadd.f32 v20, v17  }
0x29f: {  	v38 =	vmul.f32 v33, v31;
	v16 =	vadd.f32 v19, v16  }
0x2a0: {  	v18 =	vmul.f32 v35, v34;
	v17 =	vadd.f32 v37, v17  }
0x2a1: {  	v39 =	vmul.f32 v36, v34;
	v16 =	vadd.f32 v38, v16  }
0x2a2: {  	v17 =	vadd.f32 v18, v17  }
0x2a3: {  	v16 =	vadd.f32 v39, v16  }
0x2a4: {  	[tilespmem:v7+s8+$0x0] =	vst.idx.msk $0xffff, v17  }
0x2a5: {  	[tilespmem:v7+s25+$0x0] =	vst.idx.msk $0xffff, v16  }
0x2a6: {  	v16 =	vld [tilespmem:s11+$0xA00]  }
0x2a7: {  	v17 =	vld [tilespmem:s11+$0x8A00]  }
0x2a8: {  	v40 =	vld [tilespmem:s11+$0x10A00]  }
0x2a9: {  	v41 =	vld [tilespmem:s11+$0xA10]  }
0x2aa: {  	v42 =	vld [tilespmem:s11+$0x8A10]  }
0x2ab: {  	v43 =	vld [tilespmem:s11+$0x10A10]  }
0x2ac: {  	v44 =	vld [tilespmem:s11+$0xA20]  }
0x2ad: {  	v45 =	vld [tilespmem:s11+$0x8A20]  }
0x2ae: {  	v46 =	vld [tilespmem:s11+$0x10A20]  }
0x2af: {  	v47 =	vld [tilespmem:s11+$0xA30];
	v17 =	vmul.f32 v17, v16  }
0x2b0: {  	v48 =	vld [tilespmem:s11+$0x8A30];
	v16 =	vmul.f32 v40, v16  }
0x2b1: {  	v49 =	vld [tilespmem:s11+$0x10A30];
	v20 =	vmul.f32 v42, v41;
	v17 =	vadd.f32 $0.0e+00, v17  }
0x2b2: {  	v19 =	vmul.f32 v43, v41;
	v16 =	vadd.f32 $0.0e+00, v16  }
0x2b3: {  	v50 =	vmul.f32 v45, v44;
	v17 =	vadd.f32 v20, v17  }
0x2b4: {  	v51 =	vmul.f32 v46, v44;
	v16 =	vadd.f32 v19, v16  }
0x2b5: {  	v18 =	vmul.f32 v48, v47;
	v17 =	vadd.f32 v50, v17  }
0x2b6: {  	v52 =	vmul.f32 v49, v47;
	v16 =	vadd.f32 v51, v16  }
0x2b7: {  	v17 =	vadd.f32 v18, v17  }
0x2b8: {  	v16 =	vadd.f32 v52, v16  }
0x2b9: {  	[tilespmem:v8+s8+$0x0] =	vst.idx.msk $0xffff, v17  }
0x2ba: {  	[tilespmem:v8+s25+$0x0] =	vst.idx.msk $0xffff, v16  }
0x2bb: {  	v16 =	vld [tilespmem:s11+$0xA80]  }
0x2bc: {  	v17 =	vld [tilespmem:s11+$0x8A80]  }
0x2bd: {  	v53 =	vld [tilespmem:s11+$0x10A80]  }
0x2be: {  	v54 =	vld [tilespmem:s11+$0xA90]  }
0x2bf: {  	v55 =	vld [tilespmem:s11+$0x8A90]  }
0x2c0: {  	v56 =	vld [tilespmem:s11+$0x10A90]  }
0x2c1: {  	v57 =	vld [tilespmem:s11+$0xAA0]  }
0x2c2: {  	v58 =	vld [tilespmem:s11+$0x8AA0]  }
0x2c3: {  	v59 =	vld [tilespmem:s11+$0x10AA0]  }
0x2c4: {  	v60 =	vld [tilespmem:s11+$0xAB0];
	v17 =	vmul.f32 v17, v16  }
0x2c5: {  	v61 =	vld [tilespmem:s11+$0x8AB0];
	v16 =	vmul.f32 v53, v16  }
0x2c6: {  	v62 =	vld [tilespmem:s11+$0x10AB0];
	v20 =	vmul.f32 v55, v54;
	v17 =	vadd.f32 $0.0e+00, v17  }
0x2c7: {  	v19 =	vmul.f32 v56, v54;
	v16 =	vadd.f32 $0.0e+00, v16  }
0x2c8: {  	v63 =	vmul.f32 v58, v57;
	v17 =	vadd.f32 v20, v17  }
0x2c9: {  	v24 =	vmul.f32 v59, v57;
	v16 =	vadd.f32 v19, v16  }
0x2ca: {  	v18 =	vmul.f32 v61, v60;
	v17 =	vadd.f32 v63, v17  }
0x2cb: {  	v27 =	vmul.f32 v62, v60;
	v16 =	vadd.f32 v24, v16  }
0x2cc: {  	v17 =	vadd.f32 v18, v17  }
0x2cd: {  	v16 =	vadd.f32 v27, v16  }
0x2ce: {  	[tilespmem:v9+s8+$0x0] =	vst.idx.msk $0xffff, v17  }
0x2cf: {  	[tilespmem:v9+s25+$0x0] =	vst.idx.msk $0xffff, v16  }
0x2d0: {  	v16 =	vld [tilespmem:s11+$0xB00]  }
0x2d1: {  	v17 =	vld [tilespmem:s11+$0x8B00]  }
0x2d2: {  	v28 =	vld [tilespmem:s11+$0x10B00]  }
0x2d3: {  	v29 =	vld [tilespmem:s11+$0xB10]  }
0x2d4: {  	v30 =	vld [tilespmem:s11+$0x8B10]  }
0x2d5: {  	v31 =	vld [tilespmem:s11+$0x10B10]  }
0x2d6: {  	v32 =	vld [tilespmem:s11+$0xB20]  }
0x2d7: {  	v33 =	vld [tilespmem:s11+$0x8B20]  }
0x2d8: {  	v34 =	vld [tilespmem:s11+$0x10B20]  }
0x2d9: {  	v35 =	vld [tilespmem:s11+$0xB30];
	v17 =	vmul.f32 v17, v16  }
0x2da: {  	v36 =	vld [tilespmem:s11+$0x8B30];
	v16 =	vmul.f32 v28, v16  }
0x2db: {  	v37 =	vld [tilespmem:s11+$0x10B30];
	v20 =	vmul.f32 v30, v29;
	v17 =	vadd.f32 $0.0e+00, v17  }
0x2dc: {  	v19 =	vmul.f32 v31, v29;
	v16 =	vadd.f32 $0.0e+00, v16  }
0x2dd: {  	v38 =	vmul.f32 v33, v32;
	v17 =	vadd.f32 v20, v17  }
0x2de: {  	v39 =	vmul.f32 v34, v32;
	v16 =	vadd.f32 v19, v16  }
0x2df: {  	v18 =	vmul.f32 v36, v35;
	v17 =	vadd.f32 v38, v17  }
0x2e0: {  	v40 =	vmul.f32 v37, v35;
	v16 =	vadd.f32 v39, v16  }
0x2e1: {  	v17 =	vadd.f32 v18, v17  }
0x2e2: {  	v16 =	vadd.f32 v40, v16  }
0x2e3: {  	[tilespmem:v10+s8+$0x0] =	vst.idx.msk $0xffff, v17  }
0x2e4: {  	[tilespmem:v10+s25+$0x0] =	vst.idx.msk $0xffff, v16  }
0x2e5: {  	v16 =	vld [tilespmem:s11+$0xB80]  }
0x2e6: {  	v17 =	vld [tilespmem:s11+$0x8B80]  }
0x2e7: {  	v41 =	vld [tilespmem:s11+$0x10B80]  }
0x2e8: {  	v42 =	vld [tilespmem:s11+$0xB90]  }
0x2e9: {  	v43 =	vld [tilespmem:s11+$0x8B90]  }
0x2ea: {  	v44 =	vld [tilespmem:s11+$0x10B90]  }
0x2eb: {  	v45 =	vld [tilespmem:s11+$0xBA0]  }
0x2ec: {  	v46 =	vld [tilespmem:s11+$0x8BA0]  }
0x2ed: {  	v47 =	vld [tilespmem:s11+$0x10BA0]  }
0x2ee: {  	v48 =	vld [tilespmem:s11+$0xBB0];
	v17 =	vmul.f32 v17, v16  }
0x2ef: {  	v49 =	vld [tilespmem:s11+$0x8BB0];
	v16 =	vmul.f32 v41, v16  }
0x2f0: {  	v50 =	vld [tilespmem:s11+$0x10BB0];
	v20 =	vmul.f32 v43, v42;
	v17 =	vadd.f32 $0.0e+00, v17  }
0x2f1: {  	v19 =	vmul.f32 v44, v42;
	v16 =	vadd.f32 $0.0e+00, v16  }
0x2f2: {  	v51 =	vmul.f32 v46, v45;
	v17 =	vadd.f32 v20, v17  }
0x2f3: {  	v52 =	vmul.f32 v47, v45;
	v16 =	vadd.f32 v19, v16  }
0x2f4: {  	v18 =	vmul.f32 v49, v48;
	v17 =	vadd.f32 v51, v17  }
0x2f5: {  	v53 =	vmul.f32 v50, v48;
	v16 =	vadd.f32 v52, v16  }
0x2f6: {  	v17 =	vadd.f32 v18, v17  }
0x2f7: {  	v16 =	vadd.f32 v53, v16  }
0x2f8: {  	[tilespmem:v11+s8+$0x0] =	vst.idx.msk $0xffff, v17  }
0x2f9: {  	[tilespmem:v11+s25+$0x0] =	vst.idx.msk $0xffff, v16  }
0x2fa: {  	v16 =	vld [tilespmem:s11+$0xC00]  }
0x2fb: {  	v17 =	vld [tilespmem:s11+$0x8C00]  }
0x2fc: {  	v54 =	vld [tilespmem:s11+$0x10C00]  }
0x2fd: {  	v55 =	vld [tilespmem:s11+$0xC10]  }
0x2fe: {  	v56 =	vld [tilespmem:s11+$0x8C10]  }
0x2ff: {  	v57 =	vld [tilespmem:s11+$0x10C10]  }
0x300: {  	v58 =	vld [tilespmem:s11+$0xC20]  }
0x301: {  	v59 =	vld [tilespmem:s11+$0x8C20]  }
0x302: {  	v60 =	vld [tilespmem:s11+$0x10C20]  }
0x303: {  	v61 =	vld [tilespmem:s11+$0xC30];
	v17 =	vmul.f32 v17, v16  }
0x304: {  	v62 =	vld [tilespmem:s11+$0x8C30];
	v16 =	vmul.f32 v54, v16  }
0x305: {  	v63 =	vld [tilespmem:s11+$0x10C30];
	v20 =	vmul.f32 v56, v55;
	v17 =	vadd.f32 $0.0e+00, v17  }
0x306: {  	v19 =	vmul.f32 v57, v55;
	v16 =	vadd.f32 $0.0e+00, v16  }
0x307: {  	v28 =	vmul.f32 v59, v58;
	v17 =	vadd.f32 v20, v17  }
0x308: {  	v29 =	vmul.f32 v60, v58;
	v16 =	vadd.f32 v19, v16  }
0x309: {  	v18 =	vmul.f32 v62, v61;
	v17 =	vadd.f32 v28, v17  }
0x30a: {  	v30 =	vmul.f32 v63, v61;
	v16 =	vadd.f32 v29, v16  }
0x30b: {  	v17 =	vadd.f32 v18, v17  }
0x30c: {  	v16 =	vadd.f32 v30, v16  }
0x30d: {  	[tilespmem:v12+s8+$0x0] =	vst.idx.msk $0xffff, v17  }
0x30e: {  	[tilespmem:v12+s25+$0x0] =	vst.idx.msk $0xffff, v16  }
0x30f: {  	v16 =	vld [tilespmem:s11+$0xC80]  }
0x310: {  	v17 =	vld [tilespmem:s11+$0x8C80]  }
0x311: {  	v31 =	vld [tilespmem:s11+$0x10C80]  }
0x312: {  	v32 =	vld [tilespmem:s11+$0xC90]  }
0x313: {  	v33 =	vld [tilespmem:s11+$0x8C90]  }
0x314: {  	v34 =	vld [tilespmem:s11+$0x10C90]  }
0x315: {  	v35 =	vld [tilespmem:s11+$0xCA0]  }
0x316: {  	v36 =	vld [tilespmem:s11+$0x8CA0]  }
0x317: {  	v37 =	vld [tilespmem:s11+$0x10CA0]  }
0x318: {  	v38 =	vld [tilespmem:s11+$0xCB0];
	v17 =	vmul.f32 v17, v16  }
0x319: {  	v39 =	vld [tilespmem:s11+$0x8CB0];
	v16 =	vmul.f32 v31, v16  }
0x31a: {  	v40 =	vld [tilespmem:s11+$0x10CB0];
	v20 =	vmul.f32 v33, v32;
	v17 =	vadd.f32 $0.0e+00, v17  }
0x31b: {  	v19 =	vmul.f32 v34, v32;
	v16 =	vadd.f32 $0.0e+00, v16  }
0x31c: {  	v41 =	vmul.f32 v36, v35;
	v17 =	vadd.f32 v20, v17  }
0x31d: {  	v42 =	vmul.f32 v37, v35;
	v16 =	vadd.f32 v19, v16  }
0x31e: {  	v18 =	vmul.f32 v39, v38;
	v17 =	vadd.f32 v41, v17  }
0x31f: {  	v43 =	vmul.f32 v40, v38;
	v16 =	vadd.f32 v42, v16  }
0x320: {  	v17 =	vadd.f32 v18, v17  }
0x321: {  	v16 =	vadd.f32 v43, v16  }
0x322: {  	[tilespmem:v13+s8+$0x0] =	vst.idx.msk $0xffff, v17  }
0x323: {  	[tilespmem:v13+s25+$0x0] =	vst.idx.msk $0xffff, v16  }
0x324: {  	v16 =	vld [tilespmem:s11+$0xD00]  }
0x325: {  	v17 =	vld [tilespmem:s11+$0x8D00]  }
0x326: {  	v44 =	vld [tilespmem:s11+$0x10D00]  }
0x327: {  	v45 =	vld [tilespmem:s11+$0xD10]  }
0x328: {  	v46 =	vld [tilespmem:s11+$0x8D10]  }
0x329: {  	v47 =	vld [tilespmem:s11+$0x10D10]  }
0x32a: {  	v48 =	vld [tilespmem:s11+$0xD20]  }
0x32b: {  	v49 =	vld [tilespmem:s11+$0x8D20]  }
0x32c: {  	v50 =	vld [tilespmem:s11+$0x10D20]  }
0x32d: {  	v51 =	vld [tilespmem:s11+$0xD30];
	v17 =	vmul.f32 v17, v16  }
0x32e: {  	v52 =	vld [tilespmem:s11+$0x8D30];
	v16 =	vmul.f32 v44, v16  }
0x32f: {  	v53 =	vld [tilespmem:s11+$0x10D30];
	v20 =	vmul.f32 v46, v45;
	v17 =	vadd.f32 $0.0e+00, v17  }
0x330: {  	v19 =	vmul.f32 v47, v45;
	v16 =	vadd.f32 $0.0e+00, v16  }
0x331: {  	v54 =	vmul.f32 v49, v48;
	v17 =	vadd.f32 v20, v17  }
0x332: {  	v55 =	vmul.f32 v50, v48;
	v16 =	vadd.f32 v19, v16  }
0x333: {  	v18 =	vmul.f32 v52, v51;
	v17 =	vadd.f32 v54, v17  }
0x334: {  	v56 =	vmul.f32 v53, v51;
	v16 =	vadd.f32 v55, v16  }
0x335: {  	v17 =	vadd.f32 v18, v17  }
0x336: {  	v16 =	vadd.f32 v56, v16  }
0x337: {  	[tilespmem:v14+s8+$0x0] =	vst.idx.msk $0xffff, v17  }
0x338: {  	[tilespmem:v14+s25+$0x0] =	vst.idx.msk $0xffff, v16  }
0x339: {  	v16 =	vld [tilespmem:s11+$0xD80]  }
0x33a: {  	v17 =	vld [tilespmem:s11+$0x8D80]  }
0x33b: {  	v57 =	vld [tilespmem:s11+$0x10D80]  }
0x33c: {  	v58 =	vld [tilespmem:s11+$0xD90]  }
0x33d: {  	v59 =	vld [tilespmem:s11+$0x8D90]  }
0x33e: {  	v60 =	vld [tilespmem:s11+$0x10D90]  }
0x33f: {  	v61 =	vld [tilespmem:s11+$0xDA0]  }
0x340: {  	v62 =	vld [tilespmem:s11+$0x8DA0]  }
0x341: {  	v63 =	vld [tilespmem:s11+$0x10DA0]  }
0x342: {  	v28 =	vld [tilespmem:s11+$0xDB0];
	v17 =	vmul.f32 v17, v16  }
0x343: {  	v29 =	vld [tilespmem:s11+$0x8DB0];
	v16 =	vmul.f32 v57, v16  }
0x344: {  	v30 =	vld [tilespmem:s11+$0x10DB0];
	v20 =	vmul.f32 v59, v58;
	v17 =	vadd.f32 $0.0e+00, v17  }
0x345: {  	v19 =	vmul.f32 v60, v58;
	v16 =	vadd.f32 $0.0e+00, v16  }
0x346: {  	v31 =	vmul.f32 v62, v61;
	v17 =	vadd.f32 v20, v17  }
0x347: {  	v32 =	vmul.f32 v63, v61;
	v16 =	vadd.f32 v19, v16  }
0x348: {  	v18 =	vmul.f32 v29, v28;
	v17 =	vadd.f32 v31, v17  }
0x349: {  	v33 =	vmul.f32 v30, v28;
	v16 =	vadd.f32 v32, v16  }
0x34a: {  	v17 =	vadd.f32 v18, v17  }
0x34b: {  	v16 =	vadd.f32 v33, v16  }
0x34c: {  	[tilespmem:v15+s8+$0x0] =	vst.idx.msk $0xffff, v17  }
0x34d: {  	[tilespmem:v15+s25+$0x0] =	vst.idx.msk $0xffff, v16  }
0x34e: {  	v16 =	vld [tilespmem:$0x18600]  }
0x34f: {  	v17 =	vld [tilespmem:$0x18700]  }
0x350: {  	v34 =	vld [tilespmem:$0x18610]  }
0x351: {  	v35 =	vld [tilespmem:$0x18710]  }
0x352: {  	v36 =	vld [tilespmem:$0x18620]  }
0x353: {  	v37 =	vld [tilespmem:$0x18720]  }
0x354: {  	v38 =	vld [tilespmem:$0x18630]  }
0x355: {  	v39 =	vld [tilespmem:$0x18730];
	v16 =	vadd.f32 v34, v16  }
0x356: {  	v40 =	vld [tilespmem:$0x18640];
	v17 =	vadd.f32 v35, v17  }
0x357: {  	v41 =	vld [tilespmem:$0x18740];
	v16 =	vadd.f32 v36, v16  }
0x358: {  	v42 =	vld [tilespmem:$0x18650];
	v17 =	vadd.f32 v37, v17  }
0x359: {  	v43 =	vld [tilespmem:$0x18750];
	v16 =	vadd.f32 v38, v16  }
0x35a: {  	v44 =	vld [tilespmem:$0x18660];
	v17 =	vadd.f32 v39, v17  }
0x35b: {  	v45 =	vld [tilespmem:$0x18760];
	v16 =	vadd.f32 v40, v16  }
0x35c: {  	v46 =	vld [tilespmem:$0x18670];
	v17 =	vadd.f32 v41, v17  }
0x35d: {  	v47 =	vld [tilespmem:$0x18770];
	v16 =	vadd.f32 v42, v16  }
0x35e: {  	v48 =	vld [tilespmem:$0x18680];
	v17 =	vadd.f32 v43, v17  }
0x35f: {  	v49 =	vld [tilespmem:$0x18780];
	v16 =	vadd.f32 v44, v16  }
0x360: {  	v50 =	vld [tilespmem:$0x18690];
	v17 =	vadd.f32 v45, v17  }
0x361: {  	v51 =	vld [tilespmem:$0x18790];
	v16 =	vadd.f32 v46, v16  }
0x362: {  	v52 =	vld [tilespmem:$0x186A0];
	v17 =	vadd.f32 v47, v17  }
0x363: {  	v53 =	vld [tilespmem:$0x187A0];
	v16 =	vadd.f32 v48, v16  }
0x364: {  	v54 =	vld [tilespmem:$0x186B0];
	v17 =	vadd.f32 v49, v17  }
0x365: {  	v55 =	vld [tilespmem:$0x187B0];
	v16 =	vadd.f32 v50, v16  }
0x366: {  	v56 =	vld [tilespmem:$0x186C0];
	v17 =	vadd.f32 v51, v17  }
0x367: {  	v57 =	vld [tilespmem:$0x187C0];
	v16 =	vadd.f32 v52, v16  }
0x368: {  	v58 =	vld [tilespmem:$0x186D0];
	v17 =	vadd.f32 v53, v17  }
0x369: {  	v59 =	vld [tilespmem:$0x187D0];
	v16 =	vadd.f32 v54, v16  }
0x36a: {  	v60 =	vld [tilespmem:$0x186E0];
	v17 =	vadd.f32 v55, v17  }
0x36b: {  	v61 =	vld [tilespmem:$0x187E0];
	v16 =	vadd.f32 v56, v16  }
0x36c: {  	v62 =	vld [tilespmem:$0x186F0];
	v17 =	vadd.f32 v57, v17  }
0x36d: {  	v63 =	vld [tilespmem:$0x187F0];
	v16 =	vadd.f32 v58, v16  }
0x36e: {  	v17 =	vadd.f32 v59, v17  }
0x36f: {  	p0 =	sne.s32 s26, $0x1E000;
	v16 =	vadd.f32 v60, v16  }
.Ltmp1:
0x370: {  	v17 =	vadd.f32 v61, v17;
	(pc) =	sbr.rel @p0 .LBB2_4-.Ltmp1, $4  }
0x371: {  	v16 =	vadd.f32 v62, v16  }
0x372: {  	v17 =	vadd.f32 v63, v17  }
0x373: {  	[tilespmem:s28+$0x0] =	vst v16  }
0x374: {  	s26 =	sadd.s32 $0x2000, s26;
	s28 =	sadd.s32 $0x10, s28;
	[tilespmem:s10+$0x0] =	vst v17;
	s10 =	sadd.s32 $0x10, s10  }
0x375: {  	s10 =	simm.s32 $0x18800  }
0x376: {  	[hbm4b:s17+s1] =	stream.linear.scatter [tilespmem:s10], [sflag:$0x2], $0x200, $0x38;
	[tilespmem:$0x18C00] =	vst v63  }
0x377: {  	s9 =	sadd.s32 $0x1, s9;
	_ =	swait.ge [sflag:s20], $0x200  }
0x378: {  	p0 =	sne.s32 s9, s19;
	[sflag:s20] =	ssyncset.done $0x0  }
.Ltmp2:
0x379: {  	s28 =	simm.s32 $0x18A00;
	[sflag:s20] =	ssyncadd.s32 $0xFFFFFE00;
	(pc) =	sbr.rel @p0 .LBB2_1-.Ltmp2, $4  }
0x37a: {  	[hbm4b:s18+s1] =	stream.linear.scatter [tilespmem:s28], [sflag:$0x2], $0x200, $0x38;
	[tilespmem:$0x18C00] =	vst v63  }
0x37b: {  	_ =	swait.ge [sflag:s20], $0x200  }
0x37c: {  	[sflag:s20] =	ssyncset.done $0x0  }
0x37d: {  	[sflag:s20] =	ssyncadd.s32 $0xFFFFFE00  }
0x37e: {  	_ =	sfence.sel $0x180000  }
0x37f: {  	[bflag:$0x0] =	sbarrier.arrive $0xFFFF  }
0x380: {  	_ =	strace $0x90000047  }
0x381: {  	s0 =	stileid.u32;
	[bflag:$0x2] =	sbarrier.arrive $0xFFFF  }
0x382: {  	p0 =	sne.s32 s0, $0x0;
	s0 =	rddreg [dreg:$0x6]  }
0x383: {  	s0 =	sadd.s32 @!p0 $0x100000, s0  }
0x384: {  	[sflag:s0] =	ssyncadd.tile.s32 @!p0 $0x1;
	_ =	shalt  }
.Lfunc_end2:
_tile_overlayer_lowered:
.L_overlay_start_2:
0x385: {  	(tag) =	ssettag $0x2  }
0x386: {  	s0 =	rddreg [dreg:$0x0];
	s2 =	stileid.u32  }
0x387: {  	s1 =	rddreg [dreg:$0x1];
	p0 =	sne.s32 s2, $0x0  }
0x388: {  	s3 =	rddreg [dreg:$0x2];
	[bflag:$0x3] =	sbarrier.arrive $0xFFFF;
	s2 =	simm.s32 @!p0 $0x1C02  }
0x389: {  	[timem:s3], [sflag:s2] =	dma.local @!p0 [hbm:s0], s1  }
0x38a: {  	s0 =	simm.s32 @!p0 $0x2  }
0x38b: {  	_ =	swait.ge @!p0 [sflag:s0], s1  }
0x38c: {  	s1 =	ssub.s32 @!p0 $0x0, s1;
	[sflag:s0] =	ssyncset.done @!p0 $0x0  }
0x38d: {  	[sflag:s0] =	ssyncadd.s32 @!p0 s1  }
0x38e: {  	[bflag:$0x3] =	sbarrier.arrive $0xFFFF  }
0x38f: {  	_ =	shalt  }

</sc_bundles>
